<compile_context>
chip_gen: v7x
topology: tpu7x:2x2x1
jax: 0.10.2.dev20260603
libtpu: 0.0.44.dev20260713+nightly
codegen_flags: <defaults>
</compile_context>

<pallas_src>
import functools

import jax
import jax.numpy as jnp
from jax import lax
from jax.experimental import pallas as pl
from jax.experimental.pallas import tpu as pltpu
from jax.experimental.pallas import tpu_sc as plsc

N = 10000
E = 320000
D_IN = 256
D_HID = 256
D_OUT = 128
ALPHA = 0.1
K = 10

NC = 2
NS = 16
CHUNK = 128
NP = 10112
RPS = NP // NS
E_PAD = 327680
CH_W = E_PAD // (NC * NS) // CHUNK
CH_S = E_PAD // NS // CHUNK
SUB = 40
DSUB = 8


def _mlp_body(x_ref, w1_ref, b1_ref, w2_ref, b2_ref, h1_ref, h_ref):
    x = x_ref[...]
    h1 = lax.dot_general(x, w1_ref[...], (((1,), (1,)), ((), ())),
                         preferred_element_type=jnp.float32) + b1_ref[...]
    h1_ref[...] = h1
    h_ref[...] = lax.dot_general(h1, w2_ref[...], (((1,), (1,)), ((), ())),
                                 preferred_element_type=jnp.float32) + b2_ref[...]


def _mlp(feats, W1, b1, W2, b2):
    BM = 1000
    return pl.pallas_call(
        _mlp_body,
        grid=(N // BM,),
        in_specs=[
            pl.BlockSpec((BM, D_IN), lambda i: (i, 0)),
            pl.BlockSpec((D_HID, D_IN), lambda i: (0, 0)),
            pl.BlockSpec((1, D_HID), lambda i: (0, 0)),
            pl.BlockSpec((D_OUT, D_HID), lambda i: (0, 0)),
            pl.BlockSpec((1, D_OUT), lambda i: (0, 0)),
        ],
        out_specs=[
            pl.BlockSpec((BM, D_HID), lambda i: (i, 0)),
            pl.BlockSpec((BM, D_OUT), lambda i: (i, 0)),
        ],
        out_shape=[
            jax.ShapeDtypeStruct((N, D_HID), jnp.float32),
            jax.ShapeDtypeStruct((N, D_OUT), jnp.float32),
        ],
    )(feats, W1, b1, W2, b2)


def _degrees(srcp, dstp, zeros_d, ones_d):
    mesh = plsc.VectorSubcoreMesh(core_axis_name="c", subcore_axis_name="s")

    @functools.partial(
        pl.kernel,
        out_type=jax.ShapeDtypeStruct((NC * NP, D_OUT), jnp.float32),
        mesh=mesh,
        scratch_types=[
            pltpu.VMEM((CH_S, CHUNK), jnp.int32),
            pltpu.VMEM((CHUNK, D_OUT), jnp.float32),
            pltpu.VMEM_SHARED((NP, D_OUT), jnp.float32),
            pltpu.SemaphoreType.DMA,
        ],
    )
    def deg_kernel(src_hbm, dst_hbm, z_hbm, ones_hbm, out_hbm, idx_v, ones_v, acc_sh, sem):
        c = lax.axis_index("c")
        s = lax.axis_index("s")
        row0 = s * RPS
        pltpu.sync_copy(z_hbm, acc_sh.at[pl.ds(row0, RPS)])
        pltpu.sync_copy(ones_hbm, ones_v)

        @pl.when(c == 0)
        def _():
            pltpu.sync_copy(src_hbm.at[pl.ds(s * CH_S, CH_S)], idx_v)

        @pl.when(c == 1)
        def _():
            pltpu.sync_copy(dst_hbm.at[pl.ds(s * CH_S, CH_S)], idx_v)

        plsc.subcore_barrier()

        @pl.loop(0, CH_S // DSUB)
        def _(t):
            @pl.loop(0, DSUB)
            def _(u):
                pltpu.async_copy(ones_v, acc_sh.at[idx_v.at[t * DSUB + u]], sem,
                                 add=True)

            @pl.loop(0, DSUB)
            def _(u):
                pltpu.make_async_copy(ones_v, acc_sh.at[idx_v.at[t * DSUB + u]],
                                      sem).wait()

        plsc.subcore_barrier()
        pltpu.sync_copy(acc_sh.at[pl.ds(row0, RPS)],
                        out_hbm.at[pl.ds(c * NP + row0, RPS)])

    return deg_kernel(srcp, dstp, zeros_d, ones_d)


def _scatter_step(g, srcp, dstp, zeros_f):
    mesh = plsc.VectorSubcoreMesh(core_axis_name="c", subcore_axis_name="s")

    @functools.partial(
        pl.kernel,
        out_type=jax.ShapeDtypeStruct((NC * NP, D_OUT), jnp.float32),
        mesh=mesh,
        scratch_types=[
            pltpu.VMEM((SUB, CHUNK), jnp.int32),
            pltpu.VMEM((SUB, CHUNK), jnp.int32),
            pltpu.VMEM((2, CHUNK, D_OUT), jnp.float32),
            pltpu.VMEM_SHARED((NP, D_OUT), jnp.float32),
            pltpu.SemaphoreType.DMA((2,)),
        ],
    )
    def step_kernel(g_hbm, src_hbm, dst_hbm, z_hbm, out_hbm, sidx, didx, rows, acc, gsem):
        c = lax.axis_index("c")
        s = lax.axis_index("s")
        w = c * NS + s
        row0 = s * RPS
        pltpu.sync_copy(z_hbm, acc.at[pl.ds(row0, RPS)])
        plsc.subcore_barrier()

        @pl.loop(0, CH_W // SUB)
        def _(t):
            base = w * CH_W + t * SUB
            pltpu.sync_copy(src_hbm.at[pl.ds(base, SUB)], sidx)
            pltpu.sync_copy(dst_hbm.at[pl.ds(base, SUB)], didx)

            @pl.loop(0, SUB + 1)
            def _(j):
                @pl.when(j < SUB)
                def _():
                    pltpu.async_copy(g_hbm.at[sidx.at[j]],
                                     rows.at[lax.rem(j, 2)],
                                     gsem.at[lax.rem(j, 2)])

                @pl.when(j > 0)
                def _():
                    jj = j - 1
                    pltpu.make_async_copy(g_hbm.at[sidx.at[jj]],
                                          rows.at[lax.rem(jj, 2)],
                                          gsem.at[lax.rem(jj, 2)]).wait()
                    pltpu.sync_copy(rows.at[lax.rem(jj, 2)],
                                    acc.at[didx.at[jj]], add=True)

        plsc.subcore_barrier()
        pltpu.sync_copy(acc.at[pl.ds(row0, RPS)],
                        out_hbm.at[pl.ds(c * NP + row0, RPS)])

    return step_kernel(g, srcp, dstp, zeros_f)


def _prep_body(od_ref, id_ref, h_ref, g0_ref, c1_ref, c1f_ref):
    od = od_ref[:, 0:1]
    ind = id_ref[:, 0:1]
    ns = jnp.where(od > 0, lax.rsqrt(jnp.maximum(od, 1.0)), 0.0)
    nd = jnp.where(ind > 0, lax.rsqrt(jnp.maximum(ind, 1.0)), 0.0)
    h = h_ref[...]
    shp = h.shape
    g0_ref[...] = h * ns
    c1_ref[...] = jnp.broadcast_to((1.0 - ALPHA) * ns * nd, shp)
    c1f_ref[...] = jnp.broadcast_to((1.0 - ALPHA) * nd, shp)


def _prep(od, ind, h_pad):
    BR = 2528
    return pl.pallas_call(
        _prep_body,
        grid=(NP // BR,),
        in_specs=[
            pl.BlockSpec((BR, D_OUT), lambda i: (i, 0)),
            pl.BlockSpec((BR, D_OUT), lambda i: (i, 0)),
            pl.BlockSpec((BR, D_OUT), lambda i: (i, 0)),
        ],
        out_specs=[
            pl.BlockSpec((BR, D_OUT), lambda i: (i, 0)),
            pl.BlockSpec((BR, D_OUT), lambda i: (i, 0)),
            pl.BlockSpec((BR, D_OUT), lambda i: (i, 0)),
        ],
        out_shape=[
            jax.ShapeDtypeStruct((NP, D_OUT), jnp.float32),
            jax.ShapeDtypeStruct((NP, D_OUT), jnp.float32),
            jax.ShapeDtypeStruct((NP, D_OUT), jnp.float32),
        ],
    )(od, ind, h_pad)


def _combine_body(p_ref, c1_ref, z_ref, o_ref):
    o_ref[...] = c1_ref[...] * (p_ref[0] + p_ref[1]) + ALPHA * z_ref[...]


def _combine(p2, c1, z):
    BR = 2528
    return pl.pallas_call(
        _combine_body,
        grid=(NP // BR,),
        in_specs=[
            pl.BlockSpec((2, BR, D_OUT), lambda i: (0, i, 0)),
            pl.BlockSpec((BR, D_OUT), lambda i: (i, 0)),
            pl.BlockSpec((BR, D_OUT), lambda i: (i, 0)),
        ],
        out_specs=pl.BlockSpec((BR, D_OUT), lambda i: (i, 0)),
        out_shape=jax.ShapeDtypeStruct((NP, D_OUT), jnp.float32),
    )(p2, c1, z)


def kernel(feats, W1, b1, W2, b2, edge_index):
    src = edge_index[0]
    dst = edge_index[1]
    pad = N + jnp.arange(E_PAD - E, dtype=jnp.int32) % (NP - N)
    srcp = jnp.concatenate([src, pad]).reshape(E_PAD // CHUNK, CHUNK)
    dstp = jnp.concatenate([dst, pad]).reshape(E_PAD // CHUNK, CHUNK)
    zeros_f = jnp.zeros((RPS, D_OUT), jnp.float32)
    ones_d = jnp.ones((CHUNK, D_OUT), jnp.float32)

    h1, h = _mlp(feats, W1, b1.reshape(1, -1), W2, b2.reshape(1, -1))
    deg = _degrees(srcp, dstp, zeros_f, ones_d)

    h_pad = jnp.pad(h, ((0, NP - N), (0, 0)))
    od = deg[:NP]
    ind = deg[NP:]
    g0, c1b, c1fb = _prep(od, ind, h_pad)

    g = g0
    for step in range(K):
        p2 = _scatter_step(g, srcp, dstp, zeros_f).reshape(NC, NP, D_OUT)
        if step < K - 1:
            g = _combine(p2, c1b, g0)
        else:
            hK = _combine(p2, c1fb, h_pad)
    return (feats, h1, hK[:N])

# --- scband reference (transcript-rebuilt; emitter-appended) ---
"""Pipeline reference for scband-appnp-39814346834508 (READ-ONLY COPY).

The authoritative reference and input builder live on the scoring server;
editing this copy changes nothing except your own understanding.
"""

import jax, jax.numpy as jnp
import numpy as np

N = 10000
E = 320000
D_IN = 256
D_HID = 256
D_OUT = 128
ALPHA = 0.1
K = 10


def setup_inputs(seed: int = 0):
    key = jax.random.key(seed)
    ks = jax.random.split(key, 6)
    feats = jax.random.normal(ks[0], (N, D_IN), dtype=jnp.float32)
    edge_index = jax.random.randint(ks[1], (2, E), 0, N, dtype=jnp.int32)
    W1 = jax.random.normal(ks[2], (D_HID, D_IN), dtype=jnp.float32) * (1.0 / np.sqrt(D_IN))
    b1 = jnp.zeros((D_HID,), dtype=jnp.float32)
    W2 = jax.random.normal(ks[3], (D_OUT, D_HID), dtype=jnp.float32) * (1.0 / np.sqrt(D_HID))
    b2 = jnp.zeros((D_OUT,), dtype=jnp.float32)
    return {"feats": feats, "W1": W1, "b1": b1, "W2": W2, "b2": b2, "edge_index": edge_index}


def appnp_propagate(h, src, dst):
    # DGL APPNPConv (eval mode, no edge dropout): symmetric normalization
    ones = jnp.ones((src.shape[0],), dtype=h.dtype)
    out_deg = jax.ops.segment_sum(ones, src, num_segments=N)
    in_deg = jax.ops.segment_sum(ones, dst, num_segments=N)
    norm_src = jnp.where(out_deg > 0, 1.0 / jnp.sqrt(jnp.maximum(out_deg, 1.0)), 0.0)[:, None]
    norm_dst = jnp.where(in_deg > 0, 1.0 / jnp.sqrt(jnp.maximum(in_deg, 1.0)), 0.0)[:, None]
    h0 = h
    for _ in range(K):
        m = (h * norm_src)[src]  # gather source features
        agg = jax.ops.segment_sum(m, dst, num_segments=N)  # scatter-add to dst
        h = (1.0 - ALPHA) * agg * norm_dst + ALPHA * h0
    return h


def reference(feats, W1, b1, W2, b2, edge_index):
    src = edge_index[0]
    dst = edge_index[1]
    # MLP: num_layers=2, norm_type='none', dropout is identity in eval mode
    h1 = feats @ W1.T + b1  # layers[0]
    # h_list = [feats, h1]
    h = h1 @ W2.T + b2  # layers[-1]
    h = appnp_propagate(h, src, dst)
    return (feats, h1, h)

if __name__ == "__main__":
    import jax
    _d = setup_inputs()
    print(jax.jit(kernel)(*tuple(_d.values())))

</pallas_src>

<mosaic_0001>
#map = affine_map<(d0, d1) -> (0, 0)>
module attributes {stable_mosaic.version = 14 : i64} {
  func.func @step_kernel(%arg0: i32, %arg1: i32, %arg2: memref<10112x128xf32, #tpu.memory_space<hbm>>, %arg3: memref<2560x128xi32, #tpu.memory_space<hbm>>, %arg4: memref<2560x128xi32, #tpu.memory_space<hbm>>, %arg5: memref<632x128xf32, #tpu.memory_space<hbm>>, %arg6: memref<20224x128xf32, #tpu.memory_space<hbm>>, %arg7: memref<40x128xi32, #tpu.memory_space<vmem>>, %arg8: memref<40x128xi32, #tpu.memory_space<vmem>>, %arg9: memref<2x128x128xf32, #tpu.memory_space<vmem>>, %arg10: memref<10112x128xf32, #tpu.memory_space<vmem_shared>>, %arg11: memref<2x!tpu.dma_semaphore, #tpu.memory_space<semaphore_mem>>) attributes {dimension_semantics = [#tpu.dimension_semantics<core_parallel>, #tpu.dimension_semantics<subcore_parallel>], iteration_bounds = array<i64: 2, 16>, scalar_prefetch = 0 : i64, scratch_operands = 5 : i64, tpu.core_type = #tpu.core_type<sc_vector_subcore>, window_params = [{transform_indices = #map}, {transform_indices = #map}, {transform_indices = #map}, {transform_indices = #map}, {transform_indices = #map}]} {
    %mul3A = arith.constant 16 : i32
    %mul3A_0 = arith.muli %arg0, %mul3A : i32
    %add3A = arith.addi %mul3A_0, %arg1 : i32
    %mul3A_1 = arith.constant 632 : i32
    %mul3A_2 = arith.muli %arg1, %mul3A_1 : i32
    "tpu.region"() ({
      %run_scoped3A = tpu.sem_alloc : memref<!tpu.dma_semaphore, #tpu.memory_space<semaphore_mem>>
      %dma_start3A = arith.constant 0 : i32
      %dma_start3A_11 = tpu.memref_slice %arg10[%mul3A_2, %dma_start3A] : memref<10112x128xf32, #tpu.memory_space<vmem_shared>> -> memref<632x128xf32, #tpu.memory_space<vmem_shared>>
      tpu.enqueue_dma source(%arg5 : memref<632x128xf32, #tpu.memory_space<hbm>>) target(%dma_start3A_11 : memref<632x128xf32, #tpu.memory_space<vmem_shared>>) target_semaphore(%run_scoped3A : memref<!tpu.dma_semaphore, #tpu.memory_space<semaphore_mem>>)
      %dma_wait3A = arith.constant 0 : i32
      %dma_wait3A_12 = tpu.memref_slice %arg10[%mul3A_2, %dma_wait3A] : memref<10112x128xf32, #tpu.memory_space<vmem_shared>> -> memref<632x128xf32, #tpu.memory_space<vmem_shared>>
      tpu.wait_dma2 semaphore(%run_scoped3A : memref<!tpu.dma_semaphore, #tpu.memory_space<semaphore_mem>>) src(%arg5 : memref<632x128xf32, #tpu.memory_space<hbm>>) dst(%dma_wait3A_12 : memref<632x128xf32, #tpu.memory_space<vmem_shared>>)
      tpu.yield
    }) : () -> ()
    %barrier3A = arith.constant 0 : index
    tpu.barrier barrier_id(%barrier3A)
    %scan3A = arith.constant 0 : i32
    %scan3A_3 = arith.constant 2 : i32
    %scan3A_4 = arith.addi %scan3A, %scan3A_3 : i32
    %scan3A_5 = arith.constant 1 : i32
    scf.for %scan3A_11 = %scan3A to %scan3A_4 step %scan3A_5  : i32 {
      %mul3A_12 = arith.constant 1 : i32
      %mul3A_13 = arith.muli %scan3A_11, %mul3A_12 : i32
      %add3A_14 = arith.constant 0 : i32
      %add3A_15 = arith.addi %add3A_14, %mul3A_13 : i32
      %mul3A_16 = arith.constant 80 : i32
      %mul3A_17 = arith.muli %add3A, %mul3A_16 : i32
      %mul3A_18 = arith.constant 40 : i32
      %mul3A_19 = arith.muli %add3A_15, %mul3A_18 : i32
      %add3A_20 = arith.addi %mul3A_17, %mul3A_19 : i32
      "tpu.region"() ({
        %run_scoped3A = tpu.sem_alloc : memref<!tpu.dma_semaphore, #tpu.memory_space<semaphore_mem>>
        %dma_start3A = arith.constant 0 : i32
        %dma_start3A_26 = tpu.memref_slice %arg3[%add3A_20, %dma_start3A] : memref<2560x128xi32, #tpu.memory_space<hbm>> -> memref<40x128xi32, #tpu.memory_space<hbm>>
        %dma_start3A_27 = arith.constant 0 : i32
        %dma_start3A_28 = tpu.memref_slice %arg3[%add3A_20, %dma_start3A_27] : memref<2560x128xi32, #tpu.memory_space<hbm>> -> memref<40x128xi32, #tpu.memory_space<hbm>>
        tpu.enqueue_dma source(%dma_start3A_28 : memref<40x128xi32, #tpu.memory_space<hbm>>) target(%arg7 : memref<40x128xi32, #tpu.memory_space<vmem>>) target_semaphore(%run_scoped3A : memref<!tpu.dma_semaphore, #tpu.memory_space<semaphore_mem>>)
        %dma_wait3A = arith.constant 0 : i32
        %dma_wait3A_29 = tpu.memref_slice %arg3[%add3A_20, %dma_wait3A] : memref<2560x128xi32, #tpu.memory_space<hbm>> -> memref<40x128xi32, #tpu.memory_space<hbm>>
        %dma_wait3A_30 = arith.constant 0 : i32
        %dma_wait3A_31 = tpu.memref_slice %arg3[%add3A_20, %dma_wait3A_30] : memref<2560x128xi32, #tpu.memory_space<hbm>> -> memref<40x128xi32, #tpu.memory_space<hbm>>
        tpu.wait_dma2 semaphore(%run_scoped3A : memref<!tpu.dma_semaphore, #tpu.memory_space<semaphore_mem>>) src(%dma_wait3A_31 : memref<40x128xi32, #tpu.memory_space<hbm>>) dst(%arg7 : memref<40x128xi32, #tpu.memory_space<vmem>>)
        tpu.yield
      }) : () -> ()
      "tpu.region"() ({
        %run_scoped3A = tpu.sem_alloc : memref<!tpu.dma_semaphore, #tpu.memory_space<semaphore_mem>>
        %dma_start3A = arith.constant 0 : i32
        %dma_start3A_26 = tpu.memref_slice %arg4[%add3A_20, %dma_start3A] : memref<2560x128xi32, #tpu.memory_space<hbm>> -> memref<40x128xi32, #tpu.memory_space<hbm>>
        %dma_start3A_27 = arith.constant 0 : i32
        %dma_start3A_28 = tpu.memref_slice %arg4[%add3A_20, %dma_start3A_27] : memref<2560x128xi32, #tpu.memory_space<hbm>> -> memref<40x128xi32, #tpu.memory_space<hbm>>
        tpu.enqueue_dma source(%dma_start3A_28 : memref<40x128xi32, #tpu.memory_space<hbm>>) target(%arg8 : memref<40x128xi32, #tpu.memory_space<vmem>>) target_semaphore(%run_scoped3A : memref<!tpu.dma_semaphore, #tpu.memory_space<semaphore_mem>>)
        %dma_wait3A = arith.constant 0 : i32
        %dma_wait3A_29 = tpu.memref_slice %arg4[%add3A_20, %dma_wait3A] : memref<2560x128xi32, #tpu.memory_space<hbm>> -> memref<40x128xi32, #tpu.memory_space<hbm>>
        %dma_wait3A_30 = arith.constant 0 : i32
        %dma_wait3A_31 = tpu.memref_slice %arg4[%add3A_20, %dma_wait3A_30] : memref<2560x128xi32, #tpu.memory_space<hbm>> -> memref<40x128xi32, #tpu.memory_space<hbm>>
        tpu.wait_dma2 semaphore(%run_scoped3A : memref<!tpu.dma_semaphore, #tpu.memory_space<semaphore_mem>>) src(%dma_wait3A_31 : memref<40x128xi32, #tpu.memory_space<hbm>>) dst(%arg8 : memref<40x128xi32, #tpu.memory_space<vmem>>)
        tpu.yield
      }) : () -> ()
      %scan3A_21 = arith.constant 0 : i32
      %scan3A_22 = arith.constant 41 : i32
      %scan3A_23 = arith.addi %scan3A_21, %scan3A_22 : i32
      %scan3A_24 = arith.constant 1 : i32
      scf.for %scan3A_26 = %scan3A_21 to %scan3A_23 step %scan3A_24  : i32 {
        %mul3A_27 = arith.constant 1 : i32
        %mul3A_28 = arith.muli %scan3A_26, %mul3A_27 : i32
        %add3A_29 = arith.constant 0 : i32
        %add3A_30 = arith.addi %add3A_29, %mul3A_28 : i32
        %lt3A = arith.constant 40 : i32
        %lt3A_31 = arith.cmpi slt, %add3A_30, %lt3A : i32
        %convert_element_type3A = arith.extui %lt3A_31 : i1 to i32
        %cond3A = arith.constant 0 : i32
        %cond3A_32 = arith.cmpi ne, %convert_element_type3A, %cond3A : i32
        scf.if %cond3A_32 {
          %rem3A = arith.constant 2 : i32
          %rem3A_37 = arith.remsi %add3A_30, %rem3A : i32
          %rem3A_38 = arith.constant 2 : i32
          %rem3A_39 = arith.remsi %add3A_30, %rem3A_38 : i32
          %dma_start3A = arith.constant 0 : i32
          %dma_start3A_40 = arith.constant 0 : i32
          %dma_start3A_41 = tpu.memref_slice %arg9[%rem3A_37, %dma_start3A, %dma_start3A_40] : memref<2x128x128xf32, #tpu.memory_space<vmem>> -> memref<1x128x128xf32, #tpu.memory_space<vmem>>
          %dma_start3A_42 = tpu.memref_squeeze %dma_start3A_41 : memref<1x128x128xf32, #tpu.memory_space<vmem>> -> memref<128x128xf32, #tpu.memory_space<vmem>>
          %dma_start3A_43 = arith.constant 0 : i32
          %dma_start3A_44 = tpu.memref_slice %arg7[%add3A_30, %dma_start3A_43] : memref<40x128xi32, #tpu.memory_space<vmem>> -> memref<1x128xi32, #tpu.memory_space<vmem>>
          %dma_start3A_45 = tpu.memref_squeeze %dma_start3A_44 : memref<1x128xi32, #tpu.memory_space<vmem>> -> memref<128xi32, #tpu.memory_space<vmem>>
          %dma_start3A_46 = arith.constant 0 : i32
          %dma_start3A_47 = arith.constant 0 : i32
          %dma_start3A_48 = tpu.memref_slice %arg2[%dma_start3A_46, %dma_start3A_47] : memref<10112x128xf32, #tpu.memory_space<hbm>> -> memref<10112x128xf32, #tpu.memory_space<hbm>>
          %dma_start3A_49 = tpu.memref_slice %arg11[%rem3A_39] : memref<2x!tpu.dma_semaphore, #tpu.memory_space<semaphore_mem>> -> memref<1x!tpu.dma_semaphore, #tpu.memory_space<semaphore_mem>>
          %dma_start3A_50 = tpu.memref_squeeze %dma_start3A_49 : memref<1x!tpu.dma_semaphore, #tpu.memory_space<semaphore_mem>> -> memref<!tpu.dma_semaphore, #tpu.memory_space<semaphore_mem>>
          tpu.enqueue_indirect_dma source(%dma_start3A_48 : memref<10112x128xf32, #tpu.memory_space<hbm>>) target(%dma_start3A_42 : memref<128x128xf32, #tpu.memory_space<vmem>>) offsets(%dma_start3A_45 : memref<128xi32, #tpu.memory_space<vmem>>) semaphore(%dma_start3A_50 : memref<!tpu.dma_semaphore, #tpu.memory_space<semaphore_mem>>)
        } else {
        }
        %gt3A = arith.constant 0 : i32
        %gt3A_33 = arith.cmpi sgt, %add3A_30, %gt3A : i32
        %convert_element_type3A_34 = arith.extui %gt3A_33 : i1 to i32
        %cond3A_35 = arith.constant 0 : i32
        %cond3A_36 = arith.cmpi ne, %convert_element_type3A_34, %cond3A_35 : i32
        scf.if %cond3A_36 {
          %sub3A = arith.constant 1 : i32
          %sub3A_37 = arith.subi %add3A_30, %sub3A : i32
          %rem3A = arith.constant 2 : i32
          %rem3A_38 = arith.remsi %sub3A_37, %rem3A : i32
          %rem3A_39 = arith.constant 2 : i32
          %rem3A_40 = arith.remsi %sub3A_37, %rem3A_39 : i32
          %dma_wait3A = arith.constant 0 : i32
          %dma_wait3A_41 = arith.constant 0 : i32
          %dma_wait3A_42 = tpu.memref_slice %arg9[%rem3A_38, %dma_wait3A, %dma_wait3A_41] : memref<2x128x128xf32, #tpu.memory_space<vmem>> -> memref<1x128x128xf32, #tpu.memory_space<vmem>>
          %dma_wait3A_43 = tpu.memref_squeeze %dma_wait3A_42 : memref<1x128x128xf32, #tpu.memory_space<vmem>> -> memref<128x128xf32, #tpu.memory_space<vmem>>
          %dma_wait3A_44 = arith.constant 0 : i32
          %dma_wait3A_45 = tpu.memref_slice %arg7[%sub3A_37, %dma_wait3A_44] : memref<40x128xi32, #tpu.memory_space<vmem>> -> memref<1x128xi32, #tpu.memory_space<vmem>>
          %dma_wait3A_46 = tpu.memref_squeeze %dma_wait3A_45 : memref<1x128xi32, #tpu.memory_space<vmem>> -> memref<128xi32, #tpu.memory_space<vmem>>
          %dma_wait3A_47 = arith.constant 0 : i32
          %dma_wait3A_48 = arith.constant 0 : i32
          %dma_wait3A_49 = tpu.memref_slice %arg2[%dma_wait3A_47, %dma_wait3A_48] : memref<10112x128xf32, #tpu.memory_space<hbm>> -> memref<10112x128xf32, #tpu.memory_space<hbm>>
          %dma_wait3A_50 = tpu.memref_slice %arg11[%rem3A_40] : memref<2x!tpu.dma_semaphore, #tpu.memory_space<semaphore_mem>> -> memref<1x!tpu.dma_semaphore, #tpu.memory_space<semaphore_mem>>
          %dma_wait3A_51 = tpu.memref_squeeze %dma_wait3A_50 : memref<1x!tpu.dma_semaphore, #tpu.memory_space<semaphore_mem>> -> memref<!tpu.dma_semaphore, #tpu.memory_space<semaphore_mem>>
          tpu.wait_indirect_dma semaphore(%dma_wait3A_51 : memref<!tpu.dma_semaphore, #tpu.memory_space<semaphore_mem>>) src(%dma_wait3A_49 : memref<10112x128xf32, #tpu.memory_space<hbm>>) dst(%dma_wait3A_43 : memref<128x128xf32, #tpu.memory_space<vmem>>)
          %rem3A_52 = arith.constant 2 : i32
          %rem3A_53 = arith.remsi %sub3A_37, %rem3A_52 : i32
          "tpu.region"() ({
            %run_scoped3A = tpu.sem_alloc : memref<!tpu.dma_semaphore, #tpu.memory_space<semaphore_mem>>
            %dma_start3A = arith.constant 0 : i32
            %dma_start3A_54 = arith.constant 0 : i32
            %dma_start3A_55 = tpu.memref_slice %arg9[%rem3A_53, %dma_start3A, %dma_start3A_54] : memref<2x128x128xf32, #tpu.memory_space<vmem>> -> memref<1x128x128xf32, #tpu.memory_space<vmem>>
            %dma_start3A_56 = tpu.memref_squeeze %dma_start3A_55 : memref<1x128x128xf32, #tpu.memory_space<vmem>> -> memref<128x128xf32, #tpu.memory_space<vmem>>
            %dma_start3A_57 = arith.constant 0 : i32
            %dma_start3A_58 = tpu.memref_slice %arg8[%sub3A_37, %dma_start3A_57] : memref<40x128xi32, #tpu.memory_space<vmem>> -> memref<1x128xi32, #tpu.memory_space<vmem>>
            %dma_start3A_59 = tpu.memref_squeeze %dma_start3A_58 : memref<1x128xi32, #tpu.memory_space<vmem>> -> memref<128xi32, #tpu.memory_space<vmem>>
            %dma_start3A_60 = arith.constant 0 : i32
            %dma_start3A_61 = arith.constant 0 : i32
            %dma_start3A_62 = tpu.memref_slice %arg10[%dma_start3A_60, %dma_start3A_61] : memref<10112x128xf32, #tpu.memory_space<vmem_shared>> -> memref<10112x128xf32, #tpu.memory_space<vmem_shared>>
            tpu.enqueue_indirect_dma source(%dma_start3A_56 : memref<128x128xf32, #tpu.memory_space<vmem>>) target(%dma_start3A_62 : memref<10112x128xf32, #tpu.memory_space<vmem_shared>>) offsets(%dma_start3A_59 : memref<128xi32, #tpu.memory_space<vmem>>) semaphore(%run_scoped3A : memref<!tpu.dma_semaphore, #tpu.memory_space<semaphore_mem>>) {add = true}
            %dma_wait3A_63 = arith.constant 0 : i32
            %dma_wait3A_64 = arith.constant 0 : i32
            %dma_wait3A_65 = tpu.memref_slice %arg9[%rem3A_53, %dma_wait3A_63, %dma_wait3A_64] : memref<2x128x128xf32, #tpu.memory_space<vmem>> -> memref<1x128x128xf32, #tpu.memory_space<vmem>>
            %dma_wait3A_66 = tpu.memref_squeeze %dma_wait3A_65 : memref<1x128x128xf32, #tpu.memory_space<vmem>> -> memref<128x128xf32, #tpu.memory_space<vmem>>
            %dma_wait3A_67 = arith.constant 0 : i32
            %dma_wait3A_68 = tpu.memref_slice %arg8[%sub3A_37, %dma_wait3A_67] : memref<40x128xi32, #tpu.memory_space<vmem>> -> memref<1x128xi32, #tpu.memory_space<vmem>>
            %dma_wait3A_69 = tpu.memref_squeeze %dma_wait3A_68 : memref<1x128xi32, #tpu.memory_space<vmem>> -> memref<128xi32, #tpu.memory_space<vmem>>
            %dma_wait3A_70 = arith.constant 0 : i32
            %dma_wait3A_71 = arith.constant 0 : i32
            %dma_wait3A_72 = tpu.memref_slice %arg10[%dma_wait3A_70, %dma_wait3A_71] : memref<10112x128xf32, #tpu.memory_space<vmem_shared>> -> memref<10112x128xf32, #tpu.memory_space<vmem_shared>>
            tpu.wait_indirect_dma semaphore(%run_scoped3A : memref<!tpu.dma_semaphore, #tpu.memory_space<semaphore_mem>>) src(%dma_wait3A_66 : memref<128x128xf32, #tpu.memory_space<vmem>>) dst(%dma_wait3A_72 : memref<10112x128xf32, #tpu.memory_space<vmem_shared>>)
            tpu.yield
          }) : () -> ()
        } else {
        }
      }
      %scan3A_25 = arith.constant 41 : i32
    }
    %scan3A_6 = arith.constant 2 : i32
    %barrier3A_7 = arith.constant 0 : index
    tpu.barrier barrier_id(%barrier3A_7)
    %mul3A_8 = arith.constant 10112 : i32
    %mul3A_9 = arith.muli %arg0, %mul3A_8 : i32
    %add3A_10 = arith.addi %mul3A_9, %mul3A_2 : i32
    "tpu.region"() ({
      %run_scoped3A = tpu.sem_alloc : memref<!tpu.dma_semaphore, #tpu.memory_space<semaphore_mem>>
      %dma_start3A = arith.constant 0 : i32
      %dma_start3A_11 = tpu.memref_slice %arg6[%add3A_10, %dma_start3A] : memref<20224x128xf32, #tpu.memory_space<hbm>> -> memref<632x128xf32, #tpu.memory_space<hbm>>
      %dma_start3A_12 = arith.constant 0 : i32
      %dma_start3A_13 = tpu.memref_slice %arg10[%mul3A_2, %dma_start3A_12] : memref<10112x128xf32, #tpu.memory_space<vmem_shared>> -> memref<632x128xf32, #tpu.memory_space<vmem_shared>>
      tpu.enqueue_dma source(%dma_start3A_13 : memref<632x128xf32, #tpu.memory_space<vmem_shared>>) target(%dma_start3A_11 : memref<632x128xf32, #tpu.memory_space<hbm>>) target_semaphore(%run_scoped3A : memref<!tpu.dma_semaphore, #tpu.memory_space<semaphore_mem>>)
      %dma_wait3A = arith.constant 0 : i32
      %dma_wait3A_14 = tpu.memref_slice %arg6[%add3A_10, %dma_wait3A] : memref<20224x128xf32, #tpu.memory_space<hbm>> -> memref<632x128xf32, #tpu.memory_space<hbm>>
      %dma_wait3A_15 = arith.constant 0 : i32
      %dma_wait3A_16 = tpu.memref_slice %arg10[%mul3A_2, %dma_wait3A_15] : memref<10112x128xf32, #tpu.memory_space<vmem_shared>> -> memref<632x128xf32, #tpu.memory_space<vmem_shared>>
      tpu.wait_dma2 semaphore(%run_scoped3A : memref<!tpu.dma_semaphore, #tpu.memory_space<semaphore_mem>>) src(%dma_wait3A_16 : memref<632x128xf32, #tpu.memory_space<vmem_shared>>) dst(%dma_wait3A_14 : memref<632x128xf32, #tpu.memory_space<hbm>>)
      tpu.yield
    }) : () -> ()
    return
  }
}

#map = affine_map<(d0, d1) -> (0, 0)>
module attributes {stable_mosaic.version = 14 : i64} {
  func.func @step_kernel(%arg0: i32, %arg1: i32, %arg2: memref<10112x128xf32, #tpu.memory_space<hbm>>, %arg3: memref<2560x128xi32, #tpu.memory_space<hbm>>, %arg4: memref<2560x128xi32, #tpu.memory_space<hbm>>, %arg5: memref<632x128xf32, #tpu.memory_space<hbm>>, %arg6: memref<20224x128xf32, #tpu.memory_space<hbm>>, %arg7: memref<40x128xi32, #tpu.memory_space<vmem>>, %arg8: memref<40x128xi32, #tpu.memory_space<vmem>>, %arg9: memref<2x128x128xf32, #tpu.memory_space<vmem>>, %arg10: memref<10112x128xf32, #tpu.memory_space<vmem_shared>>, %arg11: memref<2x!tpu.dma_semaphore, #tpu.memory_space<semaphore_mem>>) attributes {dimension_semantics = [#tpu.dimension_semantics<core_parallel>, #tpu.dimension_semantics<subcore_parallel>], iteration_bounds = array<i64: 2, 16>, scalar_prefetch = 0 : i64, scratch_operands = 5 : i64, tpu.core_type = #tpu.core_type<sc_vector_subcore>, window_params = [{transform_indices = #map}, {transform_indices = #map}, {transform_indices = #map}, {transform_indices = #map}, {transform_indices = #map}]} {
    %mul3A = arith.constant 16 : i32
    %mul3A_0 = arith.muli %arg0, %mul3A : i32
    %add3A = arith.addi %mul3A_0, %arg1 : i32
    %mul3A_1 = arith.constant 632 : i32
    %mul3A_2 = arith.muli %arg1, %mul3A_1 : i32
    "tpu.region"() ({
      %run_scoped3A = tpu.sem_alloc : memref<!tpu.dma_semaphore, #tpu.memory_space<semaphore_mem>>
      %dma_start3A = arith.constant 0 : i32
      %dma_start3A_11 = tpu.memref_slice %arg10[%mul3A_2, %dma_start3A] : memref<10112x128xf32, #tpu.memory_space<vmem_shared>> -> memref<632x128xf32, #tpu.memory_space<vmem_shared>>
      tpu.enqueue_dma source(%arg5 : memref<632x128xf32, #tpu.memory_space<hbm>>) target(%dma_start3A_11 : memref<632x128xf32, #tpu.memory_space<vmem_shared>>) target_semaphore(%run_scoped3A : memref<!tpu.dma_semaphore, #tpu.memory_space<semaphore_mem>>)
      %dma_wait3A = arith.constant 0 : i32
      %dma_wait3A_12 = tpu.memref_slice %arg10[%mul3A_2, %dma_wait3A] : memref<10112x128xf32, #tpu.memory_space<vmem_shared>> -> memref<632x128xf32, #tpu.memory_space<vmem_shared>>
      tpu.wait_dma2 semaphore(%run_scoped3A : memref<!tpu.dma_semaphore, #tpu.memory_space<semaphore_mem>>) src(%arg5 : memref<632x128xf32, #tpu.memory_space<hbm>>) dst(%dma_wait3A_12 : memref<632x128xf32, #tpu.memory_space<vmem_shared>>)
      tpu.yield
    }) : () -> ()
    %barrier3A = arith.constant 0 : index
    tpu.barrier barrier_id(%barrier3A)
    %scan3A = arith.constant 0 : i32
    %scan3A_3 = arith.constant 2 : i32
    %scan3A_4 = arith.addi %scan3A, %scan3A_3 : i32
    %scan3A_5 = arith.constant 1 : i32
    scf.for %scan3A_11 = %scan3A to %scan3A_4 step %scan3A_5  : i32 {
      %mul3A_12 = arith.constant 1 : i32
      %mul3A_13 = arith.muli %scan3A_11, %mul3A_12 : i32
      %add3A_14 = arith.constant 0 : i32
      %add3A_15 = arith.addi %add3A_14, %mul3A_13 : i32
      %mul3A_16 = arith.constant 80 : i32
      %mul3A_17 = arith.muli %add3A, %mul3A_16 : i32
      %mul3A_18 = arith.constant 40 : i32
      %mul3A_19 = arith.muli %add3A_15, %mul3A_18 : i32
      %add3A_20 = arith.addi %mul3A_17, %mul3A_19 : i32
      "tpu.region"() ({
        %run_scoped3A = tpu.sem_alloc : memref<!tpu.dma_semaphore, #tpu.memory_space<semaphore_mem>>
        %dma_start3A = arith.constant 0 : i32
        %dma_start3A_26 = tpu.memref_slice %arg3[%add3A_20, %dma_start3A] : memref<2560x128xi32, #tpu.memory_space<hbm>> -> memref<40x128xi32, #tpu.memory_space<hbm>>
        %dma_start3A_27 = arith.constant 0 : i32
        %dma_start3A_28 = tpu.memref_slice %arg3[%add3A_20, %dma_start3A_27] : memref<2560x128xi32, #tpu.memory_space<hbm>> -> memref<40x128xi32, #tpu.memory_space<hbm>>
        tpu.enqueue_dma source(%dma_start3A_28 : memref<40x128xi32, #tpu.memory_space<hbm>>) target(%arg7 : memref<40x128xi32, #tpu.memory_space<vmem>>) target_semaphore(%run_scoped3A : memref<!tpu.dma_semaphore, #tpu.memory_space<semaphore_mem>>)
        %dma_wait3A = arith.constant 0 : i32
        %dma_wait3A_29 = tpu.memref_slice %arg3[%add3A_20, %dma_wait3A] : memref<2560x128xi32, #tpu.memory_space<hbm>> -> memref<40x128xi32, #tpu.memory_space<hbm>>
        %dma_wait3A_30 = arith.constant 0 : i32
        %dma_wait3A_31 = tpu.memref_slice %arg3[%add3A_20, %dma_wait3A_30] : memref<2560x128xi32, #tpu.memory_space<hbm>> -> memref<40x128xi32, #tpu.memory_space<hbm>>
        tpu.wait_dma2 semaphore(%run_scoped3A : memref<!tpu.dma_semaphore, #tpu.memory_space<semaphore_mem>>) src(%dma_wait3A_31 : memref<40x128xi32, #tpu.memory_space<hbm>>) dst(%arg7 : memref<40x128xi32, #tpu.memory_space<vmem>>)
        tpu.yield
      }) : () -> ()
      "tpu.region"() ({
        %run_scoped3A = tpu.sem_alloc : memref<!tpu.dma_semaphore, #tpu.memory_space<semaphore_mem>>
        %dma_start3A = arith.constant 0 : i32
        %dma_start3A_26 = tpu.memref_slice %arg4[%add3A_20, %dma_start3A] : memref<2560x128xi32, #tpu.memory_space<hbm>> -> memref<40x128xi32, #tpu.memory_space<hbm>>
        %dma_start3A_27 = arith.constant 0 : i32
        %dma_start3A_28 = tpu.memref_slice %arg4[%add3A_20, %dma_start3A_27] : memref<2560x128xi32, #tpu.memory_space<hbm>> -> memref<40x128xi32, #tpu.memory_space<hbm>>
        tpu.enqueue_dma source(%dma_start3A_28 : memref<40x128xi32, #tpu.memory_space<hbm>>) target(%arg8 : memref<40x128xi32, #tpu.memory_space<vmem>>) target_semaphore(%run_scoped3A : memref<!tpu.dma_semaphore, #tpu.memory_space<semaphore_mem>>)
        %dma_wait3A = arith.constant 0 : i32
        %dma_wait3A_29 = tpu.memref_slice %arg4[%add3A_20, %dma_wait3A] : memref<2560x128xi32, #tpu.memory_space<hbm>> -> memref<40x128xi32, #tpu.memory_space<hbm>>
        %dma_wait3A_30 = arith.constant 0 : i32
        %dma_wait3A_31 = tpu.memref_slice %arg4[%add3A_20, %dma_wait3A_30] : memref<2560x128xi32, #tpu.memory_space<hbm>> -> memref<40x128xi32, #tpu.memory_space<hbm>>
        tpu.wait_dma2 semaphore(%run_scoped3A : memref<!tpu.dma_semaphore, #tpu.memory_space<semaphore_mem>>) src(%dma_wait3A_31 : memref<40x128xi32, #tpu.memory_space<hbm>>) dst(%arg8 : memref<40x128xi32, #tpu.memory_space<vmem>>)
        tpu.yield
      }) : () -> ()
      %scan3A_21 = arith.constant 0 : i32
      %scan3A_22 = arith.constant 41 : i32
      %scan3A_23 = arith.addi %scan3A_21, %scan3A_22 : i32
      %scan3A_24 = arith.constant 1 : i32
      scf.for %scan3A_26 = %scan3A_21 to %scan3A_23 step %scan3A_24  : i32 {
        %mul3A_27 = arith.constant 1 : i32
        %mul3A_28 = arith.muli %scan3A_26, %mul3A_27 : i32
        %add3A_29 = arith.constant 0 : i32
        %add3A_30 = arith.addi %add3A_29, %mul3A_28 : i32
        %lt3A = arith.constant 40 : i32
        %lt3A_31 = arith.cmpi slt, %add3A_30, %lt3A : i32
        %convert_element_type3A = arith.extui %lt3A_31 : i1 to i32
        %cond3A = arith.constant 0 : i32
        %cond3A_32 = arith.cmpi ne, %convert_element_type3A, %cond3A : i32
        scf.if %cond3A_32 {
          %rem3A = arith.constant 2 : i32
          %rem3A_37 = arith.remsi %add3A_30, %rem3A : i32
          %rem3A_38 = arith.constant 2 : i32
          %rem3A_39 = arith.remsi %add3A_30, %rem3A_38 : i32
          %dma_start3A = arith.constant 0 : i32
          %dma_start3A_40 = arith.constant 0 : i32
          %dma_start3A_41 = tpu.memref_slice %arg9[%rem3A_37, %dma_start3A, %dma_start3A_40] : memref<2x128x128xf32, #tpu.memory_space<vmem>> -> memref<1x128x128xf32, #tpu.memory_space<vmem>>
          %dma_start3A_42 = tpu.memref_squeeze %dma_start3A_41 : memref<1x128x128xf32, #tpu.memory_space<vmem>> -> memref<128x128xf32, #tpu.memory_space<vmem>>
          %dma_start3A_43 = arith.constant 0 : i32
          %dma_start3A_44 = tpu.memref_slice %arg7[%add3A_30, %dma_start3A_43] : memref<40x128xi32, #tpu.memory_space<vmem>> -> memref<1x128xi32, #tpu.memory_space<vmem>>
          %dma_start3A_45 = tpu.memref_squeeze %dma_start3A_44 : memref<1x128xi32, #tpu.memory_space<vmem>> -> memref<128xi32, #tpu.memory_space<vmem>>
          %dma_start3A_46 = arith.constant 0 : i32
          %dma_start3A_47 = arith.constant 0 : i32
          %dma_start3A_48 = tpu.memref_slice %arg2[%dma_start3A_46, %dma_start3A_47] : memref<10112x128xf32, #tpu.memory_space<hbm>> -> memref<10112x128xf32, #tpu.memory_space<hbm>>
          %dma_start3A_49 = tpu.memref_slice %arg11[%rem3A_39] : memref<2x!tpu.dma_semaphore, #tpu.memory_space<semaphore_mem>> -> memref<1x!tpu.dma_semaphore, #tpu.memory_space<semaphore_mem>>
          %dma_start3A_50 = tpu.memref_squeeze %dma_start3A_49 : memref<1x!tpu.dma_semaphore, #tpu.memory_space<semaphore_mem>> -> memref<!tpu.dma_semaphore, #tpu.memory_space<semaphore_mem>>
          tpu.enqueue_indirect_dma source(%dma_start3A_48 : memref<10112x128xf32, #tpu.memory_space<hbm>>) target(%dma_start3A_42 : memref<128x128xf32, #tpu.memory_space<vmem>>) offsets(%dma_start3A_45 : memref<128xi32, #tpu.memory_space<vmem>>) semaphore(%dma_start3A_50 : memref<!tpu.dma_semaphore, #tpu.memory_space<semaphore_mem>>)
        } else {
        }
        %gt3A = arith.constant 0 : i32
        %gt3A_33 = arith.cmpi sgt, %add3A_30, %gt3A : i32
        %convert_element_type3A_34 = arith.extui %gt3A_33 : i1 to i32
        %cond3A_35 = arith.constant 0 : i32
        %cond3A_36 = arith.cmpi ne, %convert_element_type3A_34, %cond3A_35 : i32
        scf.if %cond3A_36 {
          %sub3A = arith.constant 1 : i32
          %sub3A_37 = arith.subi %add3A_30, %sub3A : i32
          %rem3A = arith.constant 2 : i32
          %rem3A_38 = arith.remsi %sub3A_37, %rem3A : i32
          %rem3A_39 = arith.constant 2 : i32
          %rem3A_40 = arith.remsi %sub3A_37, %rem3A_39 : i32
          %dma_wait3A = arith.constant 0 : i32
          %dma_wait3A_41 = arith.constant 0 : i32
          %dma_wait3A_42 = tpu.memref_slice %arg9[%rem3A_38, %dma_wait3A, %dma_wait3A_41] : memref<2x128x128xf32, #tpu.memory_space<vmem>> -> memref<1x128x128xf32, #tpu.memory_space<vmem>>
          %dma_wait3A_43 = tpu.memref_squeeze %dma_wait3A_42 : memref<1x128x128xf32, #tpu.memory_space<vmem>> -> memref<128x128xf32, #tpu.memory_space<vmem>>
          %dma_wait3A_44 = arith.constant 0 : i32
          %dma_wait3A_45 = tpu.memref_slice %arg7[%sub3A_37, %dma_wait3A_44] : memref<40x128xi32, #tpu.memory_space<vmem>> -> memref<1x128xi32, #tpu.memory_space<vmem>>
          %dma_wait3A_46 = tpu.memref_squeeze %dma_wait3A_45 : memref<1x128xi32, #tpu.memory_space<vmem>> -> memref<128xi32, #tpu.memory_space<vmem>>
          %dma_wait3A_47 = arith.constant 0 : i32
          %dma_wait3A_48 = arith.constant 0 : i32
          %dma_wait3A_49 = tpu.memref_slice %arg2[%dma_wait3A_47, %dma_wait3A_48] : memref<10112x128xf32, #tpu.memory_space<hbm>> -> memref<10112x128xf32, #tpu.memory_space<hbm>>
          %dma_wait3A_50 = tpu.memref_slice %arg11[%rem3A_40] : memref<2x!tpu.dma_semaphore, #tpu.memory_space<semaphore_mem>> -> memref<1x!tpu.dma_semaphore, #tpu.memory_space<semaphore_mem>>
          %dma_wait3A_51 = tpu.memref_squeeze %dma_wait3A_50 : memref<1x!tpu.dma_semaphore, #tpu.memory_space<semaphore_mem>> -> memref<!tpu.dma_semaphore, #tpu.memory_space<semaphore_mem>>
          tpu.wait_indirect_dma semaphore(%dma_wait3A_51 : memref<!tpu.dma_semaphore, #tpu.memory_space<semaphore_mem>>) src(%dma_wait3A_49 : memref<10112x128xf32, #tpu.memory_space<hbm>>) dst(%dma_wait3A_43 : memref<128x128xf32, #tpu.memory_space<vmem>>)
          %rem3A_52 = arith.constant 2 : i32
          %rem3A_53 = arith.remsi %sub3A_37, %rem3A_52 : i32
          "tpu.region"() ({
            %run_scoped3A = tpu.sem_alloc : memref<!tpu.dma_semaphore, #tpu.memory_space<semaphore_mem>>
            %dma_start3A = arith.constant 0 : i32
            %dma_start3A_54 = arith.constant 0 : i32
            %dma_start3A_55 = tpu.memref_slice %arg9[%rem3A_53, %dma_start3A, %dma_start3A_54] : memref<2x128x128xf32, #tpu.memory_space<vmem>> -> memref<1x128x128xf32, #tpu.memory_space<vmem>>
            %dma_start3A_56 = tpu.memref_squeeze %dma_start3A_55 : memref<1x128x128xf32, #tpu.memory_space<vmem>> -> memref<128x128xf32, #tpu.memory_space<vmem>>
            %dma_start3A_57 = arith.constant 0 : i32
            %dma_start3A_58 = tpu.memref_slice %arg8[%sub3A_37, %dma_start3A_57] : memref<40x128xi32, #tpu.memory_space<vmem>> -> memref<1x128xi32, #tpu.memory_space<vmem>>
            %dma_start3A_59 = tpu.memref_squeeze %dma_start3A_58 : memref<1x128xi32, #tpu.memory_space<vmem>> -> memref<128xi32, #tpu.memory_space<vmem>>
            %dma_start3A_60 = arith.constant 0 : i32
            %dma_start3A_61 = arith.constant 0 : i32
            %dma_start3A_62 = tpu.memref_slice %arg10[%dma_start3A_60, %dma_start3A_61] : memref<10112x128xf32, #tpu.memory_space<vmem_shared>> -> memref<10112x128xf32, #tpu.memory_space<vmem_shared>>
            tpu.enqueue_indirect_dma source(%dma_start3A_56 : memref<128x128xf32, #tpu.memory_space<vmem>>) target(%dma_start3A_62 : memref<10112x128xf32, #tpu.memory_space<vmem_shared>>) offsets(%dma_start3A_59 : memref<128xi32, #tpu.memory_space<vmem>>) semaphore(%run_scoped3A : memref<!tpu.dma_semaphore, #tpu.memory_space<semaphore_mem>>) {add = true}
            %dma_wait3A_63 = arith.constant 0 : i32
            %dma_wait3A_64 = arith.constant 0 : i32
            %dma_wait3A_65 = tpu.memref_slice %arg9[%rem3A_53, %dma_wait3A_63, %dma_wait3A_64] : memref<2x128x128xf32, #tpu.memory_space<vmem>> -> memref<1x128x128xf32, #tpu.memory_space<vmem>>
            %dma_wait3A_66 = tpu.memref_squeeze %dma_wait3A_65 : memref<1x128x128xf32, #tpu.memory_space<vmem>> -> memref<128x128xf32, #tpu.memory_space<vmem>>
            %dma_wait3A_67 = arith.constant 0 : i32
            %dma_wait3A_68 = tpu.memref_slice %arg8[%sub3A_37, %dma_wait3A_67] : memref<40x128xi32, #tpu.memory_space<vmem>> -> memref<1x128xi32, #tpu.memory_space<vmem>>
            %dma_wait3A_69 = tpu.memref_squeeze %dma_wait3A_68 : memref<1x128xi32, #tpu.memory_space<vmem>> -> memref<128xi32, #tpu.memory_space<vmem>>
            %dma_wait3A_70 = arith.constant 0 : i32
            %dma_wait3A_71 = arith.constant 0 : i32
            %dma_wait3A_72 = tpu.memref_slice %arg10[%dma_wait3A_70, %dma_wait3A_71] : memref<10112x128xf32, #tpu.memory_space<vmem_shared>> -> memref<10112x128xf32, #tpu.memory_space<vmem_shared>>
            tpu.wait_indirect_dma semaphore(%run_scoped3A : memref<!tpu.dma_semaphore, #tpu.memory_space<semaphore_mem>>) src(%dma_wait3A_66 : memref<128x128xf32, #tpu.memory_space<vmem>>) dst(%dma_wait3A_72 : memref<10112x128xf32, #tpu.memory_space<vmem_shared>>)
            tpu.yield
          }) : () -> ()
        } else {
        }
      }
      %scan3A_25 = arith.constant 41 : i32
    }
    %scan3A_6 = arith.constant 2 : i32
    %barrier3A_7 = arith.constant 0 : index
    tpu.barrier barrier_id(%barrier3A_7)
    %mul3A_8 = arith.constant 10112 : i32
    %mul3A_9 = arith.muli %arg0, %mul3A_8 : i32
    %add3A_10 = arith.addi %mul3A_9, %mul3A_2 : i32
    "tpu.region"() ({
      %run_scoped3A = tpu.sem_alloc : memref<!tpu.dma_semaphore, #tpu.memory_space<semaphore_mem>>
      %dma_start3A = arith.constant 0 : i32
      %dma_start3A_11 = tpu.memref_slice %arg6[%add3A_10, %dma_start3A] : memref<20224x128xf32, #tpu.memory_space<hbm>> -> memref<632x128xf32, #tpu.memory_space<hbm>>
      %dma_start3A_12 = arith.constant 0 : i32
      %dma_start3A_13 = tpu.memref_slice %arg10[%mul3A_2, %dma_start3A_12] : memref<10112x128xf32, #tpu.memory_space<vmem_shared>> -> memref<632x128xf32, #tpu.memory_space<vmem_shared>>
      tpu.enqueue_dma source(%dma_start3A_13 : memref<632x128xf32, #tpu.memory_space<vmem_shared>>) target(%dma_start3A_11 : memref<632x128xf32, #tpu.memory_space<hbm>>) target_semaphore(%run_scoped3A : memref<!tpu.dma_semaphore, #tpu.memory_space<semaphore_mem>>)
      %dma_wait3A = arith.constant 0 : i32
      %dma_wait3A_14 = tpu.memref_slice %arg6[%add3A_10, %dma_wait3A] : memref<20224x128xf32, #tpu.memory_space<hbm>> -> memref<632x128xf32, #tpu.memory_space<hbm>>
      %dma_wait3A_15 = arith.constant 0 : i32
      %dma_wait3A_16 = tpu.memref_slice %arg10[%mul3A_2, %dma_wait3A_15] : memref<10112x128xf32, #tpu.memory_space<vmem_shared>> -> memref<632x128xf32, #tpu.memory_space<vmem_shared>>
      tpu.wait_dma2 semaphore(%run_scoped3A : memref<!tpu.dma_semaphore, #tpu.memory_space<semaphore_mem>>) src(%dma_wait3A_16 : memref<632x128xf32, #tpu.memory_space<vmem_shared>>) dst(%dma_wait3A_14 : memref<632x128xf32, #tpu.memory_space<hbm>>)
      tpu.yield
    }) : () -> ()
    return
  }
}

#map = affine_map<(d0, d1) -> (0, 0)>
module attributes {stable_mosaic.version = 14 : i64} {
  func.func @deg_kernel(%arg0: i32, %arg1: i32, %arg2: memref<2560x128xi32, #tpu.memory_space<hbm>>, %arg3: memref<2560x128xi32, #tpu.memory_space<hbm>>, %arg4: memref<632x128xf32, #tpu.memory_space<hbm>>, %arg5: memref<128x128xf32, #tpu.memory_space<hbm>>, %arg6: memref<20224x128xf32, #tpu.memory_space<hbm>>, %arg7: memref<160x128xi32, #tpu.memory_space<vmem>>, %arg8: memref<128x128xf32, #tpu.memory_space<vmem>>, %arg9: memref<10112x128xf32, #tpu.memory_space<vmem_shared>>, %arg10: memref<!tpu.dma_semaphore, #tpu.memory_space<semaphore_mem>>) attributes {dimension_semantics = [#tpu.dimension_semantics<core_parallel>, #tpu.dimension_semantics<subcore_parallel>], iteration_bounds = array<i64: 2, 16>, scalar_prefetch = 0 : i64, scratch_operands = 4 : i64, tpu.core_type = #tpu.core_type<sc_vector_subcore>, window_params = [{transform_indices = #map}, {transform_indices = #map}, {transform_indices = #map}, {transform_indices = #map}, {transform_indices = #map}]} {
    %mul3A = arith.constant 632 : i32
    %mul3A_0 = arith.muli %arg1, %mul3A : i32
    "tpu.region"() ({
      %run_scoped3A = tpu.sem_alloc : memref<!tpu.dma_semaphore, #tpu.memory_space<semaphore_mem>>
      %dma_start3A = arith.constant 0 : i32
      %dma_start3A_15 = tpu.memref_slice %arg9[%mul3A_0, %dma_start3A] : memref<10112x128xf32, #tpu.memory_space<vmem_shared>> -> memref<632x128xf32, #tpu.memory_space<vmem_shared>>
      tpu.enqueue_dma source(%arg4 : memref<632x128xf32, #tpu.memory_space<hbm>>) target(%dma_start3A_15 : memref<632x128xf32, #tpu.memory_space<vmem_shared>>) target_semaphore(%run_scoped3A : memref<!tpu.dma_semaphore, #tpu.memory_space<semaphore_mem>>)
      %dma_wait3A = arith.constant 0 : i32
      %dma_wait3A_16 = tpu.memref_slice %arg9[%mul3A_0, %dma_wait3A] : memref<10112x128xf32, #tpu.memory_space<vmem_shared>> -> memref<632x128xf32, #tpu.memory_space<vmem_shared>>
      tpu.wait_dma2 semaphore(%run_scoped3A : memref<!tpu.dma_semaphore, #tpu.memory_space<semaphore_mem>>) src(%arg4 : memref<632x128xf32, #tpu.memory_space<hbm>>) dst(%dma_wait3A_16 : memref<632x128xf32, #tpu.memory_space<vmem_shared>>)
      tpu.yield
    }) : () -> ()
    "tpu.region"() ({
      %run_scoped3A = tpu.sem_alloc : memref<!tpu.dma_semaphore, #tpu.memory_space<semaphore_mem>>
      tpu.enqueue_dma source(%arg5 : memref<128x128xf32, #tpu.memory_space<hbm>>) target(%arg8 : memref<128x128xf32, #tpu.memory_space<vmem>>) target_semaphore(%run_scoped3A : memref<!tpu.dma_semaphore, #tpu.memory_space<semaphore_mem>>)
      tpu.wait_dma2 semaphore(%run_scoped3A : memref<!tpu.dma_semaphore, #tpu.memory_space<semaphore_mem>>) src(%arg5 : memref<128x128xf32, #tpu.memory_space<hbm>>) dst(%arg8 : memref<128x128xf32, #tpu.memory_space<vmem>>)
      tpu.yield
    }) : () -> ()
    %eq3A = arith.constant 0 : i32
    %eq3A_1 = arith.cmpi eq, %arg0, %eq3A : i32
    %convert_element_type3A = arith.extui %eq3A_1 : i1 to i32
    %cond3A = arith.constant 0 : i32
    %cond3A_2 = arith.cmpi ne, %convert_element_type3A, %cond3A : i32
    scf.if %cond3A_2 {
      %mul3A_15 = arith.constant 160 : i32
      %mul3A_16 = arith.muli %arg1, %mul3A_15 : i32
      "tpu.region"() ({
        %run_scoped3A = tpu.sem_alloc : memref<!tpu.dma_semaphore, #tpu.memory_space<semaphore_mem>>
        %dma_start3A = arith.constant 0 : i32
        %dma_start3A_17 = tpu.memref_slice %arg2[%mul3A_16, %dma_start3A] : memref<2560x128xi32, #tpu.memory_space<hbm>> -> memref<160x128xi32, #tpu.memory_space<hbm>>
        %dma_start3A_18 = arith.constant 0 : i32
        %dma_start3A_19 = tpu.memref_slice %arg2[%mul3A_16, %dma_start3A_18] : memref<2560x128xi32, #tpu.memory_space<hbm>> -> memref<160x128xi32, #tpu.memory_space<hbm>>
        tpu.enqueue_dma source(%dma_start3A_19 : memref<160x128xi32, #tpu.memory_space<hbm>>) target(%arg7 : memref<160x128xi32, #tpu.memory_space<vmem>>) target_semaphore(%run_scoped3A : memref<!tpu.dma_semaphore, #tpu.memory_space<semaphore_mem>>)
        %dma_wait3A = arith.constant 0 : i32
        %dma_wait3A_20 = tpu.memref_slice %arg2[%mul3A_16, %dma_wait3A] : memref<2560x128xi32, #tpu.memory_space<hbm>> -> memref<160x128xi32, #tpu.memory_space<hbm>>
        %dma_wait3A_21 = arith.constant 0 : i32
        %dma_wait3A_22 = tpu.memref_slice %arg2[%mul3A_16, %dma_wait3A_21] : memref<2560x128xi32, #tpu.memory_space<hbm>> -> memref<160x128xi32, #tpu.memory_space<hbm>>
        tpu.wait_dma2 semaphore(%run_scoped3A : memref<!tpu.dma_semaphore, #tpu.memory_space<semaphore_mem>>) src(%dma_wait3A_22 : memref<160x128xi32, #tpu.memory_space<hbm>>) dst(%arg7 : memref<160x128xi32, #tpu.memory_space<vmem>>)
        tpu.yield
      }) : () -> ()
    } else {
    }
    %eq3A_3 = arith.constant 1 : i32
    %eq3A_4 = arith.cmpi eq, %arg0, %eq3A_3 : i32
    %convert_element_type3A_5 = arith.extui %eq3A_4 : i1 to i32
    %cond3A_6 = arith.constant 0 : i32
    %cond3A_7 = arith.cmpi ne, %convert_element_type3A_5, %cond3A_6 : i32
    scf.if %cond3A_7 {
      %mul3A_15 = arith.constant 160 : i32
      %mul3A_16 = arith.muli %arg1, %mul3A_15 : i32
      "tpu.region"() ({
        %run_scoped3A = tpu.sem_alloc : memref<!tpu.dma_semaphore, #tpu.memory_space<semaphore_mem>>
        %dma_start3A = arith.constant 0 : i32
        %dma_start3A_17 = tpu.memref_slice %arg3[%mul3A_16, %dma_start3A] : memref<2560x128xi32, #tpu.memory_space<hbm>> -> memref<160x128xi32, #tpu.memory_space<hbm>>
        %dma_start3A_18 = arith.constant 0 : i32
        %dma_start3A_19 = tpu.memref_slice %arg3[%mul3A_16, %dma_start3A_18] : memref<2560x128xi32, #tpu.memory_space<hbm>> -> memref<160x128xi32, #tpu.memory_space<hbm>>
        tpu.enqueue_dma source(%dma_start3A_19 : memref<160x128xi32, #tpu.memory_space<hbm>>) target(%arg7 : memref<160x128xi32, #tpu.memory_space<vmem>>) target_semaphore(%run_scoped3A : memref<!tpu.dma_semaphore, #tpu.memory_space<semaphore_mem>>)
        %dma_wait3A = arith.constant 0 : i32
        %dma_wait3A_20 = tpu.memref_slice %arg3[%mul3A_16, %dma_wait3A] : memref<2560x128xi32, #tpu.memory_space<hbm>> -> memref<160x128xi32, #tpu.memory_space<hbm>>
        %dma_wait3A_21 = arith.constant 0 : i32
        %dma_wait3A_22 = tpu.memref_slice %arg3[%mul3A_16, %dma_wait3A_21] : memref<2560x128xi32, #tpu.memory_space<hbm>> -> memref<160x128xi32, #tpu.memory_space<hbm>>
        tpu.wait_dma2 semaphore(%run_scoped3A : memref<!tpu.dma_semaphore, #tpu.memory_space<semaphore_mem>>) src(%dma_wait3A_22 : memref<160x128xi32, #tpu.memory_space<hbm>>) dst(%arg7 : memref<160x128xi32, #tpu.memory_space<vmem>>)
        tpu.yield
      }) : () -> ()
    } else {
    }
    %barrier3A = arith.constant 0 : index
    tpu.barrier barrier_id(%barrier3A)
    %scan3A = arith.constant 0 : i32
    %scan3A_8 = arith.constant 20 : i32
    %scan3A_9 = arith.addi %scan3A, %scan3A_8 : i32
    %scan3A_10 = arith.constant 1 : i32
    scf.for %scan3A_15 = %scan3A to %scan3A_9 step %scan3A_10  : i32 {
      %mul3A_16 = arith.constant 1 : i32
      %mul3A_17 = arith.muli %scan3A_15, %mul3A_16 : i32
      %add3A_18 = arith.constant 0 : i32
      %add3A_19 = arith.addi %add3A_18, %mul3A_17 : i32
      %scan3A_20 = arith.constant 0 : i32
      %scan3A_21 = arith.constant 8 : i32
      %scan3A_22 = arith.addi %scan3A_20, %scan3A_21 : i32
      %scan3A_23 = arith.constant 1 : i32
      scf.for %scan3A_30 = %scan3A_20 to %scan3A_22 step %scan3A_23  : i32 {
        %mul3A_31 = arith.constant 1 : i32
        %mul3A_32 = arith.muli %scan3A_30, %mul3A_31 : i32
        %add3A_33 = arith.constant 0 : i32
        %add3A_34 = arith.addi %add3A_33, %mul3A_32 : i32
        %mul3A_35 = arith.constant 8 : i32
        %mul3A_36 = arith.muli %add3A_19, %mul3A_35 : i32
        %add3A_37 = arith.addi %mul3A_36, %add3A_34 : i32
        %dma_start3A = arith.constant 0 : i32
        %dma_start3A_38 = tpu.memref_slice %arg7[%add3A_37, %dma_start3A] : memref<160x128xi32, #tpu.memory_space<vmem>> -> memref<1x128xi32, #tpu.memory_space<vmem>>
        %dma_start3A_39 = tpu.memref_squeeze %dma_start3A_38 : memref<1x128xi32, #tpu.memory_space<vmem>> -> memref<128xi32, #tpu.memory_space<vmem>>
        %dma_start3A_40 = arith.constant 0 : i32
        %dma_start3A_41 = arith.constant 0 : i32
        %dma_start3A_42 = tpu.memref_slice %arg9[%dma_start3A_40, %dma_start3A_41] : memref<10112x128xf32, #tpu.memory_space<vmem_shared>> -> memref<10112x128xf32, #tpu.memory_space<vmem_shared>>
        tpu.enqueue_indirect_dma source(%arg8 : memref<128x128xf32, #tpu.memory_space<vmem>>) target(%dma_start3A_42 : memref<10112x128xf32, #tpu.memory_space<vmem_shared>>) offsets(%dma_start3A_39 : memref<128xi32, #tpu.memory_space<vmem>>) semaphore(%arg10 : memref<!tpu.dma_semaphore, #tpu.memory_space<semaphore_mem>>) {add = true}
      }
      %scan3A_24 = arith.constant 8 : i32
      %scan3A_25 = arith.constant 0 : i32
      %scan3A_26 = arith.constant 8 : i32
      %scan3A_27 = arith.addi %scan3A_25, %scan3A_26 : i32
      %scan3A_28 = arith.constant 1 : i32
      scf.for %scan3A_30 = %scan3A_25 to %scan3A_27 step %scan3A_28  : i32 {
        %mul3A_31 = arith.constant 1 : i32
        %mul3A_32 = arith.muli %scan3A_30, %mul3A_31 : i32
        %add3A_33 = arith.constant 0 : i32
        %add3A_34 = arith.addi %add3A_33, %mul3A_32 : i32
        %mul3A_35 = arith.constant 8 : i32
        %mul3A_36 = arith.muli %add3A_19, %mul3A_35 : i32
        %add3A_37 = arith.addi %mul3A_36, %add3A_34 : i32
        %dma_wait3A = arith.constant 0 : i32
        %dma_wait3A_38 = tpu.memref_slice %arg7[%add3A_37, %dma_wait3A] : memref<160x128xi32, #tpu.memory_space<vmem>> -> memref<1x128xi32, #tpu.memory_space<vmem>>
        %dma_wait3A_39 = tpu.memref_squeeze %dma_wait3A_38 : memref<1x128xi32, #tpu.memory_space<vmem>> -> memref<128xi32, #tpu.memory_space<vmem>>
        %dma_wait3A_40 = arith.constant 0 : i32
        %dma_wait3A_41 = arith.constant 0 : i32
        %dma_wait3A_42 = tpu.memref_slice %arg9[%dma_wait3A_40, %dma_wait3A_41] : memref<10112x128xf32, #tpu.memory_space<vmem_shared>> -> memref<10112x128xf32, #tpu.memory_space<vmem_shared>>
        tpu.wait_indirect_dma semaphore(%arg10 : memref<!tpu.dma_semaphore, #tpu.memory_space<semaphore_mem>>) src(%arg8 : memref<128x128xf32, #tpu.memory_space<vmem>>) dst(%dma_wait3A_42 : memref<10112x128xf32, #tpu.memory_space<vmem_shared>>)
      }
      %scan3A_29 = arith.constant 8 : i32
    }
    %scan3A_11 = arith.constant 20 : i32
    %barrier3A_12 = arith.constant 0 : index
    tpu.barrier barrier_id(%barrier3A_12)
    %mul3A_13 = arith.constant 10112 : i32
    %mul3A_14 = arith.muli %arg0, %mul3A_13 : i32
    %add3A = arith.addi %mul3A_14, %mul3A_0 : i32
    "tpu.region"() ({
      %run_scoped3A = tpu.sem_alloc : memref<!tpu.dma_semaphore, #tpu.memory_space<semaphore_mem>>
      %dma_start3A = arith.constant 0 : i32
      %dma_start3A_15 = tpu.memref_slice %arg6[%add3A, %dma_start3A] : memref<20224x128xf32, #tpu.memory_space<hbm>> -> memref<632x128xf32, #tpu.memory_space<hbm>>
      %dma_start3A_16 = arith.constant 0 : i32
      %dma_start3A_17 = tpu.memref_slice %arg9[%mul3A_0, %dma_start3A_16] : memref<10112x128xf32, #tpu.memory_space<vmem_shared>> -> memref<632x128xf32, #tpu.memory_space<vmem_shared>>
      tpu.enqueue_dma source(%dma_start3A_17 : memref<632x128xf32, #tpu.memory_space<vmem_shared>>) target(%dma_start3A_15 : memref<632x128xf32, #tpu.memory_space<hbm>>) target_semaphore(%run_scoped3A : memref<!tpu.dma_semaphore, #tpu.memory_space<semaphore_mem>>)
      %dma_wait3A = arith.constant 0 : i32
      %dma_wait3A_18 = tpu.memref_slice %arg6[%add3A, %dma_wait3A] : memref<20224x128xf32, #tpu.memory_space<hbm>> -> memref<632x128xf32, #tpu.memory_space<hbm>>
      %dma_wait3A_19 = arith.constant 0 : i32
      %dma_wait3A_20 = tpu.memref_slice %arg9[%mul3A_0, %dma_wait3A_19] : memref<10112x128xf32, #tpu.memory_space<vmem_shared>> -> memref<632x128xf32, #tpu.memory_space<vmem_shared>>
      tpu.wait_dma2 semaphore(%run_scoped3A : memref<!tpu.dma_semaphore, #tpu.memory_space<semaphore_mem>>) src(%dma_wait3A_20 : memref<632x128xf32, #tpu.memory_space<vmem_shared>>) dst(%dma_wait3A_18 : memref<632x128xf32, #tpu.memory_space<hbm>>)
      tpu.yield
    }) : () -> ()
    return
  }
}

#map = affine_map<(d0, d1) -> (0, 0)>
module attributes {stable_mosaic.version = 14 : i64} {
  func.func @step_kernel(%arg0: i32, %arg1: i32, %arg2: memref<10112x128xf32, #tpu.memory_space<hbm>>, %arg3: memref<2560x128xi32, #tpu.memory_space<hbm>>, %arg4: memref<2560x128xi32, #tpu.memory_space<hbm>>, %arg5: memref<632x128xf32, #tpu.memory_space<hbm>>, %arg6: memref<20224x128xf32, #tpu.memory_space<hbm>>, %arg7: memref<40x128xi32, #tpu.memory_space<vmem>>, %arg8: memref<40x128xi32, #tpu.memory_space<vmem>>, %arg9: memref<2x128x128xf32, #tpu.memory_space<vmem>>, %arg10: memref<10112x128xf32, #tpu.memory_space<vmem_shared>>, %arg11: memref<2x!tpu.dma_semaphore, #tpu.memory_space<semaphore_mem>>) attributes {dimension_semantics = [#tpu.dimension_semantics<core_parallel>, #tpu.dimension_semantics<subcore_parallel>], iteration_bounds = array<i64: 2, 16>, scalar_prefetch = 0 : i64, scratch_operands = 5 : i64, tpu.core_type = #tpu.core_type<sc_vector_subcore>, window_params = [{transform_indices = #map}, {transform_indices = #map}, {transform_indices = #map}, {transform_indices = #map}, {transform_indices = #map}]} {
    %mul3A = arith.constant 16 : i32
    %mul3A_0 = arith.muli %arg0, %mul3A : i32
    %add3A = arith.addi %mul3A_0, %arg1 : i32
    %mul3A_1 = arith.constant 632 : i32
    %mul3A_2 = arith.muli %arg1, %mul3A_1 : i32
    "tpu.region"() ({
      %run_scoped3A = tpu.sem_alloc : memref<!tpu.dma_semaphore, #tpu.memory_space<semaphore_mem>>
      %dma_start3A = arith.constant 0 : i32
      %dma_start3A_11 = tpu.memref_slice %arg10[%mul3A_2, %dma_start3A] : memref<10112x128xf32, #tpu.memory_space<vmem_shared>> -> memref<632x128xf32, #tpu.memory_space<vmem_shared>>
      tpu.enqueue_dma source(%arg5 : memref<632x128xf32, #tpu.memory_space<hbm>>) target(%dma_start3A_11 : memref<632x128xf32, #tpu.memory_space<vmem_shared>>) target_semaphore(%run_scoped3A : memref<!tpu.dma_semaphore, #tpu.memory_space<semaphore_mem>>)
      %dma_wait3A = arith.constant 0 : i32
      %dma_wait3A_12 = tpu.memref_slice %arg10[%mul3A_2, %dma_wait3A] : memref<10112x128xf32, #tpu.memory_space<vmem_shared>> -> memref<632x128xf32, #tpu.memory_space<vmem_shared>>
      tpu.wait_dma2 semaphore(%run_scoped3A : memref<!tpu.dma_semaphore, #tpu.memory_space<semaphore_mem>>) src(%arg5 : memref<632x128xf32, #tpu.memory_space<hbm>>) dst(%dma_wait3A_12 : memref<632x128xf32, #tpu.memory_space<vmem_shared>>)
      tpu.yield
    }) : () -> ()
    %barrier3A = arith.constant 0 : index
    tpu.barrier barrier_id(%barrier3A)
    %scan3A = arith.constant 0 : i32
    %scan3A_3 = arith.constant 2 : i32
    %scan3A_4 = arith.addi %scan3A, %scan3A_3 : i32
    %scan3A_5 = arith.constant 1 : i32
    scf.for %scan3A_11 = %scan3A to %scan3A_4 step %scan3A_5  : i32 {
      %mul3A_12 = arith.constant 1 : i32
      %mul3A_13 = arith.muli %scan3A_11, %mul3A_12 : i32
      %add3A_14 = arith.constant 0 : i32
      %add3A_15 = arith.addi %add3A_14, %mul3A_13 : i32
      %mul3A_16 = arith.constant 80 : i32
      %mul3A_17 = arith.muli %add3A, %mul3A_16 : i32
      %mul3A_18 = arith.constant 40 : i32
      %mul3A_19 = arith.muli %add3A_15, %mul3A_18 : i32
      %add3A_20 = arith.addi %mul3A_17, %mul3A_19 : i32
      "tpu.region"() ({
        %run_scoped3A = tpu.sem_alloc : memref<!tpu.dma_semaphore, #tpu.memory_space<semaphore_mem>>
        %dma_start3A = arith.constant 0 : i32
        %dma_start3A_26 = tpu.memref_slice %arg3[%add3A_20, %dma_start3A] : memref<2560x128xi32, #tpu.memory_space<hbm>> -> memref<40x128xi32, #tpu.memory_space<hbm>>
        %dma_start3A_27 = arith.constant 0 : i32
        %dma_start3A_28 = tpu.memref_slice %arg3[%add3A_20, %dma_start3A_27] : memref<2560x128xi32, #tpu.memory_space<hbm>> -> memref<40x128xi32, #tpu.memory_space<hbm>>
        tpu.enqueue_dma source(%dma_start3A_28 : memref<40x128xi32, #tpu.memory_space<hbm>>) target(%arg7 : memref<40x128xi32, #tpu.memory_space<vmem>>) target_semaphore(%run_scoped3A : memref<!tpu.dma_semaphore, #tpu.memory_space<semaphore_mem>>)
        %dma_wait3A = arith.constant 0 : i32
        %dma_wait3A_29 = tpu.memref_slice %arg3[%add3A_20, %dma_wait3A] : memref<2560x128xi32, #tpu.memory_space<hbm>> -> memref<40x128xi32, #tpu.memory_space<hbm>>
        %dma_wait3A_30 = arith.constant 0 : i32
        %dma_wait3A_31 = tpu.memref_slice %arg3[%add3A_20, %dma_wait3A_30] : memref<2560x128xi32, #tpu.memory_space<hbm>> -> memref<40x128xi32, #tpu.memory_space<hbm>>
        tpu.wait_dma2 semaphore(%run_scoped3A : memref<!tpu.dma_semaphore, #tpu.memory_space<semaphore_mem>>) src(%dma_wait3A_31 : memref<40x128xi32, #tpu.memory_space<hbm>>) dst(%arg7 : memref<40x128xi32, #tpu.memory_space<vmem>>)
        tpu.yield
      }) : () -> ()
      "tpu.region"() ({
        %run_scoped3A = tpu.sem_alloc : memref<!tpu.dma_semaphore, #tpu.memory_space<semaphore_mem>>
        %dma_start3A = arith.constant 0 : i32
        %dma_start3A_26 = tpu.memref_slice %arg4[%add3A_20, %dma_start3A] : memref<2560x128xi32, #tpu.memory_space<hbm>> -> memref<40x128xi32, #tpu.memory_space<hbm>>
        %dma_start3A_27 = arith.constant 0 : i32
        %dma_start3A_28 = tpu.memref_slice %arg4[%add3A_20, %dma_start3A_27] : memref<2560x128xi32, #tpu.memory_space<hbm>> -> memref<40x128xi32, #tpu.memory_space<hbm>>
        tpu.enqueue_dma source(%dma_start3A_28 : memref<40x128xi32, #tpu.memory_space<hbm>>) target(%arg8 : memref<40x128xi32, #tpu.memory_space<vmem>>) target_semaphore(%run_scoped3A : memref<!tpu.dma_semaphore, #tpu.memory_space<semaphore_mem>>)
        %dma_wait3A = arith.constant 0 : i32
        %dma_wait3A_29 = tpu.memref_slice %arg4[%add3A_20, %dma_wait3A] : memref<2560x128xi32, #tpu.memory_space<hbm>> -> memref<40x128xi32, #tpu.memory_space<hbm>>
        %dma_wait3A_30 = arith.constant 0 : i32
        %dma_wait3A_31 = tpu.memref_slice %arg4[%add3A_20, %dma_wait3A_30] : memref<2560x128xi32, #tpu.memory_space<hbm>> -> memref<40x128xi32, #tpu.memory_space<hbm>>
        tpu.wait_dma2 semaphore(%run_scoped3A : memref<!tpu.dma_semaphore, #tpu.memory_space<semaphore_mem>>) src(%dma_wait3A_31 : memref<40x128xi32, #tpu.memory_space<hbm>>) dst(%arg8 : memref<40x128xi32, #tpu.memory_space<vmem>>)
        tpu.yield
      }) : () -> ()
      %scan3A_21 = arith.constant 0 : i32
      %scan3A_22 = arith.constant 41 : i32
      %scan3A_23 = arith.addi %scan3A_21, %scan3A_22 : i32
      %scan3A_24 = arith.constant 1 : i32
      scf.for %scan3A_26 = %scan3A_21 to %scan3A_23 step %scan3A_24  : i32 {
        %mul3A_27 = arith.constant 1 : i32
        %mul3A_28 = arith.muli %scan3A_26, %mul3A_27 : i32
        %add3A_29 = arith.constant 0 : i32
        %add3A_30 = arith.addi %add3A_29, %mul3A_28 : i32
        %lt3A = arith.constant 40 : i32
        %lt3A_31 = arith.cmpi slt, %add3A_30, %lt3A : i32
        %convert_element_type3A = arith.extui %lt3A_31 : i1 to i32
        %cond3A = arith.constant 0 : i32
        %cond3A_32 = arith.cmpi ne, %convert_element_type3A, %cond3A : i32
        scf.if %cond3A_32 {
          %rem3A = arith.constant 2 : i32
          %rem3A_37 = arith.remsi %add3A_30, %rem3A : i32
          %rem3A_38 = arith.constant 2 : i32
          %rem3A_39 = arith.remsi %add3A_30, %rem3A_38 : i32
          %dma_start3A = arith.constant 0 : i32
          %dma_start3A_40 = arith.constant 0 : i32
          %dma_start3A_41 = tpu.memref_slice %arg9[%rem3A_37, %dma_start3A, %dma_start3A_40] : memref<2x128x128xf32, #tpu.memory_space<vmem>> -> memref<1x128x128xf32, #tpu.memory_space<vmem>>
          %dma_start3A_42 = tpu.memref_squeeze %dma_start3A_41 : memref<1x128x128xf32, #tpu.memory_space<vmem>> -> memref<128x128xf32, #tpu.memory_space<vmem>>
          %dma_start3A_43 = arith.constant 0 : i32
          %dma_start3A_44 = tpu.memref_slice %arg7[%add3A_30, %dma_start3A_43] : memref<40x128xi32, #tpu.memory_space<vmem>> -> memref<1x128xi32, #tpu.memory_space<vmem>>
          %dma_start3A_45 = tpu.memref_squeeze %dma_start3A_44 : memref<1x128xi32, #tpu.memory_space<vmem>> -> memref<128xi32, #tpu.memory_space<vmem>>
          %dma_start3A_46 = arith.constant 0 : i32
          %dma_start3A_47 = arith.constant 0 : i32
          %dma_start3A_48 = tpu.memref_slice %arg2[%dma_start3A_46, %dma_start3A_47] : memref<10112x128xf32, #tpu.memory_space<hbm>> -> memref<10112x128xf32, #tpu.memory_space<hbm>>
          %dma_start3A_49 = tpu.memref_slice %arg11[%rem3A_39] : memref<2x!tpu.dma_semaphore, #tpu.memory_space<semaphore_mem>> -> memref<1x!tpu.dma_semaphore, #tpu.memory_space<semaphore_mem>>
          %dma_start3A_50 = tpu.memref_squeeze %dma_start3A_49 : memref<1x!tpu.dma_semaphore, #tpu.memory_space<semaphore_mem>> -> memref<!tpu.dma_semaphore, #tpu.memory_space<semaphore_mem>>
          tpu.enqueue_indirect_dma source(%dma_start3A_48 : memref<10112x128xf32, #tpu.memory_space<hbm>>) target(%dma_start3A_42 : memref<128x128xf32, #tpu.memory_space<vmem>>) offsets(%dma_start3A_45 : memref<128xi32, #tpu.memory_space<vmem>>) semaphore(%dma_start3A_50 : memref<!tpu.dma_semaphore, #tpu.memory_space<semaphore_mem>>)
        } else {
        }
        %gt3A = arith.constant 0 : i32
        %gt3A_33 = arith.cmpi sgt, %add3A_30, %gt3A : i32
        %convert_element_type3A_34 = arith.extui %gt3A_33 : i1 to i32
        %cond3A_35 = arith.constant 0 : i32
        %cond3A_36 = arith.cmpi ne, %convert_element_type3A_34, %cond3A_35 : i32
        scf.if %cond3A_36 {
          %sub3A = arith.constant 1 : i32
          %sub3A_37 = arith.subi %add3A_30, %sub3A : i32
          %rem3A = arith.constant 2 : i32
          %rem3A_38 = arith.remsi %sub3A_37, %rem3A : i32
          %rem3A_39 = arith.constant 2 : i32
          %rem3A_40 = arith.remsi %sub3A_37, %rem3A_39 : i32
          %dma_wait3A = arith.constant 0 : i32
          %dma_wait3A_41 = arith.constant 0 : i32
          %dma_wait3A_42 = tpu.memref_slice %arg9[%rem3A_38, %dma_wait3A, %dma_wait3A_41] : memref<2x128x128xf32, #tpu.memory_space<vmem>> -> memref<1x128x128xf32, #tpu.memory_space<vmem>>
          %dma_wait3A_43 = tpu.memref_squeeze %dma_wait3A_42 : memref<1x128x128xf32, #tpu.memory_space<vmem>> -> memref<128x128xf32, #tpu.memory_space<vmem>>
          %dma_wait3A_44 = arith.constant 0 : i32
          %dma_wait3A_45 = tpu.memref_slice %arg7[%sub3A_37, %dma_wait3A_44] : memref<40x128xi32, #tpu.memory_space<vmem>> -> memref<1x128xi32, #tpu.memory_space<vmem>>
          %dma_wait3A_46 = tpu.memref_squeeze %dma_wait3A_45 : memref<1x128xi32, #tpu.memory_space<vmem>> -> memref<128xi32, #tpu.memory_space<vmem>>
          %dma_wait3A_47 = arith.constant 0 : i32
          %dma_wait3A_48 = arith.constant 0 : i32
          %dma_wait3A_49 = tpu.memref_slice %arg2[%dma_wait3A_47, %dma_wait3A_48] : memref<10112x128xf32, #tpu.memory_space<hbm>> -> memref<10112x128xf32, #tpu.memory_space<hbm>>
          %dma_wait3A_50 = tpu.memref_slice %arg11[%rem3A_40] : memref<2x!tpu.dma_semaphore, #tpu.memory_space<semaphore_mem>> -> memref<1x!tpu.dma_semaphore, #tpu.memory_space<semaphore_mem>>
          %dma_wait3A_51 = tpu.memref_squeeze %dma_wait3A_50 : memref<1x!tpu.dma_semaphore, #tpu.memory_space<semaphore_mem>> -> memref<!tpu.dma_semaphore, #tpu.memory_space<semaphore_mem>>
          tpu.wait_indirect_dma semaphore(%dma_wait3A_51 : memref<!tpu.dma_semaphore, #tpu.memory_space<semaphore_mem>>) src(%dma_wait3A_49 : memref<10112x128xf32, #tpu.memory_space<hbm>>) dst(%dma_wait3A_43 : memref<128x128xf32, #tpu.memory_space<vmem>>)
          %rem3A_52 = arith.constant 2 : i32
          %rem3A_53 = arith.remsi %sub3A_37, %rem3A_52 : i32
          "tpu.region"() ({
            %run_scoped3A = tpu.sem_alloc : memref<!tpu.dma_semaphore, #tpu.memory_space<semaphore_mem>>
            %dma_start3A = arith.constant 0 : i32
            %dma_start3A_54 = arith.constant 0 : i32
            %dma_start3A_55 = tpu.memref_slice %arg9[%rem3A_53, %dma_start3A, %dma_start3A_54] : memref<2x128x128xf32, #tpu.memory_space<vmem>> -> memref<1x128x128xf32, #tpu.memory_space<vmem>>
            %dma_start3A_56 = tpu.memref_squeeze %dma_start3A_55 : memref<1x128x128xf32, #tpu.memory_space<vmem>> -> memref<128x128xf32, #tpu.memory_space<vmem>>
            %dma_start3A_57 = arith.constant 0 : i32
            %dma_start3A_58 = tpu.memref_slice %arg8[%sub3A_37, %dma_start3A_57] : memref<40x128xi32, #tpu.memory_space<vmem>> -> memref<1x128xi32, #tpu.memory_space<vmem>>
            %dma_start3A_59 = tpu.memref_squeeze %dma_start3A_58 : memref<1x128xi32, #tpu.memory_space<vmem>> -> memref<128xi32, #tpu.memory_space<vmem>>
            %dma_start3A_60 = arith.constant 0 : i32
            %dma_start3A_61 = arith.constant 0 : i32
            %dma_start3A_62 = tpu.memref_slice %arg10[%dma_start3A_60, %dma_start3A_61] : memref<10112x128xf32, #tpu.memory_space<vmem_shared>> -> memref<10112x128xf32, #tpu.memory_space<vmem_shared>>
            tpu.enqueue_indirect_dma source(%dma_start3A_56 : memref<128x128xf32, #tpu.memory_space<vmem>>) target(%dma_start3A_62 : memref<10112x128xf32, #tpu.memory_space<vmem_shared>>) offsets(%dma_start3A_59 : memref<128xi32, #tpu.memory_space<vmem>>) semaphore(%run_scoped3A : memref<!tpu.dma_semaphore, #tpu.memory_space<semaphore_mem>>) {add = true}
            %dma_wait3A_63 = arith.constant 0 : i32
            %dma_wait3A_64 = arith.constant 0 : i32
            %dma_wait3A_65 = tpu.memref_slice %arg9[%rem3A_53, %dma_wait3A_63, %dma_wait3A_64] : memref<2x128x128xf32, #tpu.memory_space<vmem>> -> memref<1x128x128xf32, #tpu.memory_space<vmem>>
            %dma_wait3A_66 = tpu.memref_squeeze %dma_wait3A_65 : memref<1x128x128xf32, #tpu.memory_space<vmem>> -> memref<128x128xf32, #tpu.memory_space<vmem>>
            %dma_wait3A_67 = arith.constant 0 : i32
            %dma_wait3A_68 = tpu.memref_slice %arg8[%sub3A_37, %dma_wait3A_67] : memref<40x128xi32, #tpu.memory_space<vmem>> -> memref<1x128xi32, #tpu.memory_space<vmem>>
            %dma_wait3A_69 = tpu.memref_squeeze %dma_wait3A_68 : memref<1x128xi32, #tpu.memory_space<vmem>> -> memref<128xi32, #tpu.memory_space<vmem>>
            %dma_wait3A_70 = arith.constant 0 : i32
            %dma_wait3A_71 = arith.constant 0 : i32
            %dma_wait3A_72 = tpu.memref_slice %arg10[%dma_wait3A_70, %dma_wait3A_71] : memref<10112x128xf32, #tpu.memory_space<vmem_shared>> -> memref<10112x128xf32, #tpu.memory_space<vmem_shared>>
            tpu.wait_indirect_dma semaphore(%run_scoped3A : memref<!tpu.dma_semaphore, #tpu.memory_space<semaphore_mem>>) src(%dma_wait3A_66 : memref<128x128xf32, #tpu.memory_space<vmem>>) dst(%dma_wait3A_72 : memref<10112x128xf32, #tpu.memory_space<vmem_shared>>)
            tpu.yield
          }) : () -> ()
        } else {
        }
      }
      %scan3A_25 = arith.constant 41 : i32
    }
    %scan3A_6 = arith.constant 2 : i32
    %barrier3A_7 = arith.constant 0 : index
    tpu.barrier barrier_id(%barrier3A_7)
    %mul3A_8 = arith.constant 10112 : i32
    %mul3A_9 = arith.muli %arg0, %mul3A_8 : i32
    %add3A_10 = arith.addi %mul3A_9, %mul3A_2 : i32
    "tpu.region"() ({
      %run_scoped3A = tpu.sem_alloc : memref<!tpu.dma_semaphore, #tpu.memory_space<semaphore_mem>>
      %dma_start3A = arith.constant 0 : i32
      %dma_start3A_11 = tpu.memref_slice %arg6[%add3A_10, %dma_start3A] : memref<20224x128xf32, #tpu.memory_space<hbm>> -> memref<632x128xf32, #tpu.memory_space<hbm>>
      %dma_start3A_12 = arith.constant 0 : i32
      %dma_start3A_13 = tpu.memref_slice %arg10[%mul3A_2, %dma_start3A_12] : memref<10112x128xf32, #tpu.memory_space<vmem_shared>> -> memref<632x128xf32, #tpu.memory_space<vmem_shared>>
      tpu.enqueue_dma source(%dma_start3A_13 : memref<632x128xf32, #tpu.memory_space<vmem_shared>>) target(%dma_start3A_11 : memref<632x128xf32, #tpu.memory_space<hbm>>) target_semaphore(%run_scoped3A : memref<!tpu.dma_semaphore, #tpu.memory_space<semaphore_mem>>)
      %dma_wait3A = arith.constant 0 : i32
      %dma_wait3A_14 = tpu.memref_slice %arg6[%add3A_10, %dma_wait3A] : memref<20224x128xf32, #tpu.memory_space<hbm>> -> memref<632x128xf32, #tpu.memory_space<hbm>>
      %dma_wait3A_15 = arith.constant 0 : i32
      %dma_wait3A_16 = tpu.memref_slice %arg10[%mul3A_2, %dma_wait3A_15] : memref<10112x128xf32, #tpu.memory_space<vmem_shared>> -> memref<632x128xf32, #tpu.memory_space<vmem_shared>>
      tpu.wait_dma2 semaphore(%run_scoped3A : memref<!tpu.dma_semaphore, #tpu.memory_space<semaphore_mem>>) src(%dma_wait3A_16 : memref<632x128xf32, #tpu.memory_space<vmem_shared>>) dst(%dma_wait3A_14 : memref<632x128xf32, #tpu.memory_space<hbm>>)
      tpu.yield
    }) : () -> ()
    return
  }
}

#map = affine_map<(d0, d1) -> (0, 0)>
module attributes {stable_mosaic.version = 14 : i64} {
  func.func @step_kernel(%arg0: i32, %arg1: i32, %arg2: memref<10112x128xf32, #tpu.memory_space<hbm>>, %arg3: memref<2560x128xi32, #tpu.memory_space<hbm>>, %arg4: memref<2560x128xi32, #tpu.memory_space<hbm>>, %arg5: memref<632x128xf32, #tpu.memory_space<hbm>>, %arg6: memref<20224x128xf32, #tpu.memory_space<hbm>>, %arg7: memref<40x128xi32, #tpu.memory_space<vmem>>, %arg8: memref<40x128xi32, #tpu.memory_space<vmem>>, %arg9: memref<2x128x128xf32, #tpu.memory_space<vmem>>, %arg10: memref<10112x128xf32, #tpu.memory_space<vmem_shared>>, %arg11: memref<2x!tpu.dma_semaphore, #tpu.memory_space<semaphore_mem>>) attributes {dimension_semantics = [#tpu.dimension_semantics<core_parallel>, #tpu.dimension_semantics<subcore_parallel>], iteration_bounds = array<i64: 2, 16>, scalar_prefetch = 0 : i64, scratch_operands = 5 : i64, tpu.core_type = #tpu.core_type<sc_vector_subcore>, window_params = [{transform_indices = #map}, {transform_indices = #map}, {transform_indices = #map}, {transform_indices = #map}, {transform_indices = #map}]} {
    %mul3A = arith.constant 16 : i32
    %mul3A_0 = arith.muli %arg0, %mul3A : i32
    %add3A = arith.addi %mul3A_0, %arg1 : i32
    %mul3A_1 = arith.constant 632 : i32
    %mul3A_2 = arith.muli %arg1, %mul3A_1 : i32
    "tpu.region"() ({
      %run_scoped3A = tpu.sem_alloc : memref<!tpu.dma_semaphore, #tpu.memory_space<semaphore_mem>>
      %dma_start3A = arith.constant 0 : i32
      %dma_start3A_11 = tpu.memref_slice %arg10[%mul3A_2, %dma_start3A] : memref<10112x128xf32, #tpu.memory_space<vmem_shared>> -> memref<632x128xf32, #tpu.memory_space<vmem_shared>>
      tpu.enqueue_dma source(%arg5 : memref<632x128xf32, #tpu.memory_space<hbm>>) target(%dma_start3A_11 : memref<632x128xf32, #tpu.memory_space<vmem_shared>>) target_semaphore(%run_scoped3A : memref<!tpu.dma_semaphore, #tpu.memory_space<semaphore_mem>>)
      %dma_wait3A = arith.constant 0 : i32
      %dma_wait3A_12 = tpu.memref_slice %arg10[%mul3A_2, %dma_wait3A] : memref<10112x128xf32, #tpu.memory_space<vmem_shared>> -> memref<632x128xf32, #tpu.memory_space<vmem_shared>>
      tpu.wait_dma2 semaphore(%run_scoped3A : memref<!tpu.dma_semaphore, #tpu.memory_space<semaphore_mem>>) src(%arg5 : memref<632x128xf32, #tpu.memory_space<hbm>>) dst(%dma_wait3A_12 : memref<632x128xf32, #tpu.memory_space<vmem_shared>>)
      tpu.yield
    }) : () -> ()
    %barrier3A = arith.constant 0 : index
    tpu.barrier barrier_id(%barrier3A)
    %scan3A = arith.constant 0 : i32
    %scan3A_3 = arith.constant 2 : i32
    %scan3A_4 = arith.addi %scan3A, %scan3A_3 : i32
    %scan3A_5 = arith.constant 1 : i32
    scf.for %scan3A_11 = %scan3A to %scan3A_4 step %scan3A_5  : i32 {
      %mul3A_12 = arith.constant 1 : i32
      %mul3A_13 = arith.muli %scan3A_11, %mul3A_12 : i32
      %add3A_14 = arith.constant 0 : i32
      %add3A_15 = arith.addi %add3A_14, %mul3A_13 : i32
      %mul3A_16 = arith.constant 80 : i32
      %mul3A_17 = arith.muli %add3A, %mul3A_16 : i32
      %mul3A_18 = arith.constant 40 : i32
      %mul3A_19 = arith.muli %add3A_15, %mul3A_18 : i32
      %add3A_20 = arith.addi %mul3A_17, %mul3A_19 : i32
      "tpu.region"() ({
        %run_scoped3A = tpu.sem_alloc : memref<!tpu.dma_semaphore, #tpu.memory_space<semaphore_mem>>
        %dma_start3A = arith.constant 0 : i32
        %dma_start3A_26 = tpu.memref_slice %arg3[%add3A_20, %dma_start3A] : memref<2560x128xi32, #tpu.memory_space<hbm>> -> memref<40x128xi32, #tpu.memory_space<hbm>>
        %dma_start3A_27 = arith.constant 0 : i32
        %dma_start3A_28 = tpu.memref_slice %arg3[%add3A_20, %dma_start3A_27] : memref<2560x128xi32, #tpu.memory_space<hbm>> -> memref<40x128xi32, #tpu.memory_space<hbm>>
        tpu.enqueue_dma source(%dma_start3A_28 : memref<40x128xi32, #tpu.memory_space<hbm>>) target(%arg7 : memref<40x128xi32, #tpu.memory_space<vmem>>) target_semaphore(%run_scoped3A : memref<!tpu.dma_semaphore, #tpu.memory_space<semaphore_mem>>)
        %dma_wait3A = arith.constant 0 : i32
        %dma_wait3A_29 = tpu.memref_slice %arg3[%add3A_20, %dma_wait3A] : memref<2560x128xi32, #tpu.memory_space<hbm>> -> memref<40x128xi32, #tpu.memory_space<hbm>>
        %dma_wait3A_30 = arith.constant 0 : i32
        %dma_wait3A_31 = tpu.memref_slice %arg3[%add3A_20, %dma_wait3A_30] : memref<2560x128xi32, #tpu.memory_space<hbm>> -> memref<40x128xi32, #tpu.memory_space<hbm>>
        tpu.wait_dma2 semaphore(%run_scoped3A : memref<!tpu.dma_semaphore, #tpu.memory_space<semaphore_mem>>) src(%dma_wait3A_31 : memref<40x128xi32, #tpu.memory_space<hbm>>) dst(%arg7 : memref<40x128xi32, #tpu.memory_space<vmem>>)
        tpu.yield
      }) : () -> ()
      "tpu.region"() ({
        %run_scoped3A = tpu.sem_alloc : memref<!tpu.dma_semaphore, #tpu.memory_space<semaphore_mem>>
        %dma_start3A = arith.constant 0 : i32
        %dma_start3A_26 = tpu.memref_slice %arg4[%add3A_20, %dma_start3A] : memref<2560x128xi32, #tpu.memory_space<hbm>> -> memref<40x128xi32, #tpu.memory_space<hbm>>
        %dma_start3A_27 = arith.constant 0 : i32
        %dma_start3A_28 = tpu.memref_slice %arg4[%add3A_20, %dma_start3A_27] : memref<2560x128xi32, #tpu.memory_space<hbm>> -> memref<40x128xi32, #tpu.memory_space<hbm>>
        tpu.enqueue_dma source(%dma_start3A_28 : memref<40x128xi32, #tpu.memory_space<hbm>>) target(%arg8 : memref<40x128xi32, #tpu.memory_space<vmem>>) target_semaphore(%run_scoped3A : memref<!tpu.dma_semaphore, #tpu.memory_space<semaphore_mem>>)
        %dma_wait3A = arith.constant 0 : i32
        %dma_wait3A_29 = tpu.memref_slice %arg4[%add3A_20, %dma_wait3A] : memref<2560x128xi32, #tpu.memory_space<hbm>> -> memref<40x128xi32, #tpu.memory_space<hbm>>
        %dma_wait3A_30 = arith.constant 0 : i32
        %dma_wait3A_31 = tpu.memref_slice %arg4[%add3A_20, %dma_wait3A_30] : memref<2560x128xi32, #tpu.memory_space<hbm>> -> memref<40x128xi32, #tpu.memory_space<hbm>>
        tpu.wait_dma2 semaphore(%run_scoped3A : memref<!tpu.dma_semaphore, #tpu.memory_space<semaphore_mem>>) src(%dma_wait3A_31 : memref<40x128xi32, #tpu.memory_space<hbm>>) dst(%arg8 : memref<40x128xi32, #tpu.memory_space<vmem>>)
        tpu.yield
      }) : () -> ()
      %scan3A_21 = arith.constant 0 : i32
      %scan3A_22 = arith.constant 41 : i32
      %scan3A_23 = arith.addi %scan3A_21, %scan3A_22 : i32
      %scan3A_24 = arith.constant 1 : i32
      scf.for %scan3A_26 = %scan3A_21 to %scan3A_23 step %scan3A_24  : i32 {
        %mul3A_27 = arith.constant 1 : i32
        %mul3A_28 = arith.muli %scan3A_26, %mul3A_27 : i32
        %add3A_29 = arith.constant 0 : i32
        %add3A_30 = arith.addi %add3A_29, %mul3A_28 : i32
        %lt3A = arith.constant 40 : i32
        %lt3A_31 = arith.cmpi slt, %add3A_30, %lt3A : i32
        %convert_element_type3A = arith.extui %lt3A_31 : i1 to i32
        %cond3A = arith.constant 0 : i32
        %cond3A_32 = arith.cmpi ne, %convert_element_type3A, %cond3A : i32
        scf.if %cond3A_32 {
          %rem3A = arith.constant 2 : i32
          %rem3A_37 = arith.remsi %add3A_30, %rem3A : i32
          %rem3A_38 = arith.constant 2 : i32
          %rem3A_39 = arith.remsi %add3A_30, %rem3A_38 : i32
          %dma_start3A = arith.constant 0 : i32
          %dma_start3A_40 = arith.constant 0 : i32
          %dma_start3A_41 = tpu.memref_slice %arg9[%rem3A_37, %dma_start3A, %dma_start3A_40] : memref<2x128x128xf32, #tpu.memory_space<vmem>> -> memref<1x128x128xf32, #tpu.memory_space<vmem>>
          %dma_start3A_42 = tpu.memref_squeeze %dma_start3A_41 : memref<1x128x128xf32, #tpu.memory_space<vmem>> -> memref<128x128xf32, #tpu.memory_space<vmem>>
          %dma_start3A_43 = arith.constant 0 : i32
          %dma_start3A_44 = tpu.memref_slice %arg7[%add3A_30, %dma_start3A_43] : memref<40x128xi32, #tpu.memory_space<vmem>> -> memref<1x128xi32, #tpu.memory_space<vmem>>
          %dma_start3A_45 = tpu.memref_squeeze %dma_start3A_44 : memref<1x128xi32, #tpu.memory_space<vmem>> -> memref<128xi32, #tpu.memory_space<vmem>>
          %dma_start3A_46 = arith.constant 0 : i32
          %dma_start3A_47 = arith.constant 0 : i32
          %dma_start3A_48 = tpu.memref_slice %arg2[%dma_start3A_46, %dma_start3A_47] : memref<10112x128xf32, #tpu.memory_space<hbm>> -> memref<10112x128xf32, #tpu.memory_space<hbm>>
          %dma_start3A_49 = tpu.memref_slice %arg11[%rem3A_39] : memref<2x!tpu.dma_semaphore, #tpu.memory_space<semaphore_mem>> -> memref<1x!tpu.dma_semaphore, #tpu.memory_space<semaphore_mem>>
          %dma_start3A_50 = tpu.memref_squeeze %dma_start3A_49 : memref<1x!tpu.dma_semaphore, #tpu.memory_space<semaphore_mem>> -> memref<!tpu.dma_semaphore, #tpu.memory_space<semaphore_mem>>
          tpu.enqueue_indirect_dma source(%dma_start3A_48 : memref<10112x128xf32, #tpu.memory_space<hbm>>) target(%dma_start3A_42 : memref<128x128xf32, #tpu.memory_space<vmem>>) offsets(%dma_start3A_45 : memref<128xi32, #tpu.memory_space<vmem>>) semaphore(%dma_start3A_50 : memref<!tpu.dma_semaphore, #tpu.memory_space<semaphore_mem>>)
        } else {
        }
        %gt3A = arith.constant 0 : i32
        %gt3A_33 = arith.cmpi sgt, %add3A_30, %gt3A : i32
        %convert_element_type3A_34 = arith.extui %gt3A_33 : i1 to i32
        %cond3A_35 = arith.constant 0 : i32
        %cond3A_36 = arith.cmpi ne, %convert_element_type3A_34, %cond3A_35 : i32
        scf.if %cond3A_36 {
          %sub3A = arith.constant 1 : i32
          %sub3A_37 = arith.subi %add3A_30, %sub3A : i32
          %rem3A = arith.constant 2 : i32
          %rem3A_38 = arith.remsi %sub3A_37, %rem3A : i32
          %rem3A_39 = arith.constant 2 : i32
          %rem3A_40 = arith.remsi %sub3A_37, %rem3A_39 : i32
          %dma_wait3A = arith.constant 0 : i32
          %dma_wait3A_41 = arith.constant 0 : i32
          %dma_wait3A_42 = tpu.memref_slice %arg9[%rem3A_38, %dma_wait3A, %dma_wait3A_41] : memref<2x128x128xf32, #tpu.memory_space<vmem>> -> memref<1x128x128xf32, #tpu.memory_space<vmem>>
          %dma_wait3A_43 = tpu.memref_squeeze %dma_wait3A_42 : memref<1x128x128xf32, #tpu.memory_space<vmem>> -> memref<128x128xf32, #tpu.memory_space<vmem>>
          %dma_wait3A_44 = arith.constant 0 : i32
          %dma_wait3A_45 = tpu.memref_slice %arg7[%sub3A_37, %dma_wait3A_44] : memref<40x128xi32, #tpu.memory_space<vmem>> -> memref<1x128xi32, #tpu.memory_space<vmem>>
          %dma_wait3A_46 = tpu.memref_squeeze %dma_wait3A_45 : memref<1x128xi32, #tpu.memory_space<vmem>> -> memref<128xi32, #tpu.memory_space<vmem>>
          %dma_wait3A_47 = arith.constant 0 : i32
          %dma_wait3A_48 = arith.constant 0 : i32
          %dma_wait3A_49 = tpu.memref_slice %arg2[%dma_wait3A_47, %dma_wait3A_48] : memref<10112x128xf32, #tpu.memory_space<hbm>> -> memref<10112x128xf32, #tpu.memory_space<hbm>>
          %dma_wait3A_50 = tpu.memref_slice %arg11[%rem3A_40] : memref<2x!tpu.dma_semaphore, #tpu.memory_space<semaphore_mem>> -> memref<1x!tpu.dma_semaphore, #tpu.memory_space<semaphore_mem>>
          %dma_wait3A_51 = tpu.memref_squeeze %dma_wait3A_50 : memref<1x!tpu.dma_semaphore, #tpu.memory_space<semaphore_mem>> -> memref<!tpu.dma_semaphore, #tpu.memory_space<semaphore_mem>>
          tpu.wait_indirect_dma semaphore(%dma_wait3A_51 : memref<!tpu.dma_semaphore, #tpu.memory_space<semaphore_mem>>) src(%dma_wait3A_49 : memref<10112x128xf32, #tpu.memory_space<hbm>>) dst(%dma_wait3A_43 : memref<128x128xf32, #tpu.memory_space<vmem>>)
          %rem3A_52 = arith.constant 2 : i32
          %rem3A_53 = arith.remsi %sub3A_37, %rem3A_52 : i32
          "tpu.region"() ({
            %run_scoped3A = tpu.sem_alloc : memref<!tpu.dma_semaphore, #tpu.memory_space<semaphore_mem>>
            %dma_start3A = arith.constant 0 : i32
            %dma_start3A_54 = arith.constant 0 : i32
            %dma_start3A_55 = tpu.memref_slice %arg9[%rem3A_53, %dma_start3A, %dma_start3A_54] : memref<2x128x128xf32, #tpu.memory_space<vmem>> -> memref<1x128x128xf32, #tpu.memory_space<vmem>>
            %dma_start3A_56 = tpu.memref_squeeze %dma_start3A_55 : memref<1x128x128xf32, #tpu.memory_space<vmem>> -> memref<128x128xf32, #tpu.memory_space<vmem>>
            %dma_start3A_57 = arith.constant 0 : i32
            %dma_start3A_58 = tpu.memref_slice %arg8[%sub3A_37, %dma_start3A_57] : memref<40x128xi32, #tpu.memory_space<vmem>> -> memref<1x128xi32, #tpu.memory_space<vmem>>
            %dma_start3A_59 = tpu.memref_squeeze %dma_start3A_58 : memref<1x128xi32, #tpu.memory_space<vmem>> -> memref<128xi32, #tpu.memory_space<vmem>>
            %dma_start3A_60 = arith.constant 0 : i32
            %dma_start3A_61 = arith.constant 0 : i32
            %dma_start3A_62 = tpu.memref_slice %arg10[%dma_start3A_60, %dma_start3A_61] : memref<10112x128xf32, #tpu.memory_space<vmem_shared>> -> memref<10112x128xf32, #tpu.memory_space<vmem_shared>>
            tpu.enqueue_indirect_dma source(%dma_start3A_56 : memref<128x128xf32, #tpu.memory_space<vmem>>) target(%dma_start3A_62 : memref<10112x128xf32, #tpu.memory_space<vmem_shared>>) offsets(%dma_start3A_59 : memref<128xi32, #tpu.memory_space<vmem>>) semaphore(%run_scoped3A : memref<!tpu.dma_semaphore, #tpu.memory_space<semaphore_mem>>) {add = true}
            %dma_wait3A_63 = arith.constant 0 : i32
            %dma_wait3A_64 = arith.constant 0 : i32
            %dma_wait3A_65 = tpu.memref_slice %arg9[%rem3A_53, %dma_wait3A_63, %dma_wait3A_64] : memref<2x128x128xf32, #tpu.memory_space<vmem>> -> memref<1x128x128xf32, #tpu.memory_space<vmem>>
            %dma_wait3A_66 = tpu.memref_squeeze %dma_wait3A_65 : memref<1x128x128xf32, #tpu.memory_space<vmem>> -> memref<128x128xf32, #tpu.memory_space<vmem>>
            %dma_wait3A_67 = arith.constant 0 : i32
            %dma_wait3A_68 = tpu.memref_slice %arg8[%sub3A_37, %dma_wait3A_67] : memref<40x128xi32, #tpu.memory_space<vmem>> -> memref<1x128xi32, #tpu.memory_space<vmem>>
            %dma_wait3A_69 = tpu.memref_squeeze %dma_wait3A_68 : memref<1x128xi32, #tpu.memory_space<vmem>> -> memref<128xi32, #tpu.memory_space<vmem>>
            %dma_wait3A_70 = arith.constant 0 : i32
            %dma_wait3A_71 = arith.constant 0 : i32
            %dma_wait3A_72 = tpu.memref_slice %arg10[%dma_wait3A_70, %dma_wait3A_71] : memref<10112x128xf32, #tpu.memory_space<vmem_shared>> -> memref<10112x128xf32, #tpu.memory_space<vmem_shared>>
            tpu.wait_indirect_dma semaphore(%run_scoped3A : memref<!tpu.dma_semaphore, #tpu.memory_space<semaphore_mem>>) src(%dma_wait3A_66 : memref<128x128xf32, #tpu.memory_space<vmem>>) dst(%dma_wait3A_72 : memref<10112x128xf32, #tpu.memory_space<vmem_shared>>)
            tpu.yield
          }) : () -> ()
        } else {
        }
      }
      %scan3A_25 = arith.constant 41 : i32
    }
    %scan3A_6 = arith.constant 2 : i32
    %barrier3A_7 = arith.constant 0 : index
    tpu.barrier barrier_id(%barrier3A_7)
    %mul3A_8 = arith.constant 10112 : i32
    %mul3A_9 = arith.muli %arg0, %mul3A_8 : i32
    %add3A_10 = arith.addi %mul3A_9, %mul3A_2 : i32
    "tpu.region"() ({
      %run_scoped3A = tpu.sem_alloc : memref<!tpu.dma_semaphore, #tpu.memory_space<semaphore_mem>>
      %dma_start3A = arith.constant 0 : i32
      %dma_start3A_11 = tpu.memref_slice %arg6[%add3A_10, %dma_start3A] : memref<20224x128xf32, #tpu.memory_space<hbm>> -> memref<632x128xf32, #tpu.memory_space<hbm>>
      %dma_start3A_12 = arith.constant 0 : i32
      %dma_start3A_13 = tpu.memref_slice %arg10[%mul3A_2, %dma_start3A_12] : memref<10112x128xf32, #tpu.memory_space<vmem_shared>> -> memref<632x128xf32, #tpu.memory_space<vmem_shared>>
      tpu.enqueue_dma source(%dma_start3A_13 : memref<632x128xf32, #tpu.memory_space<vmem_shared>>) target(%dma_start3A_11 : memref<632x128xf32, #tpu.memory_space<hbm>>) target_semaphore(%run_scoped3A : memref<!tpu.dma_semaphore, #tpu.memory_space<semaphore_mem>>)
      %dma_wait3A = arith.constant 0 : i32
      %dma_wait3A_14 = tpu.memref_slice %arg6[%add3A_10, %dma_wait3A] : memref<20224x128xf32, #tpu.memory_space<hbm>> -> memref<632x128xf32, #tpu.memory_space<hbm>>
      %dma_wait3A_15 = arith.constant 0 : i32
      %dma_wait3A_16 = tpu.memref_slice %arg10[%mul3A_2, %dma_wait3A_15] : memref<10112x128xf32, #tpu.memory_space<vmem_shared>> -> memref<632x128xf32, #tpu.memory_space<vmem_shared>>
      tpu.wait_dma2 semaphore(%run_scoped3A : memref<!tpu.dma_semaphore, #tpu.memory_space<semaphore_mem>>) src(%dma_wait3A_16 : memref<632x128xf32, #tpu.memory_space<vmem_shared>>) dst(%dma_wait3A_14 : memref<632x128xf32, #tpu.memory_space<hbm>>)
      tpu.yield
    }) : () -> ()
    return
  }
}

#map = affine_map<(d0, d1) -> (0, 0)>
module attributes {stable_mosaic.version = 14 : i64} {
  func.func @step_kernel(%arg0: i32, %arg1: i32, %arg2: memref<10112x128xf32, #tpu.memory_space<hbm>>, %arg3: memref<2560x128xi32, #tpu.memory_space<hbm>>, %arg4: memref<2560x128xi32, #tpu.memory_space<hbm>>, %arg5: memref<632x128xf32, #tpu.memory_space<hbm>>, %arg6: memref<20224x128xf32, #tpu.memory_space<hbm>>, %arg7: memref<40x128xi32, #tpu.memory_space<vmem>>, %arg8: memref<40x128xi32, #tpu.memory_space<vmem>>, %arg9: memref<2x128x128xf32, #tpu.memory_space<vmem>>, %arg10: memref<10112x128xf32, #tpu.memory_space<vmem_shared>>, %arg11: memref<2x!tpu.dma_semaphore, #tpu.memory_space<semaphore_mem>>) attributes {dimension_semantics = [#tpu.dimension_semantics<core_parallel>, #tpu.dimension_semantics<subcore_parallel>], iteration_bounds = array<i64: 2, 16>, scalar_prefetch = 0 : i64, scratch_operands = 5 : i64, tpu.core_type = #tpu.core_type<sc_vector_subcore>, window_params = [{transform_indices = #map}, {transform_indices = #map}, {transform_indices = #map}, {transform_indices = #map}, {transform_indices = #map}]} {
    %mul3A = arith.constant 16 : i32
    %mul3A_0 = arith.muli %arg0, %mul3A : i32
    %add3A = arith.addi %mul3A_0, %arg1 : i32
    %mul3A_1 = arith.constant 632 : i32
    %mul3A_2 = arith.muli %arg1, %mul3A_1 : i32
    "tpu.region"() ({
      %run_scoped3A = tpu.sem_alloc : memref<!tpu.dma_semaphore, #tpu.memory_space<semaphore_mem>>
      %dma_start3A = arith.constant 0 : i32
      %dma_start3A_11 = tpu.memref_slice %arg10[%mul3A_2, %dma_start3A] : memref<10112x128xf32, #tpu.memory_space<vmem_shared>> -> memref<632x128xf32, #tpu.memory_space<vmem_shared>>
      tpu.enqueue_dma source(%arg5 : memref<632x128xf32, #tpu.memory_space<hbm>>) target(%dma_start3A_11 : memref<632x128xf32, #tpu.memory_space<vmem_shared>>) target_semaphore(%run_scoped3A : memref<!tpu.dma_semaphore, #tpu.memory_space<semaphore_mem>>)
      %dma_wait3A = arith.constant 0 : i32
      %dma_wait3A_12 = tpu.memref_slice %arg10[%mul3A_2, %dma_wait3A] : memref<10112x128xf32, #tpu.memory_space<vmem_shared>> -> memref<632x128xf32, #tpu.memory_space<vmem_shared>>
      tpu.wait_dma2 semaphore(%run_scoped3A : memref<!tpu.dma_semaphore, #tpu.memory_space<semaphore_mem>>) src(%arg5 : memref<632x128xf32, #tpu.memory_space<hbm>>) dst(%dma_wait3A_12 : memref<632x128xf32, #tpu.memory_space<vmem_shared>>)
      tpu.yield
    }) : () -> ()
    %barrier3A = arith.constant 0 : index
    tpu.barrier barrier_id(%barrier3A)
    %scan3A = arith.constant 0 : i32
    %scan3A_3 = arith.constant 2 : i32
    %scan3A_4 = arith.addi %scan3A, %scan3A_3 : i32
    %scan3A_5 = arith.constant 1 : i32
    scf.for %scan3A_11 = %scan3A to %scan3A_4 step %scan3A_5  : i32 {
      %mul3A_12 = arith.constant 1 : i32
      %mul3A_13 = arith.muli %scan3A_11, %mul3A_12 : i32
      %add3A_14 = arith.constant 0 : i32
      %add3A_15 = arith.addi %add3A_14, %mul3A_13 : i32
      %mul3A_16 = arith.constant 80 : i32
      %mul3A_17 = arith.muli %add3A, %mul3A_16 : i32
      %mul3A_18 = arith.constant 40 : i32
      %mul3A_19 = arith.muli %add3A_15, %mul3A_18 : i32
      %add3A_20 = arith.addi %mul3A_17, %mul3A_19 : i32
      "tpu.region"() ({
        %run_scoped3A = tpu.sem_alloc : memref<!tpu.dma_semaphore, #tpu.memory_space<semaphore_mem>>
        %dma_start3A = arith.constant 0 : i32
        %dma_start3A_26 = tpu.memref_slice %arg3[%add3A_20, %dma_start3A] : memref<2560x128xi32, #tpu.memory_space<hbm>> -> memref<40x128xi32, #tpu.memory_space<hbm>>
        %dma_start3A_27 = arith.constant 0 : i32
        %dma_start3A_28 = tpu.memref_slice %arg3[%add3A_20, %dma_start3A_27] : memref<2560x128xi32, #tpu.memory_space<hbm>> -> memref<40x128xi32, #tpu.memory_space<hbm>>
        tpu.enqueue_dma source(%dma_start3A_28 : memref<40x128xi32, #tpu.memory_space<hbm>>) target(%arg7 : memref<40x128xi32, #tpu.memory_space<vmem>>) target_semaphore(%run_scoped3A : memref<!tpu.dma_semaphore, #tpu.memory_space<semaphore_mem>>)
        %dma_wait3A = arith.constant 0 : i32
        %dma_wait3A_29 = tpu.memref_slice %arg3[%add3A_20, %dma_wait3A] : memref<2560x128xi32, #tpu.memory_space<hbm>> -> memref<40x128xi32, #tpu.memory_space<hbm>>
        %dma_wait3A_30 = arith.constant 0 : i32
        %dma_wait3A_31 = tpu.memref_slice %arg3[%add3A_20, %dma_wait3A_30] : memref<2560x128xi32, #tpu.memory_space<hbm>> -> memref<40x128xi32, #tpu.memory_space<hbm>>
        tpu.wait_dma2 semaphore(%run_scoped3A : memref<!tpu.dma_semaphore, #tpu.memory_space<semaphore_mem>>) src(%dma_wait3A_31 : memref<40x128xi32, #tpu.memory_space<hbm>>) dst(%arg7 : memref<40x128xi32, #tpu.memory_space<vmem>>)
        tpu.yield
      }) : () -> ()
      "tpu.region"() ({
        %run_scoped3A = tpu.sem_alloc : memref<!tpu.dma_semaphore, #tpu.memory_space<semaphore_mem>>
        %dma_start3A = arith.constant 0 : i32
        %dma_start3A_26 = tpu.memref_slice %arg4[%add3A_20, %dma_start3A] : memref<2560x128xi32, #tpu.memory_space<hbm>> -> memref<40x128xi32, #tpu.memory_space<hbm>>
        %dma_start3A_27 = arith.constant 0 : i32
        %dma_start3A_28 = tpu.memref_slice %arg4[%add3A_20, %dma_start3A_27] : memref<2560x128xi32, #tpu.memory_space<hbm>> -> memref<40x128xi32, #tpu.memory_space<hbm>>
        tpu.enqueue_dma source(%dma_start3A_28 : memref<40x128xi32, #tpu.memory_space<hbm>>) target(%arg8 : memref<40x128xi32, #tpu.memory_space<vmem>>) target_semaphore(%run_scoped3A : memref<!tpu.dma_semaphore, #tpu.memory_space<semaphore_mem>>)
        %dma_wait3A = arith.constant 0 : i32
        %dma_wait3A_29 = tpu.memref_slice %arg4[%add3A_20, %dma_wait3A] : memref<2560x128xi32, #tpu.memory_space<hbm>> -> memref<40x128xi32, #tpu.memory_space<hbm>>
        %dma_wait3A_30 = arith.constant 0 : i32
        %dma_wait3A_31 = tpu.memref_slice %arg4[%add3A_20, %dma_wait3A_30] : memref<2560x128xi32, #tpu.memory_space<hbm>> -> memref<40x128xi32, #tpu.memory_space<hbm>>
        tpu.wait_dma2 semaphore(%run_scoped3A : memref<!tpu.dma_semaphore, #tpu.memory_space<semaphore_mem>>) src(%dma_wait3A_31 : memref<40x128xi32, #tpu.memory_space<hbm>>) dst(%arg8 : memref<40x128xi32, #tpu.memory_space<vmem>>)
        tpu.yield
      }) : () -> ()
      %scan3A_21 = arith.constant 0 : i32
      %scan3A_22 = arith.constant 41 : i32
      %scan3A_23 = arith.addi %scan3A_21, %scan3A_22 : i32
      %scan3A_24 = arith.constant 1 : i32
      scf.for %scan3A_26 = %scan3A_21 to %scan3A_23 step %scan3A_24  : i32 {
        %mul3A_27 = arith.constant 1 : i32
        %mul3A_28 = arith.muli %scan3A_26, %mul3A_27 : i32
        %add3A_29 = arith.constant 0 : i32
        %add3A_30 = arith.addi %add3A_29, %mul3A_28 : i32
        %lt3A = arith.constant 40 : i32
        %lt3A_31 = arith.cmpi slt, %add3A_30, %lt3A : i32
        %convert_element_type3A = arith.extui %lt3A_31 : i1 to i32
        %cond3A = arith.constant 0 : i32
        %cond3A_32 = arith.cmpi ne, %convert_element_type3A, %cond3A : i32
        scf.if %cond3A_32 {
          %rem3A = arith.constant 2 : i32
          %rem3A_37 = arith.remsi %add3A_30, %rem3A : i32
          %rem3A_38 = arith.constant 2 : i32
          %rem3A_39 = arith.remsi %add3A_30, %rem3A_38 : i32
          %dma_start3A = arith.constant 0 : i32
          %dma_start3A_40 = arith.constant 0 : i32
          %dma_start3A_41 = tpu.memref_slice %arg9[%rem3A_37, %dma_start3A, %dma_start3A_40] : memref<2x128x128xf32, #tpu.memory_space<vmem>> -> memref<1x128x128xf32, #tpu.memory_space<vmem>>
          %dma_start3A_42 = tpu.memref_squeeze %dma_start3A_41 : memref<1x128x128xf32, #tpu.memory_space<vmem>> -> memref<128x128xf32, #tpu.memory_space<vmem>>
          %dma_start3A_43 = arith.constant 0 : i32
          %dma_start3A_44 = tpu.memref_slice %arg7[%add3A_30, %dma_start3A_43] : memref<40x128xi32, #tpu.memory_space<vmem>> -> memref<1x128xi32, #tpu.memory_space<vmem>>
          %dma_start3A_45 = tpu.memref_squeeze %dma_start3A_44 : memref<1x128xi32, #tpu.memory_space<vmem>> -> memref<128xi32, #tpu.memory_space<vmem>>
          %dma_start3A_46 = arith.constant 0 : i32
          %dma_start3A_47 = arith.constant 0 : i32
          %dma_start3A_48 = tpu.memref_slice %arg2[%dma_start3A_46, %dma_start3A_47] : memref<10112x128xf32, #tpu.memory_space<hbm>> -> memref<10112x128xf32, #tpu.memory_space<hbm>>
          %dma_start3A_49 = tpu.memref_slice %arg11[%rem3A_39] : memref<2x!tpu.dma_semaphore, #tpu.memory_space<semaphore_mem>> -> memref<1x!tpu.dma_semaphore, #tpu.memory_space<semaphore_mem>>
          %dma_start3A_50 = tpu.memref_squeeze %dma_start3A_49 : memref<1x!tpu.dma_semaphore, #tpu.memory_space<semaphore_mem>> -> memref<!tpu.dma_semaphore, #tpu.memory_space<semaphore_mem>>
          tpu.enqueue_indirect_dma source(%dma_start3A_48 : memref<10112x128xf32, #tpu.memory_space<hbm>>) target(%dma_start3A_42 : memref<128x128xf32, #tpu.memory_space<vmem>>) offsets(%dma_start3A_45 : memref<128xi32, #tpu.memory_space<vmem>>) semaphore(%dma_start3A_50 : memref<!tpu.dma_semaphore, #tpu.memory_space<semaphore_mem>>)
        } else {
        }
        %gt3A = arith.constant 0 : i32
        %gt3A_33 = arith.cmpi sgt, %add3A_30, %gt3A : i32
        %convert_element_type3A_34 = arith.extui %gt3A_33 : i1 to i32
        %cond3A_35 = arith.constant 0 : i32
        %cond3A_36 = arith.cmpi ne, %convert_element_type3A_34, %cond3A_35 : i32
        scf.if %cond3A_36 {
          %sub3A = arith.constant 1 : i32
          %sub3A_37 = arith.subi %add3A_30, %sub3A : i32
          %rem3A = arith.constant 2 : i32
          %rem3A_38 = arith.remsi %sub3A_37, %rem3A : i32
          %rem3A_39 = arith.constant 2 : i32
          %rem3A_40 = arith.remsi %sub3A_37, %rem3A_39 : i32
          %dma_wait3A = arith.constant 0 : i32
          %dma_wait3A_41 = arith.constant 0 : i32
          %dma_wait3A_42 = tpu.memref_slice %arg9[%rem3A_38, %dma_wait3A, %dma_wait3A_41] : memref<2x128x128xf32, #tpu.memory_space<vmem>> -> memref<1x128x128xf32, #tpu.memory_space<vmem>>
          %dma_wait3A_43 = tpu.memref_squeeze %dma_wait3A_42 : memref<1x128x128xf32, #tpu.memory_space<vmem>> -> memref<128x128xf32, #tpu.memory_space<vmem>>
          %dma_wait3A_44 = arith.constant 0 : i32
          %dma_wait3A_45 = tpu.memref_slice %arg7[%sub3A_37, %dma_wait3A_44] : memref<40x128xi32, #tpu.memory_space<vmem>> -> memref<1x128xi32, #tpu.memory_space<vmem>>
          %dma_wait3A_46 = tpu.memref_squeeze %dma_wait3A_45 : memref<1x128xi32, #tpu.memory_space<vmem>> -> memref<128xi32, #tpu.memory_space<vmem>>
          %dma_wait3A_47 = arith.constant 0 : i32
          %dma_wait3A_48 = arith.constant 0 : i32
          %dma_wait3A_49 = tpu.memref_slice %arg2[%dma_wait3A_47, %dma_wait3A_48] : memref<10112x128xf32, #tpu.memory_space<hbm>> -> memref<10112x128xf32, #tpu.memory_space<hbm>>
          %dma_wait3A_50 = tpu.memref_slice %arg11[%rem3A_40] : memref<2x!tpu.dma_semaphore, #tpu.memory_space<semaphore_mem>> -> memref<1x!tpu.dma_semaphore, #tpu.memory_space<semaphore_mem>>
          %dma_wait3A_51 = tpu.memref_squeeze %dma_wait3A_50 : memref<1x!tpu.dma_semaphore, #tpu.memory_space<semaphore_mem>> -> memref<!tpu.dma_semaphore, #tpu.memory_space<semaphore_mem>>
          tpu.wait_indirect_dma semaphore(%dma_wait3A_51 : memref<!tpu.dma_semaphore, #tpu.memory_space<semaphore_mem>>) src(%dma_wait3A_49 : memref<10112x128xf32, #tpu.memory_space<hbm>>) dst(%dma_wait3A_43 : memref<128x128xf32, #tpu.memory_space<vmem>>)
          %rem3A_52 = arith.constant 2 : i32
          %rem3A_53 = arith.remsi %sub3A_37, %rem3A_52 : i32
          "tpu.region"() ({
            %run_scoped3A = tpu.sem_alloc : memref<!tpu.dma_semaphore, #tpu.memory_space<semaphore_mem>>
            %dma_start3A = arith.constant 0 : i32
            %dma_start3A_54 = arith.constant 0 : i32
            %dma_start3A_55 = tpu.memref_slice %arg9[%rem3A_53, %dma_start3A, %dma_start3A_54] : memref<2x128x128xf32, #tpu.memory_space<vmem>> -> memref<1x128x128xf32, #tpu.memory_space<vmem>>
            %dma_start3A_56 = tpu.memref_squeeze %dma_start3A_55 : memref<1x128x128xf32, #tpu.memory_space<vmem>> -> memref<128x128xf32, #tpu.memory_space<vmem>>
            %dma_start3A_57 = arith.constant 0 : i32
            %dma_start3A_58 = tpu.memref_slice %arg8[%sub3A_37, %dma_start3A_57] : memref<40x128xi32, #tpu.memory_space<vmem>> -> memref<1x128xi32, #tpu.memory_space<vmem>>
            %dma_start3A_59 = tpu.memref_squeeze %dma_start3A_58 : memref<1x128xi32, #tpu.memory_space<vmem>> -> memref<128xi32, #tpu.memory_space<vmem>>
            %dma_start3A_60 = arith.constant 0 : i32
            %dma_start3A_61 = arith.constant 0 : i32
            %dma_start3A_62 = tpu.memref_slice %arg10[%dma_start3A_60, %dma_start3A_61] : memref<10112x128xf32, #tpu.memory_space<vmem_shared>> -> memref<10112x128xf32, #tpu.memory_space<vmem_shared>>
            tpu.enqueue_indirect_dma source(%dma_start3A_56 : memref<128x128xf32, #tpu.memory_space<vmem>>) target(%dma_start3A_62 : memref<10112x128xf32, #tpu.memory_space<vmem_shared>>) offsets(%dma_start3A_59 : memref<128xi32, #tpu.memory_space<vmem>>) semaphore(%run_scoped3A : memref<!tpu.dma_semaphore, #tpu.memory_space<semaphore_mem>>) {add = true}
            %dma_wait3A_63 = arith.constant 0 : i32
            %dma_wait3A_64 = arith.constant 0 : i32
            %dma_wait3A_65 = tpu.memref_slice %arg9[%rem3A_53, %dma_wait3A_63, %dma_wait3A_64] : memref<2x128x128xf32, #tpu.memory_space<vmem>> -> memref<1x128x128xf32, #tpu.memory_space<vmem>>
            %dma_wait3A_66 = tpu.memref_squeeze %dma_wait3A_65 : memref<1x128x128xf32, #tpu.memory_space<vmem>> -> memref<128x128xf32, #tpu.memory_space<vmem>>
            %dma_wait3A_67 = arith.constant 0 : i32
            %dma_wait3A_68 = tpu.memref_slice %arg8[%sub3A_37, %dma_wait3A_67] : memref<40x128xi32, #tpu.memory_space<vmem>> -> memref<1x128xi32, #tpu.memory_space<vmem>>
            %dma_wait3A_69 = tpu.memref_squeeze %dma_wait3A_68 : memref<1x128xi32, #tpu.memory_space<vmem>> -> memref<128xi32, #tpu.memory_space<vmem>>
            %dma_wait3A_70 = arith.constant 0 : i32
            %dma_wait3A_71 = arith.constant 0 : i32
            %dma_wait3A_72 = tpu.memref_slice %arg10[%dma_wait3A_70, %dma_wait3A_71] : memref<10112x128xf32, #tpu.memory_space<vmem_shared>> -> memref<10112x128xf32, #tpu.memory_space<vmem_shared>>
            tpu.wait_indirect_dma semaphore(%run_scoped3A : memref<!tpu.dma_semaphore, #tpu.memory_space<semaphore_mem>>) src(%dma_wait3A_66 : memref<128x128xf32, #tpu.memory_space<vmem>>) dst(%dma_wait3A_72 : memref<10112x128xf32, #tpu.memory_space<vmem_shared>>)
            tpu.yield
          }) : () -> ()
        } else {
        }
      }
      %scan3A_25 = arith.constant 41 : i32
    }
    %scan3A_6 = arith.constant 2 : i32
    %barrier3A_7 = arith.constant 0 : index
    tpu.barrier barrier_id(%barrier3A_7)
    %mul3A_8 = arith.constant 10112 : i32
    %mul3A_9 = arith.muli %arg0, %mul3A_8 : i32
    %add3A_10 = arith.addi %mul3A_9, %mul3A_2 : i32
    "tpu.region"() ({
      %run_scoped3A = tpu.sem_alloc : memref<!tpu.dma_semaphore, #tpu.memory_space<semaphore_mem>>
      %dma_start3A = arith.constant 0 : i32
      %dma_start3A_11 = tpu.memref_slice %arg6[%add3A_10, %dma_start3A] : memref<20224x128xf32, #tpu.memory_space<hbm>> -> memref<632x128xf32, #tpu.memory_space<hbm>>
      %dma_start3A_12 = arith.constant 0 : i32
      %dma_start3A_13 = tpu.memref_slice %arg10[%mul3A_2, %dma_start3A_12] : memref<10112x128xf32, #tpu.memory_space<vmem_shared>> -> memref<632x128xf32, #tpu.memory_space<vmem_shared>>
      tpu.enqueue_dma source(%dma_start3A_13 : memref<632x128xf32, #tpu.memory_space<vmem_shared>>) target(%dma_start3A_11 : memref<632x128xf32, #tpu.memory_space<hbm>>) target_semaphore(%run_scoped3A : memref<!tpu.dma_semaphore, #tpu.memory_space<semaphore_mem>>)
      %dma_wait3A = arith.constant 0 : i32
      %dma_wait3A_14 = tpu.memref_slice %arg6[%add3A_10, %dma_wait3A] : memref<20224x128xf32, #tpu.memory_space<hbm>> -> memref<632x128xf32, #tpu.memory_space<hbm>>
      %dma_wait3A_15 = arith.constant 0 : i32
      %dma_wait3A_16 = tpu.memref_slice %arg10[%mul3A_2, %dma_wait3A_15] : memref<10112x128xf32, #tpu.memory_space<vmem_shared>> -> memref<632x128xf32, #tpu.memory_space<vmem_shared>>
      tpu.wait_dma2 semaphore(%run_scoped3A : memref<!tpu.dma_semaphore, #tpu.memory_space<semaphore_mem>>) src(%dma_wait3A_16 : memref<632x128xf32, #tpu.memory_space<vmem_shared>>) dst(%dma_wait3A_14 : memref<632x128xf32, #tpu.memory_space<hbm>>)
      tpu.yield
    }) : () -> ()
    return
  }
}

#map = affine_map<(d0, d1) -> (0, 0)>
module attributes {stable_mosaic.version = 14 : i64} {
  func.func @step_kernel(%arg0: i32, %arg1: i32, %arg2: memref<10112x128xf32, #tpu.memory_space<hbm>>, %arg3: memref<2560x128xi32, #tpu.memory_space<hbm>>, %arg4: memref<2560x128xi32, #tpu.memory_space<hbm>>, %arg5: memref<632x128xf32, #tpu.memory_space<hbm>>, %arg6: memref<20224x128xf32, #tpu.memory_space<hbm>>, %arg7: memref<40x128xi32, #tpu.memory_space<vmem>>, %arg8: memref<40x128xi32, #tpu.memory_space<vmem>>, %arg9: memref<2x128x128xf32, #tpu.memory_space<vmem>>, %arg10: memref<10112x128xf32, #tpu.memory_space<vmem_shared>>, %arg11: memref<2x!tpu.dma_semaphore, #tpu.memory_space<semaphore_mem>>) attributes {dimension_semantics = [#tpu.dimension_semantics<core_parallel>, #tpu.dimension_semantics<subcore_parallel>], iteration_bounds = array<i64: 2, 16>, scalar_prefetch = 0 : i64, scratch_operands = 5 : i64, tpu.core_type = #tpu.core_type<sc_vector_subcore>, window_params = [{transform_indices = #map}, {transform_indices = #map}, {transform_indices = #map}, {transform_indices = #map}, {transform_indices = #map}]} {
    %mul3A = arith.constant 16 : i32
    %mul3A_0 = arith.muli %arg0, %mul3A : i32
    %add3A = arith.addi %mul3A_0, %arg1 : i32
    %mul3A_1 = arith.constant 632 : i32
    %mul3A_2 = arith.muli %arg1, %mul3A_1 : i32
    "tpu.region"() ({
      %run_scoped3A = tpu.sem_alloc : memref<!tpu.dma_semaphore, #tpu.memory_space<semaphore_mem>>
      %dma_start3A = arith.constant 0 : i32
      %dma_start3A_11 = tpu.memref_slice %arg10[%mul3A_2, %dma_start3A] : memref<10112x128xf32, #tpu.memory_space<vmem_shared>> -> memref<632x128xf32, #tpu.memory_space<vmem_shared>>
      tpu.enqueue_dma source(%arg5 : memref<632x128xf32, #tpu.memory_space<hbm>>) target(%dma_start3A_11 : memref<632x128xf32, #tpu.memory_space<vmem_shared>>) target_semaphore(%run_scoped3A : memref<!tpu.dma_semaphore, #tpu.memory_space<semaphore_mem>>)
      %dma_wait3A = arith.constant 0 : i32
      %dma_wait3A_12 = tpu.memref_slice %arg10[%mul3A_2, %dma_wait3A] : memref<10112x128xf32, #tpu.memory_space<vmem_shared>> -> memref<632x128xf32, #tpu.memory_space<vmem_shared>>
      tpu.wait_dma2 semaphore(%run_scoped3A : memref<!tpu.dma_semaphore, #tpu.memory_space<semaphore_mem>>) src(%arg5 : memref<632x128xf32, #tpu.memory_space<hbm>>) dst(%dma_wait3A_12 : memref<632x128xf32, #tpu.memory_space<vmem_shared>>)
      tpu.yield
    }) : () -> ()
    %barrier3A = arith.constant 0 : index
    tpu.barrier barrier_id(%barrier3A)
    %scan3A = arith.constant 0 : i32
    %scan3A_3 = arith.constant 2 : i32
    %scan3A_4 = arith.addi %scan3A, %scan3A_3 : i32
    %scan3A_5 = arith.constant 1 : i32
    scf.for %scan3A_11 = %scan3A to %scan3A_4 step %scan3A_5  : i32 {
      %mul3A_12 = arith.constant 1 : i32
      %mul3A_13 = arith.muli %scan3A_11, %mul3A_12 : i32
      %add3A_14 = arith.constant 0 : i32
      %add3A_15 = arith.addi %add3A_14, %mul3A_13 : i32
      %mul3A_16 = arith.constant 80 : i32
      %mul3A_17 = arith.muli %add3A, %mul3A_16 : i32
      %mul3A_18 = arith.constant 40 : i32
      %mul3A_19 = arith.muli %add3A_15, %mul3A_18 : i32
      %add3A_20 = arith.addi %mul3A_17, %mul3A_19 : i32
      "tpu.region"() ({
        %run_scoped3A = tpu.sem_alloc : memref<!tpu.dma_semaphore, #tpu.memory_space<semaphore_mem>>
        %dma_start3A = arith.constant 0 : i32
        %dma_start3A_26 = tpu.memref_slice %arg3[%add3A_20, %dma_start3A] : memref<2560x128xi32, #tpu.memory_space<hbm>> -> memref<40x128xi32, #tpu.memory_space<hbm>>
        %dma_start3A_27 = arith.constant 0 : i32
        %dma_start3A_28 = tpu.memref_slice %arg3[%add3A_20, %dma_start3A_27] : memref<2560x128xi32, #tpu.memory_space<hbm>> -> memref<40x128xi32, #tpu.memory_space<hbm>>
        tpu.enqueue_dma source(%dma_start3A_28 : memref<40x128xi32, #tpu.memory_space<hbm>>) target(%arg7 : memref<40x128xi32, #tpu.memory_space<vmem>>) target_semaphore(%run_scoped3A : memref<!tpu.dma_semaphore, #tpu.memory_space<semaphore_mem>>)
        %dma_wait3A = arith.constant 0 : i32
        %dma_wait3A_29 = tpu.memref_slice %arg3[%add3A_20, %dma_wait3A] : memref<2560x128xi32, #tpu.memory_space<hbm>> -> memref<40x128xi32, #tpu.memory_space<hbm>>
        %dma_wait3A_30 = arith.constant 0 : i32
        %dma_wait3A_31 = tpu.memref_slice %arg3[%add3A_20, %dma_wait3A_30] : memref<2560x128xi32, #tpu.memory_space<hbm>> -> memref<40x128xi32, #tpu.memory_space<hbm>>
        tpu.wait_dma2 semaphore(%run_scoped3A : memref<!tpu.dma_semaphore, #tpu.memory_space<semaphore_mem>>) src(%dma_wait3A_31 : memref<40x128xi32, #tpu.memory_space<hbm>>) dst(%arg7 : memref<40x128xi32, #tpu.memory_space<vmem>>)
        tpu.yield
      }) : () -> ()
      "tpu.region"() ({
        %run_scoped3A = tpu.sem_alloc : memref<!tpu.dma_semaphore, #tpu.memory_space<semaphore_mem>>
        %dma_start3A = arith.constant 0 : i32
        %dma_start3A_26 = tpu.memref_slice %arg4[%add3A_20, %dma_start3A] : memref<2560x128xi32, #tpu.memory_space<hbm>> -> memref<40x128xi32, #tpu.memory_space<hbm>>
        %dma_start3A_27 = arith.constant 0 : i32
        %dma_start3A_28 = tpu.memref_slice %arg4[%add3A_20, %dma_start3A_27] : memref<2560x128xi32, #tpu.memory_space<hbm>> -> memref<40x128xi32, #tpu.memory_space<hbm>>
        tpu.enqueue_dma source(%dma_start3A_28 : memref<40x128xi32, #tpu.memory_space<hbm>>) target(%arg8 : memref<40x128xi32, #tpu.memory_space<vmem>>) target_semaphore(%run_scoped3A : memref<!tpu.dma_semaphore, #tpu.memory_space<semaphore_mem>>)
        %dma_wait3A = arith.constant 0 : i32
        %dma_wait3A_29 = tpu.memref_slice %arg4[%add3A_20, %dma_wait3A] : memref<2560x128xi32, #tpu.memory_space<hbm>> -> memref<40x128xi32, #tpu.memory_space<hbm>>
        %dma_wait3A_30 = arith.constant 0 : i32
        %dma_wait3A_31 = tpu.memref_slice %arg4[%add3A_20, %dma_wait3A_30] : memref<2560x128xi32, #tpu.memory_space<hbm>> -> memref<40x128xi32, #tpu.memory_space<hbm>>
        tpu.wait_dma2 semaphore(%run_scoped3A : memref<!tpu.dma_semaphore, #tpu.memory_space<semaphore_mem>>) src(%dma_wait3A_31 : memref<40x128xi32, #tpu.memory_space<hbm>>) dst(%arg8 : memref<40x128xi32, #tpu.memory_space<vmem>>)
        tpu.yield
      }) : () -> ()
      %scan3A_21 = arith.constant 0 : i32
      %scan3A_22 = arith.constant 41 : i32
      %scan3A_23 = arith.addi %scan3A_21, %scan3A_22 : i32
      %scan3A_24 = arith.constant 1 : i32
      scf.for %scan3A_26 = %scan3A_21 to %scan3A_23 step %scan3A_24  : i32 {
        %mul3A_27 = arith.constant 1 : i32
        %mul3A_28 = arith.muli %scan3A_26, %mul3A_27 : i32
        %add3A_29 = arith.constant 0 : i32
        %add3A_30 = arith.addi %add3A_29, %mul3A_28 : i32
        %lt3A = arith.constant 40 : i32
        %lt3A_31 = arith.cmpi slt, %add3A_30, %lt3A : i32
        %convert_element_type3A = arith.extui %lt3A_31 : i1 to i32
        %cond3A = arith.constant 0 : i32
        %cond3A_32 = arith.cmpi ne, %convert_element_type3A, %cond3A : i32
        scf.if %cond3A_32 {
          %rem3A = arith.constant 2 : i32
          %rem3A_37 = arith.remsi %add3A_30, %rem3A : i32
          %rem3A_38 = arith.constant 2 : i32
          %rem3A_39 = arith.remsi %add3A_30, %rem3A_38 : i32
          %dma_start3A = arith.constant 0 : i32
          %dma_start3A_40 = arith.constant 0 : i32
          %dma_start3A_41 = tpu.memref_slice %arg9[%rem3A_37, %dma_start3A, %dma_start3A_40] : memref<2x128x128xf32, #tpu.memory_space<vmem>> -> memref<1x128x128xf32, #tpu.memory_space<vmem>>
          %dma_start3A_42 = tpu.memref_squeeze %dma_start3A_41 : memref<1x128x128xf32, #tpu.memory_space<vmem>> -> memref<128x128xf32, #tpu.memory_space<vmem>>
          %dma_start3A_43 = arith.constant 0 : i32
          %dma_start3A_44 = tpu.memref_slice %arg7[%add3A_30, %dma_start3A_43] : memref<40x128xi32, #tpu.memory_space<vmem>> -> memref<1x128xi32, #tpu.memory_space<vmem>>
          %dma_start3A_45 = tpu.memref_squeeze %dma_start3A_44 : memref<1x128xi32, #tpu.memory_space<vmem>> -> memref<128xi32, #tpu.memory_space<vmem>>
          %dma_start3A_46 = arith.constant 0 : i32
          %dma_start3A_47 = arith.constant 0 : i32
          %dma_start3A_48 = tpu.memref_slice %arg2[%dma_start3A_46, %dma_start3A_47] : memref<10112x128xf32, #tpu.memory_space<hbm>> -> memref<10112x128xf32, #tpu.memory_space<hbm>>
          %dma_start3A_49 = tpu.memref_slice %arg11[%rem3A_39] : memref<2x!tpu.dma_semaphore, #tpu.memory_space<semaphore_mem>> -> memref<1x!tpu.dma_semaphore, #tpu.memory_space<semaphore_mem>>
          %dma_start3A_50 = tpu.memref_squeeze %dma_start3A_49 : memref<1x!tpu.dma_semaphore, #tpu.memory_space<semaphore_mem>> -> memref<!tpu.dma_semaphore, #tpu.memory_space<semaphore_mem>>
          tpu.enqueue_indirect_dma source(%dma_start3A_48 : memref<10112x128xf32, #tpu.memory_space<hbm>>) target(%dma_start3A_42 : memref<128x128xf32, #tpu.memory_space<vmem>>) offsets(%dma_start3A_45 : memref<128xi32, #tpu.memory_space<vmem>>) semaphore(%dma_start3A_50 : memref<!tpu.dma_semaphore, #tpu.memory_space<semaphore_mem>>)
        } else {
        }
        %gt3A = arith.constant 0 : i32
        %gt3A_33 = arith.cmpi sgt, %add3A_30, %gt3A : i32
        %convert_element_type3A_34 = arith.extui %gt3A_33 : i1 to i32
        %cond3A_35 = arith.constant 0 : i32
        %cond3A_36 = arith.cmpi ne, %convert_element_type3A_34, %cond3A_35 : i32
        scf.if %cond3A_36 {
          %sub3A = arith.constant 1 : i32
          %sub3A_37 = arith.subi %add3A_30, %sub3A : i32
          %rem3A = arith.constant 2 : i32
          %rem3A_38 = arith.remsi %sub3A_37, %rem3A : i32
          %rem3A_39 = arith.constant 2 : i32
          %rem3A_40 = arith.remsi %sub3A_37, %rem3A_39 : i32
          %dma_wait3A = arith.constant 0 : i32
          %dma_wait3A_41 = arith.constant 0 : i32
          %dma_wait3A_42 = tpu.memref_slice %arg9[%rem3A_38, %dma_wait3A, %dma_wait3A_41] : memref<2x128x128xf32, #tpu.memory_space<vmem>> -> memref<1x128x128xf32, #tpu.memory_space<vmem>>
          %dma_wait3A_43 = tpu.memref_squeeze %dma_wait3A_42 : memref<1x128x128xf32, #tpu.memory_space<vmem>> -> memref<128x128xf32, #tpu.memory_space<vmem>>
          %dma_wait3A_44 = arith.constant 0 : i32
          %dma_wait3A_45 = tpu.memref_slice %arg7[%sub3A_37, %dma_wait3A_44] : memref<40x128xi32, #tpu.memory_space<vmem>> -> memref<1x128xi32, #tpu.memory_space<vmem>>
          %dma_wait3A_46 = tpu.memref_squeeze %dma_wait3A_45 : memref<1x128xi32, #tpu.memory_space<vmem>> -> memref<128xi32, #tpu.memory_space<vmem>>
          %dma_wait3A_47 = arith.constant 0 : i32
          %dma_wait3A_48 = arith.constant 0 : i32
          %dma_wait3A_49 = tpu.memref_slice %arg2[%dma_wait3A_47, %dma_wait3A_48] : memref<10112x128xf32, #tpu.memory_space<hbm>> -> memref<10112x128xf32, #tpu.memory_space<hbm>>
          %dma_wait3A_50 = tpu.memref_slice %arg11[%rem3A_40] : memref<2x!tpu.dma_semaphore, #tpu.memory_space<semaphore_mem>> -> memref<1x!tpu.dma_semaphore, #tpu.memory_space<semaphore_mem>>
          %dma_wait3A_51 = tpu.memref_squeeze %dma_wait3A_50 : memref<1x!tpu.dma_semaphore, #tpu.memory_space<semaphore_mem>> -> memref<!tpu.dma_semaphore, #tpu.memory_space<semaphore_mem>>
          tpu.wait_indirect_dma semaphore(%dma_wait3A_51 : memref<!tpu.dma_semaphore, #tpu.memory_space<semaphore_mem>>) src(%dma_wait3A_49 : memref<10112x128xf32, #tpu.memory_space<hbm>>) dst(%dma_wait3A_43 : memref<128x128xf32, #tpu.memory_space<vmem>>)
          %rem3A_52 = arith.constant 2 : i32
          %rem3A_53 = arith.remsi %sub3A_37, %rem3A_52 : i32
          "tpu.region"() ({
            %run_scoped3A = tpu.sem_alloc : memref<!tpu.dma_semaphore, #tpu.memory_space<semaphore_mem>>
            %dma_start3A = arith.constant 0 : i32
            %dma_start3A_54 = arith.constant 0 : i32
            %dma_start3A_55 = tpu.memref_slice %arg9[%rem3A_53, %dma_start3A, %dma_start3A_54] : memref<2x128x128xf32, #tpu.memory_space<vmem>> -> memref<1x128x128xf32, #tpu.memory_space<vmem>>
            %dma_start3A_56 = tpu.memref_squeeze %dma_start3A_55 : memref<1x128x128xf32, #tpu.memory_space<vmem>> -> memref<128x128xf32, #tpu.memory_space<vmem>>
            %dma_start3A_57 = arith.constant 0 : i32
            %dma_start3A_58 = tpu.memref_slice %arg8[%sub3A_37, %dma_start3A_57] : memref<40x128xi32, #tpu.memory_space<vmem>> -> memref<1x128xi32, #tpu.memory_space<vmem>>
            %dma_start3A_59 = tpu.memref_squeeze %dma_start3A_58 : memref<1x128xi32, #tpu.memory_space<vmem>> -> memref<128xi32, #tpu.memory_space<vmem>>
            %dma_start3A_60 = arith.constant 0 : i32
            %dma_start3A_61 = arith.constant 0 : i32
            %dma_start3A_62 = tpu.memref_slice %arg10[%dma_start3A_60, %dma_start3A_61] : memref<10112x128xf32, #tpu.memory_space<vmem_shared>> -> memref<10112x128xf32, #tpu.memory_space<vmem_shared>>
            tpu.enqueue_indirect_dma source(%dma_start3A_56 : memref<128x128xf32, #tpu.memory_space<vmem>>) target(%dma_start3A_62 : memref<10112x128xf32, #tpu.memory_space<vmem_shared>>) offsets(%dma_start3A_59 : memref<128xi32, #tpu.memory_space<vmem>>) semaphore(%run_scoped3A : memref<!tpu.dma_semaphore, #tpu.memory_space<semaphore_mem>>) {add = true}
            %dma_wait3A_63 = arith.constant 0 : i32
            %dma_wait3A_64 = arith.constant 0 : i32
            %dma_wait3A_65 = tpu.memref_slice %arg9[%rem3A_53, %dma_wait3A_63, %dma_wait3A_64] : memref<2x128x128xf32, #tpu.memory_space<vmem>> -> memref<1x128x128xf32, #tpu.memory_space<vmem>>
            %dma_wait3A_66 = tpu.memref_squeeze %dma_wait3A_65 : memref<1x128x128xf32, #tpu.memory_space<vmem>> -> memref<128x128xf32, #tpu.memory_space<vmem>>
            %dma_wait3A_67 = arith.constant 0 : i32
            %dma_wait3A_68 = tpu.memref_slice %arg8[%sub3A_37, %dma_wait3A_67] : memref<40x128xi32, #tpu.memory_space<vmem>> -> memref<1x128xi32, #tpu.memory_space<vmem>>
            %dma_wait3A_69 = tpu.memref_squeeze %dma_wait3A_68 : memref<1x128xi32, #tpu.memory_space<vmem>> -> memref<128xi32, #tpu.memory_space<vmem>>
            %dma_wait3A_70 = arith.constant 0 : i32
            %dma_wait3A_71 = arith.constant 0 : i32
            %dma_wait3A_72 = tpu.memref_slice %arg10[%dma_wait3A_70, %dma_wait3A_71] : memref<10112x128xf32, #tpu.memory_space<vmem_shared>> -> memref<10112x128xf32, #tpu.memory_space<vmem_shared>>
            tpu.wait_indirect_dma semaphore(%run_scoped3A : memref<!tpu.dma_semaphore, #tpu.memory_space<semaphore_mem>>) src(%dma_wait3A_66 : memref<128x128xf32, #tpu.memory_space<vmem>>) dst(%dma_wait3A_72 : memref<10112x128xf32, #tpu.memory_space<vmem_shared>>)
            tpu.yield
          }) : () -> ()
        } else {
        }
      }
      %scan3A_25 = arith.constant 41 : i32
    }
    %scan3A_6 = arith.constant 2 : i32
    %barrier3A_7 = arith.constant 0 : index
    tpu.barrier barrier_id(%barrier3A_7)
    %mul3A_8 = arith.constant 10112 : i32
    %mul3A_9 = arith.muli %arg0, %mul3A_8 : i32
    %add3A_10 = arith.addi %mul3A_9, %mul3A_2 : i32
    "tpu.region"() ({
      %run_scoped3A = tpu.sem_alloc : memref<!tpu.dma_semaphore, #tpu.memory_space<semaphore_mem>>
      %dma_start3A = arith.constant 0 : i32
      %dma_start3A_11 = tpu.memref_slice %arg6[%add3A_10, %dma_start3A] : memref<20224x128xf32, #tpu.memory_space<hbm>> -> memref<632x128xf32, #tpu.memory_space<hbm>>
      %dma_start3A_12 = arith.constant 0 : i32
      %dma_start3A_13 = tpu.memref_slice %arg10[%mul3A_2, %dma_start3A_12] : memref<10112x128xf32, #tpu.memory_space<vmem_shared>> -> memref<632x128xf32, #tpu.memory_space<vmem_shared>>
      tpu.enqueue_dma source(%dma_start3A_13 : memref<632x128xf32, #tpu.memory_space<vmem_shared>>) target(%dma_start3A_11 : memref<632x128xf32, #tpu.memory_space<hbm>>) target_semaphore(%run_scoped3A : memref<!tpu.dma_semaphore, #tpu.memory_space<semaphore_mem>>)
      %dma_wait3A = arith.constant 0 : i32
      %dma_wait3A_14 = tpu.memref_slice %arg6[%add3A_10, %dma_wait3A] : memref<20224x128xf32, #tpu.memory_space<hbm>> -> memref<632x128xf32, #tpu.memory_space<hbm>>
      %dma_wait3A_15 = arith.constant 0 : i32
      %dma_wait3A_16 = tpu.memref_slice %arg10[%mul3A_2, %dma_wait3A_15] : memref<10112x128xf32, #tpu.memory_space<vmem_shared>> -> memref<632x128xf32, #tpu.memory_space<vmem_shared>>
      tpu.wait_dma2 semaphore(%run_scoped3A : memref<!tpu.dma_semaphore, #tpu.memory_space<semaphore_mem>>) src(%dma_wait3A_16 : memref<632x128xf32, #tpu.memory_space<vmem_shared>>) dst(%dma_wait3A_14 : memref<632x128xf32, #tpu.memory_space<hbm>>)
      tpu.yield
    }) : () -> ()
    return
  }
}

#map = affine_map<(d0, d1) -> (0, 0)>
module attributes {stable_mosaic.version = 14 : i64} {
  func.func @step_kernel(%arg0: i32, %arg1: i32, %arg2: memref<10112x128xf32, #tpu.memory_space<hbm>>, %arg3: memref<2560x128xi32, #tpu.memory_space<hbm>>, %arg4: memref<2560x128xi32, #tpu.memory_space<hbm>>, %arg5: memref<632x128xf32, #tpu.memory_space<hbm>>, %arg6: memref<20224x128xf32, #tpu.memory_space<hbm>>, %arg7: memref<40x128xi32, #tpu.memory_space<vmem>>, %arg8: memref<40x128xi32, #tpu.memory_space<vmem>>, %arg9: memref<2x128x128xf32, #tpu.memory_space<vmem>>, %arg10: memref<10112x128xf32, #tpu.memory_space<vmem_shared>>, %arg11: memref<2x!tpu.dma_semaphore, #tpu.memory_space<semaphore_mem>>) attributes {dimension_semantics = [#tpu.dimension_semantics<core_parallel>, #tpu.dimension_semantics<subcore_parallel>], iteration_bounds = array<i64: 2, 16>, scalar_prefetch = 0 : i64, scratch_operands = 5 : i64, tpu.core_type = #tpu.core_type<sc_vector_subcore>, window_params = [{transform_indices = #map}, {transform_indices = #map}, {transform_indices = #map}, {transform_indices = #map}, {transform_indices = #map}]} {
    %mul3A = arith.constant 16 : i32
    %mul3A_0 = arith.muli %arg0, %mul3A : i32
    %add3A = arith.addi %mul3A_0, %arg1 : i32
    %mul3A_1 = arith.constant 632 : i32
    %mul3A_2 = arith.muli %arg1, %mul3A_1 : i32
    "tpu.region"() ({
      %run_scoped3A = tpu.sem_alloc : memref<!tpu.dma_semaphore, #tpu.memory_space<semaphore_mem>>
      %dma_start3A = arith.constant 0 : i32
      %dma_start3A_11 = tpu.memref_slice %arg10[%mul3A_2, %dma_start3A] : memref<10112x128xf32, #tpu.memory_space<vmem_shared>> -> memref<632x128xf32, #tpu.memory_space<vmem_shared>>
      tpu.enqueue_dma source(%arg5 : memref<632x128xf32, #tpu.memory_space<hbm>>) target(%dma_start3A_11 : memref<632x128xf32, #tpu.memory_space<vmem_shared>>) target_semaphore(%run_scoped3A : memref<!tpu.dma_semaphore, #tpu.memory_space<semaphore_mem>>)
      %dma_wait3A = arith.constant 0 : i32
      %dma_wait3A_12 = tpu.memref_slice %arg10[%mul3A_2, %dma_wait3A] : memref<10112x128xf32, #tpu.memory_space<vmem_shared>> -> memref<632x128xf32, #tpu.memory_space<vmem_shared>>
      tpu.wait_dma2 semaphore(%run_scoped3A : memref<!tpu.dma_semaphore, #tpu.memory_space<semaphore_mem>>) src(%arg5 : memref<632x128xf32, #tpu.memory_space<hbm>>) dst(%dma_wait3A_12 : memref<632x128xf32, #tpu.memory_space<vmem_shared>>)
      tpu.yield
    }) : () -> ()
    %barrier3A = arith.constant 0 : index
    tpu.barrier barrier_id(%barrier3A)
    %scan3A = arith.constant 0 : i32
    %scan3A_3 = arith.constant 2 : i32
    %scan3A_4 = arith.addi %scan3A, %scan3A_3 : i32
    %scan3A_5 = arith.constant 1 : i32
    scf.for %scan3A_11 = %scan3A to %scan3A_4 step %scan3A_5  : i32 {
      %mul3A_12 = arith.constant 1 : i32
      %mul3A_13 = arith.muli %scan3A_11, %mul3A_12 : i32
      %add3A_14 = arith.constant 0 : i32
      %add3A_15 = arith.addi %add3A_14, %mul3A_13 : i32
      %mul3A_16 = arith.constant 80 : i32
      %mul3A_17 = arith.muli %add3A, %mul3A_16 : i32
      %mul3A_18 = arith.constant 40 : i32
      %mul3A_19 = arith.muli %add3A_15, %mul3A_18 : i32
      %add3A_20 = arith.addi %mul3A_17, %mul3A_19 : i32
      "tpu.region"() ({
        %run_scoped3A = tpu.sem_alloc : memref<!tpu.dma_semaphore, #tpu.memory_space<semaphore_mem>>
        %dma_start3A = arith.constant 0 : i32
        %dma_start3A_26 = tpu.memref_slice %arg3[%add3A_20, %dma_start3A] : memref<2560x128xi32, #tpu.memory_space<hbm>> -> memref<40x128xi32, #tpu.memory_space<hbm>>
        %dma_start3A_27 = arith.constant 0 : i32
        %dma_start3A_28 = tpu.memref_slice %arg3[%add3A_20, %dma_start3A_27] : memref<2560x128xi32, #tpu.memory_space<hbm>> -> memref<40x128xi32, #tpu.memory_space<hbm>>
        tpu.enqueue_dma source(%dma_start3A_28 : memref<40x128xi32, #tpu.memory_space<hbm>>) target(%arg7 : memref<40x128xi32, #tpu.memory_space<vmem>>) target_semaphore(%run_scoped3A : memref<!tpu.dma_semaphore, #tpu.memory_space<semaphore_mem>>)
        %dma_wait3A = arith.constant 0 : i32
        %dma_wait3A_29 = tpu.memref_slice %arg3[%add3A_20, %dma_wait3A] : memref<2560x128xi32, #tpu.memory_space<hbm>> -> memref<40x128xi32, #tpu.memory_space<hbm>>
        %dma_wait3A_30 = arith.constant 0 : i32
        %dma_wait3A_31 = tpu.memref_slice %arg3[%add3A_20, %dma_wait3A_30] : memref<2560x128xi32, #tpu.memory_space<hbm>> -> memref<40x128xi32, #tpu.memory_space<hbm>>
        tpu.wait_dma2 semaphore(%run_scoped3A : memref<!tpu.dma_semaphore, #tpu.memory_space<semaphore_mem>>) src(%dma_wait3A_31 : memref<40x128xi32, #tpu.memory_space<hbm>>) dst(%arg7 : memref<40x128xi32, #tpu.memory_space<vmem>>)
        tpu.yield
      }) : () -> ()
      "tpu.region"() ({
        %run_scoped3A = tpu.sem_alloc : memref<!tpu.dma_semaphore, #tpu.memory_space<semaphore_mem>>
        %dma_start3A = arith.constant 0 : i32
        %dma_start3A_26 = tpu.memref_slice %arg4[%add3A_20, %dma_start3A] : memref<2560x128xi32, #tpu.memory_space<hbm>> -> memref<40x128xi32, #tpu.memory_space<hbm>>
        %dma_start3A_27 = arith.constant 0 : i32
        %dma_start3A_28 = tpu.memref_slice %arg4[%add3A_20, %dma_start3A_27] : memref<2560x128xi32, #tpu.memory_space<hbm>> -> memref<40x128xi32, #tpu.memory_space<hbm>>
        tpu.enqueue_dma source(%dma_start3A_28 : memref<40x128xi32, #tpu.memory_space<hbm>>) target(%arg8 : memref<40x128xi32, #tpu.memory_space<vmem>>) target_semaphore(%run_scoped3A : memref<!tpu.dma_semaphore, #tpu.memory_space<semaphore_mem>>)
        %dma_wait3A = arith.constant 0 : i32
        %dma_wait3A_29 = tpu.memref_slice %arg4[%add3A_20, %dma_wait3A] : memref<2560x128xi32, #tpu.memory_space<hbm>> -> memref<40x128xi32, #tpu.memory_space<hbm>>
        %dma_wait3A_30 = arith.constant 0 : i32
        %dma_wait3A_31 = tpu.memref_slice %arg4[%add3A_20, %dma_wait3A_30] : memref<2560x128xi32, #tpu.memory_space<hbm>> -> memref<40x128xi32, #tpu.memory_space<hbm>>
        tpu.wait_dma2 semaphore(%run_scoped3A : memref<!tpu.dma_semaphore, #tpu.memory_space<semaphore_mem>>) src(%dma_wait3A_31 : memref<40x128xi32, #tpu.memory_space<hbm>>) dst(%arg8 : memref<40x128xi32, #tpu.memory_space<vmem>>)
        tpu.yield
      }) : () -> ()
      %scan3A_21 = arith.constant 0 : i32
      %scan3A_22 = arith.constant 41 : i32
      %scan3A_23 = arith.addi %scan3A_21, %scan3A_22 : i32
      %scan3A_24 = arith.constant 1 : i32
      scf.for %scan3A_26 = %scan3A_21 to %scan3A_23 step %scan3A_24  : i32 {
        %mul3A_27 = arith.constant 1 : i32
        %mul3A_28 = arith.muli %scan3A_26, %mul3A_27 : i32
        %add3A_29 = arith.constant 0 : i32
        %add3A_30 = arith.addi %add3A_29, %mul3A_28 : i32
        %lt3A = arith.constant 40 : i32
        %lt3A_31 = arith.cmpi slt, %add3A_30, %lt3A : i32
        %convert_element_type3A = arith.extui %lt3A_31 : i1 to i32
        %cond3A = arith.constant 0 : i32
        %cond3A_32 = arith.cmpi ne, %convert_element_type3A, %cond3A : i32
        scf.if %cond3A_32 {
          %rem3A = arith.constant 2 : i32
          %rem3A_37 = arith.remsi %add3A_30, %rem3A : i32
          %rem3A_38 = arith.constant 2 : i32
          %rem3A_39 = arith.remsi %add3A_30, %rem3A_38 : i32
          %dma_start3A = arith.constant 0 : i32
          %dma_start3A_40 = arith.constant 0 : i32
          %dma_start3A_41 = tpu.memref_slice %arg9[%rem3A_37, %dma_start3A, %dma_start3A_40] : memref<2x128x128xf32, #tpu.memory_space<vmem>> -> memref<1x128x128xf32, #tpu.memory_space<vmem>>
          %dma_start3A_42 = tpu.memref_squeeze %dma_start3A_41 : memref<1x128x128xf32, #tpu.memory_space<vmem>> -> memref<128x128xf32, #tpu.memory_space<vmem>>
          %dma_start3A_43 = arith.constant 0 : i32
          %dma_start3A_44 = tpu.memref_slice %arg7[%add3A_30, %dma_start3A_43] : memref<40x128xi32, #tpu.memory_space<vmem>> -> memref<1x128xi32, #tpu.memory_space<vmem>>
          %dma_start3A_45 = tpu.memref_squeeze %dma_start3A_44 : memref<1x128xi32, #tpu.memory_space<vmem>> -> memref<128xi32, #tpu.memory_space<vmem>>
          %dma_start3A_46 = arith.constant 0 : i32
          %dma_start3A_47 = arith.constant 0 : i32
          %dma_start3A_48 = tpu.memref_slice %arg2[%dma_start3A_46, %dma_start3A_47] : memref<10112x128xf32, #tpu.memory_space<hbm>> -> memref<10112x128xf32, #tpu.memory_space<hbm>>
          %dma_start3A_49 = tpu.memref_slice %arg11[%rem3A_39] : memref<2x!tpu.dma_semaphore, #tpu.memory_space<semaphore_mem>> -> memref<1x!tpu.dma_semaphore, #tpu.memory_space<semaphore_mem>>
          %dma_start3A_50 = tpu.memref_squeeze %dma_start3A_49 : memref<1x!tpu.dma_semaphore, #tpu.memory_space<semaphore_mem>> -> memref<!tpu.dma_semaphore, #tpu.memory_space<semaphore_mem>>
          tpu.enqueue_indirect_dma source(%dma_start3A_48 : memref<10112x128xf32, #tpu.memory_space<hbm>>) target(%dma_start3A_42 : memref<128x128xf32, #tpu.memory_space<vmem>>) offsets(%dma_start3A_45 : memref<128xi32, #tpu.memory_space<vmem>>) semaphore(%dma_start3A_50 : memref<!tpu.dma_semaphore, #tpu.memory_space<semaphore_mem>>)
        } else {
        }
        %gt3A = arith.constant 0 : i32
        %gt3A_33 = arith.cmpi sgt, %add3A_30, %gt3A : i32
        %convert_element_type3A_34 = arith.extui %gt3A_33 : i1 to i32
        %cond3A_35 = arith.constant 0 : i32
        %cond3A_36 = arith.cmpi ne, %convert_element_type3A_34, %cond3A_35 : i32
        scf.if %cond3A_36 {
          %sub3A = arith.constant 1 : i32
          %sub3A_37 = arith.subi %add3A_30, %sub3A : i32
          %rem3A = arith.constant 2 : i32
          %rem3A_38 = arith.remsi %sub3A_37, %rem3A : i32
          %rem3A_39 = arith.constant 2 : i32
          %rem3A_40 = arith.remsi %sub3A_37, %rem3A_39 : i32
          %dma_wait3A = arith.constant 0 : i32
          %dma_wait3A_41 = arith.constant 0 : i32
          %dma_wait3A_42 = tpu.memref_slice %arg9[%rem3A_38, %dma_wait3A, %dma_wait3A_41] : memref<2x128x128xf32, #tpu.memory_space<vmem>> -> memref<1x128x128xf32, #tpu.memory_space<vmem>>
          %dma_wait3A_43 = tpu.memref_squeeze %dma_wait3A_42 : memref<1x128x128xf32, #tpu.memory_space<vmem>> -> memref<128x128xf32, #tpu.memory_space<vmem>>
          %dma_wait3A_44 = arith.constant 0 : i32
          %dma_wait3A_45 = tpu.memref_slice %arg7[%sub3A_37, %dma_wait3A_44] : memref<40x128xi32, #tpu.memory_space<vmem>> -> memref<1x128xi32, #tpu.memory_space<vmem>>
          %dma_wait3A_46 = tpu.memref_squeeze %dma_wait3A_45 : memref<1x128xi32, #tpu.memory_space<vmem>> -> memref<128xi32, #tpu.memory_space<vmem>>
          %dma_wait3A_47 = arith.constant 0 : i32
          %dma_wait3A_48 = arith.constant 0 : i32
          %dma_wait3A_49 = tpu.memref_slice %arg2[%dma_wait3A_47, %dma_wait3A_48] : memref<10112x128xf32, #tpu.memory_space<hbm>> -> memref<10112x128xf32, #tpu.memory_space<hbm>>
          %dma_wait3A_50 = tpu.memref_slice %arg11[%rem3A_40] : memref<2x!tpu.dma_semaphore, #tpu.memory_space<semaphore_mem>> -> memref<1x!tpu.dma_semaphore, #tpu.memory_space<semaphore_mem>>
          %dma_wait3A_51 = tpu.memref_squeeze %dma_wait3A_50 : memref<1x!tpu.dma_semaphore, #tpu.memory_space<semaphore_mem>> -> memref<!tpu.dma_semaphore, #tpu.memory_space<semaphore_mem>>
          tpu.wait_indirect_dma semaphore(%dma_wait3A_51 : memref<!tpu.dma_semaphore, #tpu.memory_space<semaphore_mem>>) src(%dma_wait3A_49 : memref<10112x128xf32, #tpu.memory_space<hbm>>) dst(%dma_wait3A_43 : memref<128x128xf32, #tpu.memory_space<vmem>>)
          %rem3A_52 = arith.constant 2 : i32
          %rem3A_53 = arith.remsi %sub3A_37, %rem3A_52 : i32
          "tpu.region"() ({
            %run_scoped3A = tpu.sem_alloc : memref<!tpu.dma_semaphore, #tpu.memory_space<semaphore_mem>>
            %dma_start3A = arith.constant 0 : i32
            %dma_start3A_54 = arith.constant 0 : i32
            %dma_start3A_55 = tpu.memref_slice %arg9[%rem3A_53, %dma_start3A, %dma_start3A_54] : memref<2x128x128xf32, #tpu.memory_space<vmem>> -> memref<1x128x128xf32, #tpu.memory_space<vmem>>
            %dma_start3A_56 = tpu.memref_squeeze %dma_start3A_55 : memref<1x128x128xf32, #tpu.memory_space<vmem>> -> memref<128x128xf32, #tpu.memory_space<vmem>>
            %dma_start3A_57 = arith.constant 0 : i32
            %dma_start3A_58 = tpu.memref_slice %arg8[%sub3A_37, %dma_start3A_57] : memref<40x128xi32, #tpu.memory_space<vmem>> -> memref<1x128xi32, #tpu.memory_space<vmem>>
            %dma_start3A_59 = tpu.memref_squeeze %dma_start3A_58 : memref<1x128xi32, #tpu.memory_space<vmem>> -> memref<128xi32, #tpu.memory_space<vmem>>
            %dma_start3A_60 = arith.constant 0 : i32
            %dma_start3A_61 = arith.constant 0 : i32
            %dma_start3A_62 = tpu.memref_slice %arg10[%dma_start3A_60, %dma_start3A_61] : memref<10112x128xf32, #tpu.memory_space<vmem_shared>> -> memref<10112x128xf32, #tpu.memory_space<vmem_shared>>
            tpu.enqueue_indirect_dma source(%dma_start3A_56 : memref<128x128xf32, #tpu.memory_space<vmem>>) target(%dma_start3A_62 : memref<10112x128xf32, #tpu.memory_space<vmem_shared>>) offsets(%dma_start3A_59 : memref<128xi32, #tpu.memory_space<vmem>>) semaphore(%run_scoped3A : memref<!tpu.dma_semaphore, #tpu.memory_space<semaphore_mem>>) {add = true}
            %dma_wait3A_63 = arith.constant 0 : i32
            %dma_wait3A_64 = arith.constant 0 : i32
            %dma_wait3A_65 = tpu.memref_slice %arg9[%rem3A_53, %dma_wait3A_63, %dma_wait3A_64] : memref<2x128x128xf32, #tpu.memory_space<vmem>> -> memref<1x128x128xf32, #tpu.memory_space<vmem>>
            %dma_wait3A_66 = tpu.memref_squeeze %dma_wait3A_65 : memref<1x128x128xf32, #tpu.memory_space<vmem>> -> memref<128x128xf32, #tpu.memory_space<vmem>>
            %dma_wait3A_67 = arith.constant 0 : i32
            %dma_wait3A_68 = tpu.memref_slice %arg8[%sub3A_37, %dma_wait3A_67] : memref<40x128xi32, #tpu.memory_space<vmem>> -> memref<1x128xi32, #tpu.memory_space<vmem>>
            %dma_wait3A_69 = tpu.memref_squeeze %dma_wait3A_68 : memref<1x128xi32, #tpu.memory_space<vmem>> -> memref<128xi32, #tpu.memory_space<vmem>>
            %dma_wait3A_70 = arith.constant 0 : i32
            %dma_wait3A_71 = arith.constant 0 : i32
            %dma_wait3A_72 = tpu.memref_slice %arg10[%dma_wait3A_70, %dma_wait3A_71] : memref<10112x128xf32, #tpu.memory_space<vmem_shared>> -> memref<10112x128xf32, #tpu.memory_space<vmem_shared>>
            tpu.wait_indirect_dma semaphore(%run_scoped3A : memref<!tpu.dma_semaphore, #tpu.memory_space<semaphore_mem>>) src(%dma_wait3A_66 : memref<128x128xf32, #tpu.memory_space<vmem>>) dst(%dma_wait3A_72 : memref<10112x128xf32, #tpu.memory_space<vmem_shared>>)
            tpu.yield
          }) : () -> ()
        } else {
        }
      }
      %scan3A_25 = arith.constant 41 : i32
    }
    %scan3A_6 = arith.constant 2 : i32
    %barrier3A_7 = arith.constant 0 : index
    tpu.barrier barrier_id(%barrier3A_7)
    %mul3A_8 = arith.constant 10112 : i32
    %mul3A_9 = arith.muli %arg0, %mul3A_8 : i32
    %add3A_10 = arith.addi %mul3A_9, %mul3A_2 : i32
    "tpu.region"() ({
      %run_scoped3A = tpu.sem_alloc : memref<!tpu.dma_semaphore, #tpu.memory_space<semaphore_mem>>
      %dma_start3A = arith.constant 0 : i32
      %dma_start3A_11 = tpu.memref_slice %arg6[%add3A_10, %dma_start3A] : memref<20224x128xf32, #tpu.memory_space<hbm>> -> memref<632x128xf32, #tpu.memory_space<hbm>>
      %dma_start3A_12 = arith.constant 0 : i32
      %dma_start3A_13 = tpu.memref_slice %arg10[%mul3A_2, %dma_start3A_12] : memref<10112x128xf32, #tpu.memory_space<vmem_shared>> -> memref<632x128xf32, #tpu.memory_space<vmem_shared>>
      tpu.enqueue_dma source(%dma_start3A_13 : memref<632x128xf32, #tpu.memory_space<vmem_shared>>) target(%dma_start3A_11 : memref<632x128xf32, #tpu.memory_space<hbm>>) target_semaphore(%run_scoped3A : memref<!tpu.dma_semaphore, #tpu.memory_space<semaphore_mem>>)
      %dma_wait3A = arith.constant 0 : i32
      %dma_wait3A_14 = tpu.memref_slice %arg6[%add3A_10, %dma_wait3A] : memref<20224x128xf32, #tpu.memory_space<hbm>> -> memref<632x128xf32, #tpu.memory_space<hbm>>
      %dma_wait3A_15 = arith.constant 0 : i32
      %dma_wait3A_16 = tpu.memref_slice %arg10[%mul3A_2, %dma_wait3A_15] : memref<10112x128xf32, #tpu.memory_space<vmem_shared>> -> memref<632x128xf32, #tpu.memory_space<vmem_shared>>
      tpu.wait_dma2 semaphore(%run_scoped3A : memref<!tpu.dma_semaphore, #tpu.memory_space<semaphore_mem>>) src(%dma_wait3A_16 : memref<632x128xf32, #tpu.memory_space<vmem_shared>>) dst(%dma_wait3A_14 : memref<632x128xf32, #tpu.memory_space<hbm>>)
      tpu.yield
    }) : () -> ()
    return
  }
}

#map = affine_map<(d0, d1) -> (0, 0)>
module attributes {stable_mosaic.version = 14 : i64} {
  func.func @step_kernel(%arg0: i32, %arg1: i32, %arg2: memref<10112x128xf32, #tpu.memory_space<hbm>>, %arg3: memref<2560x128xi32, #tpu.memory_space<hbm>>, %arg4: memref<2560x128xi32, #tpu.memory_space<hbm>>, %arg5: memref<632x128xf32, #tpu.memory_space<hbm>>, %arg6: memref<20224x128xf32, #tpu.memory_space<hbm>>, %arg7: memref<40x128xi32, #tpu.memory_space<vmem>>, %arg8: memref<40x128xi32, #tpu.memory_space<vmem>>, %arg9: memref<2x128x128xf32, #tpu.memory_space<vmem>>, %arg10: memref<10112x128xf32, #tpu.memory_space<vmem_shared>>, %arg11: memref<2x!tpu.dma_semaphore, #tpu.memory_space<semaphore_mem>>) attributes {dimension_semantics = [#tpu.dimension_semantics<core_parallel>, #tpu.dimension_semantics<subcore_parallel>], iteration_bounds = array<i64: 2, 16>, scalar_prefetch = 0 : i64, scratch_operands = 5 : i64, tpu.core_type = #tpu.core_type<sc_vector_subcore>, window_params = [{transform_indices = #map}, {transform_indices = #map}, {transform_indices = #map}, {transform_indices = #map}, {transform_indices = #map}]} {
    %mul3A = arith.constant 16 : i32
    %mul3A_0 = arith.muli %arg0, %mul3A : i32
    %add3A = arith.addi %mul3A_0, %arg1 : i32
    %mul3A_1 = arith.constant 632 : i32
    %mul3A_2 = arith.muli %arg1, %mul3A_1 : i32
    "tpu.region"() ({
      %run_scoped3A = tpu.sem_alloc : memref<!tpu.dma_semaphore, #tpu.memory_space<semaphore_mem>>
      %dma_start3A = arith.constant 0 : i32
      %dma_start3A_11 = tpu.memref_slice %arg10[%mul3A_2, %dma_start3A] : memref<10112x128xf32, #tpu.memory_space<vmem_shared>> -> memref<632x128xf32, #tpu.memory_space<vmem_shared>>
      tpu.enqueue_dma source(%arg5 : memref<632x128xf32, #tpu.memory_space<hbm>>) target(%dma_start3A_11 : memref<632x128xf32, #tpu.memory_space<vmem_shared>>) target_semaphore(%run_scoped3A : memref<!tpu.dma_semaphore, #tpu.memory_space<semaphore_mem>>)
      %dma_wait3A = arith.constant 0 : i32
      %dma_wait3A_12 = tpu.memref_slice %arg10[%mul3A_2, %dma_wait3A] : memref<10112x128xf32, #tpu.memory_space<vmem_shared>> -> memref<632x128xf32, #tpu.memory_space<vmem_shared>>
      tpu.wait_dma2 semaphore(%run_scoped3A : memref<!tpu.dma_semaphore, #tpu.memory_space<semaphore_mem>>) src(%arg5 : memref<632x128xf32, #tpu.memory_space<hbm>>) dst(%dma_wait3A_12 : memref<632x128xf32, #tpu.memory_space<vmem_shared>>)
      tpu.yield
    }) : () -> ()
    %barrier3A = arith.constant 0 : index
    tpu.barrier barrier_id(%barrier3A)
    %scan3A = arith.constant 0 : i32
    %scan3A_3 = arith.constant 2 : i32
    %scan3A_4 = arith.addi %scan3A, %scan3A_3 : i32
    %scan3A_5 = arith.constant 1 : i32
    scf.for %scan3A_11 = %scan3A to %scan3A_4 step %scan3A_5  : i32 {
      %mul3A_12 = arith.constant 1 : i32
      %mul3A_13 = arith.muli %scan3A_11, %mul3A_12 : i32
      %add3A_14 = arith.constant 0 : i32
      %add3A_15 = arith.addi %add3A_14, %mul3A_13 : i32
      %mul3A_16 = arith.constant 80 : i32
      %mul3A_17 = arith.muli %add3A, %mul3A_16 : i32
      %mul3A_18 = arith.constant 40 : i32
      %mul3A_19 = arith.muli %add3A_15, %mul3A_18 : i32
      %add3A_20 = arith.addi %mul3A_17, %mul3A_19 : i32
      "tpu.region"() ({
        %run_scoped3A = tpu.sem_alloc : memref<!tpu.dma_semaphore, #tpu.memory_space<semaphore_mem>>
        %dma_start3A = arith.constant 0 : i32
        %dma_start3A_26 = tpu.memref_slice %arg3[%add3A_20, %dma_start3A] : memref<2560x128xi32, #tpu.memory_space<hbm>> -> memref<40x128xi32, #tpu.memory_space<hbm>>
        %dma_start3A_27 = arith.constant 0 : i32
        %dma_start3A_28 = tpu.memref_slice %arg3[%add3A_20, %dma_start3A_27] : memref<2560x128xi32, #tpu.memory_space<hbm>> -> memref<40x128xi32, #tpu.memory_space<hbm>>
        tpu.enqueue_dma source(%dma_start3A_28 : memref<40x128xi32, #tpu.memory_space<hbm>>) target(%arg7 : memref<40x128xi32, #tpu.memory_space<vmem>>) target_semaphore(%run_scoped3A : memref<!tpu.dma_semaphore, #tpu.memory_space<semaphore_mem>>)
        %dma_wait3A = arith.constant 0 : i32
        %dma_wait3A_29 = tpu.memref_slice %arg3[%add3A_20, %dma_wait3A] : memref<2560x128xi32, #tpu.memory_space<hbm>> -> memref<40x128xi32, #tpu.memory_space<hbm>>
        %dma_wait3A_30 = arith.constant 0 : i32
        %dma_wait3A_31 = tpu.memref_slice %arg3[%add3A_20, %dma_wait3A_30] : memref<2560x128xi32, #tpu.memory_space<hbm>> -> memref<40x128xi32, #tpu.memory_space<hbm>>
        tpu.wait_dma2 semaphore(%run_scoped3A : memref<!tpu.dma_semaphore, #tpu.memory_space<semaphore_mem>>) src(%dma_wait3A_31 : memref<40x128xi32, #tpu.memory_space<hbm>>) dst(%arg7 : memref<40x128xi32, #tpu.memory_space<vmem>>)
        tpu.yield
      }) : () -> ()
      "tpu.region"() ({
        %run_scoped3A = tpu.sem_alloc : memref<!tpu.dma_semaphore, #tpu.memory_space<semaphore_mem>>
        %dma_start3A = arith.constant 0 : i32
        %dma_start3A_26 = tpu.memref_slice %arg4[%add3A_20, %dma_start3A] : memref<2560x128xi32, #tpu.memory_space<hbm>> -> memref<40x128xi32, #tpu.memory_space<hbm>>
        %dma_start3A_27 = arith.constant 0 : i32
        %dma_start3A_28 = tpu.memref_slice %arg4[%add3A_20, %dma_start3A_27] : memref<2560x128xi32, #tpu.memory_space<hbm>> -> memref<40x128xi32, #tpu.memory_space<hbm>>
        tpu.enqueue_dma source(%dma_start3A_28 : memref<40x128xi32, #tpu.memory_space<hbm>>) target(%arg8 : memref<40x128xi32, #tpu.memory_space<vmem>>) target_semaphore(%run_scoped3A : memref<!tpu.dma_semaphore, #tpu.memory_space<semaphore_mem>>)
        %dma_wait3A = arith.constant 0 : i32
        %dma_wait3A_29 = tpu.memref_slice %arg4[%add3A_20, %dma_wait3A] : memref<2560x128xi32, #tpu.memory_space<hbm>> -> memref<40x128xi32, #tpu.memory_space<hbm>>
        %dma_wait3A_30 = arith.constant 0 : i32
        %dma_wait3A_31 = tpu.memref_slice %arg4[%add3A_20, %dma_wait3A_30] : memref<2560x128xi32, #tpu.memory_space<hbm>> -> memref<40x128xi32, #tpu.memory_space<hbm>>
        tpu.wait_dma2 semaphore(%run_scoped3A : memref<!tpu.dma_semaphore, #tpu.memory_space<semaphore_mem>>) src(%dma_wait3A_31 : memref<40x128xi32, #tpu.memory_space<hbm>>) dst(%arg8 : memref<40x128xi32, #tpu.memory_space<vmem>>)
        tpu.yield
      }) : () -> ()
      %scan3A_21 = arith.constant 0 : i32
      %scan3A_22 = arith.constant 41 : i32
      %scan3A_23 = arith.addi %scan3A_21, %scan3A_22 : i32
      %scan3A_24 = arith.constant 1 : i32
      scf.for %scan3A_26 = %scan3A_21 to %scan3A_23 step %scan3A_24  : i32 {
        %mul3A_27 = arith.constant 1 : i32
        %mul3A_28 = arith.muli %scan3A_26, %mul3A_27 : i32
        %add3A_29 = arith.constant 0 : i32
        %add3A_30 = arith.addi %add3A_29, %mul3A_28 : i32
        %lt3A = arith.constant 40 : i32
        %lt3A_31 = arith.cmpi slt, %add3A_30, %lt3A : i32
        %convert_element_type3A = arith.extui %lt3A_31 : i1 to i32
        %cond3A = arith.constant 0 : i32
        %cond3A_32 = arith.cmpi ne, %convert_element_type3A, %cond3A : i32
        scf.if %cond3A_32 {
          %rem3A = arith.constant 2 : i32
          %rem3A_37 = arith.remsi %add3A_30, %rem3A : i32
          %rem3A_38 = arith.constant 2 : i32
          %rem3A_39 = arith.remsi %add3A_30, %rem3A_38 : i32
          %dma_start3A = arith.constant 0 : i32
          %dma_start3A_40 = arith.constant 0 : i32
          %dma_start3A_41 = tpu.memref_slice %arg9[%rem3A_37, %dma_start3A, %dma_start3A_40] : memref<2x128x128xf32, #tpu.memory_space<vmem>> -> memref<1x128x128xf32, #tpu.memory_space<vmem>>
          %dma_start3A_42 = tpu.memref_squeeze %dma_start3A_41 : memref<1x128x128xf32, #tpu.memory_space<vmem>> -> memref<128x128xf32, #tpu.memory_space<vmem>>
          %dma_start3A_43 = arith.constant 0 : i32
          %dma_start3A_44 = tpu.memref_slice %arg7[%add3A_30, %dma_start3A_43] : memref<40x128xi32, #tpu.memory_space<vmem>> -> memref<1x128xi32, #tpu.memory_space<vmem>>
          %dma_start3A_45 = tpu.memref_squeeze %dma_start3A_44 : memref<1x128xi32, #tpu.memory_space<vmem>> -> memref<128xi32, #tpu.memory_space<vmem>>
          %dma_start3A_46 = arith.constant 0 : i32
          %dma_start3A_47 = arith.constant 0 : i32
          %dma_start3A_48 = tpu.memref_slice %arg2[%dma_start3A_46, %dma_start3A_47] : memref<10112x128xf32, #tpu.memory_space<hbm>> -> memref<10112x128xf32, #tpu.memory_space<hbm>>
          %dma_start3A_49 = tpu.memref_slice %arg11[%rem3A_39] : memref<2x!tpu.dma_semaphore, #tpu.memory_space<semaphore_mem>> -> memref<1x!tpu.dma_semaphore, #tpu.memory_space<semaphore_mem>>
          %dma_start3A_50 = tpu.memref_squeeze %dma_start3A_49 : memref<1x!tpu.dma_semaphore, #tpu.memory_space<semaphore_mem>> -> memref<!tpu.dma_semaphore, #tpu.memory_space<semaphore_mem>>
          tpu.enqueue_indirect_dma source(%dma_start3A_48 : memref<10112x128xf32, #tpu.memory_space<hbm>>) target(%dma_start3A_42 : memref<128x128xf32, #tpu.memory_space<vmem>>) offsets(%dma_start3A_45 : memref<128xi32, #tpu.memory_space<vmem>>) semaphore(%dma_start3A_50 : memref<!tpu.dma_semaphore, #tpu.memory_space<semaphore_mem>>)
        } else {
        }
        %gt3A = arith.constant 0 : i32
        %gt3A_33 = arith.cmpi sgt, %add3A_30, %gt3A : i32
        %convert_element_type3A_34 = arith.extui %gt3A_33 : i1 to i32
        %cond3A_35 = arith.constant 0 : i32
        %cond3A_36 = arith.cmpi ne, %convert_element_type3A_34, %cond3A_35 : i32
        scf.if %cond3A_36 {
          %sub3A = arith.constant 1 : i32
          %sub3A_37 = arith.subi %add3A_30, %sub3A : i32
          %rem3A = arith.constant 2 : i32
          %rem3A_38 = arith.remsi %sub3A_37, %rem3A : i32
          %rem3A_39 = arith.constant 2 : i32
          %rem3A_40 = arith.remsi %sub3A_37, %rem3A_39 : i32
          %dma_wait3A = arith.constant 0 : i32
          %dma_wait3A_41 = arith.constant 0 : i32
          %dma_wait3A_42 = tpu.memref_slice %arg9[%rem3A_38, %dma_wait3A, %dma_wait3A_41] : memref<2x128x128xf32, #tpu.memory_space<vmem>> -> memref<1x128x128xf32, #tpu.memory_space<vmem>>
          %dma_wait3A_43 = tpu.memref_squeeze %dma_wait3A_42 : memref<1x128x128xf32, #tpu.memory_space<vmem>> -> memref<128x128xf32, #tpu.memory_space<vmem>>
          %dma_wait3A_44 = arith.constant 0 : i32
          %dma_wait3A_45 = tpu.memref_slice %arg7[%sub3A_37, %dma_wait3A_44] : memref<40x128xi32, #tpu.memory_space<vmem>> -> memref<1x128xi32, #tpu.memory_space<vmem>>
          %dma_wait3A_46 = tpu.memref_squeeze %dma_wait3A_45 : memref<1x128xi32, #tpu.memory_space<vmem>> -> memref<128xi32, #tpu.memory_space<vmem>>
          %dma_wait3A_47 = arith.constant 0 : i32
          %dma_wait3A_48 = arith.constant 0 : i32
          %dma_wait3A_49 = tpu.memref_slice %arg2[%dma_wait3A_47, %dma_wait3A_48] : memref<10112x128xf32, #tpu.memory_space<hbm>> -> memref<10112x128xf32, #tpu.memory_space<hbm>>
          %dma_wait3A_50 = tpu.memref_slice %arg11[%rem3A_40] : memref<2x!tpu.dma_semaphore, #tpu.memory_space<semaphore_mem>> -> memref<1x!tpu.dma_semaphore, #tpu.memory_space<semaphore_mem>>
          %dma_wait3A_51 = tpu.memref_squeeze %dma_wait3A_50 : memref<1x!tpu.dma_semaphore, #tpu.memory_space<semaphore_mem>> -> memref<!tpu.dma_semaphore, #tpu.memory_space<semaphore_mem>>
          tpu.wait_indirect_dma semaphore(%dma_wait3A_51 : memref<!tpu.dma_semaphore, #tpu.memory_space<semaphore_mem>>) src(%dma_wait3A_49 : memref<10112x128xf32, #tpu.memory_space<hbm>>) dst(%dma_wait3A_43 : memref<128x128xf32, #tpu.memory_space<vmem>>)
          %rem3A_52 = arith.constant 2 : i32
          %rem3A_53 = arith.remsi %sub3A_37, %rem3A_52 : i32
          "tpu.region"() ({
            %run_scoped3A = tpu.sem_alloc : memref<!tpu.dma_semaphore, #tpu.memory_space<semaphore_mem>>
            %dma_start3A = arith.constant 0 : i32
            %dma_start3A_54 = arith.constant 0 : i32
            %dma_start3A_55 = tpu.memref_slice %arg9[%rem3A_53, %dma_start3A, %dma_start3A_54] : memref<2x128x128xf32, #tpu.memory_space<vmem>> -> memref<1x128x128xf32, #tpu.memory_space<vmem>>
            %dma_start3A_56 = tpu.memref_squeeze %dma_start3A_55 : memref<1x128x128xf32, #tpu.memory_space<vmem>> -> memref<128x128xf32, #tpu.memory_space<vmem>>
            %dma_start3A_57 = arith.constant 0 : i32
            %dma_start3A_58 = tpu.memref_slice %arg8[%sub3A_37, %dma_start3A_57] : memref<40x128xi32, #tpu.memory_space<vmem>> -> memref<1x128xi32, #tpu.memory_space<vmem>>
            %dma_start3A_59 = tpu.memref_squeeze %dma_start3A_58 : memref<1x128xi32, #tpu.memory_space<vmem>> -> memref<128xi32, #tpu.memory_space<vmem>>
            %dma_start3A_60 = arith.constant 0 : i32
            %dma_start3A_61 = arith.constant 0 : i32
            %dma_start3A_62 = tpu.memref_slice %arg10[%dma_start3A_60, %dma_start3A_61] : memref<10112x128xf32, #tpu.memory_space<vmem_shared>> -> memref<10112x128xf32, #tpu.memory_space<vmem_shared>>
            tpu.enqueue_indirect_dma source(%dma_start3A_56 : memref<128x128xf32, #tpu.memory_space<vmem>>) target(%dma_start3A_62 : memref<10112x128xf32, #tpu.memory_space<vmem_shared>>) offsets(%dma_start3A_59 : memref<128xi32, #tpu.memory_space<vmem>>) semaphore(%run_scoped3A : memref<!tpu.dma_semaphore, #tpu.memory_space<semaphore_mem>>) {add = true}
            %dma_wait3A_63 = arith.constant 0 : i32
            %dma_wait3A_64 = arith.constant 0 : i32
            %dma_wait3A_65 = tpu.memref_slice %arg9[%rem3A_53, %dma_wait3A_63, %dma_wait3A_64] : memref<2x128x128xf32, #tpu.memory_space<vmem>> -> memref<1x128x128xf32, #tpu.memory_space<vmem>>
            %dma_wait3A_66 = tpu.memref_squeeze %dma_wait3A_65 : memref<1x128x128xf32, #tpu.memory_space<vmem>> -> memref<128x128xf32, #tpu.memory_space<vmem>>
            %dma_wait3A_67 = arith.constant 0 : i32
            %dma_wait3A_68 = tpu.memref_slice %arg8[%sub3A_37, %dma_wait3A_67] : memref<40x128xi32, #tpu.memory_space<vmem>> -> memref<1x128xi32, #tpu.memory_space<vmem>>
            %dma_wait3A_69 = tpu.memref_squeeze %dma_wait3A_68 : memref<1x128xi32, #tpu.memory_space<vmem>> -> memref<128xi32, #tpu.memory_space<vmem>>
            %dma_wait3A_70 = arith.constant 0 : i32
            %dma_wait3A_71 = arith.constant 0 : i32
            %dma_wait3A_72 = tpu.memref_slice %arg10[%dma_wait3A_70, %dma_wait3A_71] : memref<10112x128xf32, #tpu.memory_space<vmem_shared>> -> memref<10112x128xf32, #tpu.memory_space<vmem_shared>>
            tpu.wait_indirect_dma semaphore(%run_scoped3A : memref<!tpu.dma_semaphore, #tpu.memory_space<semaphore_mem>>) src(%dma_wait3A_66 : memref<128x128xf32, #tpu.memory_space<vmem>>) dst(%dma_wait3A_72 : memref<10112x128xf32, #tpu.memory_space<vmem_shared>>)
            tpu.yield
          }) : () -> ()
        } else {
        }
      }
      %scan3A_25 = arith.constant 41 : i32
    }
    %scan3A_6 = arith.constant 2 : i32
    %barrier3A_7 = arith.constant 0 : index
    tpu.barrier barrier_id(%barrier3A_7)
    %mul3A_8 = arith.constant 10112 : i32
    %mul3A_9 = arith.muli %arg0, %mul3A_8 : i32
    %add3A_10 = arith.addi %mul3A_9, %mul3A_2 : i32
    "tpu.region"() ({
      %run_scoped3A = tpu.sem_alloc : memref<!tpu.dma_semaphore, #tpu.memory_space<semaphore_mem>>
      %dma_start3A = arith.constant 0 : i32
      %dma_start3A_11 = tpu.memref_slice %arg6[%add3A_10, %dma_start3A] : memref<20224x128xf32, #tpu.memory_space<hbm>> -> memref<632x128xf32, #tpu.memory_space<hbm>>
      %dma_start3A_12 = arith.constant 0 : i32
      %dma_start3A_13 = tpu.memref_slice %arg10[%mul3A_2, %dma_start3A_12] : memref<10112x128xf32, #tpu.memory_space<vmem_shared>> -> memref<632x128xf32, #tpu.memory_space<vmem_shared>>
      tpu.enqueue_dma source(%dma_start3A_13 : memref<632x128xf32, #tpu.memory_space<vmem_shared>>) target(%dma_start3A_11 : memref<632x128xf32, #tpu.memory_space<hbm>>) target_semaphore(%run_scoped3A : memref<!tpu.dma_semaphore, #tpu.memory_space<semaphore_mem>>)
      %dma_wait3A = arith.constant 0 : i32
      %dma_wait3A_14 = tpu.memref_slice %arg6[%add3A_10, %dma_wait3A] : memref<20224x128xf32, #tpu.memory_space<hbm>> -> memref<632x128xf32, #tpu.memory_space<hbm>>
      %dma_wait3A_15 = arith.constant 0 : i32
      %dma_wait3A_16 = tpu.memref_slice %arg10[%mul3A_2, %dma_wait3A_15] : memref<10112x128xf32, #tpu.memory_space<vmem_shared>> -> memref<632x128xf32, #tpu.memory_space<vmem_shared>>
      tpu.wait_dma2 semaphore(%run_scoped3A : memref<!tpu.dma_semaphore, #tpu.memory_space<semaphore_mem>>) src(%dma_wait3A_16 : memref<632x128xf32, #tpu.memory_space<vmem_shared>>) dst(%dma_wait3A_14 : memref<632x128xf32, #tpu.memory_space<hbm>>)
      tpu.yield
    }) : () -> ()
    return
  }
}

#map = affine_map<(d0, d1) -> (0, 0)>
module attributes {stable_mosaic.version = 14 : i64} {
  func.func @step_kernel(%arg0: i32, %arg1: i32, %arg2: memref<10112x128xf32, #tpu.memory_space<hbm>>, %arg3: memref<2560x128xi32, #tpu.memory_space<hbm>>, %arg4: memref<2560x128xi32, #tpu.memory_space<hbm>>, %arg5: memref<632x128xf32, #tpu.memory_space<hbm>>, %arg6: memref<20224x128xf32, #tpu.memory_space<hbm>>, %arg7: memref<40x128xi32, #tpu.memory_space<vmem>>, %arg8: memref<40x128xi32, #tpu.memory_space<vmem>>, %arg9: memref<2x128x128xf32, #tpu.memory_space<vmem>>, %arg10: memref<10112x128xf32, #tpu.memory_space<vmem_shared>>, %arg11: memref<2x!tpu.dma_semaphore, #tpu.memory_space<semaphore_mem>>) attributes {dimension_semantics = [#tpu.dimension_semantics<core_parallel>, #tpu.dimension_semantics<subcore_parallel>], iteration_bounds = array<i64: 2, 16>, scalar_prefetch = 0 : i64, scratch_operands = 5 : i64, tpu.core_type = #tpu.core_type<sc_vector_subcore>, window_params = [{transform_indices = #map}, {transform_indices = #map}, {transform_indices = #map}, {transform_indices = #map}, {transform_indices = #map}]} {
    %mul3A = arith.constant 16 : i32
    %mul3A_0 = arith.muli %arg0, %mul3A : i32
    %add3A = arith.addi %mul3A_0, %arg1 : i32
    %mul3A_1 = arith.constant 632 : i32
    %mul3A_2 = arith.muli %arg1, %mul3A_1 : i32
    "tpu.region"() ({
      %run_scoped3A = tpu.sem_alloc : memref<!tpu.dma_semaphore, #tpu.memory_space<semaphore_mem>>
      %dma_start3A = arith.constant 0 : i32
      %dma_start3A_11 = tpu.memref_slice %arg10[%mul3A_2, %dma_start3A] : memref<10112x128xf32, #tpu.memory_space<vmem_shared>> -> memref<632x128xf32, #tpu.memory_space<vmem_shared>>
      tpu.enqueue_dma source(%arg5 : memref<632x128xf32, #tpu.memory_space<hbm>>) target(%dma_start3A_11 : memref<632x128xf32, #tpu.memory_space<vmem_shared>>) target_semaphore(%run_scoped3A : memref<!tpu.dma_semaphore, #tpu.memory_space<semaphore_mem>>)
      %dma_wait3A = arith.constant 0 : i32
      %dma_wait3A_12 = tpu.memref_slice %arg10[%mul3A_2, %dma_wait3A] : memref<10112x128xf32, #tpu.memory_space<vmem_shared>> -> memref<632x128xf32, #tpu.memory_space<vmem_shared>>
      tpu.wait_dma2 semaphore(%run_scoped3A : memref<!tpu.dma_semaphore, #tpu.memory_space<semaphore_mem>>) src(%arg5 : memref<632x128xf32, #tpu.memory_space<hbm>>) dst(%dma_wait3A_12 : memref<632x128xf32, #tpu.memory_space<vmem_shared>>)
      tpu.yield
    }) : () -> ()
    %barrier3A = arith.constant 0 : index
    tpu.barrier barrier_id(%barrier3A)
    %scan3A = arith.constant 0 : i32
    %scan3A_3 = arith.constant 2 : i32
    %scan3A_4 = arith.addi %scan3A, %scan3A_3 : i32
    %scan3A_5 = arith.constant 1 : i32
    scf.for %scan3A_11 = %scan3A to %scan3A_4 step %scan3A_5  : i32 {
      %mul3A_12 = arith.constant 1 : i32
      %mul3A_13 = arith.muli %scan3A_11, %mul3A_12 : i32
      %add3A_14 = arith.constant 0 : i32
      %add3A_15 = arith.addi %add3A_14, %mul3A_13 : i32
      %mul3A_16 = arith.constant 80 : i32
      %mul3A_17 = arith.muli %add3A, %mul3A_16 : i32
      %mul3A_18 = arith.constant 40 : i32
      %mul3A_19 = arith.muli %add3A_15, %mul3A_18 : i32
      %add3A_20 = arith.addi %mul3A_17, %mul3A_19 : i32
      "tpu.region"() ({
        %run_scoped3A = tpu.sem_alloc : memref<!tpu.dma_semaphore, #tpu.memory_space<semaphore_mem>>
        %dma_start3A = arith.constant 0 : i32
        %dma_start3A_26 = tpu.memref_slice %arg3[%add3A_20, %dma_start3A] : memref<2560x128xi32, #tpu.memory_space<hbm>> -> memref<40x128xi32, #tpu.memory_space<hbm>>
        %dma_start3A_27 = arith.constant 0 : i32
        %dma_start3A_28 = tpu.memref_slice %arg3[%add3A_20, %dma_start3A_27] : memref<2560x128xi32, #tpu.memory_space<hbm>> -> memref<40x128xi32, #tpu.memory_space<hbm>>
        tpu.enqueue_dma source(%dma_start3A_28 : memref<40x128xi32, #tpu.memory_space<hbm>>) target(%arg7 : memref<40x128xi32, #tpu.memory_space<vmem>>) target_semaphore(%run_scoped3A : memref<!tpu.dma_semaphore, #tpu.memory_space<semaphore_mem>>)
        %dma_wait3A = arith.constant 0 : i32
        %dma_wait3A_29 = tpu.memref_slice %arg3[%add3A_20, %dma_wait3A] : memref<2560x128xi32, #tpu.memory_space<hbm>> -> memref<40x128xi32, #tpu.memory_space<hbm>>
        %dma_wait3A_30 = arith.constant 0 : i32
        %dma_wait3A_31 = tpu.memref_slice %arg3[%add3A_20, %dma_wait3A_30] : memref<2560x128xi32, #tpu.memory_space<hbm>> -> memref<40x128xi32, #tpu.memory_space<hbm>>
        tpu.wait_dma2 semaphore(%run_scoped3A : memref<!tpu.dma_semaphore, #tpu.memory_space<semaphore_mem>>) src(%dma_wait3A_31 : memref<40x128xi32, #tpu.memory_space<hbm>>) dst(%arg7 : memref<40x128xi32, #tpu.memory_space<vmem>>)
        tpu.yield
      }) : () -> ()
      "tpu.region"() ({
        %run_scoped3A = tpu.sem_alloc : memref<!tpu.dma_semaphore, #tpu.memory_space<semaphore_mem>>
        %dma_start3A = arith.constant 0 : i32
        %dma_start3A_26 = tpu.memref_slice %arg4[%add3A_20, %dma_start3A] : memref<2560x128xi32, #tpu.memory_space<hbm>> -> memref<40x128xi32, #tpu.memory_space<hbm>>
        %dma_start3A_27 = arith.constant 0 : i32
        %dma_start3A_28 = tpu.memref_slice %arg4[%add3A_20, %dma_start3A_27] : memref<2560x128xi32, #tpu.memory_space<hbm>> -> memref<40x128xi32, #tpu.memory_space<hbm>>
        tpu.enqueue_dma source(%dma_start3A_28 : memref<40x128xi32, #tpu.memory_space<hbm>>) target(%arg8 : memref<40x128xi32, #tpu.memory_space<vmem>>) target_semaphore(%run_scoped3A : memref<!tpu.dma_semaphore, #tpu.memory_space<semaphore_mem>>)
        %dma_wait3A = arith.constant 0 : i32
        %dma_wait3A_29 = tpu.memref_slice %arg4[%add3A_20, %dma_wait3A] : memref<2560x128xi32, #tpu.memory_space<hbm>> -> memref<40x128xi32, #tpu.memory_space<hbm>>
        %dma_wait3A_30 = arith.constant 0 : i32
        %dma_wait3A_31 = tpu.memref_slice %arg4[%add3A_20, %dma_wait3A_30] : memref<2560x128xi32, #tpu.memory_space<hbm>> -> memref<40x128xi32, #tpu.memory_space<hbm>>
        tpu.wait_dma2 semaphore(%run_scoped3A : memref<!tpu.dma_semaphore, #tpu.memory_space<semaphore_mem>>) src(%dma_wait3A_31 : memref<40x128xi32, #tpu.memory_space<hbm>>) dst(%arg8 : memref<40x128xi32, #tpu.memory_space<vmem>>)
        tpu.yield
      }) : () -> ()
      %scan3A_21 = arith.constant 0 : i32
      %scan3A_22 = arith.constant 41 : i32
      %scan3A_23 = arith.addi %scan3A_21, %scan3A_22 : i32
      %scan3A_24 = arith.constant 1 : i32
      scf.for %scan3A_26 = %scan3A_21 to %scan3A_23 step %scan3A_24  : i32 {
        %mul3A_27 = arith.constant 1 : i32
        %mul3A_28 = arith.muli %scan3A_26, %mul3A_27 : i32
        %add3A_29 = arith.constant 0 : i32
        %add3A_30 = arith.addi %add3A_29, %mul3A_28 : i32
        %lt3A = arith.constant 40 : i32
        %lt3A_31 = arith.cmpi slt, %add3A_30, %lt3A : i32
        %convert_element_type3A = arith.extui %lt3A_31 : i1 to i32
        %cond3A = arith.constant 0 : i32
        %cond3A_32 = arith.cmpi ne, %convert_element_type3A, %cond3A : i32
        scf.if %cond3A_32 {
          %rem3A = arith.constant 2 : i32
          %rem3A_37 = arith.remsi %add3A_30, %rem3A : i32
          %rem3A_38 = arith.constant 2 : i32
          %rem3A_39 = arith.remsi %add3A_30, %rem3A_38 : i32
          %dma_start3A = arith.constant 0 : i32
          %dma_start3A_40 = arith.constant 0 : i32
          %dma_start3A_41 = tpu.memref_slice %arg9[%rem3A_37, %dma_start3A, %dma_start3A_40] : memref<2x128x128xf32, #tpu.memory_space<vmem>> -> memref<1x128x128xf32, #tpu.memory_space<vmem>>
          %dma_start3A_42 = tpu.memref_squeeze %dma_start3A_41 : memref<1x128x128xf32, #tpu.memory_space<vmem>> -> memref<128x128xf32, #tpu.memory_space<vmem>>
          %dma_start3A_43 = arith.constant 0 : i32
          %dma_start3A_44 = tpu.memref_slice %arg7[%add3A_30, %dma_start3A_43] : memref<40x128xi32, #tpu.memory_space<vmem>> -> memref<1x128xi32, #tpu.memory_space<vmem>>
          %dma_start3A_45 = tpu.memref_squeeze %dma_start3A_44 : memref<1x128xi32, #tpu.memory_space<vmem>> -> memref<128xi32, #tpu.memory_space<vmem>>
          %dma_start3A_46 = arith.constant 0 : i32
          %dma_start3A_47 = arith.constant 0 : i32
          %dma_start3A_48 = tpu.memref_slice %arg2[%dma_start3A_46, %dma_start3A_47] : memref<10112x128xf32, #tpu.memory_space<hbm>> -> memref<10112x128xf32, #tpu.memory_space<hbm>>
          %dma_start3A_49 = tpu.memref_slice %arg11[%rem3A_39] : memref<2x!tpu.dma_semaphore, #tpu.memory_space<semaphore_mem>> -> memref<1x!tpu.dma_semaphore, #tpu.memory_space<semaphore_mem>>
          %dma_start3A_50 = tpu.memref_squeeze %dma_start3A_49 : memref<1x!tpu.dma_semaphore, #tpu.memory_space<semaphore_mem>> -> memref<!tpu.dma_semaphore, #tpu.memory_space<semaphore_mem>>
          tpu.enqueue_indirect_dma source(%dma_start3A_48 : memref<10112x128xf32, #tpu.memory_space<hbm>>) target(%dma_start3A_42 : memref<128x128xf32, #tpu.memory_space<vmem>>) offsets(%dma_start3A_45 : memref<128xi32, #tpu.memory_space<vmem>>) semaphore(%dma_start3A_50 : memref<!tpu.dma_semaphore, #tpu.memory_space<semaphore_mem>>)
        } else {
        }
        %gt3A = arith.constant 0 : i32
        %gt3A_33 = arith.cmpi sgt, %add3A_30, %gt3A : i32
        %convert_element_type3A_34 = arith.extui %gt3A_33 : i1 to i32
        %cond3A_35 = arith.constant 0 : i32
        %cond3A_36 = arith.cmpi ne, %convert_element_type3A_34, %cond3A_35 : i32
        scf.if %cond3A_36 {
          %sub3A = arith.constant 1 : i32
          %sub3A_37 = arith.subi %add3A_30, %sub3A : i32
          %rem3A = arith.constant 2 : i32
          %rem3A_38 = arith.remsi %sub3A_37, %rem3A : i32
          %rem3A_39 = arith.constant 2 : i32
          %rem3A_40 = arith.remsi %sub3A_37, %rem3A_39 : i32
          %dma_wait3A = arith.constant 0 : i32
          %dma_wait3A_41 = arith.constant 0 : i32
          %dma_wait3A_42 = tpu.memref_slice %arg9[%rem3A_38, %dma_wait3A, %dma_wait3A_41] : memref<2x128x128xf32, #tpu.memory_space<vmem>> -> memref<1x128x128xf32, #tpu.memory_space<vmem>>
          %dma_wait3A_43 = tpu.memref_squeeze %dma_wait3A_42 : memref<1x128x128xf32, #tpu.memory_space<vmem>> -> memref<128x128xf32, #tpu.memory_space<vmem>>
          %dma_wait3A_44 = arith.constant 0 : i32
          %dma_wait3A_45 = tpu.memref_slice %arg7[%sub3A_37, %dma_wait3A_44] : memref<40x128xi32, #tpu.memory_space<vmem>> -> memref<1x128xi32, #tpu.memory_space<vmem>>
          %dma_wait3A_46 = tpu.memref_squeeze %dma_wait3A_45 : memref<1x128xi32, #tpu.memory_space<vmem>> -> memref<128xi32, #tpu.memory_space<vmem>>
          %dma_wait3A_47 = arith.constant 0 : i32
          %dma_wait3A_48 = arith.constant 0 : i32
          %dma_wait3A_49 = tpu.memref_slice %arg2[%dma_wait3A_47, %dma_wait3A_48] : memref<10112x128xf32, #tpu.memory_space<hbm>> -> memref<10112x128xf32, #tpu.memory_space<hbm>>
          %dma_wait3A_50 = tpu.memref_slice %arg11[%rem3A_40] : memref<2x!tpu.dma_semaphore, #tpu.memory_space<semaphore_mem>> -> memref<1x!tpu.dma_semaphore, #tpu.memory_space<semaphore_mem>>
          %dma_wait3A_51 = tpu.memref_squeeze %dma_wait3A_50 : memref<1x!tpu.dma_semaphore, #tpu.memory_space<semaphore_mem>> -> memref<!tpu.dma_semaphore, #tpu.memory_space<semaphore_mem>>
          tpu.wait_indirect_dma semaphore(%dma_wait3A_51 : memref<!tpu.dma_semaphore, #tpu.memory_space<semaphore_mem>>) src(%dma_wait3A_49 : memref<10112x128xf32, #tpu.memory_space<hbm>>) dst(%dma_wait3A_43 : memref<128x128xf32, #tpu.memory_space<vmem>>)
          %rem3A_52 = arith.constant 2 : i32
          %rem3A_53 = arith.remsi %sub3A_37, %rem3A_52 : i32
          "tpu.region"() ({
            %run_scoped3A = tpu.sem_alloc : memref<!tpu.dma_semaphore, #tpu.memory_space<semaphore_mem>>
            %dma_start3A = arith.constant 0 : i32
            %dma_start3A_54 = arith.constant 0 : i32
            %dma_start3A_55 = tpu.memref_slice %arg9[%rem3A_53, %dma_start3A, %dma_start3A_54] : memref<2x128x128xf32, #tpu.memory_space<vmem>> -> memref<1x128x128xf32, #tpu.memory_space<vmem>>
            %dma_start3A_56 = tpu.memref_squeeze %dma_start3A_55 : memref<1x128x128xf32, #tpu.memory_space<vmem>> -> memref<128x128xf32, #tpu.memory_space<vmem>>
            %dma_start3A_57 = arith.constant 0 : i32
            %dma_start3A_58 = tpu.memref_slice %arg8[%sub3A_37, %dma_start3A_57] : memref<40x128xi32, #tpu.memory_space<vmem>> -> memref<1x128xi32, #tpu.memory_space<vmem>>
            %dma_start3A_59 = tpu.memref_squeeze %dma_start3A_58 : memref<1x128xi32, #tpu.memory_space<vmem>> -> memref<128xi32, #tpu.memory_space<vmem>>
            %dma_start3A_60 = arith.constant 0 : i32
            %dma_start3A_61 = arith.constant 0 : i32
            %dma_start3A_62 = tpu.memref_slice %arg10[%dma_start3A_60, %dma_start3A_61] : memref<10112x128xf32, #tpu.memory_space<vmem_shared>> -> memref<10112x128xf32, #tpu.memory_space<vmem_shared>>
            tpu.enqueue_indirect_dma source(%dma_start3A_56 : memref<128x128xf32, #tpu.memory_space<vmem>>) target(%dma_start3A_62 : memref<10112x128xf32, #tpu.memory_space<vmem_shared>>) offsets(%dma_start3A_59 : memref<128xi32, #tpu.memory_space<vmem>>) semaphore(%run_scoped3A : memref<!tpu.dma_semaphore, #tpu.memory_space<semaphore_mem>>) {add = true}
            %dma_wait3A_63 = arith.constant 0 : i32
            %dma_wait3A_64 = arith.constant 0 : i32
            %dma_wait3A_65 = tpu.memref_slice %arg9[%rem3A_53, %dma_wait3A_63, %dma_wait3A_64] : memref<2x128x128xf32, #tpu.memory_space<vmem>> -> memref<1x128x128xf32, #tpu.memory_space<vmem>>
            %dma_wait3A_66 = tpu.memref_squeeze %dma_wait3A_65 : memref<1x128x128xf32, #tpu.memory_space<vmem>> -> memref<128x128xf32, #tpu.memory_space<vmem>>
            %dma_wait3A_67 = arith.constant 0 : i32
            %dma_wait3A_68 = tpu.memref_slice %arg8[%sub3A_37, %dma_wait3A_67] : memref<40x128xi32, #tpu.memory_space<vmem>> -> memref<1x128xi32, #tpu.memory_space<vmem>>
            %dma_wait3A_69 = tpu.memref_squeeze %dma_wait3A_68 : memref<1x128xi32, #tpu.memory_space<vmem>> -> memref<128xi32, #tpu.memory_space<vmem>>
            %dma_wait3A_70 = arith.constant 0 : i32
            %dma_wait3A_71 = arith.constant 0 : i32
            %dma_wait3A_72 = tpu.memref_slice %arg10[%dma_wait3A_70, %dma_wait3A_71] : memref<10112x128xf32, #tpu.memory_space<vmem_shared>> -> memref<10112x128xf32, #tpu.memory_space<vmem_shared>>
            tpu.wait_indirect_dma semaphore(%run_scoped3A : memref<!tpu.dma_semaphore, #tpu.memory_space<semaphore_mem>>) src(%dma_wait3A_66 : memref<128x128xf32, #tpu.memory_space<vmem>>) dst(%dma_wait3A_72 : memref<10112x128xf32, #tpu.memory_space<vmem_shared>>)
            tpu.yield
          }) : () -> ()
        } else {
        }
      }
      %scan3A_25 = arith.constant 41 : i32
    }
    %scan3A_6 = arith.constant 2 : i32
    %barrier3A_7 = arith.constant 0 : index
    tpu.barrier barrier_id(%barrier3A_7)
    %mul3A_8 = arith.constant 10112 : i32
    %mul3A_9 = arith.muli %arg0, %mul3A_8 : i32
    %add3A_10 = arith.addi %mul3A_9, %mul3A_2 : i32
    "tpu.region"() ({
      %run_scoped3A = tpu.sem_alloc : memref<!tpu.dma_semaphore, #tpu.memory_space<semaphore_mem>>
      %dma_start3A = arith.constant 0 : i32
      %dma_start3A_11 = tpu.memref_slice %arg6[%add3A_10, %dma_start3A] : memref<20224x128xf32, #tpu.memory_space<hbm>> -> memref<632x128xf32, #tpu.memory_space<hbm>>
      %dma_start3A_12 = arith.constant 0 : i32
      %dma_start3A_13 = tpu.memref_slice %arg10[%mul3A_2, %dma_start3A_12] : memref<10112x128xf32, #tpu.memory_space<vmem_shared>> -> memref<632x128xf32, #tpu.memory_space<vmem_shared>>
      tpu.enqueue_dma source(%dma_start3A_13 : memref<632x128xf32, #tpu.memory_space<vmem_shared>>) target(%dma_start3A_11 : memref<632x128xf32, #tpu.memory_space<hbm>>) target_semaphore(%run_scoped3A : memref<!tpu.dma_semaphore, #tpu.memory_space<semaphore_mem>>)
      %dma_wait3A = arith.constant 0 : i32
      %dma_wait3A_14 = tpu.memref_slice %arg6[%add3A_10, %dma_wait3A] : memref<20224x128xf32, #tpu.memory_space<hbm>> -> memref<632x128xf32, #tpu.memory_space<hbm>>
      %dma_wait3A_15 = arith.constant 0 : i32
      %dma_wait3A_16 = tpu.memref_slice %arg10[%mul3A_2, %dma_wait3A_15] : memref<10112x128xf32, #tpu.memory_space<vmem_shared>> -> memref<632x128xf32, #tpu.memory_space<vmem_shared>>
      tpu.wait_dma2 semaphore(%run_scoped3A : memref<!tpu.dma_semaphore, #tpu.memory_space<semaphore_mem>>) src(%dma_wait3A_16 : memref<632x128xf32, #tpu.memory_space<vmem_shared>>) dst(%dma_wait3A_14 : memref<632x128xf32, #tpu.memory_space<hbm>>)
      tpu.yield
    }) : () -> ()
    return
  }
}

#map = affine_map<(d0, d1) -> (0, 0)>
module attributes {stable_mosaic.version = 14 : i64} {
  func.func @step_kernel(%arg0: i32, %arg1: i32, %arg2: memref<10112x128xf32, #tpu.memory_space<hbm>>, %arg3: memref<2560x128xi32, #tpu.memory_space<hbm>>, %arg4: memref<2560x128xi32, #tpu.memory_space<hbm>>, %arg5: memref<632x128xf32, #tpu.memory_space<hbm>>, %arg6: memref<20224x128xf32, #tpu.memory_space<hbm>>, %arg7: memref<40x128xi32, #tpu.memory_space<vmem>>, %arg8: memref<40x128xi32, #tpu.memory_space<vmem>>, %arg9: memref<2x128x128xf32, #tpu.memory_space<vmem>>, %arg10: memref<10112x128xf32, #tpu.memory_space<vmem_shared>>, %arg11: memref<2x!tpu.dma_semaphore, #tpu.memory_space<semaphore_mem>>) attributes {dimension_semantics = [#tpu.dimension_semantics<core_parallel>, #tpu.dimension_semantics<subcore_parallel>], iteration_bounds = array<i64: 2, 16>, scalar_prefetch = 0 : i64, scratch_operands = 5 : i64, tpu.core_type = #tpu.core_type<sc_vector_subcore>, window_params = [{transform_indices = #map}, {transform_indices = #map}, {transform_indices = #map}, {transform_indices = #map}, {transform_indices = #map}]} {
    %mul3A = arith.constant 16 : i32
    %mul3A_0 = arith.muli %arg0, %mul3A : i32
    %add3A = arith.addi %mul3A_0, %arg1 : i32
    %mul3A_1 = arith.constant 632 : i32
    %mul3A_2 = arith.muli %arg1, %mul3A_1 : i32
    "tpu.region"() ({
      %run_scoped3A = tpu.sem_alloc : memref<!tpu.dma_semaphore, #tpu.memory_space<semaphore_mem>>
      %dma_start3A = arith.constant 0 : i32
      %dma_start3A_11 = tpu.memref_slice %arg10[%mul3A_2, %dma_start3A] : memref<10112x128xf32, #tpu.memory_space<vmem_shared>> -> memref<632x128xf32, #tpu.memory_space<vmem_shared>>
      tpu.enqueue_dma source(%arg5 : memref<632x128xf32, #tpu.memory_space<hbm>>) target(%dma_start3A_11 : memref<632x128xf32, #tpu.memory_space<vmem_shared>>) target_semaphore(%run_scoped3A : memref<!tpu.dma_semaphore, #tpu.memory_space<semaphore_mem>>)
      %dma_wait3A = arith.constant 0 : i32
      %dma_wait3A_12 = tpu.memref_slice %arg10[%mul3A_2, %dma_wait3A] : memref<10112x128xf32, #tpu.memory_space<vmem_shared>> -> memref<632x128xf32, #tpu.memory_space<vmem_shared>>
      tpu.wait_dma2 semaphore(%run_scoped3A : memref<!tpu.dma_semaphore, #tpu.memory_space<semaphore_mem>>) src(%arg5 : memref<632x128xf32, #tpu.memory_space<hbm>>) dst(%dma_wait3A_12 : memref<632x128xf32, #tpu.memory_space<vmem_shared>>)
      tpu.yield
    }) : () -> ()
    %barrier3A = arith.constant 0 : index
    tpu.barrier barrier_id(%barrier3A)
    %scan3A = arith.constant 0 : i32
    %scan3A_3 = arith.constant 2 : i32
    %scan3A_4 = arith.addi %scan3A, %scan3A_3 : i32
    %scan3A_5 = arith.constant 1 : i32
    scf.for %scan3A_11 = %scan3A to %scan3A_4 step %scan3A_5  : i32 {
      %mul3A_12 = arith.constant 1 : i32
      %mul3A_13 = arith.muli %scan3A_11, %mul3A_12 : i32
      %add3A_14 = arith.constant 0 : i32
      %add3A_15 = arith.addi %add3A_14, %mul3A_13 : i32
      %mul3A_16 = arith.constant 80 : i32
      %mul3A_17 = arith.muli %add3A, %mul3A_16 : i32
      %mul3A_18 = arith.constant 40 : i32
      %mul3A_19 = arith.muli %add3A_15, %mul3A_18 : i32
      %add3A_20 = arith.addi %mul3A_17, %mul3A_19 : i32
      "tpu.region"() ({
        %run_scoped3A = tpu.sem_alloc : memref<!tpu.dma_semaphore, #tpu.memory_space<semaphore_mem>>
        %dma_start3A = arith.constant 0 : i32
        %dma_start3A_26 = tpu.memref_slice %arg3[%add3A_20, %dma_start3A] : memref<2560x128xi32, #tpu.memory_space<hbm>> -> memref<40x128xi32, #tpu.memory_space<hbm>>
        %dma_start3A_27 = arith.constant 0 : i32
        %dma_start3A_28 = tpu.memref_slice %arg3[%add3A_20, %dma_start3A_27] : memref<2560x128xi32, #tpu.memory_space<hbm>> -> memref<40x128xi32, #tpu.memory_space<hbm>>
        tpu.enqueue_dma source(%dma_start3A_28 : memref<40x128xi32, #tpu.memory_space<hbm>>) target(%arg7 : memref<40x128xi32, #tpu.memory_space<vmem>>) target_semaphore(%run_scoped3A : memref<!tpu.dma_semaphore, #tpu.memory_space<semaphore_mem>>)
        %dma_wait3A = arith.constant 0 : i32
        %dma_wait3A_29 = tpu.memref_slice %arg3[%add3A_20, %dma_wait3A] : memref<2560x128xi32, #tpu.memory_space<hbm>> -> memref<40x128xi32, #tpu.memory_space<hbm>>
        %dma_wait3A_30 = arith.constant 0 : i32
        %dma_wait3A_31 = tpu.memref_slice %arg3[%add3A_20, %dma_wait3A_30] : memref<2560x128xi32, #tpu.memory_space<hbm>> -> memref<40x128xi32, #tpu.memory_space<hbm>>
        tpu.wait_dma2 semaphore(%run_scoped3A : memref<!tpu.dma_semaphore, #tpu.memory_space<semaphore_mem>>) src(%dma_wait3A_31 : memref<40x128xi32, #tpu.memory_space<hbm>>) dst(%arg7 : memref<40x128xi32, #tpu.memory_space<vmem>>)
        tpu.yield
      }) : () -> ()
      "tpu.region"() ({
        %run_scoped3A = tpu.sem_alloc : memref<!tpu.dma_semaphore, #tpu.memory_space<semaphore_mem>>
        %dma_start3A = arith.constant 0 : i32
        %dma_start3A_26 = tpu.memref_slice %arg4[%add3A_20, %dma_start3A] : memref<2560x128xi32, #tpu.memory_space<hbm>> -> memref<40x128xi32, #tpu.memory_space<hbm>>
        %dma_start3A_27 = arith.constant 0 : i32
        %dma_start3A_28 = tpu.memref_slice %arg4[%add3A_20, %dma_start3A_27] : memref<2560x128xi32, #tpu.memory_space<hbm>> -> memref<40x128xi32, #tpu.memory_space<hbm>>
        tpu.enqueue_dma source(%dma_start3A_28 : memref<40x128xi32, #tpu.memory_space<hbm>>) target(%arg8 : memref<40x128xi32, #tpu.memory_space<vmem>>) target_semaphore(%run_scoped3A : memref<!tpu.dma_semaphore, #tpu.memory_space<semaphore_mem>>)
        %dma_wait3A = arith.constant 0 : i32
        %dma_wait3A_29 = tpu.memref_slice %arg4[%add3A_20, %dma_wait3A] : memref<2560x128xi32, #tpu.memory_space<hbm>> -> memref<40x128xi32, #tpu.memory_space<hbm>>
        %dma_wait3A_30 = arith.constant 0 : i32
        %dma_wait3A_31 = tpu.memref_slice %arg4[%add3A_20, %dma_wait3A_30] : memref<2560x128xi32, #tpu.memory_space<hbm>> -> memref<40x128xi32, #tpu.memory_space<hbm>>
        tpu.wait_dma2 semaphore(%run_scoped3A : memref<!tpu.dma_semaphore, #tpu.memory_space<semaphore_mem>>) src(%dma_wait3A_31 : memref<40x128xi32, #tpu.memory_space<hbm>>) dst(%arg8 : memref<40x128xi32, #tpu.memory_space<vmem>>)
        tpu.yield
      }) : () -> ()
      %scan3A_21 = arith.constant 0 : i32
      %scan3A_22 = arith.constant 41 : i32
      %scan3A_23 = arith.addi %scan3A_21, %scan3A_22 : i32
      %scan3A_24 = arith.constant 1 : i32
      scf.for %scan3A_26 = %scan3A_21 to %scan3A_23 step %scan3A_24  : i32 {
        %mul3A_27 = arith.constant 1 : i32
        %mul3A_28 = arith.muli %scan3A_26, %mul3A_27 : i32
        %add3A_29 = arith.constant 0 : i32
        %add3A_30 = arith.addi %add3A_29, %mul3A_28 : i32
        %lt3A = arith.constant 40 : i32
        %lt3A_31 = arith.cmpi slt, %add3A_30, %lt3A : i32
        %convert_element_type3A = arith.extui %lt3A_31 : i1 to i32
        %cond3A = arith.constant 0 : i32
        %cond3A_32 = arith.cmpi ne, %convert_element_type3A, %cond3A : i32
        scf.if %cond3A_32 {
          %rem3A = arith.constant 2 : i32
          %rem3A_37 = arith.remsi %add3A_30, %rem3A : i32
          %rem3A_38 = arith.constant 2 : i32
          %rem3A_39 = arith.remsi %add3A_30, %rem3A_38 : i32
          %dma_start3A = arith.constant 0 : i32
          %dma_start3A_40 = arith.constant 0 : i32
          %dma_start3A_41 = tpu.memref_slice %arg9[%rem3A_37, %dma_start3A, %dma_start3A_40] : memref<2x128x128xf32, #tpu.memory_space<vmem>> -> memref<1x128x128xf32, #tpu.memory_space<vmem>>
          %dma_start3A_42 = tpu.memref_squeeze %dma_start3A_41 : memref<1x128x128xf32, #tpu.memory_space<vmem>> -> memref<128x128xf32, #tpu.memory_space<vmem>>
          %dma_start3A_43 = arith.constant 0 : i32
          %dma_start3A_44 = tpu.memref_slice %arg7[%add3A_30, %dma_start3A_43] : memref<40x128xi32, #tpu.memory_space<vmem>> -> memref<1x128xi32, #tpu.memory_space<vmem>>
          %dma_start3A_45 = tpu.memref_squeeze %dma_start3A_44 : memref<1x128xi32, #tpu.memory_space<vmem>> -> memref<128xi32, #tpu.memory_space<vmem>>
          %dma_start3A_46 = arith.constant 0 : i32
          %dma_start3A_47 = arith.constant 0 : i32
          %dma_start3A_48 = tpu.memref_slice %arg2[%dma_start3A_46, %dma_start3A_47] : memref<10112x128xf32, #tpu.memory_space<hbm>> -> memref<10112x128xf32, #tpu.memory_space<hbm>>
          %dma_start3A_49 = tpu.memref_slice %arg11[%rem3A_39] : memref<2x!tpu.dma_semaphore, #tpu.memory_space<semaphore_mem>> -> memref<1x!tpu.dma_semaphore, #tpu.memory_space<semaphore_mem>>
          %dma_start3A_50 = tpu.memref_squeeze %dma_start3A_49 : memref<1x!tpu.dma_semaphore, #tpu.memory_space<semaphore_mem>> -> memref<!tpu.dma_semaphore, #tpu.memory_space<semaphore_mem>>
          tpu.enqueue_indirect_dma source(%dma_start3A_48 : memref<10112x128xf32, #tpu.memory_space<hbm>>) target(%dma_start3A_42 : memref<128x128xf32, #tpu.memory_space<vmem>>) offsets(%dma_start3A_45 : memref<128xi32, #tpu.memory_space<vmem>>) semaphore(%dma_start3A_50 : memref<!tpu.dma_semaphore, #tpu.memory_space<semaphore_mem>>)
        } else {
        }
        %gt3A = arith.constant 0 : i32
        %gt3A_33 = arith.cmpi sgt, %add3A_30, %gt3A : i32
        %convert_element_type3A_34 = arith.extui %gt3A_33 : i1 to i32
        %cond3A_35 = arith.constant 0 : i32
        %cond3A_36 = arith.cmpi ne, %convert_element_type3A_34, %cond3A_35 : i32
        scf.if %cond3A_36 {
          %sub3A = arith.constant 1 : i32
          %sub3A_37 = arith.subi %add3A_30, %sub3A : i32
          %rem3A = arith.constant 2 : i32
          %rem3A_38 = arith.remsi %sub3A_37, %rem3A : i32
          %rem3A_39 = arith.constant 2 : i32
          %rem3A_40 = arith.remsi %sub3A_37, %rem3A_39 : i32
          %dma_wait3A = arith.constant 0 : i32
          %dma_wait3A_41 = arith.constant 0 : i32
          %dma_wait3A_42 = tpu.memref_slice %arg9[%rem3A_38, %dma_wait3A, %dma_wait3A_41] : memref<2x128x128xf32, #tpu.memory_space<vmem>> -> memref<1x128x128xf32, #tpu.memory_space<vmem>>
          %dma_wait3A_43 = tpu.memref_squeeze %dma_wait3A_42 : memref<1x128x128xf32, #tpu.memory_space<vmem>> -> memref<128x128xf32, #tpu.memory_space<vmem>>
          %dma_wait3A_44 = arith.constant 0 : i32
          %dma_wait3A_45 = tpu.memref_slice %arg7[%sub3A_37, %dma_wait3A_44] : memref<40x128xi32, #tpu.memory_space<vmem>> -> memref<1x128xi32, #tpu.memory_space<vmem>>
          %dma_wait3A_46 = tpu.memref_squeeze %dma_wait3A_45 : memref<1x128xi32, #tpu.memory_space<vmem>> -> memref<128xi32, #tpu.memory_space<vmem>>
          %dma_wait3A_47 = arith.constant 0 : i32
          %dma_wait3A_48 = arith.constant 0 : i32
          %dma_wait3A_49 = tpu.memref_slice %arg2[%dma_wait3A_47, %dma_wait3A_48] : memref<10112x128xf32, #tpu.memory_space<hbm>> -> memref<10112x128xf32, #tpu.memory_space<hbm>>
          %dma_wait3A_50 = tpu.memref_slice %arg11[%rem3A_40] : memref<2x!tpu.dma_semaphore, #tpu.memory_space<semaphore_mem>> -> memref<1x!tpu.dma_semaphore, #tpu.memory_space<semaphore_mem>>
          %dma_wait3A_51 = tpu.memref_squeeze %dma_wait3A_50 : memref<1x!tpu.dma_semaphore, #tpu.memory_space<semaphore_mem>> -> memref<!tpu.dma_semaphore, #tpu.memory_space<semaphore_mem>>
          tpu.wait_indirect_dma semaphore(%dma_wait3A_51 : memref<!tpu.dma_semaphore, #tpu.memory_space<semaphore_mem>>) src(%dma_wait3A_49 : memref<10112x128xf32, #tpu.memory_space<hbm>>) dst(%dma_wait3A_43 : memref<128x128xf32, #tpu.memory_space<vmem>>)
          %rem3A_52 = arith.constant 2 : i32
          %rem3A_53 = arith.remsi %sub3A_37, %rem3A_52 : i32
          "tpu.region"() ({
            %run_scoped3A = tpu.sem_alloc : memref<!tpu.dma_semaphore, #tpu.memory_space<semaphore_mem>>
            %dma_start3A = arith.constant 0 : i32
            %dma_start3A_54 = arith.constant 0 : i32
            %dma_start3A_55 = tpu.memref_slice %arg9[%rem3A_53, %dma_start3A, %dma_start3A_54] : memref<2x128x128xf32, #tpu.memory_space<vmem>> -> memref<1x128x128xf32, #tpu.memory_space<vmem>>
            %dma_start3A_56 = tpu.memref_squeeze %dma_start3A_55 : memref<1x128x128xf32, #tpu.memory_space<vmem>> -> memref<128x128xf32, #tpu.memory_space<vmem>>
            %dma_start3A_57 = arith.constant 0 : i32
            %dma_start3A_58 = tpu.memref_slice %arg8[%sub3A_37, %dma_start3A_57] : memref<40x128xi32, #tpu.memory_space<vmem>> -> memref<1x128xi32, #tpu.memory_space<vmem>>
            %dma_start3A_59 = tpu.memref_squeeze %dma_start3A_58 : memref<1x128xi32, #tpu.memory_space<vmem>> -> memref<128xi32, #tpu.memory_space<vmem>>
            %dma_start3A_60 = arith.constant 0 : i32
            %dma_start3A_61 = arith.constant 0 : i32
            %dma_start3A_62 = tpu.memref_slice %arg10[%dma_start3A_60, %dma_start3A_61] : memref<10112x128xf32, #tpu.memory_space<vmem_shared>> -> memref<10112x128xf32, #tpu.memory_space<vmem_shared>>
            tpu.enqueue_indirect_dma source(%dma_start3A_56 : memref<128x128xf32, #tpu.memory_space<vmem>>) target(%dma_start3A_62 : memref<10112x128xf32, #tpu.memory_space<vmem_shared>>) offsets(%dma_start3A_59 : memref<128xi32, #tpu.memory_space<vmem>>) semaphore(%run_scoped3A : memref<!tpu.dma_semaphore, #tpu.memory_space<semaphore_mem>>) {add = true}
            %dma_wait3A_63 = arith.constant 0 : i32
            %dma_wait3A_64 = arith.constant 0 : i32
            %dma_wait3A_65 = tpu.memref_slice %arg9[%rem3A_53, %dma_wait3A_63, %dma_wait3A_64] : memref<2x128x128xf32, #tpu.memory_space<vmem>> -> memref<1x128x128xf32, #tpu.memory_space<vmem>>
            %dma_wait3A_66 = tpu.memref_squeeze %dma_wait3A_65 : memref<1x128x128xf32, #tpu.memory_space<vmem>> -> memref<128x128xf32, #tpu.memory_space<vmem>>
            %dma_wait3A_67 = arith.constant 0 : i32
            %dma_wait3A_68 = tpu.memref_slice %arg8[%sub3A_37, %dma_wait3A_67] : memref<40x128xi32, #tpu.memory_space<vmem>> -> memref<1x128xi32, #tpu.memory_space<vmem>>
            %dma_wait3A_69 = tpu.memref_squeeze %dma_wait3A_68 : memref<1x128xi32, #tpu.memory_space<vmem>> -> memref<128xi32, #tpu.memory_space<vmem>>
            %dma_wait3A_70 = arith.constant 0 : i32
            %dma_wait3A_71 = arith.constant 0 : i32
            %dma_wait3A_72 = tpu.memref_slice %arg10[%dma_wait3A_70, %dma_wait3A_71] : memref<10112x128xf32, #tpu.memory_space<vmem_shared>> -> memref<10112x128xf32, #tpu.memory_space<vmem_shared>>
            tpu.wait_indirect_dma semaphore(%run_scoped3A : memref<!tpu.dma_semaphore, #tpu.memory_space<semaphore_mem>>) src(%dma_wait3A_66 : memref<128x128xf32, #tpu.memory_space<vmem>>) dst(%dma_wait3A_72 : memref<10112x128xf32, #tpu.memory_space<vmem_shared>>)
            tpu.yield
          }) : () -> ()
        } else {
        }
      }
      %scan3A_25 = arith.constant 41 : i32
    }
    %scan3A_6 = arith.constant 2 : i32
    %barrier3A_7 = arith.constant 0 : index
    tpu.barrier barrier_id(%barrier3A_7)
    %mul3A_8 = arith.constant 10112 : i32
    %mul3A_9 = arith.muli %arg0, %mul3A_8 : i32
    %add3A_10 = arith.addi %mul3A_9, %mul3A_2 : i32
    "tpu.region"() ({
      %run_scoped3A = tpu.sem_alloc : memref<!tpu.dma_semaphore, #tpu.memory_space<semaphore_mem>>
      %dma_start3A = arith.constant 0 : i32
      %dma_start3A_11 = tpu.memref_slice %arg6[%add3A_10, %dma_start3A] : memref<20224x128xf32, #tpu.memory_space<hbm>> -> memref<632x128xf32, #tpu.memory_space<hbm>>
      %dma_start3A_12 = arith.constant 0 : i32
      %dma_start3A_13 = tpu.memref_slice %arg10[%mul3A_2, %dma_start3A_12] : memref<10112x128xf32, #tpu.memory_space<vmem_shared>> -> memref<632x128xf32, #tpu.memory_space<vmem_shared>>
      tpu.enqueue_dma source(%dma_start3A_13 : memref<632x128xf32, #tpu.memory_space<vmem_shared>>) target(%dma_start3A_11 : memref<632x128xf32, #tpu.memory_space<hbm>>) target_semaphore(%run_scoped3A : memref<!tpu.dma_semaphore, #tpu.memory_space<semaphore_mem>>)
      %dma_wait3A = arith.constant 0 : i32
      %dma_wait3A_14 = tpu.memref_slice %arg6[%add3A_10, %dma_wait3A] : memref<20224x128xf32, #tpu.memory_space<hbm>> -> memref<632x128xf32, #tpu.memory_space<hbm>>
      %dma_wait3A_15 = arith.constant 0 : i32
      %dma_wait3A_16 = tpu.memref_slice %arg10[%mul3A_2, %dma_wait3A_15] : memref<10112x128xf32, #tpu.memory_space<vmem_shared>> -> memref<632x128xf32, #tpu.memory_space<vmem_shared>>
      tpu.wait_dma2 semaphore(%run_scoped3A : memref<!tpu.dma_semaphore, #tpu.memory_space<semaphore_mem>>) src(%dma_wait3A_16 : memref<632x128xf32, #tpu.memory_space<vmem_shared>>) dst(%dma_wait3A_14 : memref<632x128xf32, #tpu.memory_space<hbm>>)
      tpu.yield
    }) : () -> ()
    return
  }
}

module attributes {stable_mosaic.version = 14 : i64} {
  func.func @_mlp_body(%arg0: i32, %arg1: memref<1000x256xf32, #tpu.memory_space<vmem>>, %arg2: memref<256x256xf32, #tpu.memory_space<vmem>>, %arg3: memref<1x256xf32, #tpu.memory_space<vmem>>, %arg4: memref<128x256xf32, #tpu.memory_space<vmem>>, %arg5: memref<1x128xf32, #tpu.memory_space<vmem>>, %arg6: memref<1000x256xf32, #tpu.memory_space<vmem>>, %arg7: memref<1000x128xf32, #tpu.memory_space<vmem>>) attributes {dimension_semantics = [#tpu.dimension_semantics<arbitrary>], iteration_bounds = array<i64: 10>, scalar_prefetch = 0 : i64, scratch_operands = 0 : i64, tpu.core_type = #tpu.core_type<tc>, window_params = [{transform_indices = @transform_0, window_bounds = array<i64: 1000, 256>}, {pipeline_mode = #tpu.pipeline_mode<synchronous>, transform_indices = @transform_1, window_bounds = array<i64: 256, 256>}, {pipeline_mode = #tpu.pipeline_mode<synchronous>, transform_indices = @transform_2, window_bounds = array<i64: 1, 256>}, {pipeline_mode = #tpu.pipeline_mode<synchronous>, transform_indices = @transform_3, window_bounds = array<i64: 128, 256>}, {pipeline_mode = #tpu.pipeline_mode<synchronous>, transform_indices = @transform_4, window_bounds = array<i64: 1, 128>}, {transform_indices = @transform_5, window_bounds = array<i64: 1000, 256>}, {transform_indices = @transform_6, window_bounds = array<i64: 1000, 128>}]} {
    %get3A = arith.constant 0 : index
    %get3A_0 = arith.constant 0 : index
    %get3A_1 = vector.load %arg1[%get3A, %get3A_0] : memref<1000x256xf32, #tpu.memory_space<vmem>>, vector<1000x256xf32>
    %get3A_2 = arith.constant 0 : index
    %get3A_3 = arith.constant 0 : index
    %get3A_4 = vector.load %arg2[%get3A_2, %get3A_3] : memref<256x256xf32, #tpu.memory_space<vmem>>, vector<256x256xf32>
    %dot_general3A = arith.constant dense<0.000000e+00> : vector<1000x256xf32>
    %dot_general3A_5 = tpu.matmul %get3A_1, %get3A_4, %dot_general3A {dimension_numbers = #tpu.dot_dimension_numbers<[1], [1], [0], [0], [0, 0, 1, 0], [], []>, transpose_lhs_hint = false} : vector<1000x256xf32>, vector<256x256xf32>, vector<1000x256xf32> -> vector<1000x256xf32>
    %get3A_6 = arith.constant 0 : index
    %get3A_7 = arith.constant 0 : index
    %get3A_8 = vector.load %arg3[%get3A_6, %get3A_7] : memref<1x256xf32, #tpu.memory_space<vmem>>, vector<1x256xf32>
    %add3A = vector.broadcast %get3A_8 : vector<1x256xf32> to vector<1000x256xf32>
    %add3A_9 = arith.addf %dot_general3A_5, %add3A : vector<1000x256xf32>
    %swap3A = arith.constant 0 : index
    %swap3A_10 = arith.constant 0 : index
    %swap3A_11 = vector.load %arg6[%swap3A, %swap3A_10] : memref<1000x256xf32, #tpu.memory_space<vmem>>, vector<1000x256xf32>
    tpu.vector_store %arg6[%swap3A, %swap3A_10], %add3A_9 {strides = array<i32>} : memref<1000x256xf32, #tpu.memory_space<vmem>>, vector<1000x256xf32>,
    %get3A_12 = arith.constant 0 : index
    %get3A_13 = arith.constant 0 : index
    %get3A_14 = vector.load %arg4[%get3A_12, %get3A_13] : memref<128x256xf32, #tpu.memory_space<vmem>>, vector<128x256xf32>
    %dot_general3A_15 = arith.constant dense<0.000000e+00> : vector<1000x128xf32>
    %dot_general3A_16 = tpu.matmul %add3A_9, %get3A_14, %dot_general3A_15 {dimension_numbers = #tpu.dot_dimension_numbers<[1], [1], [0], [0], [0, 0, 1, 0], [], []>, transpose_lhs_hint = false} : vector<1000x256xf32>, vector<128x256xf32>, vector<1000x128xf32> -> vector<1000x128xf32>
    %get3A_17 = arith.constant 0 : index
    %get3A_18 = arith.constant 0 : index
    %get3A_19 = vector.load %arg5[%get3A_17, %get3A_18] : memref<1x128xf32, #tpu.memory_space<vmem>>, vector<1x128xf32>
    %add3A_20 = vector.broadcast %get3A_19 : vector<1x128xf32> to vector<1000x128xf32>
    %add3A_21 = arith.addf %dot_general3A_16, %add3A_20 : vector<1000x128xf32>
    %swap3A_22 = arith.constant 0 : index
    %swap3A_23 = arith.constant 0 : index
    %swap3A_24 = vector.load %arg7[%swap3A_22, %swap3A_23] : memref<1000x128xf32, #tpu.memory_space<vmem>>, vector<1000x128xf32>
    tpu.vector_store %arg7[%swap3A_22, %swap3A_23], %add3A_21 {strides = array<i32>} : memref<1000x128xf32, #tpu.memory_space<vmem>>, vector<1000x128xf32>,
    return
  }
  func.func @transform_0(%arg0: i32) -> (i32, i32) {
    %c0_i32 = arith.constant 0 : i32
    %c0_i32_0 = arith.constant 0 : i32
    return %arg0, %c0_i32 : i32, i32
  }
  func.func @transform_1(%arg0: i32) -> (i32, i32) {
    %c0_i32 = arith.constant 0 : i32
    %c0_i32_0 = arith.constant 0 : i32
    %c0_i32_1 = arith.constant 0 : i32
    return %c0_i32, %c0_i32_0 : i32, i32
  }
  func.func @transform_2(%arg0: i32) -> (i32, i32) {
    %c0_i32 = arith.constant 0 : i32
    %c0_i32_0 = arith.constant 0 : i32
    %c0_i32_1 = arith.constant 0 : i32
    return %c0_i32, %c0_i32_0 : i32, i32
  }
  func.func @transform_3(%arg0: i32) -> (i32, i32) {
    %c0_i32 = arith.constant 0 : i32
    %c0_i32_0 = arith.constant 0 : i32
    %c0_i32_1 = arith.constant 0 : i32
    return %c0_i32, %c0_i32_0 : i32, i32
  }
  func.func @transform_4(%arg0: i32) -> (i32, i32) {
    %c0_i32 = arith.constant 0 : i32
    %c0_i32_0 = arith.constant 0 : i32
    %c0_i32_1 = arith.constant 0 : i32
    return %c0_i32, %c0_i32_0 : i32, i32
  }
  func.func @transform_5(%arg0: i32) -> (i32, i32) {
    %c0_i32 = arith.constant 0 : i32
    %c0_i32_0 = arith.constant 0 : i32
    return %arg0, %c0_i32 : i32, i32
  }
  func.func @transform_6(%arg0: i32) -> (i32, i32) {
    %c0_i32 = arith.constant 0 : i32
    %c0_i32_0 = arith.constant 0 : i32
    return %arg0, %c0_i32 : i32, i32
  }
}

module attributes {stable_mosaic.version = 14 : i64} {
  func.func @_prep_body(%arg0: i32, %arg1: memref<2528x128xf32, #tpu.memory_space<vmem>>, %arg2: memref<2528x128xf32, #tpu.memory_space<vmem>>, %arg3: memref<2528x128xf32, #tpu.memory_space<vmem>>, %arg4: memref<2528x128xf32, #tpu.memory_space<vmem>>, %arg5: memref<2528x128xf32, #tpu.memory_space<vmem>>, %arg6: memref<2528x128xf32, #tpu.memory_space<vmem>>) attributes {dimension_semantics = [#tpu.dimension_semantics<arbitrary>], iteration_bounds = array<i64: 4>, scalar_prefetch = 0 : i64, scratch_operands = 0 : i64, tpu.core_type = #tpu.core_type<tc>, window_params = [{transform_indices = @transform_0, window_bounds = array<i64: 2528, 128>}, {transform_indices = @transform_1, window_bounds = array<i64: 2528, 128>}, {transform_indices = @transform_2, window_bounds = array<i64: 2528, 128>}, {transform_indices = @transform_3, window_bounds = array<i64: 2528, 128>}, {transform_indices = @transform_4, window_bounds = array<i64: 2528, 128>}, {transform_indices = @transform_5, window_bounds = array<i64: 2528, 128>}]} {
    %get3A = arith.constant 0 : index
    %get3A_0 = arith.constant 0 : index
    %get3A_1 = vector.load %arg1[%get3A, %get3A_0] : memref<2528x128xf32, #tpu.memory_space<vmem>>, vector<2528x1xf32>
    %get3A_2 = arith.constant 0 : index
    %get3A_3 = arith.constant 0 : index
    %get3A_4 = vector.load %arg2[%get3A_2, %get3A_3] : memref<2528x128xf32, #tpu.memory_space<vmem>>, vector<2528x1xf32>
    %gt3A = arith.constant 0.000000e+00 : f32
    %gt3A_5 = vector.broadcast %gt3A : f32 to vector<2528x1xf32>
    %gt3A_6 = arith.cmpf ogt, %get3A_1, %gt3A_5 : vector<2528x1xf32>
    %max3A = arith.constant 1.000000e+00 : f32
    %max3A_7 = vector.broadcast %max3A : f32 to vector<2528x1xf32>
    %max3A_8 = arith.maximumf %get3A_1, %max3A_7 : vector<2528x1xf32>
    %rsqrt3A = math.rsqrt %max3A_8 : vector<2528x1xf32>
    %jit3A = arith.constant 0.000000e+00 : f32
    %broadcast_in_dim3A = vector.broadcast %jit3A : f32 to vector<2528x1xf32>
    %select_n3A = arith.select %gt3A_6, %rsqrt3A, %broadcast_in_dim3A : vector<2528x1xi1>, vector<2528x1xf32>
    %gt3A_9 = arith.constant 0.000000e+00 : f32
    %gt3A_10 = vector.broadcast %gt3A_9 : f32 to vector<2528x1xf32>
    %gt3A_11 = arith.cmpf ogt, %get3A_4, %gt3A_10 : vector<2528x1xf32>
    %max3A_12 = arith.constant 1.000000e+00 : f32
    %max3A_13 = vector.broadcast %max3A_12 : f32 to vector<2528x1xf32>
    %max3A_14 = arith.maximumf %get3A_4, %max3A_13 : vector<2528x1xf32>
    %rsqrt3A_15 = math.rsqrt %max3A_14 : vector<2528x1xf32>
    %jit3A_16 = arith.constant 0.000000e+00 : f32
    %broadcast_in_dim3A_17 = vector.broadcast %jit3A_16 : f32 to vector<2528x1xf32>
    %select_n3A_18 = arith.select %gt3A_11, %rsqrt3A_15, %broadcast_in_dim3A_17 : vector<2528x1xi1>, vector<2528x1xf32>
    %get3A_19 = arith.constant 0 : index
    %get3A_20 = arith.constant 0 : index
    %get3A_21 = vector.load %arg3[%get3A_19, %get3A_20] : memref<2528x128xf32, #tpu.memory_space<vmem>>, vector<2528x128xf32>
    %mul3A = vector.broadcast %select_n3A : vector<2528x1xf32> to vector<2528x128xf32>
    %mul3A_22 = arith.mulf %get3A_21, %mul3A : vector<2528x128xf32>
    %swap3A = arith.constant 0 : index
    %swap3A_23 = arith.constant 0 : index
    %swap3A_24 = vector.load %arg4[%swap3A, %swap3A_23] : memref<2528x128xf32, #tpu.memory_space<vmem>>, vector<2528x128xf32>
    tpu.vector_store %arg4[%swap3A, %swap3A_23], %mul3A_22 {strides = array<i32>} : memref<2528x128xf32, #tpu.memory_space<vmem>>, vector<2528x128xf32>,
    %mul3A_25 = arith.constant 0.899999976 : f32
    %mul3A_26 = vector.broadcast %mul3A_25 : f32 to vector<2528x1xf32>
    %mul3A_27 = arith.mulf %mul3A_26, %select_n3A : vector<2528x1xf32>
    %mul3A_28 = arith.mulf %mul3A_27, %select_n3A_18 : vector<2528x1xf32>
    %broadcast_in_dim3A_29 = vector.shape_cast %mul3A_28 : vector<2528x1xf32> to vector<2528x1xf32>
    %broadcast_in_dim3A_30 = vector.broadcast %broadcast_in_dim3A_29 : vector<2528x1xf32> to vector<2528x128xf32>
    %swap3A_31 = arith.constant 0 : index
    %swap3A_32 = arith.constant 0 : index
    %swap3A_33 = vector.load %arg5[%swap3A_31, %swap3A_32] : memref<2528x128xf32, #tpu.memory_space<vmem>>, vector<2528x128xf32>
    tpu.vector_store %arg5[%swap3A_31, %swap3A_32], %broadcast_in_dim3A_30 {strides = array<i32>} : memref<2528x128xf32, #tpu.memory_space<vmem>>, vector<2528x128xf32>,
    %mul3A_34 = arith.constant 0.899999976 : f32
    %mul3A_35 = vector.broadcast %mul3A_34 : f32 to vector<2528x1xf32>
    %mul3A_36 = arith.mulf %mul3A_35, %select_n3A_18 : vector<2528x1xf32>
    %broadcast_in_dim3A_37 = vector.shape_cast %mul3A_36 : vector<2528x1xf32> to vector<2528x1xf32>
    %broadcast_in_dim3A_38 = vector.broadcast %broadcast_in_dim3A_37 : vector<2528x1xf32> to vector<2528x128xf32>
    %swap3A_39 = arith.constant 0 : index
    %swap3A_40 = arith.constant 0 : index
    %swap3A_41 = vector.load %arg6[%swap3A_39, %swap3A_40] : memref<2528x128xf32, #tpu.memory_space<vmem>>, vector<2528x128xf32>
    tpu.vector_store %arg6[%swap3A_39, %swap3A_40], %broadcast_in_dim3A_38 {strides = array<i32>} : memref<2528x128xf32, #tpu.memory_space<vmem>>, vector<2528x128xf32>,
    return
  }
  func.func @transform_0(%arg0: i32) -> (i32, i32) {
    %c0_i32 = arith.constant 0 : i32
    %c0_i32_0 = arith.constant 0 : i32
    return %arg0, %c0_i32 : i32, i32
  }
  func.func @transform_1(%arg0: i32) -> (i32, i32) {
    %c0_i32 = arith.constant 0 : i32
    %c0_i32_0 = arith.constant 0 : i32
    return %arg0, %c0_i32 : i32, i32
  }
  func.func @transform_2(%arg0: i32) -> (i32, i32) {
    %c0_i32 = arith.constant 0 : i32
    %c0_i32_0 = arith.constant 0 : i32
    return %arg0, %c0_i32 : i32, i32
  }
  func.func @transform_3(%arg0: i32) -> (i32, i32) {
    %c0_i32 = arith.constant 0 : i32
    %c0_i32_0 = arith.constant 0 : i32
    return %arg0, %c0_i32 : i32, i32
  }
  func.func @transform_4(%arg0: i32) -> (i32, i32) {
    %c0_i32 = arith.constant 0 : i32
    %c0_i32_0 = arith.constant 0 : i32
    return %arg0, %c0_i32 : i32, i32
  }
  func.func @transform_5(%arg0: i32) -> (i32, i32) {
    %c0_i32 = arith.constant 0 : i32
    %c0_i32_0 = arith.constant 0 : i32
    return %arg0, %c0_i32 : i32, i32
  }
}

module attributes {stable_mosaic.version = 14 : i64} {
  func.func @_combine_body(%arg0: i32, %arg1: memref<2x2528x128xf32, #tpu.memory_space<vmem>>, %arg2: memref<2528x128xf32, #tpu.memory_space<vmem>>, %arg3: memref<2528x128xf32, #tpu.memory_space<vmem>>, %arg4: memref<2528x128xf32, #tpu.memory_space<vmem>>) attributes {dimension_semantics = [#tpu.dimension_semantics<arbitrary>], iteration_bounds = array<i64: 4>, scalar_prefetch = 0 : i64, scratch_operands = 0 : i64, tpu.core_type = #tpu.core_type<tc>, window_params = [{transform_indices = @transform_0, window_bounds = array<i64: 2, 2528, 128>}, {transform_indices = @transform_1, window_bounds = array<i64: 2528, 128>}, {transform_indices = @transform_2, window_bounds = array<i64: 2528, 128>}, {transform_indices = @transform_3, window_bounds = array<i64: 2528, 128>}]} {
    %get3A = arith.constant 0 : index
    %get3A_0 = arith.constant 0 : index
    %get3A_1 = vector.load %arg2[%get3A, %get3A_0] : memref<2528x128xf32, #tpu.memory_space<vmem>>, vector<2528x128xf32>
    %get3A_2 = arith.constant 0 : index
    %get3A_3 = arith.constant 0 : index
    %get3A_4 = arith.constant 0 : index
    %get3A_5 = vector.load %arg1[%get3A_2, %get3A_3, %get3A_4] : memref<2x2528x128xf32, #tpu.memory_space<vmem>>, vector<1x2528x128xf32>
    %get3A_6 = vector.shape_cast %get3A_5 : vector<1x2528x128xf32> to vector<2528x128xf32>
    %get3A_7 = arith.constant 1 : index
    %get3A_8 = arith.constant 0 : index
    %get3A_9 = arith.constant 0 : index
    %get3A_10 = vector.load %arg1[%get3A_7, %get3A_8, %get3A_9] : memref<2x2528x128xf32, #tpu.memory_space<vmem>>, vector<1x2528x128xf32>
    %get3A_11 = vector.shape_cast %get3A_10 : vector<1x2528x128xf32> to vector<2528x128xf32>
    %add3A = arith.addf %get3A_6, %get3A_11 : vector<2528x128xf32>
    %mul3A = arith.mulf %get3A_1, %add3A : vector<2528x128xf32>
    %get3A_12 = arith.constant 0 : index
    %get3A_13 = arith.constant 0 : index
    %get3A_14 = vector.load %arg3[%get3A_12, %get3A_13] : memref<2528x128xf32, #tpu.memory_space<vmem>>, vector<2528x128xf32>
    %mul3A_15 = arith.constant 1.000000e-01 : f32
    %mul3A_16 = vector.broadcast %mul3A_15 : f32 to vector<2528x128xf32>
    %mul3A_17 = arith.mulf %mul3A_16, %get3A_14 : vector<2528x128xf32>
    %add3A_18 = arith.addf %mul3A, %mul3A_17 : vector<2528x128xf32>
    %swap3A = arith.constant 0 : index
    %swap3A_19 = arith.constant 0 : index
    %swap3A_20 = vector.load %arg4[%swap3A, %swap3A_19] : memref<2528x128xf32, #tpu.memory_space<vmem>>, vector<2528x128xf32>
    tpu.vector_store %arg4[%swap3A, %swap3A_19], %add3A_18 {strides = array<i32>} : memref<2528x128xf32, #tpu.memory_space<vmem>>, vector<2528x128xf32>,
    return
  }
  func.func @transform_0(%arg0: i32) -> (i32, i32, i32) {
    %c0_i32 = arith.constant 0 : i32
    %c0_i32_0 = arith.constant 0 : i32
    %c0_i32_1 = arith.constant 0 : i32
    return %c0_i32, %arg0, %c0_i32_0 : i32, i32, i32
  }
  func.func @transform_1(%arg0: i32) -> (i32, i32) {
    %c0_i32 = arith.constant 0 : i32
    %c0_i32_0 = arith.constant 0 : i32
    return %arg0, %c0_i32 : i32, i32
  }
  func.func @transform_2(%arg0: i32) -> (i32, i32) {
    %c0_i32 = arith.constant 0 : i32
    %c0_i32_0 = arith.constant 0 : i32
    return %arg0, %c0_i32 : i32, i32
  }
  func.func @transform_3(%arg0: i32) -> (i32, i32) {
    %c0_i32 = arith.constant 0 : i32
    %c0_i32_0 = arith.constant 0 : i32
    return %arg0, %c0_i32 : i32, i32
  }
}

</mosaic_0001>

<sc_bundles>
// kernel: kernel.25.cloned.1.call-start
scs
__scs_entry_jumppad:
0x0: {  	(pc) =	sbr.rel $0x88, $3  }
0x1: {  	(tag) =	ssettag $0x0;
	lr =	simm.s32 $0x1  }
0x2: {  	[smem:$0x3F9B] =	sst lr;
	_ =	strace $0xD0000000  }
0x3: {  	_ = 	snop  }
0x4: {  	_ = 	snop  }
0x5: {  	_ = 	snop  }
0x6: {  	_ = 	snop  }
0x7: {  	_ = 	snop  }
__scs_overlays_trampoline_lowered:
0x8: {  	[smem:$0x3FAA] =	sst s0  }
0x9: {  	[smem:$0x3FAB] =	sst s1  }
0xa: {  	[smem:$0x3FAC] =	sst s2  }
0xb: {  	[smem:$0x3FAD] =	sst s3  }
0xc: {  	[smem:$0x3FAE] =	sst s4  }
0xd: {  	[smem:$0x3FAF] =	sst s5  }
0xe: {  	[smem:$0x3FB0] =	sst s6  }
0xf: {  	[smem:$0x3FB1] =	sst s7  }
0x10: {  	[smem:$0x3FB2] =	sst s8  }
0x11: {  	[smem:$0x3FB3] =	sst s9;
	s0 =	simm.s32 @!p0 $0x0  }
0x12: {  	s1 =	sld [smem:$0x3F99];
	s0 =	simm.s32 @p0 $0x1  }
0x13: {  	[smem:$0x3FB4] =	sst s0;
	s0 =	simm.s32 @!p1 $0x0  }
0x14: {  	s2 =	sld [smem:$0x3F98];
	s0 =	simm.s32 @p1 $0x1  }
0x15: {  	[smem:$0x3FB5] =	sst s0;
	s0 =	simm.s32 @!p2 $0x0  }
0x16: {  	s3 =	sld [smem:$0x3FDB];
	s0 =	simm.s32 @p2 $0x1  }
0x17: {  	s4 =	simm.s32 $0x1BF5;
	[smem:$0x3FB7] =	sst s0  }
0x18: {  	s0 =	sld [smem:$0x3F9A];
	_ =	swait.ge [sflag:s4], $0x0  }
0x19: {  	s7 =	sld [smem:$0x3F9B]  }
0x1a: {  	s8 =	sadd.s32 $0xFFFFE003, lr  }
0x1b: {  	s9 =	sadd.s32 $0xFFFFFEF7, lr;
	s5 =	simm.s32 $0xFFFFFFFF;
	p2 =	slt.u32 s8, $0xFFFFF086  }
0x1c: {  	p1 =	slt.u32 s9, $0xF7A;
	s5 =	simm.s32 @!p2 $0x0  }
0x1d: {  	s5 =	simm.s32 @p1 $0x1;
	p0 =	seq.s32 s7, s2  }
0x1e: {  	s7 =	smul.u32 @!p0 $0xF7A, s2;
	p2 =	seq.s32 @!p0 s5, $0x0  }
0x1f: {  	s9 =	smul.u32 $0xF7A, s1;
	s8 =	simm.s32 @!p0 $0x1BF5;
	p2 =	por !p2, p0  }
0x20: {  	[sflag:s8] =	ssyncset.s32 @!p0 $0xFFFFF086;
	s6 =	sadd.s32 @!p0 s3, s7;
	s7 =	simm.s32 @!p0 $0x108  }
0x21: {  	s3 =	sadd.s32 s3, s9;
	s6 =	sadd.s32 @!p0 $0x88, s6;
	s7 =	simm.s32 @p2 $0x1082  }
0x22: {  	[simem:s7], [sflag:s8] =	dma.local @!p0 [hbm:s6], $0xF7A  }
0x23: {  	s9 =	sor.u32 $0xD0000000, s2;
	s6 =	simm.s32 $0x108;
	_ =	swait.ge @!p0 [sflag:s8], $0x0  }
0x24: {  	s3 =	sadd.s32 $0x88, s3;
	s6 =	simm.s32 @!p1 $0x1082;
	[sflag:s4] =	ssyncset.s32 $0xFFFFF086  }
0x25: {  	[simem:s6], [sflag:s4] =	dma.local [hbm:s3], $0xF7A  }
0x26: {  	[smem:$0x3F9B] =	sst s1;
	(tag) =	ssettag s2;
	_ =	strace s9  }
0x27: {  	s1 =	sld [smem:$0x3FAB]  }
0x28: {  	s2 =	sld [smem:$0x3FAC]  }
0x29: {  	s4 =	sld [smem:$0x3FAE]  }
0x2a: {  	p0 =	seq.s32 s5, $0x0;
	s5 =	sld [smem:$0x3FAF]  }
0x2b: {  	s6 =	sld [smem:$0x3FB0]  }
0x2c: {  	s7 =	sld [smem:$0x3FB1]  }
0x2d: {  	s3 =	simm.s32 $0x108;
	s8 =	sld [smem:$0x3FB2]  }
0x2e: {  	s3 =	simm.s32 @!p0 $0x1082;
	s9 =	sld [smem:$0x3FB3]  }
0x2f: {  	lr =	sadd.s32 s0, s3;
	s0 =	sld [smem:$0x3FAA]  }
0x30: {  	s3 =	sld [smem:$0x3FAD]  }
0x31: {  	[smem:$0x3FB6] =	sst s10  }
0x32: {  	s10 =	sld [smem:$0x3FB4];
	_ =	sdelay $0x3  }
0x33: {  	p0 =	seq.s32 s10, $0x1;
	s10 =	sld [smem:$0x3FB6];
	_ =	sdelay $0x3  }
0x34: {  	[smem:$0x3FB6] =	sst s10  }
0x35: {  	s10 =	sld [smem:$0x3FB5];
	_ =	sdelay $0x3  }
0x36: {  	p1 =	seq.s32 s10, $0x1;
	s10 =	sld [smem:$0x3FB6];
	_ =	sdelay $0x3  }
0x37: {  	[smem:$0x3FB6] =	sst s10  }
0x38: {  	s10 =	sld [smem:$0x3FB7]  }
0x39: {  	_ = 	snop;
	(pc) =	sbr.ind lr, $3  }
0x3a: {  	_ = 	snop  }
0x3b: {  	_ = 	snop  }
0x3c: {  	p2 =	seq.s32 s10, $0x1;
	s10 =	sld [smem:$0x3FB6]  }
0x3d: {  	_ =	shalt  }
0x3e: {  	_ =	shalt  }
0x3f: {  	_ =	shalt  }
0x40: {  	_ =	shalt  }
0x41: {  	_ =	shalt  }
0x42: {  	_ =	shalt  }
0x43: {  	_ =	shalt  }
0x44: {  	_ =	shalt  }
0x45: {  	_ =	shalt  }
0x46: {  	_ =	shalt  }
0x47: {  	_ =	shalt  }
0x48: {  	_ =	shalt  }
0x49: {  	_ =	shalt  }
0x4a: {  	_ =	shalt  }
0x4b: {  	_ =	shalt  }
0x4c: {  	_ =	shalt  }
0x4d: {  	_ =	shalt  }
0x4e: {  	_ =	shalt  }
0x4f: {  	_ =	shalt  }
0x50: {  	_ =	shalt  }
0x51: {  	_ =	shalt  }
0x52: {  	_ =	shalt  }
0x53: {  	_ =	shalt  }
0x54: {  	_ =	shalt  }
0x55: {  	_ =	shalt  }
0x56: {  	_ =	shalt  }
0x57: {  	_ =	shalt  }
0x58: {  	_ =	shalt  }
0x59: {  	_ =	shalt  }
0x5a: {  	_ =	shalt  }
0x5b: {  	_ =	shalt  }
0x5c: {  	_ =	shalt  }
0x5d: {  	_ =	shalt  }
0x5e: {  	_ =	shalt  }
0x5f: {  	_ =	shalt  }
0x60: {  	_ =	shalt  }
0x61: {  	_ =	shalt  }
0x62: {  	_ =	shalt  }
0x63: {  	_ =	shalt  }
0x64: {  	_ =	shalt  }
0x65: {  	_ =	shalt  }
0x66: {  	_ =	shalt  }
0x67: {  	_ =	shalt  }
0x68: {  	_ =	shalt  }
0x69: {  	_ =	shalt  }
0x6a: {  	_ =	shalt  }
0x6b: {  	_ =	shalt  }
0x6c: {  	_ =	shalt  }
0x6d: {  	_ =	shalt  }
0x6e: {  	_ =	shalt  }
0x6f: {  	_ =	shalt  }
0x70: {  	_ =	shalt  }
0x71: {  	_ =	shalt  }
0x72: {  	_ =	shalt  }
0x73: {  	_ =	shalt  }
0x74: {  	_ =	shalt  }
0x75: {  	_ =	shalt  }
0x76: {  	_ =	shalt  }
0x77: {  	_ =	shalt  }
0x78: {  	_ =	shalt  }
0x79: {  	_ =	shalt  }
0x7a: {  	_ =	shalt  }
0x7b: {  	_ =	shalt  }
0x7c: {  	_ =	shalt  }
0x7d: {  	_ =	shalt  }
0x7e: {  	_ =	shalt  }
0x7f: {  	_ =	shalt  }
0x80: {  	_ =	shalt  }
0x81: {  	_ =	shalt  }
0x82: {  	_ =	shalt  }
0x83: {  	_ =	shalt  }
0x84: {  	_ =	shalt  }
0x85: {  	_ =	shalt  }
0x86: {  	_ =	shalt  }
0x87: {  	_ =	shalt  }
.Lfunc_end0:
.L_simem_size_0:
called_computation_lowered:
.L_overlay_start_0:
0x88: {  	s2 =	sld [smem:$0x3FD9]  }
0x89: {  	s3 =	sld [smem:$0x3FFE];
	_ =	sdelay $0x1  }
0x8a: {  	s1 =	srdreg.scid  }
0x8b: {  	s0 =	sand.u32 $0x1, s1  }
0x8c: {  	s14 =	sshll.u32 s0, $0xA;
	s2 =	sadd.s32 s3, s2  }
0x8d: {  	s2 =	sadd.s32 s2, s14  }
0x8e: {  	[smem:$0x3FC2] =	sst s2  }
0x8f: {  	_ = 	snop  }
0x90: {  	s2 =	sld [smem:$0x3FD0];
	_ =	sdelay $0x2  }
0x91: {  	s15 =	simm.s32 $0xA;
	s4 =	simm.s32 $0x10  }
0x92: {  	[smem:s4], [sflag:s15] =	dma.local [hbm:s2], $0x1  }
0x93: {  	_ =	swait.eq [sflag:s15], $0x1  }
0x94: {  	[sflag:s15] =	ssyncset.done $0x0  }
0x95: {  	s16 =	sld [smem:$0x10];
	[sflag:s15] =	ssyncadd.s32 $0xFFFFFFFF  }
0x96: {  	s17 =	sld [smem:$0x12];
	(tm) =	ssettm $0x1  }
0x97: {  	s18 =	sld [smem:$0x3FFB];
	_ =	sdelay $0x3  }
0x98: {  	_ =	strace s18  }
0x99: {  	s4 =	sld [smem:$0x3FFC];
	_ =	sdelay $0x3  }
0x9a: {  	_ =	strace s4  }
0x9b: {  	s4 =	sld [smem:$0x3FFD];
	_ =	sdelay $0x3  }
0x9c: {  	_ =	strace s4  }
0x9d: {  	_ =	strace $0x8FFFFFFF  }
0x9e: {  	s19 =	sld [smem:$0x3FDB];
	_ =	sdelay $0x1  }
0x9f: {  	s5 =	simm.s32 $_scs_section_size  }
0xa0: {  	s6 =	simm.s32 $_size__tile_overlayer_lowered;
	s7 =	simm.s32 $_tile_overlayer_lowered  }
0xa1: {  	s22 =	simm.s32 $0x1BFF;
	s21 =	sshll.u32 s7, $0x1;
	s4 =	sadd.s32 s5, s19  }
0xa2: {  	s8 =	simm.s32 $0x0;
	s20 =	sshll.u32 s6, $0x1;
	s6 =	sadd.s32 s21, s4  }
0xa3: {  	[timem:s8], [sflag:s22] =	dma.local [hbm:s6], s20  }
0xa4: {  	_ =	swait.ge [sflag:s22], s20  }
0xa5: {  	s5 =	ssub.s32 $0x0, s20;
	[sflag:s22] =	ssyncset.done $0x0  }
0xa6: {  	[sflag:s22] =	ssyncadd.s32 s5;
	_ =	sdelay $0x1  }
0xa7: {  	s23 =	simm.s32 $0x1B8B  }
0xa8: {  	_ =	swait.ge [sflag:s23], $0x1  }
0xa9: {  	[sflag:s23] =	ssyncset.done $0x0  }
0xaa: {  	s25 =	simm.s32 $0x1B8E;
	s24 =	sld [smem:$0x3FFE];
	[sflag:s23] =	ssyncadd.s32 $0xFFFFFFFF  }
0xab: {  	s26 =	simm.s32 $execute0_lowered;
	[smem:$0x3FD2] =	sst s25  }
0xac: {  	s6 =	sshll.u32 s26, $0x1;
	_ =	strace $0x80000046;
	[dreg:$0x1] =	wrdreg $0xFFFFFFFF  }
0xad: {  	s28 =	simm.s32 $_size_execute0_lowered;
	s4 =	sadd.s32 s4, s6;
	[dreg:$0x0] =	wrdreg $0x0  }
0xae: {  	s6 =	sshll.u32 s28, $0x1;
	[dreg:$0x2] =	wrdreg s4  }
0xaf: {  	[dreg:$0x3] =	wrdreg s6  }
0xb0: {  	[dreg:$0x4] =	wrdreg $0xC0  }
0xb1: {  	_ =	task [dreg:s8], $0x5FFFF  }
0xb2: {  	[dreg:$0x1] =	wrdreg $0xFFFFFFFF  }
0xb3: {  	[dreg:$0x0] =	wrdreg $0x60  }
0xb4: {  	[dreg:$0x2] =	wrdreg s24  }
0xb5: {  	[dreg:$0x3] =	wrdreg s17  }
0xb6: {  	[dreg:$0x4] =	wrdreg s16  }
0xb7: {  	[dreg:$0x5] =	wrdreg $0x90000  }
0xb8: {  	[dreg:$0x6] =	wrdreg $0x9  }
0xb9: {  	_ =	task.clear_ibuf [dreg:s8], $0x7FFFF;
	_ =	strace $0x90000046  }
0xba: {  	s29 =	simm.s32 $0x9;
	_ =	strace $0x80000048  }
0xbb: {  	_ =	swait.ge [sflag:s29], $0x1  }
0xbc: {  	[sflag:s29] =	ssyncadd.s32 $0xFFFFFFFF  }
0xbd: {  	_ =	strace $0x90000048  }
0xbe: {  	_ =	sfence  }
0xbf: {  	s30 =	sld [smem:$0x0];
	_ =	sdelay $0x2  }
0xc0: {  	s31 =	sshll.u32 s1, $0xD;
	s1 =	sshrl.u32 s1, $0x2  }
0xc1: {  	s3 =	sand.u32 $0x4000, s31;
	s1 =	sadd.s32 s1, s30  }
0xc2: {  	s0 =	sor.u32 s3, s0;
	s1 =	sshll.u32 s1, $0x11  }
0xc3: {  	s0 =	sor.u32 s1, s0  }
0xc4: {  	s0 =	sadd.s32 $0x8F2B, s0  }
0xc5: {  	[sflag:s0] =	ssyncadd.remote.s32 $0x1  }
0xc6: {  	_ =	sfence.sel $0xFFFF  }
0xc7: {  	[dreg:$0x0] =	wrdreg $0xFFFFFFFF;
	(pc) =	sbr.abs _section_cstart, $3  }
0xc8: {  	[dreg:$0x1] =	wrdreg $0xFFFFFFFF  }
0xc9: {  	_ =	task.clear_ibuf [dreg:s8], $0x2FFFF;
	_ =	strace $0x9FFFFFFF  }
0xca: {  	(tm) =	ssettm $0x7FFFFFFF  }
0xcb: {  	_ =	shalt  }
tec
execute0_lowered:
.L_overlay_start_1:
0x0: {  	(tag) =	ssettag $0x1  }
0x1: {  	s6 =	rddreg [dreg:$0x0]  }
0x2: {  	s7 =	rddreg [dreg:$0x1]  }
0x3: {  	s1 =	rddreg [dreg:$0x2]  }
0x4: {  	s3 =	rddreg [dreg:$0x3]  }
0x5: {  	s0 =	rddreg [dreg:$0x4];
	s4 =	simm.s32 $0x0;
	s5 =	srdreg.scid  }
0x6: {  	s2 =	stileid.u32;
	s15 =	simm.s32 $0x0;
	[smem:$0x7FF] =	sst s4  }
0x7: {  	s8 =	sand.u32 $0x1, s5;
	s9 =	smul.u32 $0x2780, s2;
	s11 =	sadd.s32 $0x7400, s6  }
0x8: {  	s13 =	smul.u32 $0x4F000, s2;
	s5 =	sadd.s32 $0x11400, s6;
	s30 =	sshll.u32 s2, $0x6  }
0x9: {  	s31 =	smul.u32 $0xA00, s2;
	_ =	strace $0x80000047;
	s12 =	ssub.s32 $0x2, s8  }
0xa: {  	s10 =	smul.u32 $0x27800, s8;
	p0 =	seq.s32 s8, $0x1;
	s28 =	sshrl.u32 s12, $0x1  }
0xb: {  	s29 =	sshrl.u32 s13, $0x2;
	s11 =	smov.u32 @p0 s7;
	s13 =	simm.s32 $0x80  }
0xc: {  	s9 =	sadd.s32 s9, s10;
	s10 =	ssub.s32 s12, s28;
	s14 =	sadd.s32 s29, s3  }
0xd: {  	s12 =	simm.s32 $0x5000;
	s9 =	sadd.s32 s9, s6;
	s6 =	sor.u32 $0x1C02, s30  }
0xe: {  	s8 =	smax.u32 s10, $0x1;
	s10 =	sshrl.u32 s14, $0x3;
	s14 =	simm.s32 $0x1  }
0xf: {  	s7 =	sadd.s32 $0x13C00, s9;
	s9 =	sadd.s32 s11, s31;
	s11 =	simm.s32 $0x2  }
.LBB2_1:
0x10: {  	[spmem:s10], [sflag:s6] =	dma.local [hbm:s5], $0x2780  }
0x11: {  	_ =	swait.ge [sflag:s11], $0x2780  }
0x12: {  	[sflag:s11] =	ssyncset.done $0x0  }
0x13: {  	[sflag:s11] =	ssyncadd.s32 $0xFFFFD880  }
0x14: {  	[tilespmem:s12], [sflag:$0x2] =	stream.linear.gather [hbm4b:s1+s4], $0x4000, $0x38;
	[tilespmem:$0x1CC00] =	vst v63  }
0x15: {  	_ =	swait.ge [sflag:s11], $0x4000  }
0x16: {  	[sflag:s11] =	ssyncset.done $0x0  }
0x17: {  	[sflag:s11] =	ssyncadd.s32 $0xFFFFC000  }
0x18: {  	[tilespmem:s4], [sflag:$0x2] =	stream.linear.gather [hbm4b:s9+s4], $0x5000, $0x38;
	[tilespmem:$0x1CC00] =	vst v63  }
0x19: {  	_ =	swait.ge [sflag:s11], $0x5000  }
0x1a: {  	[sflag:s11] =	ssyncset.done $0x0  }
0x1b: {  	[sflag:s11] =	ssyncadd.s32 $0xFFFFB000  }
0x1c: {  	s16 =	simm.s32 $0x0;
	[bflag:$0x0] =	sbarrier.arrive $0xFFFF  }
0x1d: {  	[spmem:s3] =	stream.indirect.scatter.add.f32 [tilespmem:s12], [sflag:$0x1], $0x80, s16, s13, $0xb8;
	[tilespmem:$0x1CC00] =	vst v63  }
0x1e: {  	s24 =	simm.s32 $0x80  }
0x1f: {  	[spmem:s3] =	stream.indirect.scatter.add.f32 [tilespmem:s12], [sflag:$0x1], $0x80, s24, s13, $0xb8;
	[tilespmem:$0x1CC00] =	vst v63  }
0x20: {  	s25 =	simm.s32 $0x100  }
0x21: {  	[spmem:s3] =	stream.indirect.scatter.add.f32 [tilespmem:s12], [sflag:$0x1], $0x80, s25, s13, $0xb8;
	[tilespmem:$0x1CC00] =	vst v63  }
0x22: {  	s26 =	simm.s32 $0x180  }
0x23: {  	[spmem:s3] =	stream.indirect.scatter.add.f32 [tilespmem:s12], [sflag:$0x1], $0x80, s26, s13, $0xb8;
	[tilespmem:$0x1CC00] =	vst v63  }
0x24: {  	s28 =	simm.s32 $0x200  }
0x25: {  	[spmem:s3] =	stream.indirect.scatter.add.f32 [tilespmem:s12], [sflag:$0x1], $0x80, s28, s13, $0xb8;
	[tilespmem:$0x1CC00] =	vst v63  }
0x26: {  	s29 =	simm.s32 $0x280  }
0x27: {  	[spmem:s3] =	stream.indirect.scatter.add.f32 [tilespmem:s12], [sflag:$0x1], $0x80, s29, s13, $0xb8;
	[tilespmem:$0x1CC00] =	vst v63  }
0x28: {  	s30 =	simm.s32 $0x300  }
0x29: {  	[spmem:s3] =	stream.indirect.scatter.add.f32 [tilespmem:s12], [sflag:$0x1], $0x80, s30, s13, $0xb8;
	[tilespmem:$0x1CC00] =	vst v63  }
0x2a: {  	s31 =	simm.s32 $0x380  }
0x2b: {  	[spmem:s3] =	stream.indirect.scatter.add.f32 [tilespmem:s12], [sflag:$0x1], $0x80, s31, s13, $0xb8;
	[tilespmem:$0x1CC00] =	vst v63  }
0x2c: {  	_ =	swait.ge [sflag:s14], $0x4000  }
0x2d: {  	[sflag:s14] =	ssyncset.done $0x0  }
0x2e: {  	[sflag:s14] =	ssyncadd.s32 $0xFFFFC000  }
0x2f: {  	_ =	swait.ge [sflag:s14], $0x4000  }
0x30: {  	[sflag:s14] =	ssyncset.done $0x0  }
0x31: {  	[sflag:s14] =	ssyncadd.s32 $0xFFFFC000  }
0x32: {  	_ =	swait.ge [sflag:s14], $0x4000  }
0x33: {  	[sflag:s14] =	ssyncset.done $0x0  }
0x34: {  	[sflag:s14] =	ssyncadd.s32 $0xFFFFC000  }
0x35: {  	_ =	swait.ge [sflag:s14], $0x4000  }
0x36: {  	[sflag:s14] =	ssyncset.done $0x0  }
0x37: {  	[sflag:s14] =	ssyncadd.s32 $0xFFFFC000  }
0x38: {  	_ =	swait.ge [sflag:s14], $0x4000  }
0x39: {  	[sflag:s14] =	ssyncset.done $0x0  }
0x3a: {  	[sflag:s14] =	ssyncadd.s32 $0xFFFFC000  }
0x3b: {  	_ =	swait.ge [sflag:s14], $0x4000  }
0x3c: {  	[sflag:s14] =	ssyncset.done $0x0  }
0x3d: {  	[sflag:s14] =	ssyncadd.s32 $0xFFFFC000  }
0x3e: {  	_ =	swait.ge [sflag:s14], $0x4000  }
0x3f: {  	[sflag:s14] =	ssyncset.done $0x0  }
0x40: {  	[sflag:s14] =	ssyncadd.s32 $0xFFFFC000  }
0x41: {  	_ =	swait.ge [sflag:s14], $0x4000  }
0x42: {  	s18 =	simm.s32 $0x2000;
	s16 =	simm.s32 $0x1000;
	[sflag:s14] =	ssyncset.done $0x0  }
.LBB2_2:
0x43: {  	s19 =	sshra.s32 s16, $0x2  }
0x44: {  	[sflag:s14] =	ssyncadd.s32 $0xFFFFC000;
	s16 =	smov.u32 s18;
	s17 =	sadd.s32 $0x1000, s18  }
0x45: {  	[spmem:s3] =	stream.indirect.scatter.add.f32 [tilespmem:s12], [sflag:$0x1], $0x80, s19, s13, $0xb8;
	[tilespmem:$0x1CC00] =	vst v63  }
0x46: {  	p0 =	sne.s32 s18, $0x13000;
	s18 =	sadd.s32 $0x80, s19  }
0x47: {  	[spmem:s3] =	stream.indirect.scatter.add.f32 [tilespmem:s12], [sflag:$0x1], $0x80, s18, s13, $0xb8;
	[tilespmem:$0x1CC00] =	vst v63  }
0x48: {  	s18 =	sadd.s32 $0x100, s19  }
0x49: {  	[spmem:s3] =	stream.indirect.scatter.add.f32 [tilespmem:s12], [sflag:$0x1], $0x80, s18, s13, $0xb8;
	[tilespmem:$0x1CC00] =	vst v63  }
0x4a: {  	s18 =	sadd.s32 $0x180, s19  }
0x4b: {  	[spmem:s3] =	stream.indirect.scatter.add.f32 [tilespmem:s12], [sflag:$0x1], $0x80, s18, s13, $0xb8;
	[tilespmem:$0x1CC00] =	vst v63  }
0x4c: {  	s18 =	sadd.s32 $0x200, s19  }
0x4d: {  	[spmem:s3] =	stream.indirect.scatter.add.f32 [tilespmem:s12], [sflag:$0x1], $0x80, s18, s13, $0xb8;
	[tilespmem:$0x1CC00] =	vst v63  }
0x4e: {  	s18 =	sadd.s32 $0x280, s19  }
0x4f: {  	[spmem:s3] =	stream.indirect.scatter.add.f32 [tilespmem:s12], [sflag:$0x1], $0x80, s18, s13, $0xb8;
	[tilespmem:$0x1CC00] =	vst v63  }
0x50: {  	s18 =	sadd.s32 $0x300, s19  }
0x51: {  	[spmem:s3] =	stream.indirect.scatter.add.f32 [tilespmem:s12], [sflag:$0x1], $0x80, s18, s13, $0xb8;
	[tilespmem:$0x1CC00] =	vst v63  }
0x52: {  	s18 =	sadd.s32 $0x380, s19  }
0x53: {  	[spmem:s3] =	stream.indirect.scatter.add.f32 [tilespmem:s12], [sflag:$0x1], $0x80, s18, s13, $0xb8;
	[tilespmem:$0x1CC00] =	vst v63  }
0x54: {  	_ =	swait.ge [sflag:s14], $0x4000  }
0x55: {  	[sflag:s14] =	ssyncset.done $0x0  }
0x56: {  	[sflag:s14] =	ssyncadd.s32 $0xFFFFC000  }
0x57: {  	_ =	swait.ge [sflag:s14], $0x4000  }
0x58: {  	[sflag:s14] =	ssyncset.done $0x0  }
0x59: {  	[sflag:s14] =	ssyncadd.s32 $0xFFFFC000  }
0x5a: {  	_ =	swait.ge [sflag:s14], $0x4000  }
0x5b: {  	[sflag:s14] =	ssyncset.done $0x0  }
0x5c: {  	[sflag:s14] =	ssyncadd.s32 $0xFFFFC000  }
0x5d: {  	_ =	swait.ge [sflag:s14], $0x4000  }
0x5e: {  	[sflag:s14] =	ssyncset.done $0x0  }
0x5f: {  	[sflag:s14] =	ssyncadd.s32 $0xFFFFC000  }
0x60: {  	_ =	swait.ge [sflag:s14], $0x4000  }
0x61: {  	[sflag:s14] =	ssyncset.done $0x0  }
0x62: {  	[sflag:s14] =	ssyncadd.s32 $0xFFFFC000  }
0x63: {  	_ =	swait.ge [sflag:s14], $0x4000  }
0x64: {  	[sflag:s14] =	ssyncset.done $0x0  }
0x65: {  	[sflag:s14] =	ssyncadd.s32 $0xFFFFC000  }
.Ltmp0:
0x66: {  	_ =	swait.ge [sflag:s14], $0x4000;
	(pc) =	sbr.rel @p0 .LBB2_2-.Ltmp0, $4  }
0x67: {  	[sflag:s14] =	ssyncset.done $0x0  }
0x68: {  	[sflag:s14] =	ssyncadd.s32 $0xFFFFC000  }
0x69: {  	_ =	swait.ge [sflag:s14], $0x4000  }
0x6a: {  	s18 =	smov.u32 s17;
	[sflag:s14] =	ssyncset.done $0x0  }
0x6b: {  	s16 =	sshra.s32 s16, $0x2;
	[sflag:s14] =	ssyncadd.s32 $0xFFFFC000  }
0x6c: {  	[spmem:s3] =	stream.indirect.scatter.add.f32 [tilespmem:s12], [sflag:$0x1], $0x80, s16, s13, $0xb8;
	[tilespmem:$0x1CC00] =	vst v63  }
0x6d: {  	s17 =	sadd.s32 $0x80, s16  }
0x6e: {  	[spmem:s3] =	stream.indirect.scatter.add.f32 [tilespmem:s12], [sflag:$0x1], $0x80, s17, s13, $0xb8;
	[tilespmem:$0x1CC00] =	vst v63  }
0x6f: {  	s26 =	sadd.s32 $0x100, s16  }
0x70: {  	[spmem:s3] =	stream.indirect.scatter.add.f32 [tilespmem:s12], [sflag:$0x1], $0x80, s26, s13, $0xb8;
	[tilespmem:$0x1CC00] =	vst v63  }
0x71: {  	s28 =	sadd.s32 $0x180, s16  }
0x72: {  	[spmem:s3] =	stream.indirect.scatter.add.f32 [tilespmem:s12], [sflag:$0x1], $0x80, s28, s13, $0xb8;
	[tilespmem:$0x1CC00] =	vst v63  }
0x73: {  	s29 =	sadd.s32 $0x200, s16  }
0x74: {  	[spmem:s3] =	stream.indirect.scatter.add.f32 [tilespmem:s12], [sflag:$0x1], $0x80, s29, s13, $0xb8;
	[tilespmem:$0x1CC00] =	vst v63  }
0x75: {  	s30 =	sadd.s32 $0x280, s16  }
0x76: {  	[spmem:s3] =	stream.indirect.scatter.add.f32 [tilespmem:s12], [sflag:$0x1], $0x80, s30, s13, $0xb8;
	[tilespmem:$0x1CC00] =	vst v63  }
0x77: {  	s31 =	sadd.s32 $0x300, s16  }
0x78: {  	[spmem:s3] =	stream.indirect.scatter.add.f32 [tilespmem:s12], [sflag:$0x1], $0x80, s31, s13, $0xb8;
	[tilespmem:$0x1CC00] =	vst v63  }
0x79: {  	s16 =	sadd.s32 $0x380, s16  }
0x7a: {  	[spmem:s3] =	stream.indirect.scatter.add.f32 [tilespmem:s12], [sflag:$0x1], $0x80, s16, s13, $0xb8;
	[tilespmem:$0x1CC00] =	vst v63  }
0x7b: {  	_ =	swait.ge [sflag:s14], $0x4000  }
0x7c: {  	[sflag:s14] =	ssyncset.done $0x0  }
0x7d: {  	[sflag:s14] =	ssyncadd.s32 $0xFFFFC000  }
0x7e: {  	_ =	swait.ge [sflag:s14], $0x4000  }
0x7f: {  	[sflag:s14] =	ssyncset.done $0x0  }
0x80: {  	[sflag:s14] =	ssyncadd.s32 $0xFFFFC000  }
0x81: {  	_ =	swait.ge [sflag:s14], $0x4000  }
0x82: {  	[sflag:s14] =	ssyncset.done $0x0  }
0x83: {  	[sflag:s14] =	ssyncadd.s32 $0xFFFFC000  }
0x84: {  	_ =	swait.ge [sflag:s14], $0x4000  }
0x85: {  	[sflag:s14] =	ssyncset.done $0x0  }
0x86: {  	[sflag:s14] =	ssyncadd.s32 $0xFFFFC000  }
0x87: {  	_ =	swait.ge [sflag:s14], $0x4000  }
0x88: {  	[sflag:s14] =	ssyncset.done $0x0  }
0x89: {  	[sflag:s14] =	ssyncadd.s32 $0xFFFFC000  }
0x8a: {  	_ =	swait.ge [sflag:s14], $0x4000  }
0x8b: {  	[sflag:s14] =	ssyncset.done $0x0  }
0x8c: {  	[sflag:s14] =	ssyncadd.s32 $0xFFFFC000  }
0x8d: {  	_ =	swait.ge [sflag:s14], $0x4000  }
0x8e: {  	[sflag:s14] =	ssyncset.done $0x0  }
0x8f: {  	[sflag:s14] =	ssyncadd.s32 $0xFFFFC000  }
0x90: {  	_ =	swait.ge [sflag:s14], $0x4000  }
0x91: {  	s15 =	sadd.s32 $0x1, s15;
	[sflag:s14] =	ssyncset.done $0x0  }
0x92: {  	p0 =	sne.s32 s15, s8;
	[sflag:s14] =	ssyncadd.s32 $0xFFFFC000  }
.Ltmp1:
0x93: {  	[bflag:$0x0] =	sbarrier.arrive $0xFFFF;
	(pc) =	sbr.rel @p0 .LBB2_1-.Ltmp1, $4  }
0x94: {  	[hbm:s7], [sflag:s6] =	dma.local [spmem:s10], $0x2780  }
0x95: {  	_ =	swait.ge [sflag:s11], $0x2780  }
0x96: {  	[sflag:s11] =	ssyncset.done $0x0  }
0x97: {  	[sflag:s11] =	ssyncadd.s32 $0xFFFFD880  }
0x98: {  	_ =	sfence.sel $0x180000  }
0x99: {  	[bflag:$0x0] =	sbarrier.arrive $0xFFFF  }
0x9a: {  	p0 =	sne.s32 s2, $0x0;
	_ =	strace $0x90000047  }
0x9b: {  	s0 =	sadd.s32 @!p0 $0x100000, s0;
	[bflag:$0x2] =	sbarrier.arrive $0xFFFF  }
0x9c: {  	[sflag:s0] =	ssyncadd.tile.s32 @!p0 $0x1;
	_ =	shalt  }
.Lfunc_end2:
_tile_overlayer_lowered:
.L_overlay_start_2:
0x9d: {  	(tag) =	ssettag $0x2  }
0x9e: {  	s0 =	rddreg [dreg:$0x0];
	s2 =	stileid.u32  }
0x9f: {  	s1 =	rddreg [dreg:$0x1];
	p0 =	sne.s32 s2, $0x0  }
0xa0: {  	s3 =	rddreg [dreg:$0x2];
	[bflag:$0x3] =	sbarrier.arrive $0xFFFF;
	s2 =	simm.s32 @!p0 $0x1C02  }
0xa1: {  	[timem:s3], [sflag:s2] =	dma.local @!p0 [hbm:s0], s1  }
0xa2: {  	s0 =	simm.s32 @!p0 $0x2  }
0xa3: {  	_ =	swait.ge @!p0 [sflag:s0], s1  }
0xa4: {  	s1 =	ssub.s32 @!p0 $0x0, s1;
	[sflag:s0] =	ssyncset.done @!p0 $0x0  }
0xa5: {  	[sflag:s0] =	ssyncadd.s32 @!p0 s1  }
0xa6: {  	[bflag:$0x3] =	sbarrier.arrive $0xFFFF  }
0xa7: {  	_ =	shalt  }

// kernel: kernel.28.cloned.1.call-start
scs
__scs_entry_jumppad:
0x0: {  	(pc) =	sbr.rel $0x88, $3  }
0x1: {  	(tag) =	ssettag $0x0;
	lr =	simm.s32 $0x1  }
0x2: {  	[smem:$0x3F9B] =	sst lr;
	_ =	strace $0xD0000000  }
0x3: {  	_ = 	snop  }
0x4: {  	_ = 	snop  }
0x5: {  	_ = 	snop  }
0x6: {  	_ = 	snop  }
0x7: {  	_ = 	snop  }
__scs_overlays_trampoline_lowered:
0x8: {  	[smem:$0x3FAA] =	sst s0  }
0x9: {  	[smem:$0x3FAB] =	sst s1  }
0xa: {  	[smem:$0x3FAC] =	sst s2  }
0xb: {  	[smem:$0x3FAD] =	sst s3  }
0xc: {  	[smem:$0x3FAE] =	sst s4  }
0xd: {  	[smem:$0x3FAF] =	sst s5  }
0xe: {  	[smem:$0x3FB0] =	sst s6  }
0xf: {  	[smem:$0x3FB1] =	sst s7  }
0x10: {  	[smem:$0x3FB2] =	sst s8  }
0x11: {  	[smem:$0x3FB3] =	sst s9;
	s0 =	simm.s32 @!p0 $0x0  }
0x12: {  	s1 =	sld [smem:$0x3F99];
	s0 =	simm.s32 @p0 $0x1  }
0x13: {  	[smem:$0x3FB4] =	sst s0;
	s0 =	simm.s32 @!p1 $0x0  }
0x14: {  	s2 =	sld [smem:$0x3F98];
	s0 =	simm.s32 @p1 $0x1  }
0x15: {  	[smem:$0x3FB5] =	sst s0;
	s0 =	simm.s32 @!p2 $0x0  }
0x16: {  	s3 =	sld [smem:$0x3FDB];
	s0 =	simm.s32 @p2 $0x1  }
0x17: {  	s4 =	simm.s32 $0x1BF5;
	[smem:$0x3FB7] =	sst s0  }
0x18: {  	s0 =	sld [smem:$0x3F9A];
	_ =	swait.ge [sflag:s4], $0x0  }
0x19: {  	s7 =	sld [smem:$0x3F9B]  }
0x1a: {  	s8 =	sadd.s32 $0xFFFFE003, lr  }
0x1b: {  	s9 =	sadd.s32 $0xFFFFFEF7, lr;
	s5 =	simm.s32 $0xFFFFFFFF;
	p2 =	slt.u32 s8, $0xFFFFF086  }
0x1c: {  	p1 =	slt.u32 s9, $0xF7A;
	s5 =	simm.s32 @!p2 $0x0  }
0x1d: {  	s5 =	simm.s32 @p1 $0x1;
	p0 =	seq.s32 s7, s2  }
0x1e: {  	s7 =	smul.u32 @!p0 $0xF7A, s2;
	p2 =	seq.s32 @!p0 s5, $0x0  }
0x1f: {  	s9 =	smul.u32 $0xF7A, s1;
	s8 =	simm.s32 @!p0 $0x1BF5;
	p2 =	por !p2, p0  }
0x20: {  	[sflag:s8] =	ssyncset.s32 @!p0 $0xFFFFF086;
	s6 =	sadd.s32 @!p0 s3, s7;
	s7 =	simm.s32 @!p0 $0x108  }
0x21: {  	s3 =	sadd.s32 s3, s9;
	s6 =	sadd.s32 @!p0 $0x88, s6;
	s7 =	simm.s32 @p2 $0x1082  }
0x22: {  	[simem:s7], [sflag:s8] =	dma.local @!p0 [hbm:s6], $0xF7A  }
0x23: {  	s9 =	sor.u32 $0xD0000000, s2;
	s6 =	simm.s32 $0x108;
	_ =	swait.ge @!p0 [sflag:s8], $0x0  }
0x24: {  	s3 =	sadd.s32 $0x88, s3;
	s6 =	simm.s32 @!p1 $0x1082;
	[sflag:s4] =	ssyncset.s32 $0xFFFFF086  }
0x25: {  	[simem:s6], [sflag:s4] =	dma.local [hbm:s3], $0xF7A  }
0x26: {  	[smem:$0x3F9B] =	sst s1;
	(tag) =	ssettag s2;
	_ =	strace s9  }
0x27: {  	s1 =	sld [smem:$0x3FAB]  }
0x28: {  	s2 =	sld [smem:$0x3FAC]  }
0x29: {  	s4 =	sld [smem:$0x3FAE]  }
0x2a: {  	p0 =	seq.s32 s5, $0x0;
	s5 =	sld [smem:$0x3FAF]  }
0x2b: {  	s6 =	sld [smem:$0x3FB0]  }
0x2c: {  	s7 =	sld [smem:$0x3FB1]  }
0x2d: {  	s3 =	simm.s32 $0x108;
	s8 =	sld [smem:$0x3FB2]  }
0x2e: {  	s3 =	simm.s32 @!p0 $0x1082;
	s9 =	sld [smem:$0x3FB3]  }
0x2f: {  	lr =	sadd.s32 s0, s3;
	s0 =	sld [smem:$0x3FAA]  }
0x30: {  	s3 =	sld [smem:$0x3FAD]  }
0x31: {  	[smem:$0x3FB6] =	sst s10  }
0x32: {  	s10 =	sld [smem:$0x3FB4];
	_ =	sdelay $0x3  }
0x33: {  	p0 =	seq.s32 s10, $0x1;
	s10 =	sld [smem:$0x3FB6];
	_ =	sdelay $0x3  }
0x34: {  	[smem:$0x3FB6] =	sst s10  }
0x35: {  	s10 =	sld [smem:$0x3FB5];
	_ =	sdelay $0x3  }
0x36: {  	p1 =	seq.s32 s10, $0x1;
	s10 =	sld [smem:$0x3FB6];
	_ =	sdelay $0x3  }
0x37: {  	[smem:$0x3FB6] =	sst s10  }
0x38: {  	s10 =	sld [smem:$0x3FB7]  }
0x39: {  	_ = 	snop;
	(pc) =	sbr.ind lr, $3  }
0x3a: {  	_ = 	snop  }
0x3b: {  	_ = 	snop  }
0x3c: {  	p2 =	seq.s32 s10, $0x1;
	s10 =	sld [smem:$0x3FB6]  }
0x3d: {  	_ =	shalt  }
0x3e: {  	_ =	shalt  }
0x3f: {  	_ =	shalt  }
0x40: {  	_ =	shalt  }
0x41: {  	_ =	shalt  }
0x42: {  	_ =	shalt  }
0x43: {  	_ =	shalt  }
0x44: {  	_ =	shalt  }
0x45: {  	_ =	shalt  }
0x46: {  	_ =	shalt  }
0x47: {  	_ =	shalt  }
0x48: {  	_ =	shalt  }
0x49: {  	_ =	shalt  }
0x4a: {  	_ =	shalt  }
0x4b: {  	_ =	shalt  }
0x4c: {  	_ =	shalt  }
0x4d: {  	_ =	shalt  }
0x4e: {  	_ =	shalt  }
0x4f: {  	_ =	shalt  }
0x50: {  	_ =	shalt  }
0x51: {  	_ =	shalt  }
0x52: {  	_ =	shalt  }
0x53: {  	_ =	shalt  }
0x54: {  	_ =	shalt  }
0x55: {  	_ =	shalt  }
0x56: {  	_ =	shalt  }
0x57: {  	_ =	shalt  }
0x58: {  	_ =	shalt  }
0x59: {  	_ =	shalt  }
0x5a: {  	_ =	shalt  }
0x5b: {  	_ =	shalt  }
0x5c: {  	_ =	shalt  }
0x5d: {  	_ =	shalt  }
0x5e: {  	_ =	shalt  }
0x5f: {  	_ =	shalt  }
0x60: {  	_ =	shalt  }
0x61: {  	_ =	shalt  }
0x62: {  	_ =	shalt  }
0x63: {  	_ =	shalt  }
0x64: {  	_ =	shalt  }
0x65: {  	_ =	shalt  }
0x66: {  	_ =	shalt  }
0x67: {  	_ =	shalt  }
0x68: {  	_ =	shalt  }
0x69: {  	_ =	shalt  }
0x6a: {  	_ =	shalt  }
0x6b: {  	_ =	shalt  }
0x6c: {  	_ =	shalt  }
0x6d: {  	_ =	shalt  }
0x6e: {  	_ =	shalt  }
0x6f: {  	_ =	shalt  }
0x70: {  	_ =	shalt  }
0x71: {  	_ =	shalt  }
0x72: {  	_ =	shalt  }
0x73: {  	_ =	shalt  }
0x74: {  	_ =	shalt  }
0x75: {  	_ =	shalt  }
0x76: {  	_ =	shalt  }
0x77: {  	_ =	shalt  }
0x78: {  	_ =	shalt  }
0x79: {  	_ =	shalt  }
0x7a: {  	_ =	shalt  }
0x7b: {  	_ =	shalt  }
0x7c: {  	_ =	shalt  }
0x7d: {  	_ =	shalt  }
0x7e: {  	_ =	shalt  }
0x7f: {  	_ =	shalt  }
0x80: {  	_ =	shalt  }
0x81: {  	_ =	shalt  }
0x82: {  	_ =	shalt  }
0x83: {  	_ =	shalt  }
0x84: {  	_ =	shalt  }
0x85: {  	_ =	shalt  }
0x86: {  	_ =	shalt  }
0x87: {  	_ =	shalt  }
.Lfunc_end0:
.L_simem_size_0:
called_computation.1_lowered:
.L_overlay_start_0:
0x88: {  	s2 =	sld [smem:$0x3FD9]  }
0x89: {  	s3 =	sld [smem:$0x3FFE];
	_ =	sdelay $0x1  }
0x8a: {  	s1 =	srdreg.scid  }
0x8b: {  	s0 =	sand.u32 $0x1, s1  }
0x8c: {  	s14 =	sshll.u32 s0, $0xA;
	s2 =	sadd.s32 s3, s2  }
0x8d: {  	s2 =	sadd.s32 s2, s14  }
0x8e: {  	[smem:$0x3FC2] =	sst s2  }
0x8f: {  	_ = 	snop  }
0x90: {  	s2 =	sld [smem:$0x3FD0];
	_ =	sdelay $0x2  }
0x91: {  	s15 =	simm.s32 $0xA;
	s4 =	simm.s32 $0x10  }
0x92: {  	[smem:s4], [sflag:s15] =	dma.local [hbm:s2], $0x1  }
0x93: {  	_ =	swait.eq [sflag:s15], $0x1  }
0x94: {  	[sflag:s15] =	ssyncset.done $0x0  }
0x95: {  	s16 =	sld [smem:$0x10];
	[sflag:s15] =	ssyncadd.s32 $0xFFFFFFFF  }
0x96: {  	s17 =	sld [smem:$0x12];
	(tm) =	ssettm $0x1  }
0x97: {  	s18 =	sld [smem:$0x3FFB];
	_ =	sdelay $0x3  }
0x98: {  	_ =	strace s18  }
0x99: {  	s4 =	sld [smem:$0x3FFC];
	_ =	sdelay $0x3  }
0x9a: {  	_ =	strace s4  }
0x9b: {  	s4 =	sld [smem:$0x3FFD];
	_ =	sdelay $0x3  }
0x9c: {  	_ =	strace s4  }
0x9d: {  	_ =	strace $0x8FFFFFFF  }
0x9e: {  	s19 =	sld [smem:$0x3FDB];
	_ =	sdelay $0x1  }
0x9f: {  	s5 =	simm.s32 $_scs_section_size  }
0xa0: {  	s6 =	simm.s32 $_size__tile_overlayer_lowered;
	s7 =	simm.s32 $_tile_overlayer_lowered  }
0xa1: {  	s22 =	simm.s32 $0x1BFF;
	s21 =	sshll.u32 s7, $0x1;
	s4 =	sadd.s32 s5, s19  }
0xa2: {  	s8 =	simm.s32 $0x0;
	s20 =	sshll.u32 s6, $0x1;
	s6 =	sadd.s32 s21, s4  }
0xa3: {  	[timem:s8], [sflag:s22] =	dma.local [hbm:s6], s20  }
0xa4: {  	_ =	swait.ge [sflag:s22], s20  }
0xa5: {  	s5 =	ssub.s32 $0x0, s20;
	[sflag:s22] =	ssyncset.done $0x0  }
0xa6: {  	[sflag:s22] =	ssyncadd.s32 s5;
	_ =	sdelay $0x1  }
0xa7: {  	s23 =	simm.s32 $0x1B8B  }
0xa8: {  	_ =	swait.ge [sflag:s23], $0x1  }
0xa9: {  	[sflag:s23] =	ssyncset.done $0x0  }
0xaa: {  	s25 =	simm.s32 $0x1B8E;
	s24 =	sld [smem:$0x3FFE];
	[sflag:s23] =	ssyncadd.s32 $0xFFFFFFFF  }
0xab: {  	s26 =	simm.s32 $execute0_lowered;
	[smem:$0x3FD2] =	sst s25  }
0xac: {  	s6 =	sshll.u32 s26, $0x1;
	_ =	strace $0x80000049;
	[dreg:$0x1] =	wrdreg $0xFFFFFFFF  }
0xad: {  	s28 =	simm.s32 $_size_execute0_lowered;
	s4 =	sadd.s32 s4, s6;
	[dreg:$0x0] =	wrdreg $0x0  }
0xae: {  	s6 =	sshll.u32 s28, $0x1;
	[dreg:$0x2] =	wrdreg s4  }
0xaf: {  	[dreg:$0x3] =	wrdreg s6  }
0xb0: {  	[dreg:$0x4] =	wrdreg $0xC0  }
0xb1: {  	_ =	task [dreg:s8], $0x5FFFF  }
0xb2: {  	[dreg:$0x1] =	wrdreg $0xFFFFFFFF  }
0xb3: {  	[dreg:$0x0] =	wrdreg $0x60  }
0xb4: {  	[dreg:$0x2] =	wrdreg s16  }
0xb5: {  	[dreg:$0x3] =	wrdreg s24  }
0xb6: {  	[dreg:$0x4] =	wrdreg s17  }
0xb7: {  	[dreg:$0x5] =	wrdreg $0xA8000  }
0xb8: {  	[dreg:$0x6] =	wrdreg $0x9  }
0xb9: {  	_ =	task.clear_ibuf [dreg:s8], $0x7FFFF;
	_ =	strace $0x90000049  }
0xba: {  	s29 =	simm.s32 $0x9;
	_ =	strace $0x8000004B  }
0xbb: {  	_ =	swait.ge [sflag:s29], $0x1  }
0xbc: {  	[sflag:s29] =	ssyncadd.s32 $0xFFFFFFFF  }
0xbd: {  	_ =	strace $0x9000004B  }
0xbe: {  	_ =	sfence  }
0xbf: {  	s30 =	sld [smem:$0x0];
	_ =	sdelay $0x2  }
0xc0: {  	s31 =	sshll.u32 s1, $0xD;
	s1 =	sshrl.u32 s1, $0x2  }
0xc1: {  	s3 =	sand.u32 $0x4000, s31;
	s1 =	sadd.s32 s1, s30  }
0xc2: {  	s0 =	sor.u32 s3, s0;
	s1 =	sshll.u32 s1, $0x11  }
0xc3: {  	s0 =	sor.u32 s1, s0  }
0xc4: {  	s0 =	sadd.s32 $0x8F2B, s0  }
0xc5: {  	[sflag:s0] =	ssyncadd.remote.s32 $0x1  }
0xc6: {  	_ =	sfence.sel $0xFFFF  }
0xc7: {  	[dreg:$0x0] =	wrdreg $0xFFFFFFFF;
	(pc) =	sbr.abs _section_cstart, $3  }
0xc8: {  	[dreg:$0x1] =	wrdreg $0xFFFFFFFF  }
0xc9: {  	_ =	task.clear_ibuf [dreg:s8], $0x2FFFF;
	_ =	strace $0x9FFFFFFF  }
0xca: {  	(tm) =	ssettm $0x7FFFFFFF  }
0xcb: {  	_ =	shalt  }
tec
execute0_lowered:
.L_overlay_start_1:
0x0: {  	(tag) =	ssettag $0x1  }
0x1: {  	s1 =	rddreg [dreg:$0x0]  }
0x2: {  	s6 =	rddreg [dreg:$0x1]  }
0x3: {  	s12 =	rddreg [dreg:$0x2]  }
0x4: {  	s3 =	rddreg [dreg:$0x3]  }
0x5: {  	s0 =	rddreg [dreg:$0x4]  }
0x6: {  	s5 =	srdreg.scid;
	s2 =	stileid.u32  }
0x7: {  	s4 =	simm.s32 $0x0;
	s16 =	simm.s32 $0x80;
	s17 =	simm.s32 $0x0  }
0x8: {  	s7 =	sand.u32 $0x1, s5;
	s8 =	smul.u32 $0x2780, s2;
	[smem:$0x7FF] =	sst s4  }
0x9: {  	s11 =	sadd.s32 $0x7400, s6;
	s5 =	sadd.s32 $0x11400, s6;
	s10 =	smul.u32 $0x4F000, s2  }
0xa: {  	s13 =	sshll.u32 s2, $0x6;
	s9 =	smul.u32 $0x27800, s7;
	s29 =	ssub.s32 $0x2, s7  }
0xb: {  	_ =	strace $0x8000004A;
	s7 =	sshll.u32 s7, $0x4;
	s30 =	sshrl.u32 s29, $0x1  }
0xc: {  	s7 =	sor.u32 s2, s7;
	s10 =	sshrl.u32 s10, $0x2;
	s8 =	sadd.s32 s8, s9  }
0xd: {  	s14 =	smul.u32 $0x500, s7;
	s9 =	ssub.s32 s29, s30;
	s15 =	sadd.s32 s10, s3  }
0xe: {  	s8 =	sadd.s32 s8, s6;
	s6 =	sor.u32 $0x1C03, s13;
	s13 =	sshrl.u32 s15, $0x3  }
0xf: {  	s15 =	simm.s32 $0x2800;
	s7 =	sadd.s32 $0x8A400, s8;
	s8 =	smax.u32 s9, $0x1  }
0x10: {  	s31 =	sadd.s32 $0x280, s14;
	s9 =	sadd.s32 s11, s14;
	s10 =	sadd.s32 s12, s14  }
0x11: {  	s14 =	simm.s32 $0x3;
	s11 =	sadd.s32 s11, s31;
	s12 =	sadd.s32 s12, s31  }
.LBB2_1:
0x12: {  	[spmem:s13], [sflag:s6] =	dma.local [hbm:s5], $0x2780  }
0x13: {  	_ =	swait.ge [sflag:s14], $0x2780  }
0x14: {  	[sflag:s14] =	ssyncset.done $0x0  }
0x15: {  	[sflag:s14] =	ssyncadd.s32 $0xFFFFD880  }
0x16: {  	[bflag:$0x0] =	sbarrier.arrive $0xFFFF  }
0x17: {  	[tilespmem:s4], [sflag:$0x3] =	stream.linear.gather [hbm4b:s9+s4], $0x1400, $0x38;
	[tilespmem:$0x1E400] =	vst v63  }
0x18: {  	_ =	swait.ge [sflag:s14], $0x1400  }
0x19: {  	[sflag:s14] =	ssyncset.done $0x0  }
0x1a: {  	s18 =	simm.s32 $0x1400;
	[sflag:s14] =	ssyncadd.s32 $0xFFFFEC00  }
0x1b: {  	[tilespmem:s18], [sflag:$0x3] =	stream.linear.gather [hbm4b:s10+s4], $0x1400, $0x38;
	[tilespmem:$0x1E400] =	vst v63  }
0x1c: {  	s19 =	simm.s32 $0x1;
	_ =	swait.ge [sflag:s14], $0x1400  }
0x1d: {  	s20 =	simm.s32 $0x0;
	s19 =	sand.u32 $0x1, s19;
	[sflag:s14] =	ssyncset.done $0x0  }
0x1e: {  	s20 =	sand.u32 $0x1, s20;
	s21 =	sshll.u32 s19, $0xE;
	[sflag:s14] =	ssyncadd.s32 $0xFFFFEC00  }
0x1f: {  	[tilespmem:s15], [sflag:$0x1] =	stream.indirect.gather [hbm4b:s1+s16], $0x80, s4, s16, $0xb8;
	[tilespmem:$0x1E400] =	vst v63  }
0x20: {  	s19 =	sadd.s32 $0x1, s19;
	s22 =	sadd.s32 $0x1, s20;
	s21 =	sor.u32 $0x2800, s21  }
0x21: {  	[tilespmem:s21], [sflag:s19] =	stream.indirect.gather [hbm4b:s1+s16], $0x80, s16, s16, $0xb8;
	[tilespmem:$0x1E400] =	vst v63  }
0x22: {  	s31 =	sshll.u32 s20, $0xE;
	_ =	swait.ge [sflag:s22], $0x4000  }
0x23: {  	s20 =	simm.s32 $0x2;
	s19 =	sor.u32 $0x2800, s31;
	[sflag:s22] =	ssyncset.done $0x0  }
0x24: {  	s21 =	simm.s32 $0x3;
	[sflag:s22] =	ssyncadd.s32 $0xFFFFC000;
	s22 =	sand.u32 $0x1, s20  }
0x25: {  	[spmem:s3] =	stream.indirect.scatter.add.f32 [tilespmem:s19], [sflag:$0x3], $0x80, s18, s16, $0xb8;
	[tilespmem:$0x1E400] =	vst v63  }
0x26: {  	s19 =	simm.s32 $0x100;
	s18 =	simm.s32 $0x1480;
	_ =	swait.ge [sflag:s14], $0x4000  }
.LBB2_2:
0x27: {  	s23 =	sshll.u32 s22, $0xE;
	s24 =	sadd.s32 $0xFFFFFFFF, s20  }
0x28: {  	[sflag:s14] =	ssyncset.done $0x0;
	s20 =	smov.u32 s21;
	s22 =	sadd.s32 $0x1, s22  }
0x29: {  	p0 =	sne.s32 s21, $0x27;
	s23 =	sor.u32 $0x2800, s23;
	s24 =	sand.u32 $0x1, s24  }
0x2a: {  	s25 =	sshll.u32 s24, $0xE;
	s24 =	sadd.s32 $0x1, s24;
	[sflag:s14] =	ssyncadd.s32 $0xFFFFC000  }
0x2b: {  	[tilespmem:s23], [sflag:s22] =	stream.indirect.gather [hbm4b:s1+s16], $0x80, s19, s16, $0xb8;
	[tilespmem:$0x1E400] =	vst v63  }
.Ltmp0:
0x2c: {  	s23 =	sadd.s32 $0x1, s21;
	_ =	swait.ge [sflag:s24], $0x4000;
	(pc) =	sbr.rel @p0 .LBB2_2-.Ltmp0, $4  }
0x2d: {  	s21 =	sor.u32 $0x2800, s25;
	[sflag:s24] =	ssyncset.done $0x0  }
0x2e: {  	s19 =	sadd.s32 $0x80, s19;
	s22 =	sand.u32 $0x1, s20;
	[sflag:s24] =	ssyncadd.s32 $0xFFFFC000  }
0x2f: {  	[spmem:s3] =	stream.indirect.scatter.add.f32 [tilespmem:s21], [sflag:$0x3], $0x80, s18, s16, $0xb8;
	[tilespmem:$0x1E400] =	vst v63  }
0x30: {  	s18 =	sadd.s32 $0x80, s18;
	s21 =	smov.u32 s23;
	_ =	swait.ge [sflag:s14], $0x4000  }
0x31: {  	s21 =	sshll.u32 s22, $0xE;
	s20 =	sadd.s32 $0xFFFFFFFF, s20  }
0x32: {  	[sflag:s14] =	ssyncset.done $0x0;
	s31 =	sadd.s32 $0x1, s22;
	s20 =	sand.u32 $0x1, s20  }
0x33: {  	s21 =	sor.u32 $0x2800, s21;
	[sflag:s14] =	ssyncadd.s32 $0xFFFFC000;
	s23 =	sadd.s32 $0x1, s20  }
0x34: {  	[tilespmem:s21], [sflag:s31] =	stream.indirect.gather [hbm4b:s1+s16], $0x80, s19, s16, $0xb8;
	[tilespmem:$0x1E400] =	vst v63  }
0x35: {  	_ =	swait.ge [sflag:s23], $0x4000  }
0x36: {  	s20 =	sshll.u32 s20, $0xE;
	[sflag:s23] =	ssyncset.done $0x0  }
0x37: {  	s19 =	sor.u32 $0x2800, s20;
	[sflag:s23] =	ssyncadd.s32 $0xFFFFC000  }
0x38: {  	[spmem:s3] =	stream.indirect.scatter.add.f32 [tilespmem:s19], [sflag:$0x3], $0x80, s18, s16, $0xb8;
	[tilespmem:$0x1E400] =	vst v63  }
0x39: {  	_ =	swait.ge [sflag:s14], $0x4000  }
0x3a: {  	[sflag:s14] =	ssyncset.done $0x0  }
0x3b: {  	[sflag:s14] =	ssyncadd.s32 $0xFFFFC000  }
0x3c: {  	_ =	swait.ge [sflag:s31], $0x4000  }
0x3d: {  	[sflag:s31] =	ssyncset.done $0x0  }
0x3e: {  	s24 =	simm.s32 $0x80;
	s23 =	sadd.s32 $0x80, s18;
	[sflag:s31] =	ssyncadd.s32 $0xFFFFC000  }
0x3f: {  	[spmem:s3] =	stream.indirect.scatter.add.f32 [tilespmem:s21], [sflag:$0x3], $0x80, s23, s24, $0xb8;
	[tilespmem:$0x1E400] =	vst v63  }
0x40: {  	_ =	swait.ge [sflag:s14], $0x4000  }
0x41: {  	[sflag:s14] =	ssyncset.done $0x0  }
0x42: {  	[sflag:s14] =	ssyncadd.s32 $0xFFFFC000  }
0x43: {  	[tilespmem:s4], [sflag:$0x3] =	stream.linear.gather [hbm4b:s11+s4], $0x1400, $0x38;
	[tilespmem:$0x1E400] =	vst v63  }
0x44: {  	_ =	swait.ge [sflag:s14], $0x1400  }
0x45: {  	[sflag:s14] =	ssyncset.done $0x0  }
0x46: {  	s25 =	simm.s32 $0x1400;
	[sflag:s14] =	ssyncadd.s32 $0xFFFFEC00  }
0x47: {  	[tilespmem:s25], [sflag:$0x3] =	stream.linear.gather [hbm4b:s12+s4], $0x1400, $0x38;
	[tilespmem:$0x1E400] =	vst v63  }
0x48: {  	s26 =	simm.s32 $0x1;
	_ =	swait.ge [sflag:s14], $0x1400  }
0x49: {  	s28 =	simm.s32 $0x0;
	s20 =	sand.u32 $0x1, s26;
	[sflag:s14] =	ssyncset.done $0x0  }
0x4a: {  	s29 =	sshll.u32 s20, $0xE;
	s21 =	sand.u32 $0x1, s28;
	[sflag:s14] =	ssyncadd.s32 $0xFFFFEC00  }
0x4b: {  	[tilespmem:s15], [sflag:$0x1] =	stream.indirect.gather [hbm4b:s1+s24], $0x80, s4, s24, $0xb8;
	[tilespmem:$0x1E400] =	vst v63  }
0x4c: {  	s20 =	sadd.s32 $0x1, s20;
	s22 =	sor.u32 $0x2800, s29;
	s30 =	sadd.s32 $0x1, s21  }
0x4d: {  	[tilespmem:s22], [sflag:s20] =	stream.indirect.gather [hbm4b:s1+s16], $0x80, s24, s16, $0xb8;
	[tilespmem:$0x1E400] =	vst v63  }
0x4e: {  	s18 =	simm.s32 $0x1480;
	_ =	swait.ge [sflag:s30], $0x4000  }
0x4f: {  	s31 =	sshll.u32 s21, $0xE;
	s21 =	simm.s32 $0x3;
	[sflag:s30] =	ssyncset.done $0x0  }
0x50: {  	s19 =	sor.u32 $0x2800, s31;
	s20 =	simm.s32 $0x2;
	[sflag:s30] =	ssyncadd.s32 $0xFFFFC000  }
0x51: {  	[spmem:s3] =	stream.indirect.scatter.add.f32 [tilespmem:s19], [sflag:$0x3], $0x80, s25, s16, $0xb8;
	[tilespmem:$0x1E400] =	vst v63  }
0x52: {  	s22 =	sand.u32 $0x1, s20;
	s19 =	simm.s32 $0x100;
	_ =	swait.ge [sflag:s14], $0x4000  }
.LBB2_4:
0x53: {  	s23 =	sshll.u32 s22, $0xE;
	s24 =	sadd.s32 $0xFFFFFFFF, s20  }
0x54: {  	[sflag:s14] =	ssyncset.done $0x0;
	s20 =	smov.u32 s21;
	s22 =	sadd.s32 $0x1, s22  }
0x55: {  	p0 =	sne.s32 s21, $0x27;
	s23 =	sor.u32 $0x2800, s23;
	s24 =	sand.u32 $0x1, s24  }
0x56: {  	s25 =	sshll.u32 s24, $0xE;
	s24 =	sadd.s32 $0x1, s24;
	[sflag:s14] =	ssyncadd.s32 $0xFFFFC000  }
0x57: {  	[tilespmem:s23], [sflag:s22] =	stream.indirect.gather [hbm4b:s1+s16], $0x80, s19, s16, $0xb8;
	[tilespmem:$0x1E400] =	vst v63  }
.Ltmp1:
0x58: {  	s23 =	sadd.s32 $0x1, s21;
	_ =	swait.ge [sflag:s24], $0x4000;
	(pc) =	sbr.rel @p0 .LBB2_4-.Ltmp1, $4  }
0x59: {  	s21 =	sor.u32 $0x2800, s25;
	[sflag:s24] =	ssyncset.done $0x0  }
0x5a: {  	s19 =	sadd.s32 $0x80, s19;
	s22 =	sand.u32 $0x1, s20;
	[sflag:s24] =	ssyncadd.s32 $0xFFFFC000  }
0x5b: {  	[spmem:s3] =	stream.indirect.scatter.add.f32 [tilespmem:s21], [sflag:$0x3], $0x80, s18, s16, $0xb8;
	[tilespmem:$0x1E400] =	vst v63  }
0x5c: {  	s18 =	sadd.s32 $0x80, s18;
	s21 =	smov.u32 s23;
	_ =	swait.ge [sflag:s14], $0x4000  }
0x5d: {  	s21 =	sshll.u32 s22, $0xE;
	s20 =	sadd.s32 $0xFFFFFFFF, s20  }
0x5e: {  	[sflag:s14] =	ssyncset.done $0x0;
	s29 =	sadd.s32 $0x1, s22;
	s20 =	sand.u32 $0x1, s20  }
0x5f: {  	s21 =	sor.u32 $0x2800, s21;
	[sflag:s14] =	ssyncadd.s32 $0xFFFFC000;
	s23 =	sadd.s32 $0x1, s20  }
0x60: {  	[tilespmem:s21], [sflag:s29] =	stream.indirect.gather [hbm4b:s1+s16], $0x80, s19, s16, $0xb8;
	[tilespmem:$0x1E400] =	vst v63  }
0x61: {  	_ =	swait.ge [sflag:s23], $0x4000  }
0x62: {  	s30 =	sshll.u32 s20, $0xE;
	[sflag:s23] =	ssyncset.done $0x0  }
0x63: {  	s19 =	sor.u32 $0x2800, s30;
	[sflag:s23] =	ssyncadd.s32 $0xFFFFC000  }
0x64: {  	[spmem:s3] =	stream.indirect.scatter.add.f32 [tilespmem:s19], [sflag:$0x3], $0x80, s18, s16, $0xb8;
	[tilespmem:$0x1E400] =	vst v63  }
0x65: {  	_ =	swait.ge [sflag:s14], $0x4000  }
0x66: {  	[sflag:s14] =	ssyncset.done $0x0  }
0x67: {  	[sflag:s14] =	ssyncadd.s32 $0xFFFFC000  }
0x68: {  	_ =	swait.ge [sflag:s29], $0x4000  }
0x69: {  	[sflag:s29] =	ssyncset.done $0x0  }
0x6a: {  	s31 =	sadd.s32 $0x80, s18;
	[sflag:s29] =	ssyncadd.s32 $0xFFFFC000  }
0x6b: {  	[spmem:s3] =	stream.indirect.scatter.add.f32 [tilespmem:s21], [sflag:$0x3], $0x80, s31, s16, $0xb8;
	[tilespmem:$0x1E400] =	vst v63  }
0x6c: {  	_ =	swait.ge [sflag:s14], $0x4000  }
0x6d: {  	s17 =	sadd.s32 $0x1, s17;
	[sflag:s14] =	ssyncset.done $0x0  }
0x6e: {  	p0 =	sne.s32 s17, s8;
	[sflag:s14] =	ssyncadd.s32 $0xFFFFC000  }
.Ltmp2:
0x6f: {  	[bflag:$0x0] =	sbarrier.arrive $0xFFFF;
	(pc) =	sbr.rel @p0 .LBB2_1-.Ltmp2, $4  }
0x70: {  	[hbm:s7], [sflag:s6] =	dma.local [spmem:s13], $0x2780  }
0x71: {  	_ =	swait.ge [sflag:s14], $0x2780  }
0x72: {  	[sflag:s14] =	ssyncset.done $0x0  }
0x73: {  	[sflag:s14] =	ssyncadd.s32 $0xFFFFD880  }
0x74: {  	_ =	sfence.sel $0x180000  }
0x75: {  	[bflag:$0x0] =	sbarrier.arrive $0xFFFF  }
0x76: {  	p0 =	sne.s32 s2, $0x0;
	_ =	strace $0x9000004A  }
0x77: {  	s0 =	sadd.s32 @!p0 $0x100000, s0;
	[bflag:$0x2] =	sbarrier.arrive $0xFFFF  }
0x78: {  	[sflag:s0] =	ssyncadd.tile.s32 @!p0 $0x1;
	_ =	shalt  }
.Lfunc_end2:
_tile_overlayer_lowered:
.L_overlay_start_2:
0x79: {  	(tag) =	ssettag $0x2  }
0x7a: {  	s0 =	rddreg [dreg:$0x0];
	s2 =	stileid.u32  }
0x7b: {  	s1 =	rddreg [dreg:$0x1];
	p0 =	sne.s32 s2, $0x0  }
0x7c: {  	s3 =	rddreg [dreg:$0x2];
	[bflag:$0x3] =	sbarrier.arrive $0xFFFF;
	s2 =	simm.s32 @!p0 $0x1C03  }
0x7d: {  	[timem:s3], [sflag:s2] =	dma.local @!p0 [hbm:s0], s1  }
0x7e: {  	s0 =	simm.s32 @!p0 $0x3  }
0x7f: {  	_ =	swait.ge @!p0 [sflag:s0], s1  }
0x80: {  	s1 =	ssub.s32 @!p0 $0x0, s1;
	[sflag:s0] =	ssyncset.done @!p0 $0x0  }
0x81: {  	[sflag:s0] =	ssyncadd.s32 @!p0 s1  }
0x82: {  	[bflag:$0x3] =	sbarrier.arrive $0xFFFF  }
0x83: {  	_ =	shalt  }

// kernel: kernel.31.cloned.1.call-start
scs
__scs_entry_jumppad:
0x0: {  	(pc) =	sbr.rel $0x88, $3  }
0x1: {  	(tag) =	ssettag $0x0;
	lr =	simm.s32 $0x1  }
0x2: {  	[smem:$0x3F9B] =	sst lr;
	_ =	strace $0xD0000000  }
0x3: {  	_ = 	snop  }
0x4: {  	_ = 	snop  }
0x5: {  	_ = 	snop  }
0x6: {  	_ = 	snop  }
0x7: {  	_ = 	snop  }
__scs_overlays_trampoline_lowered:
0x8: {  	[smem:$0x3FAA] =	sst s0  }
0x9: {  	[smem:$0x3FAB] =	sst s1  }
0xa: {  	[smem:$0x3FAC] =	sst s2  }
0xb: {  	[smem:$0x3FAD] =	sst s3  }
0xc: {  	[smem:$0x3FAE] =	sst s4  }
0xd: {  	[smem:$0x3FAF] =	sst s5  }
0xe: {  	[smem:$0x3FB0] =	sst s6  }
0xf: {  	[smem:$0x3FB1] =	sst s7  }
0x10: {  	[smem:$0x3FB2] =	sst s8  }
0x11: {  	[smem:$0x3FB3] =	sst s9;
	s0 =	simm.s32 @!p0 $0x0  }
0x12: {  	s1 =	sld [smem:$0x3F99];
	s0 =	simm.s32 @p0 $0x1  }
0x13: {  	[smem:$0x3FB4] =	sst s0;
	s0 =	simm.s32 @!p1 $0x0  }
0x14: {  	s2 =	sld [smem:$0x3F98];
	s0 =	simm.s32 @p1 $0x1  }
0x15: {  	[smem:$0x3FB5] =	sst s0;
	s0 =	simm.s32 @!p2 $0x0  }
0x16: {  	s3 =	sld [smem:$0x3FDB];
	s0 =	simm.s32 @p2 $0x1  }
0x17: {  	s4 =	simm.s32 $0x1BF5;
	[smem:$0x3FB7] =	sst s0  }
0x18: {  	s0 =	sld [smem:$0x3F9A];
	_ =	swait.ge [sflag:s4], $0x0  }
0x19: {  	s7 =	sld [smem:$0x3F9B]  }
0x1a: {  	s8 =	sadd.s32 $0xFFFFE003, lr  }
0x1b: {  	s9 =	sadd.s32 $0xFFFFFEF7, lr;
	s5 =	simm.s32 $0xFFFFFFFF;
	p2 =	slt.u32 s8, $0xFFFFF086  }
0x1c: {  	p1 =	slt.u32 s9, $0xF7A;
	s5 =	simm.s32 @!p2 $0x0  }
0x1d: {  	s5 =	simm.s32 @p1 $0x1;
	p0 =	seq.s32 s7, s2  }
0x1e: {  	s7 =	smul.u32 @!p0 $0xF7A, s2;
	p2 =	seq.s32 @!p0 s5, $0x0  }
0x1f: {  	s9 =	smul.u32 $0xF7A, s1;
	s8 =	simm.s32 @!p0 $0x1BF5;
	p2 =	por !p2, p0  }
0x20: {  	[sflag:s8] =	ssyncset.s32 @!p0 $0xFFFFF086;
	s6 =	sadd.s32 @!p0 s3, s7;
	s7 =	simm.s32 @!p0 $0x108  }
0x21: {  	s3 =	sadd.s32 s3, s9;
	s6 =	sadd.s32 @!p0 $0x88, s6;
	s7 =	simm.s32 @p2 $0x1082  }
0x22: {  	[simem:s7], [sflag:s8] =	dma.local @!p0 [hbm:s6], $0xF7A  }
0x23: {  	s9 =	sor.u32 $0xD0000000, s2;
	s6 =	simm.s32 $0x108;
	_ =	swait.ge @!p0 [sflag:s8], $0x0  }
0x24: {  	s3 =	sadd.s32 $0x88, s3;
	s6 =	simm.s32 @!p1 $0x1082;
	[sflag:s4] =	ssyncset.s32 $0xFFFFF086  }
0x25: {  	[simem:s6], [sflag:s4] =	dma.local [hbm:s3], $0xF7A  }
0x26: {  	[smem:$0x3F9B] =	sst s1;
	(tag) =	ssettag s2;
	_ =	strace s9  }
0x27: {  	s1 =	sld [smem:$0x3FAB]  }
0x28: {  	s2 =	sld [smem:$0x3FAC]  }
0x29: {  	s4 =	sld [smem:$0x3FAE]  }
0x2a: {  	p0 =	seq.s32 s5, $0x0;
	s5 =	sld [smem:$0x3FAF]  }
0x2b: {  	s6 =	sld [smem:$0x3FB0]  }
0x2c: {  	s7 =	sld [smem:$0x3FB1]  }
0x2d: {  	s3 =	simm.s32 $0x108;
	s8 =	sld [smem:$0x3FB2]  }
0x2e: {  	s3 =	simm.s32 @!p0 $0x1082;
	s9 =	sld [smem:$0x3FB3]  }
0x2f: {  	lr =	sadd.s32 s0, s3;
	s0 =	sld [smem:$0x3FAA]  }
0x30: {  	s3 =	sld [smem:$0x3FAD]  }
0x31: {  	[smem:$0x3FB6] =	sst s10  }
0x32: {  	s10 =	sld [smem:$0x3FB4];
	_ =	sdelay $0x3  }
0x33: {  	p0 =	seq.s32 s10, $0x1;
	s10 =	sld [smem:$0x3FB6];
	_ =	sdelay $0x3  }
0x34: {  	[smem:$0x3FB6] =	sst s10  }
0x35: {  	s10 =	sld [smem:$0x3FB5];
	_ =	sdelay $0x3  }
0x36: {  	p1 =	seq.s32 s10, $0x1;
	s10 =	sld [smem:$0x3FB6];
	_ =	sdelay $0x3  }
0x37: {  	[smem:$0x3FB6] =	sst s10  }
0x38: {  	s10 =	sld [smem:$0x3FB7]  }
0x39: {  	_ = 	snop;
	(pc) =	sbr.ind lr, $3  }
0x3a: {  	_ = 	snop  }
0x3b: {  	_ = 	snop  }
0x3c: {  	p2 =	seq.s32 s10, $0x1;
	s10 =	sld [smem:$0x3FB6]  }
0x3d: {  	_ =	shalt  }
0x3e: {  	_ =	shalt  }
0x3f: {  	_ =	shalt  }
0x40: {  	_ =	shalt  }
0x41: {  	_ =	shalt  }
0x42: {  	_ =	shalt  }
0x43: {  	_ =	shalt  }
0x44: {  	_ =	shalt  }
0x45: {  	_ =	shalt  }
0x46: {  	_ =	shalt  }
0x47: {  	_ =	shalt  }
0x48: {  	_ =	shalt  }
0x49: {  	_ =	shalt  }
0x4a: {  	_ =	shalt  }
0x4b: {  	_ =	shalt  }
0x4c: {  	_ =	shalt  }
0x4d: {  	_ =	shalt  }
0x4e: {  	_ =	shalt  }
0x4f: {  	_ =	shalt  }
0x50: {  	_ =	shalt  }
0x51: {  	_ =	shalt  }
0x52: {  	_ =	shalt  }
0x53: {  	_ =	shalt  }
0x54: {  	_ =	shalt  }
0x55: {  	_ =	shalt  }
0x56: {  	_ =	shalt  }
0x57: {  	_ =	shalt  }
0x58: {  	_ =	shalt  }
0x59: {  	_ =	shalt  }
0x5a: {  	_ =	shalt  }
0x5b: {  	_ =	shalt  }
0x5c: {  	_ =	shalt  }
0x5d: {  	_ =	shalt  }
0x5e: {  	_ =	shalt  }
0x5f: {  	_ =	shalt  }
0x60: {  	_ =	shalt  }
0x61: {  	_ =	shalt  }
0x62: {  	_ =	shalt  }
0x63: {  	_ =	shalt  }
0x64: {  	_ =	shalt  }
0x65: {  	_ =	shalt  }
0x66: {  	_ =	shalt  }
0x67: {  	_ =	shalt  }
0x68: {  	_ =	shalt  }
0x69: {  	_ =	shalt  }
0x6a: {  	_ =	shalt  }
0x6b: {  	_ =	shalt  }
0x6c: {  	_ =	shalt  }
0x6d: {  	_ =	shalt  }
0x6e: {  	_ =	shalt  }
0x6f: {  	_ =	shalt  }
0x70: {  	_ =	shalt  }
0x71: {  	_ =	shalt  }
0x72: {  	_ =	shalt  }
0x73: {  	_ =	shalt  }
0x74: {  	_ =	shalt  }
0x75: {  	_ =	shalt  }
0x76: {  	_ =	shalt  }
0x77: {  	_ =	shalt  }
0x78: {  	_ =	shalt  }
0x79: {  	_ =	shalt  }
0x7a: {  	_ =	shalt  }
0x7b: {  	_ =	shalt  }
0x7c: {  	_ =	shalt  }
0x7d: {  	_ =	shalt  }
0x7e: {  	_ =	shalt  }
0x7f: {  	_ =	shalt  }
0x80: {  	_ =	shalt  }
0x81: {  	_ =	shalt  }
0x82: {  	_ =	shalt  }
0x83: {  	_ =	shalt  }
0x84: {  	_ =	shalt  }
0x85: {  	_ =	shalt  }
0x86: {  	_ =	shalt  }
0x87: {  	_ =	shalt  }
.Lfunc_end0:
.L_simem_size_0:
called_computation.2_lowered:
.L_overlay_start_0:
0x88: {  	s2 =	sld [smem:$0x3FD9]  }
0x89: {  	s3 =	sld [smem:$0x3FFE];
	_ =	sdelay $0x1  }
0x8a: {  	s1 =	srdreg.scid  }
0x8b: {  	s0 =	sand.u32 $0x1, s1  }
0x8c: {  	s14 =	sshll.u32 s0, $0xA;
	s2 =	sadd.s32 s3, s2  }
0x8d: {  	s2 =	sadd.s32 s2, s14  }
0x8e: {  	[smem:$0x3FC2] =	sst s2  }
0x8f: {  	_ = 	snop  }
0x90: {  	s2 =	sld [smem:$0x3FD0];
	_ =	sdelay $0x2  }
0x91: {  	s15 =	simm.s32 $0xA;
	s4 =	simm.s32 $0x10  }
0x92: {  	[smem:s4], [sflag:s15] =	dma.local [hbm:s2], $0x1  }
0x93: {  	_ =	swait.eq [sflag:s15], $0x1  }
0x94: {  	[sflag:s15] =	ssyncset.done $0x0  }
0x95: {  	s16 =	sld [smem:$0x10];
	[sflag:s15] =	ssyncadd.s32 $0xFFFFFFFF  }
0x96: {  	s17 =	sld [smem:$0x12];
	(tm) =	ssettm $0x1  }
0x97: {  	s18 =	sld [smem:$0x3FFB];
	_ =	sdelay $0x3  }
0x98: {  	_ =	strace s18  }
0x99: {  	s4 =	sld [smem:$0x3FFC];
	_ =	sdelay $0x3  }
0x9a: {  	_ =	strace s4  }
0x9b: {  	s4 =	sld [smem:$0x3FFD];
	_ =	sdelay $0x3  }
0x9c: {  	_ =	strace s4  }
0x9d: {  	_ =	strace $0x8FFFFFFF  }
0x9e: {  	s19 =	sld [smem:$0x3FDB];
	_ =	sdelay $0x1  }
0x9f: {  	s5 =	simm.s32 $_scs_section_size  }
0xa0: {  	s6 =	simm.s32 $_size__tile_overlayer_lowered;
	s7 =	simm.s32 $_tile_overlayer_lowered  }
0xa1: {  	s22 =	simm.s32 $0x1BFF;
	s21 =	sshll.u32 s7, $0x1;
	s4 =	sadd.s32 s5, s19  }
0xa2: {  	s8 =	simm.s32 $0x0;
	s20 =	sshll.u32 s6, $0x1;
	s6 =	sadd.s32 s21, s4  }
0xa3: {  	[timem:s8], [sflag:s22] =	dma.local [hbm:s6], s20  }
0xa4: {  	_ =	swait.ge [sflag:s22], s20  }
0xa5: {  	s5 =	ssub.s32 $0x0, s20;
	[sflag:s22] =	ssyncset.done $0x0  }
0xa6: {  	[sflag:s22] =	ssyncadd.s32 s5;
	_ =	sdelay $0x1  }
0xa7: {  	s23 =	simm.s32 $0x1B8B  }
0xa8: {  	_ =	swait.ge [sflag:s23], $0x1  }
0xa9: {  	[sflag:s23] =	ssyncset.done $0x0  }
0xaa: {  	s25 =	simm.s32 $0x1B8E;
	s24 =	sld [smem:$0x3FFE];
	[sflag:s23] =	ssyncadd.s32 $0xFFFFFFFF  }
0xab: {  	s26 =	simm.s32 $execute0_lowered;
	[smem:$0x3FD2] =	sst s25  }
0xac: {  	s6 =	sshll.u32 s26, $0x1;
	_ =	strace $0x8000004C;
	[dreg:$0x1] =	wrdreg $0xFFFFFFFF  }
0xad: {  	s28 =	simm.s32 $_size_execute0_lowered;
	s4 =	sadd.s32 s4, s6;
	[dreg:$0x0] =	wrdreg $0x0  }
0xae: {  	s6 =	sshll.u32 s28, $0x1;
	[dreg:$0x2] =	wrdreg s4  }
0xaf: {  	[dreg:$0x3] =	wrdreg s6  }
0xb0: {  	[dreg:$0x4] =	wrdreg $0xC0  }
0xb1: {  	_ =	task [dreg:s8], $0x5FFFF  }
0xb2: {  	[dreg:$0x1] =	wrdreg $0xFFFFFFFF  }
0xb3: {  	[dreg:$0x0] =	wrdreg $0x60  }
0xb4: {  	[dreg:$0x2] =	wrdreg s16  }
0xb5: {  	[dreg:$0x3] =	wrdreg s24  }
0xb6: {  	[dreg:$0x4] =	wrdreg s17  }
0xb7: {  	[dreg:$0x5] =	wrdreg $0xA8000  }
0xb8: {  	[dreg:$0x6] =	wrdreg $0x9  }
0xb9: {  	_ =	task.clear_ibuf [dreg:s8], $0x7FFFF;
	_ =	strace $0x9000004C  }
0xba: {  	s29 =	simm.s32 $0x9;
	_ =	strace $0x8000004E  }
0xbb: {  	_ =	swait.ge [sflag:s29], $0x1  }
0xbc: {  	[sflag:s29] =	ssyncadd.s32 $0xFFFFFFFF  }
0xbd: {  	_ =	strace $0x9000004E  }
0xbe: {  	_ =	sfence  }
0xbf: {  	s30 =	sld [smem:$0x0];
	_ =	sdelay $0x2  }
0xc0: {  	s31 =	sshll.u32 s1, $0xD;
	s1 =	sshrl.u32 s1, $0x2  }
0xc1: {  	s3 =	sand.u32 $0x4000, s31;
	s1 =	sadd.s32 s1, s30  }
0xc2: {  	s0 =	sor.u32 s3, s0;
	s1 =	sshll.u32 s1, $0x11  }
0xc3: {  	s0 =	sor.u32 s1, s0  }
0xc4: {  	s0 =	sadd.s32 $0x8F2B, s0  }
0xc5: {  	[sflag:s0] =	ssyncadd.remote.s32 $0x1  }
0xc6: {  	_ =	sfence.sel $0xFFFF  }
0xc7: {  	[dreg:$0x0] =	wrdreg $0xFFFFFFFF;
	(pc) =	sbr.abs _section_cstart, $3  }
0xc8: {  	[dreg:$0x1] =	wrdreg $0xFFFFFFFF  }
0xc9: {  	_ =	task.clear_ibuf [dreg:s8], $0x2FFFF;
	_ =	strace $0x9FFFFFFF  }
0xca: {  	(tm) =	ssettm $0x7FFFFFFF  }
0xcb: {  	_ =	shalt  }
tec
execute0_lowered:
.L_overlay_start_1:
0x0: {  	(tag) =	ssettag $0x1  }
0x1: {  	s1 =	rddreg [dreg:$0x0]  }
0x2: {  	s6 =	rddreg [dreg:$0x1]  }
0x3: {  	s12 =	rddreg [dreg:$0x2]  }
0x4: {  	s3 =	rddreg [dreg:$0x3]  }
0x5: {  	s0 =	rddreg [dreg:$0x4]  }
0x6: {  	s5 =	srdreg.scid;
	s2 =	stileid.u32  }
0x7: {  	s4 =	simm.s32 $0x0;
	s16 =	simm.s32 $0x80;
	s17 =	simm.s32 $0x0  }
0x8: {  	s7 =	sand.u32 $0x1, s5;
	s8 =	smul.u32 $0x2780, s2;
	[smem:$0x7FF] =	sst s4  }
0x9: {  	s11 =	sadd.s32 $0x7400, s6;
	s5 =	sadd.s32 $0x11400, s6;
	s10 =	smul.u32 $0x4F000, s2  }
0xa: {  	s13 =	sshll.u32 s2, $0x6;
	s9 =	smul.u32 $0x27800, s7;
	s29 =	ssub.s32 $0x2, s7  }
0xb: {  	_ =	strace $0x8000004D;
	s7 =	sshll.u32 s7, $0x4;
	s30 =	sshrl.u32 s29, $0x1  }
0xc: {  	s7 =	sor.u32 s2, s7;
	s10 =	sshrl.u32 s10, $0x2;
	s8 =	sadd.s32 s8, s9  }
0xd: {  	s14 =	smul.u32 $0x500, s7;
	s9 =	ssub.s32 s29, s30;
	s15 =	sadd.s32 s10, s3  }
0xe: {  	s8 =	sadd.s32 s8, s6;
	s6 =	sor.u32 $0x1C03, s13;
	s13 =	sshrl.u32 s15, $0x3  }
0xf: {  	s15 =	simm.s32 $0x2800;
	s7 =	sadd.s32 $0x8A400, s8;
	s8 =	smax.u32 s9, $0x1  }
0x10: {  	s31 =	sadd.s32 $0x280, s14;
	s9 =	sadd.s32 s11, s14;
	s10 =	sadd.s32 s12, s14  }
0x11: {  	s14 =	simm.s32 $0x3;
	s11 =	sadd.s32 s11, s31;
	s12 =	sadd.s32 s12, s31  }
.LBB2_1:
0x12: {  	[spmem:s13], [sflag:s6] =	dma.local [hbm:s5], $0x2780  }
0x13: {  	_ =	swait.ge [sflag:s14], $0x2780  }
0x14: {  	[sflag:s14] =	ssyncset.done $0x0  }
0x15: {  	[sflag:s14] =	ssyncadd.s32 $0xFFFFD880  }
0x16: {  	[bflag:$0x0] =	sbarrier.arrive $0xFFFF  }
0x17: {  	[tilespmem:s4], [sflag:$0x3] =	stream.linear.gather [hbm4b:s9+s4], $0x1400, $0x38;
	[tilespmem:$0x1E400] =	vst v63  }
0x18: {  	_ =	swait.ge [sflag:s14], $0x1400  }
0x19: {  	[sflag:s14] =	ssyncset.done $0x0  }
0x1a: {  	s18 =	simm.s32 $0x1400;
	[sflag:s14] =	ssyncadd.s32 $0xFFFFEC00  }
0x1b: {  	[tilespmem:s18], [sflag:$0x3] =	stream.linear.gather [hbm4b:s10+s4], $0x1400, $0x38;
	[tilespmem:$0x1E400] =	vst v63  }
0x1c: {  	s19 =	simm.s32 $0x1;
	_ =	swait.ge [sflag:s14], $0x1400  }
0x1d: {  	s20 =	simm.s32 $0x0;
	s19 =	sand.u32 $0x1, s19;
	[sflag:s14] =	ssyncset.done $0x0  }
0x1e: {  	s20 =	sand.u32 $0x1, s20;
	s21 =	sshll.u32 s19, $0xE;
	[sflag:s14] =	ssyncadd.s32 $0xFFFFEC00  }
0x1f: {  	[tilespmem:s15], [sflag:$0x1] =	stream.indirect.gather [hbm4b:s1+s16], $0x80, s4, s16, $0xb8;
	[tilespmem:$0x1E400] =	vst v63  }
0x20: {  	s19 =	sadd.s32 $0x1, s19;
	s22 =	sadd.s32 $0x1, s20;
	s21 =	sor.u32 $0x2800, s21  }
0x21: {  	[tilespmem:s21], [sflag:s19] =	stream.indirect.gather [hbm4b:s1+s16], $0x80, s16, s16, $0xb8;
	[tilespmem:$0x1E400] =	vst v63  }
0x22: {  	s31 =	sshll.u32 s20, $0xE;
	_ =	swait.ge [sflag:s22], $0x4000  }
0x23: {  	s20 =	simm.s32 $0x2;
	s19 =	sor.u32 $0x2800, s31;
	[sflag:s22] =	ssyncset.done $0x0  }
0x24: {  	s21 =	simm.s32 $0x3;
	[sflag:s22] =	ssyncadd.s32 $0xFFFFC000;
	s22 =	sand.u32 $0x1, s20  }
0x25: {  	[spmem:s3] =	stream.indirect.scatter.add.f32 [tilespmem:s19], [sflag:$0x3], $0x80, s18, s16, $0xb8;
	[tilespmem:$0x1E400] =	vst v63  }
0x26: {  	s19 =	simm.s32 $0x100;
	s18 =	simm.s32 $0x1480;
	_ =	swait.ge [sflag:s14], $0x4000  }
.LBB2_2:
0x27: {  	s23 =	sshll.u32 s22, $0xE;
	s24 =	sadd.s32 $0xFFFFFFFF, s20  }
0x28: {  	[sflag:s14] =	ssyncset.done $0x0;
	s20 =	smov.u32 s21;
	s22 =	sadd.s32 $0x1, s22  }
0x29: {  	p0 =	sne.s32 s21, $0x27;
	s23 =	sor.u32 $0x2800, s23;
	s24 =	sand.u32 $0x1, s24  }
0x2a: {  	s25 =	sshll.u32 s24, $0xE;
	s24 =	sadd.s32 $0x1, s24;
	[sflag:s14] =	ssyncadd.s32 $0xFFFFC000  }
0x2b: {  	[tilespmem:s23], [sflag:s22] =	stream.indirect.gather [hbm4b:s1+s16], $0x80, s19, s16, $0xb8;
	[tilespmem:$0x1E400] =	vst v63  }
.Ltmp0:
0x2c: {  	s23 =	sadd.s32 $0x1, s21;
	_ =	swait.ge [sflag:s24], $0x4000;
	(pc) =	sbr.rel @p0 .LBB2_2-.Ltmp0, $4  }
0x2d: {  	s21 =	sor.u32 $0x2800, s25;
	[sflag:s24] =	ssyncset.done $0x0  }
0x2e: {  	s19 =	sadd.s32 $0x80, s19;
	s22 =	sand.u32 $0x1, s20;
	[sflag:s24] =	ssyncadd.s32 $0xFFFFC000  }
0x2f: {  	[spmem:s3] =	stream.indirect.scatter.add.f32 [tilespmem:s21], [sflag:$0x3], $0x80, s18, s16, $0xb8;
	[tilespmem:$0x1E400] =	vst v63  }
0x30: {  	s18 =	sadd.s32 $0x80, s18;
	s21 =	smov.u32 s23;
	_ =	swait.ge [sflag:s14], $0x4000  }
0x31: {  	s21 =	sshll.u32 s22, $0xE;
	s20 =	sadd.s32 $0xFFFFFFFF, s20  }
0x32: {  	[sflag:s14] =	ssyncset.done $0x0;
	s31 =	sadd.s32 $0x1, s22;
	s20 =	sand.u32 $0x1, s20  }
0x33: {  	s21 =	sor.u32 $0x2800, s21;
	[sflag:s14] =	ssyncadd.s32 $0xFFFFC000;
	s23 =	sadd.s32 $0x1, s20  }
0x34: {  	[tilespmem:s21], [sflag:s31] =	stream.indirect.gather [hbm4b:s1+s16], $0x80, s19, s16, $0xb8;
	[tilespmem:$0x1E400] =	vst v63  }
0x35: {  	_ =	swait.ge [sflag:s23], $0x4000  }
0x36: {  	s20 =	sshll.u32 s20, $0xE;
	[sflag:s23] =	ssyncset.done $0x0  }
0x37: {  	s19 =	sor.u32 $0x2800, s20;
	[sflag:s23] =	ssyncadd.s32 $0xFFFFC000  }
0x38: {  	[spmem:s3] =	stream.indirect.scatter.add.f32 [tilespmem:s19], [sflag:$0x3], $0x80, s18, s16, $0xb8;
	[tilespmem:$0x1E400] =	vst v63  }
0x39: {  	_ =	swait.ge [sflag:s14], $0x4000  }
0x3a: {  	[sflag:s14] =	ssyncset.done $0x0  }
0x3b: {  	[sflag:s14] =	ssyncadd.s32 $0xFFFFC000  }
0x3c: {  	_ =	swait.ge [sflag:s31], $0x4000  }
0x3d: {  	[sflag:s31] =	ssyncset.done $0x0  }
0x3e: {  	s24 =	simm.s32 $0x80;
	s23 =	sadd.s32 $0x80, s18;
	[sflag:s31] =	ssyncadd.s32 $0xFFFFC000  }
0x3f: {  	[spmem:s3] =	stream.indirect.scatter.add.f32 [tilespmem:s21], [sflag:$0x3], $0x80, s23, s24, $0xb8;
	[tilespmem:$0x1E400] =	vst v63  }
0x40: {  	_ =	swait.ge [sflag:s14], $0x4000  }
0x41: {  	[sflag:s14] =	ssyncset.done $0x0  }
0x42: {  	[sflag:s14] =	ssyncadd.s32 $0xFFFFC000  }
0x43: {  	[tilespmem:s4], [sflag:$0x3] =	stream.linear.gather [hbm4b:s11+s4], $0x1400, $0x38;
	[tilespmem:$0x1E400] =	vst v63  }
0x44: {  	_ =	swait.ge [sflag:s14], $0x1400  }
0x45: {  	[sflag:s14] =	ssyncset.done $0x0  }
0x46: {  	s25 =	simm.s32 $0x1400;
	[sflag:s14] =	ssyncadd.s32 $0xFFFFEC00  }
0x47: {  	[tilespmem:s25], [sflag:$0x3] =	stream.linear.gather [hbm4b:s12+s4], $0x1400, $0x38;
	[tilespmem:$0x1E400] =	vst v63  }
0x48: {  	s26 =	simm.s32 $0x1;
	_ =	swait.ge [sflag:s14], $0x1400  }
0x49: {  	s28 =	simm.s32 $0x0;
	s20 =	sand.u32 $0x1, s26;
	[sflag:s14] =	ssyncset.done $0x0  }
0x4a: {  	s29 =	sshll.u32 s20, $0xE;
	s21 =	sand.u32 $0x1, s28;
	[sflag:s14] =	ssyncadd.s32 $0xFFFFEC00  }
0x4b: {  	[tilespmem:s15], [sflag:$0x1] =	stream.indirect.gather [hbm4b:s1+s24], $0x80, s4, s24, $0xb8;
	[tilespmem:$0x1E400] =	vst v63  }
0x4c: {  	s20 =	sadd.s32 $0x1, s20;
	s22 =	sor.u32 $0x2800, s29;
	s30 =	sadd.s32 $0x1, s21  }
0x4d: {  	[tilespmem:s22], [sflag:s20] =	stream.indirect.gather [hbm4b:s1+s16], $0x80, s24, s16, $0xb8;
	[tilespmem:$0x1E400] =	vst v63  }
0x4e: {  	s18 =	simm.s32 $0x1480;
	_ =	swait.ge [sflag:s30], $0x4000  }
0x4f: {  	s31 =	sshll.u32 s21, $0xE;
	s21 =	simm.s32 $0x3;
	[sflag:s30] =	ssyncset.done $0x0  }
0x50: {  	s19 =	sor.u32 $0x2800, s31;
	s20 =	simm.s32 $0x2;
	[sflag:s30] =	ssyncadd.s32 $0xFFFFC000  }
0x51: {  	[spmem:s3] =	stream.indirect.scatter.add.f32 [tilespmem:s19], [sflag:$0x3], $0x80, s25, s16, $0xb8;
	[tilespmem:$0x1E400] =	vst v63  }
0x52: {  	s22 =	sand.u32 $0x1, s20;
	s19 =	simm.s32 $0x100;
	_ =	swait.ge [sflag:s14], $0x4000  }
.LBB2_4:
0x53: {  	s23 =	sshll.u32 s22, $0xE;
	s24 =	sadd.s32 $0xFFFFFFFF, s20  }
0x54: {  	[sflag:s14] =	ssyncset.done $0x0;
	s20 =	smov.u32 s21;
	s22 =	sadd.s32 $0x1, s22  }
0x55: {  	p0 =	sne.s32 s21, $0x27;
	s23 =	sor.u32 $0x2800, s23;
	s24 =	sand.u32 $0x1, s24  }
0x56: {  	s25 =	sshll.u32 s24, $0xE;
	s24 =	sadd.s32 $0x1, s24;
	[sflag:s14] =	ssyncadd.s32 $0xFFFFC000  }
0x57: {  	[tilespmem:s23], [sflag:s22] =	stream.indirect.gather [hbm4b:s1+s16], $0x80, s19, s16, $0xb8;
	[tilespmem:$0x1E400] =	vst v63  }
.Ltmp1:
0x58: {  	s23 =	sadd.s32 $0x1, s21;
	_ =	swait.ge [sflag:s24], $0x4000;
	(pc) =	sbr.rel @p0 .LBB2_4-.Ltmp1, $4  }
0x59: {  	s21 =	sor.u32 $0x2800, s25;
	[sflag:s24] =	ssyncset.done $0x0  }
0x5a: {  	s19 =	sadd.s32 $0x80, s19;
	s22 =	sand.u32 $0x1, s20;
	[sflag:s24] =	ssyncadd.s32 $0xFFFFC000  }
0x5b: {  	[spmem:s3] =	stream.indirect.scatter.add.f32 [tilespmem:s21], [sflag:$0x3], $0x80, s18, s16, $0xb8;
	[tilespmem:$0x1E400] =	vst v63  }
0x5c: {  	s18 =	sadd.s32 $0x80, s18;
	s21 =	smov.u32 s23;
	_ =	swait.ge [sflag:s14], $0x4000  }
0x5d: {  	s21 =	sshll.u32 s22, $0xE;
	s20 =	sadd.s32 $0xFFFFFFFF, s20  }
0x5e: {  	[sflag:s14] =	ssyncset.done $0x0;
	s29 =	sadd.s32 $0x1, s22;
	s20 =	sand.u32 $0x1, s20  }
0x5f: {  	s21 =	sor.u32 $0x2800, s21;
	[sflag:s14] =	ssyncadd.s32 $0xFFFFC000;
	s23 =	sadd.s32 $0x1, s20  }
0x60: {  	[tilespmem:s21], [sflag:s29] =	stream.indirect.gather [hbm4b:s1+s16], $0x80, s19, s16, $0xb8;
	[tilespmem:$0x1E400] =	vst v63  }
0x61: {  	_ =	swait.ge [sflag:s23], $0x4000  }
0x62: {  	s30 =	sshll.u32 s20, $0xE;
	[sflag:s23] =	ssyncset.done $0x0  }
0x63: {  	s19 =	sor.u32 $0x2800, s30;
	[sflag:s23] =	ssyncadd.s32 $0xFFFFC000  }
0x64: {  	[spmem:s3] =	stream.indirect.scatter.add.f32 [tilespmem:s19], [sflag:$0x3], $0x80, s18, s16, $0xb8;
	[tilespmem:$0x1E400] =	vst v63  }
0x65: {  	_ =	swait.ge [sflag:s14], $0x4000  }
0x66: {  	[sflag:s14] =	ssyncset.done $0x0  }
0x67: {  	[sflag:s14] =	ssyncadd.s32 $0xFFFFC000  }
0x68: {  	_ =	swait.ge [sflag:s29], $0x4000  }
0x69: {  	[sflag:s29] =	ssyncset.done $0x0  }
0x6a: {  	s31 =	sadd.s32 $0x80, s18;
	[sflag:s29] =	ssyncadd.s32 $0xFFFFC000  }
0x6b: {  	[spmem:s3] =	stream.indirect.scatter.add.f32 [tilespmem:s21], [sflag:$0x3], $0x80, s31, s16, $0xb8;
	[tilespmem:$0x1E400] =	vst v63  }
0x6c: {  	_ =	swait.ge [sflag:s14], $0x4000  }
0x6d: {  	s17 =	sadd.s32 $0x1, s17;
	[sflag:s14] =	ssyncset.done $0x0  }
0x6e: {  	p0 =	sne.s32 s17, s8;
	[sflag:s14] =	ssyncadd.s32 $0xFFFFC000  }
.Ltmp2:
0x6f: {  	[bflag:$0x0] =	sbarrier.arrive $0xFFFF;
	(pc) =	sbr.rel @p0 .LBB2_1-.Ltmp2, $4  }
0x70: {  	[hbm:s7], [sflag:s6] =	dma.local [spmem:s13], $0x2780  }
0x71: {  	_ =	swait.ge [sflag:s14], $0x2780  }
0x72: {  	[sflag:s14] =	ssyncset.done $0x0  }
0x73: {  	[sflag:s14] =	ssyncadd.s32 $0xFFFFD880  }
0x74: {  	_ =	sfence.sel $0x180000  }
0x75: {  	[bflag:$0x0] =	sbarrier.arrive $0xFFFF  }
0x76: {  	p0 =	sne.s32 s2, $0x0;
	_ =	strace $0x9000004D  }
0x77: {  	s0 =	sadd.s32 @!p0 $0x100000, s0;
	[bflag:$0x2] =	sbarrier.arrive $0xFFFF  }
0x78: {  	[sflag:s0] =	ssyncadd.tile.s32 @!p0 $0x1;
	_ =	shalt  }
.Lfunc_end2:
_tile_overlayer_lowered:
.L_overlay_start_2:
0x79: {  	(tag) =	ssettag $0x2  }
0x7a: {  	s0 =	rddreg [dreg:$0x0];
	s2 =	stileid.u32  }
0x7b: {  	s1 =	rddreg [dreg:$0x1];
	p0 =	sne.s32 s2, $0x0  }
0x7c: {  	s3 =	rddreg [dreg:$0x2];
	[bflag:$0x3] =	sbarrier.arrive $0xFFFF;
	s2 =	simm.s32 @!p0 $0x1C03  }
0x7d: {  	[timem:s3], [sflag:s2] =	dma.local @!p0 [hbm:s0], s1  }
0x7e: {  	s0 =	simm.s32 @!p0 $0x3  }
0x7f: {  	_ =	swait.ge @!p0 [sflag:s0], s1  }
0x80: {  	s1 =	ssub.s32 @!p0 $0x0, s1;
	[sflag:s0] =	ssyncset.done @!p0 $0x0  }
0x81: {  	[sflag:s0] =	ssyncadd.s32 @!p0 s1  }
0x82: {  	[bflag:$0x3] =	sbarrier.arrive $0xFFFF  }
0x83: {  	_ =	shalt  }

// kernel: kernel.34.cloned.1.call-start
scs
__scs_entry_jumppad:
0x0: {  	(pc) =	sbr.rel $0x88, $3  }
0x1: {  	(tag) =	ssettag $0x0;
	lr =	simm.s32 $0x1  }
0x2: {  	[smem:$0x3F9B] =	sst lr;
	_ =	strace $0xD0000000  }
0x3: {  	_ = 	snop  }
0x4: {  	_ = 	snop  }
0x5: {  	_ = 	snop  }
0x6: {  	_ = 	snop  }
0x7: {  	_ = 	snop  }
__scs_overlays_trampoline_lowered:
0x8: {  	[smem:$0x3FAA] =	sst s0  }
0x9: {  	[smem:$0x3FAB] =	sst s1  }
0xa: {  	[smem:$0x3FAC] =	sst s2  }
0xb: {  	[smem:$0x3FAD] =	sst s3  }
0xc: {  	[smem:$0x3FAE] =	sst s4  }
0xd: {  	[smem:$0x3FAF] =	sst s5  }
0xe: {  	[smem:$0x3FB0] =	sst s6  }
0xf: {  	[smem:$0x3FB1] =	sst s7  }
0x10: {  	[smem:$0x3FB2] =	sst s8  }
0x11: {  	[smem:$0x3FB3] =	sst s9;
	s0 =	simm.s32 @!p0 $0x0  }
0x12: {  	s1 =	sld [smem:$0x3F99];
	s0 =	simm.s32 @p0 $0x1  }
0x13: {  	[smem:$0x3FB4] =	sst s0;
	s0 =	simm.s32 @!p1 $0x0  }
0x14: {  	s2 =	sld [smem:$0x3F98];
	s0 =	simm.s32 @p1 $0x1  }
0x15: {  	[smem:$0x3FB5] =	sst s0;
	s0 =	simm.s32 @!p2 $0x0  }
0x16: {  	s3 =	sld [smem:$0x3FDB];
	s0 =	simm.s32 @p2 $0x1  }
0x17: {  	s4 =	simm.s32 $0x1BF5;
	[smem:$0x3FB7] =	sst s0  }
0x18: {  	s0 =	sld [smem:$0x3F9A];
	_ =	swait.ge [sflag:s4], $0x0  }
0x19: {  	s7 =	sld [smem:$0x3F9B]  }
0x1a: {  	s8 =	sadd.s32 $0xFFFFE003, lr  }
0x1b: {  	s9 =	sadd.s32 $0xFFFFFEF7, lr;
	s5 =	simm.s32 $0xFFFFFFFF;
	p2 =	slt.u32 s8, $0xFFFFF086  }
0x1c: {  	p1 =	slt.u32 s9, $0xF7A;
	s5 =	simm.s32 @!p2 $0x0  }
0x1d: {  	s5 =	simm.s32 @p1 $0x1;
	p0 =	seq.s32 s7, s2  }
0x1e: {  	s7 =	smul.u32 @!p0 $0xF7A, s2;
	p2 =	seq.s32 @!p0 s5, $0x0  }
0x1f: {  	s9 =	smul.u32 $0xF7A, s1;
	s8 =	simm.s32 @!p0 $0x1BF5;
	p2 =	por !p2, p0  }
0x20: {  	[sflag:s8] =	ssyncset.s32 @!p0 $0xFFFFF086;
	s6 =	sadd.s32 @!p0 s3, s7;
	s7 =	simm.s32 @!p0 $0x108  }
0x21: {  	s3 =	sadd.s32 s3, s9;
	s6 =	sadd.s32 @!p0 $0x88, s6;
	s7 =	simm.s32 @p2 $0x1082  }
0x22: {  	[simem:s7], [sflag:s8] =	dma.local @!p0 [hbm:s6], $0xF7A  }
0x23: {  	s9 =	sor.u32 $0xD0000000, s2;
	s6 =	simm.s32 $0x108;
	_ =	swait.ge @!p0 [sflag:s8], $0x0  }
0x24: {  	s3 =	sadd.s32 $0x88, s3;
	s6 =	simm.s32 @!p1 $0x1082;
	[sflag:s4] =	ssyncset.s32 $0xFFFFF086  }
0x25: {  	[simem:s6], [sflag:s4] =	dma.local [hbm:s3], $0xF7A  }
0x26: {  	[smem:$0x3F9B] =	sst s1;
	(tag) =	ssettag s2;
	_ =	strace s9  }
0x27: {  	s1 =	sld [smem:$0x3FAB]  }
0x28: {  	s2 =	sld [smem:$0x3FAC]  }
0x29: {  	s4 =	sld [smem:$0x3FAE]  }
0x2a: {  	p0 =	seq.s32 s5, $0x0;
	s5 =	sld [smem:$0x3FAF]  }
0x2b: {  	s6 =	sld [smem:$0x3FB0]  }
0x2c: {  	s7 =	sld [smem:$0x3FB1]  }
0x2d: {  	s3 =	simm.s32 $0x108;
	s8 =	sld [smem:$0x3FB2]  }
0x2e: {  	s3 =	simm.s32 @!p0 $0x1082;
	s9 =	sld [smem:$0x3FB3]  }
0x2f: {  	lr =	sadd.s32 s0, s3;
	s0 =	sld [smem:$0x3FAA]  }
0x30: {  	s3 =	sld [smem:$0x3FAD]  }
0x31: {  	[smem:$0x3FB6] =	sst s10  }
0x32: {  	s10 =	sld [smem:$0x3FB4];
	_ =	sdelay $0x3  }
0x33: {  	p0 =	seq.s32 s10, $0x1;
	s10 =	sld [smem:$0x3FB6];
	_ =	sdelay $0x3  }
0x34: {  	[smem:$0x3FB6] =	sst s10  }
0x35: {  	s10 =	sld [smem:$0x3FB5];
	_ =	sdelay $0x3  }
0x36: {  	p1 =	seq.s32 s10, $0x1;
	s10 =	sld [smem:$0x3FB6];
	_ =	sdelay $0x3  }
0x37: {  	[smem:$0x3FB6] =	sst s10  }
0x38: {  	s10 =	sld [smem:$0x3FB7]  }
0x39: {  	_ = 	snop;
	(pc) =	sbr.ind lr, $3  }
0x3a: {  	_ = 	snop  }
0x3b: {  	_ = 	snop  }
0x3c: {  	p2 =	seq.s32 s10, $0x1;
	s10 =	sld [smem:$0x3FB6]  }
0x3d: {  	_ =	shalt  }
0x3e: {  	_ =	shalt  }
0x3f: {  	_ =	shalt  }
0x40: {  	_ =	shalt  }
0x41: {  	_ =	shalt  }
0x42: {  	_ =	shalt  }
0x43: {  	_ =	shalt  }
0x44: {  	_ =	shalt  }
0x45: {  	_ =	shalt  }
0x46: {  	_ =	shalt  }
0x47: {  	_ =	shalt  }
0x48: {  	_ =	shalt  }
0x49: {  	_ =	shalt  }
0x4a: {  	_ =	shalt  }
0x4b: {  	_ =	shalt  }
0x4c: {  	_ =	shalt  }
0x4d: {  	_ =	shalt  }
0x4e: {  	_ =	shalt  }
0x4f: {  	_ =	shalt  }
0x50: {  	_ =	shalt  }
0x51: {  	_ =	shalt  }
0x52: {  	_ =	shalt  }
0x53: {  	_ =	shalt  }
0x54: {  	_ =	shalt  }
0x55: {  	_ =	shalt  }
0x56: {  	_ =	shalt  }
0x57: {  	_ =	shalt  }
0x58: {  	_ =	shalt  }
0x59: {  	_ =	shalt  }
0x5a: {  	_ =	shalt  }
0x5b: {  	_ =	shalt  }
0x5c: {  	_ =	shalt  }
0x5d: {  	_ =	shalt  }
0x5e: {  	_ =	shalt  }
0x5f: {  	_ =	shalt  }
0x60: {  	_ =	shalt  }
0x61: {  	_ =	shalt  }
0x62: {  	_ =	shalt  }
0x63: {  	_ =	shalt  }
0x64: {  	_ =	shalt  }
0x65: {  	_ =	shalt  }
0x66: {  	_ =	shalt  }
0x67: {  	_ =	shalt  }
0x68: {  	_ =	shalt  }
0x69: {  	_ =	shalt  }
0x6a: {  	_ =	shalt  }
0x6b: {  	_ =	shalt  }
0x6c: {  	_ =	shalt  }
0x6d: {  	_ =	shalt  }
0x6e: {  	_ =	shalt  }
0x6f: {  	_ =	shalt  }
0x70: {  	_ =	shalt  }
0x71: {  	_ =	shalt  }
0x72: {  	_ =	shalt  }
0x73: {  	_ =	shalt  }
0x74: {  	_ =	shalt  }
0x75: {  	_ =	shalt  }
0x76: {  	_ =	shalt  }
0x77: {  	_ =	shalt  }
0x78: {  	_ =	shalt  }
0x79: {  	_ =	shalt  }
0x7a: {  	_ =	shalt  }
0x7b: {  	_ =	shalt  }
0x7c: {  	_ =	shalt  }
0x7d: {  	_ =	shalt  }
0x7e: {  	_ =	shalt  }
0x7f: {  	_ =	shalt  }
0x80: {  	_ =	shalt  }
0x81: {  	_ =	shalt  }
0x82: {  	_ =	shalt  }
0x83: {  	_ =	shalt  }
0x84: {  	_ =	shalt  }
0x85: {  	_ =	shalt  }
0x86: {  	_ =	shalt  }
0x87: {  	_ =	shalt  }
.Lfunc_end0:
.L_simem_size_0:
called_computation.3_lowered:
.L_overlay_start_0:
0x88: {  	s2 =	sld [smem:$0x3FD9]  }
0x89: {  	s3 =	sld [smem:$0x3FFE];
	_ =	sdelay $0x1  }
0x8a: {  	s1 =	srdreg.scid  }
0x8b: {  	s0 =	sand.u32 $0x1, s1  }
0x8c: {  	s14 =	sshll.u32 s0, $0xA;
	s2 =	sadd.s32 s3, s2  }
0x8d: {  	s2 =	sadd.s32 s2, s14  }
0x8e: {  	[smem:$0x3FC2] =	sst s2  }
0x8f: {  	_ = 	snop  }
0x90: {  	s2 =	sld [smem:$0x3FD0];
	_ =	sdelay $0x2  }
0x91: {  	s15 =	simm.s32 $0xA;
	s4 =	simm.s32 $0x10  }
0x92: {  	[smem:s4], [sflag:s15] =	dma.local [hbm:s2], $0x1  }
0x93: {  	_ =	swait.eq [sflag:s15], $0x1  }
0x94: {  	[sflag:s15] =	ssyncset.done $0x0  }
0x95: {  	s16 =	sld [smem:$0x10];
	[sflag:s15] =	ssyncadd.s32 $0xFFFFFFFF  }
0x96: {  	s17 =	sld [smem:$0x12];
	(tm) =	ssettm $0x1  }
0x97: {  	s18 =	sld [smem:$0x3FFB];
	_ =	sdelay $0x3  }
0x98: {  	_ =	strace s18  }
0x99: {  	s4 =	sld [smem:$0x3FFC];
	_ =	sdelay $0x3  }
0x9a: {  	_ =	strace s4  }
0x9b: {  	s4 =	sld [smem:$0x3FFD];
	_ =	sdelay $0x3  }
0x9c: {  	_ =	strace s4  }
0x9d: {  	_ =	strace $0x8FFFFFFF  }
0x9e: {  	s19 =	sld [smem:$0x3FDB];
	_ =	sdelay $0x1  }
0x9f: {  	s5 =	simm.s32 $_scs_section_size  }
0xa0: {  	s6 =	simm.s32 $_size__tile_overlayer_lowered;
	s7 =	simm.s32 $_tile_overlayer_lowered  }
0xa1: {  	s22 =	simm.s32 $0x1BFF;
	s21 =	sshll.u32 s7, $0x1;
	s4 =	sadd.s32 s5, s19  }
0xa2: {  	s8 =	simm.s32 $0x0;
	s20 =	sshll.u32 s6, $0x1;
	s6 =	sadd.s32 s21, s4  }
0xa3: {  	[timem:s8], [sflag:s22] =	dma.local [hbm:s6], s20  }
0xa4: {  	_ =	swait.ge [sflag:s22], s20  }
0xa5: {  	s5 =	ssub.s32 $0x0, s20;
	[sflag:s22] =	ssyncset.done $0x0  }
0xa6: {  	[sflag:s22] =	ssyncadd.s32 s5;
	_ =	sdelay $0x1  }
0xa7: {  	s23 =	simm.s32 $0x1B8B  }
0xa8: {  	_ =	swait.ge [sflag:s23], $0x1  }
0xa9: {  	[sflag:s23] =	ssyncset.done $0x0  }
0xaa: {  	s25 =	simm.s32 $0x1B8E;
	s24 =	sld [smem:$0x3FFE];
	[sflag:s23] =	ssyncadd.s32 $0xFFFFFFFF  }
0xab: {  	s26 =	simm.s32 $execute0_lowered;
	[smem:$0x3FD2] =	sst s25  }
0xac: {  	s6 =	sshll.u32 s26, $0x1;
	_ =	strace $0x8000004F;
	[dreg:$0x1] =	wrdreg $0xFFFFFFFF  }
0xad: {  	s28 =	simm.s32 $_size_execute0_lowered;
	s4 =	sadd.s32 s4, s6;
	[dreg:$0x0] =	wrdreg $0x0  }
0xae: {  	s6 =	sshll.u32 s28, $0x1;
	[dreg:$0x2] =	wrdreg s4  }
0xaf: {  	[dreg:$0x3] =	wrdreg s6  }
0xb0: {  	[dreg:$0x4] =	wrdreg $0xC0  }
0xb1: {  	_ =	task [dreg:s8], $0x5FFFF  }
0xb2: {  	[dreg:$0x1] =	wrdreg $0xFFFFFFFF  }
0xb3: {  	[dreg:$0x0] =	wrdreg $0x60  }
0xb4: {  	[dreg:$0x2] =	wrdreg s16  }
0xb5: {  	[dreg:$0x3] =	wrdreg s24  }
0xb6: {  	[dreg:$0x4] =	wrdreg s17  }
0xb7: {  	[dreg:$0x5] =	wrdreg $0xA8000  }
0xb8: {  	[dreg:$0x6] =	wrdreg $0x9  }
0xb9: {  	_ =	task.clear_ibuf [dreg:s8], $0x7FFFF;
	_ =	strace $0x9000004F  }
0xba: {  	s29 =	simm.s32 $0x9;
	_ =	strace $0x80000051  }
0xbb: {  	_ =	swait.ge [sflag:s29], $0x1  }
0xbc: {  	[sflag:s29] =	ssyncadd.s32 $0xFFFFFFFF  }
0xbd: {  	_ =	strace $0x90000051  }
0xbe: {  	_ =	sfence  }
0xbf: {  	s30 =	sld [smem:$0x0];
	_ =	sdelay $0x2  }
0xc0: {  	s31 =	sshll.u32 s1, $0xD;
	s1 =	sshrl.u32 s1, $0x2  }
0xc1: {  	s3 =	sand.u32 $0x4000, s31;
	s1 =	sadd.s32 s1, s30  }
0xc2: {  	s0 =	sor.u32 s3, s0;
	s1 =	sshll.u32 s1, $0x11  }
0xc3: {  	s0 =	sor.u32 s1, s0  }
0xc4: {  	s0 =	sadd.s32 $0x8F2B, s0  }
0xc5: {  	[sflag:s0] =	ssyncadd.remote.s32 $0x1  }
0xc6: {  	_ =	sfence.sel $0xFFFF  }
0xc7: {  	[dreg:$0x0] =	wrdreg $0xFFFFFFFF;
	(pc) =	sbr.abs _section_cstart, $3  }
0xc8: {  	[dreg:$0x1] =	wrdreg $0xFFFFFFFF  }
0xc9: {  	_ =	task.clear_ibuf [dreg:s8], $0x2FFFF;
	_ =	strace $0x9FFFFFFF  }
0xca: {  	(tm) =	ssettm $0x7FFFFFFF  }
0xcb: {  	_ =	shalt  }
tec
execute0_lowered:
.L_overlay_start_1:
0x0: {  	(tag) =	ssettag $0x1  }
0x1: {  	s1 =	rddreg [dreg:$0x0]  }
0x2: {  	s6 =	rddreg [dreg:$0x1]  }
0x3: {  	s12 =	rddreg [dreg:$0x2]  }
0x4: {  	s3 =	rddreg [dreg:$0x3]  }
0x5: {  	s0 =	rddreg [dreg:$0x4]  }
0x6: {  	s5 =	srdreg.scid;
	s2 =	stileid.u32  }
0x7: {  	s4 =	simm.s32 $0x0;
	s16 =	simm.s32 $0x80;
	s17 =	simm.s32 $0x0  }
0x8: {  	s7 =	sand.u32 $0x1, s5;
	s8 =	smul.u32 $0x2780, s2;
	[smem:$0x7FF] =	sst s4  }
0x9: {  	s11 =	sadd.s32 $0x7400, s6;
	s5 =	sadd.s32 $0x11400, s6;
	s10 =	smul.u32 $0x4F000, s2  }
0xa: {  	s13 =	sshll.u32 s2, $0x6;
	s9 =	smul.u32 $0x27800, s7;
	s29 =	ssub.s32 $0x2, s7  }
0xb: {  	_ =	strace $0x80000050;
	s7 =	sshll.u32 s7, $0x4;
	s30 =	sshrl.u32 s29, $0x1  }
0xc: {  	s7 =	sor.u32 s2, s7;
	s10 =	sshrl.u32 s10, $0x2;
	s8 =	sadd.s32 s8, s9  }
0xd: {  	s14 =	smul.u32 $0x500, s7;
	s9 =	ssub.s32 s29, s30;
	s15 =	sadd.s32 s10, s3  }
0xe: {  	s8 =	sadd.s32 s8, s6;
	s6 =	sor.u32 $0x1C03, s13;
	s13 =	sshrl.u32 s15, $0x3  }
0xf: {  	s15 =	simm.s32 $0x2800;
	s7 =	sadd.s32 $0x8A400, s8;
	s8 =	smax.u32 s9, $0x1  }
0x10: {  	s31 =	sadd.s32 $0x280, s14;
	s9 =	sadd.s32 s11, s14;
	s10 =	sadd.s32 s12, s14  }
0x11: {  	s14 =	simm.s32 $0x3;
	s11 =	sadd.s32 s11, s31;
	s12 =	sadd.s32 s12, s31  }
.LBB2_1:
0x12: {  	[spmem:s13], [sflag:s6] =	dma.local [hbm:s5], $0x2780  }
0x13: {  	_ =	swait.ge [sflag:s14], $0x2780  }
0x14: {  	[sflag:s14] =	ssyncset.done $0x0  }
0x15: {  	[sflag:s14] =	ssyncadd.s32 $0xFFFFD880  }
0x16: {  	[bflag:$0x0] =	sbarrier.arrive $0xFFFF  }
0x17: {  	[tilespmem:s4], [sflag:$0x3] =	stream.linear.gather [hbm4b:s9+s4], $0x1400, $0x38;
	[tilespmem:$0x1E400] =	vst v63  }
0x18: {  	_ =	swait.ge [sflag:s14], $0x1400  }
0x19: {  	[sflag:s14] =	ssyncset.done $0x0  }
0x1a: {  	s18 =	simm.s32 $0x1400;
	[sflag:s14] =	ssyncadd.s32 $0xFFFFEC00  }
0x1b: {  	[tilespmem:s18], [sflag:$0x3] =	stream.linear.gather [hbm4b:s10+s4], $0x1400, $0x38;
	[tilespmem:$0x1E400] =	vst v63  }
0x1c: {  	s19 =	simm.s32 $0x1;
	_ =	swait.ge [sflag:s14], $0x1400  }
0x1d: {  	s20 =	simm.s32 $0x0;
	s19 =	sand.u32 $0x1, s19;
	[sflag:s14] =	ssyncset.done $0x0  }
0x1e: {  	s20 =	sand.u32 $0x1, s20;
	s21 =	sshll.u32 s19, $0xE;
	[sflag:s14] =	ssyncadd.s32 $0xFFFFEC00  }
0x1f: {  	[tilespmem:s15], [sflag:$0x1] =	stream.indirect.gather [hbm4b:s1+s16], $0x80, s4, s16, $0xb8;
	[tilespmem:$0x1E400] =	vst v63  }
0x20: {  	s19 =	sadd.s32 $0x1, s19;
	s22 =	sadd.s32 $0x1, s20;
	s21 =	sor.u32 $0x2800, s21  }
0x21: {  	[tilespmem:s21], [sflag:s19] =	stream.indirect.gather [hbm4b:s1+s16], $0x80, s16, s16, $0xb8;
	[tilespmem:$0x1E400] =	vst v63  }
0x22: {  	s31 =	sshll.u32 s20, $0xE;
	_ =	swait.ge [sflag:s22], $0x4000  }
0x23: {  	s20 =	simm.s32 $0x2;
	s19 =	sor.u32 $0x2800, s31;
	[sflag:s22] =	ssyncset.done $0x0  }
0x24: {  	s21 =	simm.s32 $0x3;
	[sflag:s22] =	ssyncadd.s32 $0xFFFFC000;
	s22 =	sand.u32 $0x1, s20  }
0x25: {  	[spmem:s3] =	stream.indirect.scatter.add.f32 [tilespmem:s19], [sflag:$0x3], $0x80, s18, s16, $0xb8;
	[tilespmem:$0x1E400] =	vst v63  }
0x26: {  	s19 =	simm.s32 $0x100;
	s18 =	simm.s32 $0x1480;
	_ =	swait.ge [sflag:s14], $0x4000  }
.LBB2_2:
0x27: {  	s23 =	sshll.u32 s22, $0xE;
	s24 =	sadd.s32 $0xFFFFFFFF, s20  }
0x28: {  	[sflag:s14] =	ssyncset.done $0x0;
	s20 =	smov.u32 s21;
	s22 =	sadd.s32 $0x1, s22  }
0x29: {  	p0 =	sne.s32 s21, $0x27;
	s23 =	sor.u32 $0x2800, s23;
	s24 =	sand.u32 $0x1, s24  }
0x2a: {  	s25 =	sshll.u32 s24, $0xE;
	s24 =	sadd.s32 $0x1, s24;
	[sflag:s14] =	ssyncadd.s32 $0xFFFFC000  }
0x2b: {  	[tilespmem:s23], [sflag:s22] =	stream.indirect.gather [hbm4b:s1+s16], $0x80, s19, s16, $0xb8;
	[tilespmem:$0x1E400] =	vst v63  }
.Ltmp0:
0x2c: {  	s23 =	sadd.s32 $0x1, s21;
	_ =	swait.ge [sflag:s24], $0x4000;
	(pc) =	sbr.rel @p0 .LBB2_2-.Ltmp0, $4  }
0x2d: {  	s21 =	sor.u32 $0x2800, s25;
	[sflag:s24] =	ssyncset.done $0x0  }
0x2e: {  	s19 =	sadd.s32 $0x80, s19;
	s22 =	sand.u32 $0x1, s20;
	[sflag:s24] =	ssyncadd.s32 $0xFFFFC000  }
0x2f: {  	[spmem:s3] =	stream.indirect.scatter.add.f32 [tilespmem:s21], [sflag:$0x3], $0x80, s18, s16, $0xb8;
	[tilespmem:$0x1E400] =	vst v63  }
0x30: {  	s18 =	sadd.s32 $0x80, s18;
	s21 =	smov.u32 s23;
	_ =	swait.ge [sflag:s14], $0x4000  }
0x31: {  	s21 =	sshll.u32 s22, $0xE;
	s20 =	sadd.s32 $0xFFFFFFFF, s20  }
0x32: {  	[sflag:s14] =	ssyncset.done $0x0;
	s31 =	sadd.s32 $0x1, s22;
	s20 =	sand.u32 $0x1, s20  }
0x33: {  	s21 =	sor.u32 $0x2800, s21;
	[sflag:s14] =	ssyncadd.s32 $0xFFFFC000;
	s23 =	sadd.s32 $0x1, s20  }
0x34: {  	[tilespmem:s21], [sflag:s31] =	stream.indirect.gather [hbm4b:s1+s16], $0x80, s19, s16, $0xb8;
	[tilespmem:$0x1E400] =	vst v63  }
0x35: {  	_ =	swait.ge [sflag:s23], $0x4000  }
0x36: {  	s20 =	sshll.u32 s20, $0xE;
	[sflag:s23] =	ssyncset.done $0x0  }
0x37: {  	s19 =	sor.u32 $0x2800, s20;
	[sflag:s23] =	ssyncadd.s32 $0xFFFFC000  }
0x38: {  	[spmem:s3] =	stream.indirect.scatter.add.f32 [tilespmem:s19], [sflag:$0x3], $0x80, s18, s16, $0xb8;
	[tilespmem:$0x1E400] =	vst v63  }
0x39: {  	_ =	swait.ge [sflag:s14], $0x4000  }
0x3a: {  	[sflag:s14] =	ssyncset.done $0x0  }
0x3b: {  	[sflag:s14] =	ssyncadd.s32 $0xFFFFC000  }
0x3c: {  	_ =	swait.ge [sflag:s31], $0x4000  }
0x3d: {  	[sflag:s31] =	ssyncset.done $0x0  }
0x3e: {  	s24 =	simm.s32 $0x80;
	s23 =	sadd.s32 $0x80, s18;
	[sflag:s31] =	ssyncadd.s32 $0xFFFFC000  }
0x3f: {  	[spmem:s3] =	stream.indirect.scatter.add.f32 [tilespmem:s21], [sflag:$0x3], $0x80, s23, s24, $0xb8;
	[tilespmem:$0x1E400] =	vst v63  }
0x40: {  	_ =	swait.ge [sflag:s14], $0x4000  }
0x41: {  	[sflag:s14] =	ssyncset.done $0x0  }
0x42: {  	[sflag:s14] =	ssyncadd.s32 $0xFFFFC000  }
0x43: {  	[tilespmem:s4], [sflag:$0x3] =	stream.linear.gather [hbm4b:s11+s4], $0x1400, $0x38;
	[tilespmem:$0x1E400] =	vst v63  }
0x44: {  	_ =	swait.ge [sflag:s14], $0x1400  }
0x45: {  	[sflag:s14] =	ssyncset.done $0x0  }
0x46: {  	s25 =	simm.s32 $0x1400;
	[sflag:s14] =	ssyncadd.s32 $0xFFFFEC00  }
0x47: {  	[tilespmem:s25], [sflag:$0x3] =	stream.linear.gather [hbm4b:s12+s4], $0x1400, $0x38;
	[tilespmem:$0x1E400] =	vst v63  }
0x48: {  	s26 =	simm.s32 $0x1;
	_ =	swait.ge [sflag:s14], $0x1400  }
0x49: {  	s28 =	simm.s32 $0x0;
	s20 =	sand.u32 $0x1, s26;
	[sflag:s14] =	ssyncset.done $0x0  }
0x4a: {  	s29 =	sshll.u32 s20, $0xE;
	s21 =	sand.u32 $0x1, s28;
	[sflag:s14] =	ssyncadd.s32 $0xFFFFEC00  }
0x4b: {  	[tilespmem:s15], [sflag:$0x1] =	stream.indirect.gather [hbm4b:s1+s24], $0x80, s4, s24, $0xb8;
	[tilespmem:$0x1E400] =	vst v63  }
0x4c: {  	s20 =	sadd.s32 $0x1, s20;
	s22 =	sor.u32 $0x2800, s29;
	s30 =	sadd.s32 $0x1, s21  }
0x4d: {  	[tilespmem:s22], [sflag:s20] =	stream.indirect.gather [hbm4b:s1+s16], $0x80, s24, s16, $0xb8;
	[tilespmem:$0x1E400] =	vst v63  }
0x4e: {  	s18 =	simm.s32 $0x1480;
	_ =	swait.ge [sflag:s30], $0x4000  }
0x4f: {  	s31 =	sshll.u32 s21, $0xE;
	s21 =	simm.s32 $0x3;
	[sflag:s30] =	ssyncset.done $0x0  }
0x50: {  	s19 =	sor.u32 $0x2800, s31;
	s20 =	simm.s32 $0x2;
	[sflag:s30] =	ssyncadd.s32 $0xFFFFC000  }
0x51: {  	[spmem:s3] =	stream.indirect.scatter.add.f32 [tilespmem:s19], [sflag:$0x3], $0x80, s25, s16, $0xb8;
	[tilespmem:$0x1E400] =	vst v63  }
0x52: {  	s22 =	sand.u32 $0x1, s20;
	s19 =	simm.s32 $0x100;
	_ =	swait.ge [sflag:s14], $0x4000  }
.LBB2_4:
0x53: {  	s23 =	sshll.u32 s22, $0xE;
	s24 =	sadd.s32 $0xFFFFFFFF, s20  }
0x54: {  	[sflag:s14] =	ssyncset.done $0x0;
	s20 =	smov.u32 s21;
	s22 =	sadd.s32 $0x1, s22  }
0x55: {  	p0 =	sne.s32 s21, $0x27;
	s23 =	sor.u32 $0x2800, s23;
	s24 =	sand.u32 $0x1, s24  }
0x56: {  	s25 =	sshll.u32 s24, $0xE;
	s24 =	sadd.s32 $0x1, s24;
	[sflag:s14] =	ssyncadd.s32 $0xFFFFC000  }
0x57: {  	[tilespmem:s23], [sflag:s22] =	stream.indirect.gather [hbm4b:s1+s16], $0x80, s19, s16, $0xb8;
	[tilespmem:$0x1E400] =	vst v63  }
.Ltmp1:
0x58: {  	s23 =	sadd.s32 $0x1, s21;
	_ =	swait.ge [sflag:s24], $0x4000;
	(pc) =	sbr.rel @p0 .LBB2_4-.Ltmp1, $4  }
0x59: {  	s21 =	sor.u32 $0x2800, s25;
	[sflag:s24] =	ssyncset.done $0x0  }
0x5a: {  	s19 =	sadd.s32 $0x80, s19;
	s22 =	sand.u32 $0x1, s20;
	[sflag:s24] =	ssyncadd.s32 $0xFFFFC000  }
0x5b: {  	[spmem:s3] =	stream.indirect.scatter.add.f32 [tilespmem:s21], [sflag:$0x3], $0x80, s18, s16, $0xb8;
	[tilespmem:$0x1E400] =	vst v63  }
0x5c: {  	s18 =	sadd.s32 $0x80, s18;
	s21 =	smov.u32 s23;
	_ =	swait.ge [sflag:s14], $0x4000  }
0x5d: {  	s21 =	sshll.u32 s22, $0xE;
	s20 =	sadd.s32 $0xFFFFFFFF, s20  }
0x5e: {  	[sflag:s14] =	ssyncset.done $0x0;
	s29 =	sadd.s32 $0x1, s22;
	s20 =	sand.u32 $0x1, s20  }
0x5f: {  	s21 =	sor.u32 $0x2800, s21;
	[sflag:s14] =	ssyncadd.s32 $0xFFFFC000;
	s23 =	sadd.s32 $0x1, s20  }
0x60: {  	[tilespmem:s21], [sflag:s29] =	stream.indirect.gather [hbm4b:s1+s16], $0x80, s19, s16, $0xb8;
	[tilespmem:$0x1E400] =	vst v63  }
0x61: {  	_ =	swait.ge [sflag:s23], $0x4000  }
0x62: {  	s30 =	sshll.u32 s20, $0xE;
	[sflag:s23] =	ssyncset.done $0x0  }
0x63: {  	s19 =	sor.u32 $0x2800, s30;
	[sflag:s23] =	ssyncadd.s32 $0xFFFFC000  }
0x64: {  	[spmem:s3] =	stream.indirect.scatter.add.f32 [tilespmem:s19], [sflag:$0x3], $0x80, s18, s16, $0xb8;
	[tilespmem:$0x1E400] =	vst v63  }
0x65: {  	_ =	swait.ge [sflag:s14], $0x4000  }
0x66: {  	[sflag:s14] =	ssyncset.done $0x0  }
0x67: {  	[sflag:s14] =	ssyncadd.s32 $0xFFFFC000  }
0x68: {  	_ =	swait.ge [sflag:s29], $0x4000  }
0x69: {  	[sflag:s29] =	ssyncset.done $0x0  }
0x6a: {  	s31 =	sadd.s32 $0x80, s18;
	[sflag:s29] =	ssyncadd.s32 $0xFFFFC000  }
0x6b: {  	[spmem:s3] =	stream.indirect.scatter.add.f32 [tilespmem:s21], [sflag:$0x3], $0x80, s31, s16, $0xb8;
	[tilespmem:$0x1E400] =	vst v63  }
0x6c: {  	_ =	swait.ge [sflag:s14], $0x4000  }
0x6d: {  	s17 =	sadd.s32 $0x1, s17;
	[sflag:s14] =	ssyncset.done $0x0  }
0x6e: {  	p0 =	sne.s32 s17, s8;
	[sflag:s14] =	ssyncadd.s32 $0xFFFFC000  }
.Ltmp2:
0x6f: {  	[bflag:$0x0] =	sbarrier.arrive $0xFFFF;
	(pc) =	sbr.rel @p0 .LBB2_1-.Ltmp2, $4  }
0x70: {  	[hbm:s7], [sflag:s6] =	dma.local [spmem:s13], $0x2780  }
0x71: {  	_ =	swait.ge [sflag:s14], $0x2780  }
0x72: {  	[sflag:s14] =	ssyncset.done $0x0  }
0x73: {  	[sflag:s14] =	ssyncadd.s32 $0xFFFFD880  }
0x74: {  	_ =	sfence.sel $0x180000  }
0x75: {  	[bflag:$0x0] =	sbarrier.arrive $0xFFFF  }
0x76: {  	p0 =	sne.s32 s2, $0x0;
	_ =	strace $0x90000050  }
0x77: {  	s0 =	sadd.s32 @!p0 $0x100000, s0;
	[bflag:$0x2] =	sbarrier.arrive $0xFFFF  }
0x78: {  	[sflag:s0] =	ssyncadd.tile.s32 @!p0 $0x1;
	_ =	shalt  }
.Lfunc_end2:
_tile_overlayer_lowered:
.L_overlay_start_2:
0x79: {  	(tag) =	ssettag $0x2  }
0x7a: {  	s0 =	rddreg [dreg:$0x0];
	s2 =	stileid.u32  }
0x7b: {  	s1 =	rddreg [dreg:$0x1];
	p0 =	sne.s32 s2, $0x0  }
0x7c: {  	s3 =	rddreg [dreg:$0x2];
	[bflag:$0x3] =	sbarrier.arrive $0xFFFF;
	s2 =	simm.s32 @!p0 $0x1C03  }
0x7d: {  	[timem:s3], [sflag:s2] =	dma.local @!p0 [hbm:s0], s1  }
0x7e: {  	s0 =	simm.s32 @!p0 $0x3  }
0x7f: {  	_ =	swait.ge @!p0 [sflag:s0], s1  }
0x80: {  	s1 =	ssub.s32 @!p0 $0x0, s1;
	[sflag:s0] =	ssyncset.done @!p0 $0x0  }
0x81: {  	[sflag:s0] =	ssyncadd.s32 @!p0 s1  }
0x82: {  	[bflag:$0x3] =	sbarrier.arrive $0xFFFF  }
0x83: {  	_ =	shalt  }

// kernel: kernel.37.cloned.1.call-start
scs
__scs_entry_jumppad:
0x0: {  	(pc) =	sbr.rel $0x88, $3  }
0x1: {  	(tag) =	ssettag $0x0;
	lr =	simm.s32 $0x1  }
0x2: {  	[smem:$0x3F9B] =	sst lr;
	_ =	strace $0xD0000000  }
0x3: {  	_ = 	snop  }
0x4: {  	_ = 	snop  }
0x5: {  	_ = 	snop  }
0x6: {  	_ = 	snop  }
0x7: {  	_ = 	snop  }
__scs_overlays_trampoline_lowered:
0x8: {  	[smem:$0x3FAA] =	sst s0  }
0x9: {  	[smem:$0x3FAB] =	sst s1  }
0xa: {  	[smem:$0x3FAC] =	sst s2  }
0xb: {  	[smem:$0x3FAD] =	sst s3  }
0xc: {  	[smem:$0x3FAE] =	sst s4  }
0xd: {  	[smem:$0x3FAF] =	sst s5  }
0xe: {  	[smem:$0x3FB0] =	sst s6  }
0xf: {  	[smem:$0x3FB1] =	sst s7  }
0x10: {  	[smem:$0x3FB2] =	sst s8  }
0x11: {  	[smem:$0x3FB3] =	sst s9;
	s0 =	simm.s32 @!p0 $0x0  }
0x12: {  	s1 =	sld [smem:$0x3F99];
	s0 =	simm.s32 @p0 $0x1  }
0x13: {  	[smem:$0x3FB4] =	sst s0;
	s0 =	simm.s32 @!p1 $0x0  }
0x14: {  	s2 =	sld [smem:$0x3F98];
	s0 =	simm.s32 @p1 $0x1  }
0x15: {  	[smem:$0x3FB5] =	sst s0;
	s0 =	simm.s32 @!p2 $0x0  }
0x16: {  	s3 =	sld [smem:$0x3FDB];
	s0 =	simm.s32 @p2 $0x1  }
0x17: {  	s4 =	simm.s32 $0x1BF5;
	[smem:$0x3FB7] =	sst s0  }
0x18: {  	s0 =	sld [smem:$0x3F9A];
	_ =	swait.ge [sflag:s4], $0x0  }
0x19: {  	s7 =	sld [smem:$0x3F9B]  }
0x1a: {  	s8 =	sadd.s32 $0xFFFFE003, lr  }
0x1b: {  	s9 =	sadd.s32 $0xFFFFFEF7, lr;
	s5 =	simm.s32 $0xFFFFFFFF;
	p2 =	slt.u32 s8, $0xFFFFF086  }
0x1c: {  	p1 =	slt.u32 s9, $0xF7A;
	s5 =	simm.s32 @!p2 $0x0  }
0x1d: {  	s5 =	simm.s32 @p1 $0x1;
	p0 =	seq.s32 s7, s2  }
0x1e: {  	s7 =	smul.u32 @!p0 $0xF7A, s2;
	p2 =	seq.s32 @!p0 s5, $0x0  }
0x1f: {  	s9 =	smul.u32 $0xF7A, s1;
	s8 =	simm.s32 @!p0 $0x1BF5;
	p2 =	por !p2, p0  }
0x20: {  	[sflag:s8] =	ssyncset.s32 @!p0 $0xFFFFF086;
	s6 =	sadd.s32 @!p0 s3, s7;
	s7 =	simm.s32 @!p0 $0x108  }
0x21: {  	s3 =	sadd.s32 s3, s9;
	s6 =	sadd.s32 @!p0 $0x88, s6;
	s7 =	simm.s32 @p2 $0x1082  }
0x22: {  	[simem:s7], [sflag:s8] =	dma.local @!p0 [hbm:s6], $0xF7A  }
0x23: {  	s9 =	sor.u32 $0xD0000000, s2;
	s6 =	simm.s32 $0x108;
	_ =	swait.ge @!p0 [sflag:s8], $0x0  }
0x24: {  	s3 =	sadd.s32 $0x88, s3;
	s6 =	simm.s32 @!p1 $0x1082;
	[sflag:s4] =	ssyncset.s32 $0xFFFFF086  }
0x25: {  	[simem:s6], [sflag:s4] =	dma.local [hbm:s3], $0xF7A  }
0x26: {  	[smem:$0x3F9B] =	sst s1;
	(tag) =	ssettag s2;
	_ =	strace s9  }
0x27: {  	s1 =	sld [smem:$0x3FAB]  }
0x28: {  	s2 =	sld [smem:$0x3FAC]  }
0x29: {  	s4 =	sld [smem:$0x3FAE]  }
0x2a: {  	p0 =	seq.s32 s5, $0x0;
	s5 =	sld [smem:$0x3FAF]  }
0x2b: {  	s6 =	sld [smem:$0x3FB0]  }
0x2c: {  	s7 =	sld [smem:$0x3FB1]  }
0x2d: {  	s3 =	simm.s32 $0x108;
	s8 =	sld [smem:$0x3FB2]  }
0x2e: {  	s3 =	simm.s32 @!p0 $0x1082;
	s9 =	sld [smem:$0x3FB3]  }
0x2f: {  	lr =	sadd.s32 s0, s3;
	s0 =	sld [smem:$0x3FAA]  }
0x30: {  	s3 =	sld [smem:$0x3FAD]  }
0x31: {  	[smem:$0x3FB6] =	sst s10  }
0x32: {  	s10 =	sld [smem:$0x3FB4];
	_ =	sdelay $0x3  }
0x33: {  	p0 =	seq.s32 s10, $0x1;
	s10 =	sld [smem:$0x3FB6];
	_ =	sdelay $0x3  }
0x34: {  	[smem:$0x3FB6] =	sst s10  }
0x35: {  	s10 =	sld [smem:$0x3FB5];
	_ =	sdelay $0x3  }
0x36: {  	p1 =	seq.s32 s10, $0x1;
	s10 =	sld [smem:$0x3FB6];
	_ =	sdelay $0x3  }
0x37: {  	[smem:$0x3FB6] =	sst s10  }
0x38: {  	s10 =	sld [smem:$0x3FB7]  }
0x39: {  	_ = 	snop;
	(pc) =	sbr.ind lr, $3  }
0x3a: {  	_ = 	snop  }
0x3b: {  	_ = 	snop  }
0x3c: {  	p2 =	seq.s32 s10, $0x1;
	s10 =	sld [smem:$0x3FB6]  }
0x3d: {  	_ =	shalt  }
0x3e: {  	_ =	shalt  }
0x3f: {  	_ =	shalt  }
0x40: {  	_ =	shalt  }
0x41: {  	_ =	shalt  }
0x42: {  	_ =	shalt  }
0x43: {  	_ =	shalt  }
0x44: {  	_ =	shalt  }
0x45: {  	_ =	shalt  }
0x46: {  	_ =	shalt  }
0x47: {  	_ =	shalt  }
0x48: {  	_ =	shalt  }
0x49: {  	_ =	shalt  }
0x4a: {  	_ =	shalt  }
0x4b: {  	_ =	shalt  }
0x4c: {  	_ =	shalt  }
0x4d: {  	_ =	shalt  }
0x4e: {  	_ =	shalt  }
0x4f: {  	_ =	shalt  }
0x50: {  	_ =	shalt  }
0x51: {  	_ =	shalt  }
0x52: {  	_ =	shalt  }
0x53: {  	_ =	shalt  }
0x54: {  	_ =	shalt  }
0x55: {  	_ =	shalt  }
0x56: {  	_ =	shalt  }
0x57: {  	_ =	shalt  }
0x58: {  	_ =	shalt  }
0x59: {  	_ =	shalt  }
0x5a: {  	_ =	shalt  }
0x5b: {  	_ =	shalt  }
0x5c: {  	_ =	shalt  }
0x5d: {  	_ =	shalt  }
0x5e: {  	_ =	shalt  }
0x5f: {  	_ =	shalt  }
0x60: {  	_ =	shalt  }
0x61: {  	_ =	shalt  }
0x62: {  	_ =	shalt  }
0x63: {  	_ =	shalt  }
0x64: {  	_ =	shalt  }
0x65: {  	_ =	shalt  }
0x66: {  	_ =	shalt  }
0x67: {  	_ =	shalt  }
0x68: {  	_ =	shalt  }
0x69: {  	_ =	shalt  }
0x6a: {  	_ =	shalt  }
0x6b: {  	_ =	shalt  }
0x6c: {  	_ =	shalt  }
0x6d: {  	_ =	shalt  }
0x6e: {  	_ =	shalt  }
0x6f: {  	_ =	shalt  }
0x70: {  	_ =	shalt  }
0x71: {  	_ =	shalt  }
0x72: {  	_ =	shalt  }
0x73: {  	_ =	shalt  }
0x74: {  	_ =	shalt  }
0x75: {  	_ =	shalt  }
0x76: {  	_ =	shalt  }
0x77: {  	_ =	shalt  }
0x78: {  	_ =	shalt  }
0x79: {  	_ =	shalt  }
0x7a: {  	_ =	shalt  }
0x7b: {  	_ =	shalt  }
0x7c: {  	_ =	shalt  }
0x7d: {  	_ =	shalt  }
0x7e: {  	_ =	shalt  }
0x7f: {  	_ =	shalt  }
0x80: {  	_ =	shalt  }
0x81: {  	_ =	shalt  }
0x82: {  	_ =	shalt  }
0x83: {  	_ =	shalt  }
0x84: {  	_ =	shalt  }
0x85: {  	_ =	shalt  }
0x86: {  	_ =	shalt  }
0x87: {  	_ =	shalt  }
.Lfunc_end0:
.L_simem_size_0:
called_computation.4_lowered:
.L_overlay_start_0:
0x88: {  	s2 =	sld [smem:$0x3FD9]  }
0x89: {  	s3 =	sld [smem:$0x3FFE];
	_ =	sdelay $0x1  }
0x8a: {  	s1 =	srdreg.scid  }
0x8b: {  	s0 =	sand.u32 $0x1, s1  }
0x8c: {  	s14 =	sshll.u32 s0, $0xA;
	s2 =	sadd.s32 s3, s2  }
0x8d: {  	s2 =	sadd.s32 s2, s14  }
0x8e: {  	[smem:$0x3FC2] =	sst s2  }
0x8f: {  	_ = 	snop  }
0x90: {  	s2 =	sld [smem:$0x3FD0];
	_ =	sdelay $0x2  }
0x91: {  	s15 =	simm.s32 $0xA;
	s4 =	simm.s32 $0x10  }
0x92: {  	[smem:s4], [sflag:s15] =	dma.local [hbm:s2], $0x1  }
0x93: {  	_ =	swait.eq [sflag:s15], $0x1  }
0x94: {  	[sflag:s15] =	ssyncset.done $0x0  }
0x95: {  	s16 =	sld [smem:$0x10];
	[sflag:s15] =	ssyncadd.s32 $0xFFFFFFFF  }
0x96: {  	s17 =	sld [smem:$0x12];
	(tm) =	ssettm $0x1  }
0x97: {  	s18 =	sld [smem:$0x3FFB];
	_ =	sdelay $0x3  }
0x98: {  	_ =	strace s18  }
0x99: {  	s4 =	sld [smem:$0x3FFC];
	_ =	sdelay $0x3  }
0x9a: {  	_ =	strace s4  }
0x9b: {  	s4 =	sld [smem:$0x3FFD];
	_ =	sdelay $0x3  }
0x9c: {  	_ =	strace s4  }
0x9d: {  	_ =	strace $0x8FFFFFFF  }
0x9e: {  	s19 =	sld [smem:$0x3FDB];
	_ =	sdelay $0x1  }
0x9f: {  	s5 =	simm.s32 $_scs_section_size  }
0xa0: {  	s6 =	simm.s32 $_size__tile_overlayer_lowered;
	s7 =	simm.s32 $_tile_overlayer_lowered  }
0xa1: {  	s22 =	simm.s32 $0x1BFF;
	s21 =	sshll.u32 s7, $0x1;
	s4 =	sadd.s32 s5, s19  }
0xa2: {  	s8 =	simm.s32 $0x0;
	s20 =	sshll.u32 s6, $0x1;
	s6 =	sadd.s32 s21, s4  }
0xa3: {  	[timem:s8], [sflag:s22] =	dma.local [hbm:s6], s20  }
0xa4: {  	_ =	swait.ge [sflag:s22], s20  }
0xa5: {  	s5 =	ssub.s32 $0x0, s20;
	[sflag:s22] =	ssyncset.done $0x0  }
0xa6: {  	[sflag:s22] =	ssyncadd.s32 s5;
	_ =	sdelay $0x1  }
0xa7: {  	s23 =	simm.s32 $0x1B8B  }
0xa8: {  	_ =	swait.ge [sflag:s23], $0x1  }
0xa9: {  	[sflag:s23] =	ssyncset.done $0x0  }
0xaa: {  	s25 =	simm.s32 $0x1B8E;
	s24 =	sld [smem:$0x3FFE];
	[sflag:s23] =	ssyncadd.s32 $0xFFFFFFFF  }
0xab: {  	s26 =	simm.s32 $execute0_lowered;
	[smem:$0x3FD2] =	sst s25  }
0xac: {  	s6 =	sshll.u32 s26, $0x1;
	_ =	strace $0x80000052;
	[dreg:$0x1] =	wrdreg $0xFFFFFFFF  }
0xad: {  	s28 =	simm.s32 $_size_execute0_lowered;
	s4 =	sadd.s32 s4, s6;
	[dreg:$0x0] =	wrdreg $0x0  }
0xae: {  	s6 =	sshll.u32 s28, $0x1;
	[dreg:$0x2] =	wrdreg s4  }
0xaf: {  	[dreg:$0x3] =	wrdreg s6  }
0xb0: {  	[dreg:$0x4] =	wrdreg $0xC0  }
0xb1: {  	_ =	task [dreg:s8], $0x5FFFF  }
0xb2: {  	[dreg:$0x1] =	wrdreg $0xFFFFFFFF  }
0xb3: {  	[dreg:$0x0] =	wrdreg $0x60  }
0xb4: {  	[dreg:$0x2] =	wrdreg s16  }
0xb5: {  	[dreg:$0x3] =	wrdreg s24  }
0xb6: {  	[dreg:$0x4] =	wrdreg s17  }
0xb7: {  	[dreg:$0x5] =	wrdreg $0xA8000  }
0xb8: {  	[dreg:$0x6] =	wrdreg $0x9  }
0xb9: {  	_ =	task.clear_ibuf [dreg:s8], $0x7FFFF;
	_ =	strace $0x90000052  }
0xba: {  	s29 =	simm.s32 $0x9;
	_ =	strace $0x80000054  }
0xbb: {  	_ =	swait.ge [sflag:s29], $0x1  }
0xbc: {  	[sflag:s29] =	ssyncadd.s32 $0xFFFFFFFF  }
0xbd: {  	_ =	strace $0x90000054  }
0xbe: {  	_ =	sfence  }
0xbf: {  	s30 =	sld [smem:$0x0];
	_ =	sdelay $0x2  }
0xc0: {  	s31 =	sshll.u32 s1, $0xD;
	s1 =	sshrl.u32 s1, $0x2  }
0xc1: {  	s3 =	sand.u32 $0x4000, s31;
	s1 =	sadd.s32 s1, s30  }
0xc2: {  	s0 =	sor.u32 s3, s0;
	s1 =	sshll.u32 s1, $0x11  }
0xc3: {  	s0 =	sor.u32 s1, s0  }
0xc4: {  	s0 =	sadd.s32 $0x8F2B, s0  }
0xc5: {  	[sflag:s0] =	ssyncadd.remote.s32 $0x1  }
0xc6: {  	_ =	sfence.sel $0xFFFF  }
0xc7: {  	[dreg:$0x0] =	wrdreg $0xFFFFFFFF;
	(pc) =	sbr.abs _section_cstart, $3  }
0xc8: {  	[dreg:$0x1] =	wrdreg $0xFFFFFFFF  }
0xc9: {  	_ =	task.clear_ibuf [dreg:s8], $0x2FFFF;
	_ =	strace $0x9FFFFFFF  }
0xca: {  	(tm) =	ssettm $0x7FFFFFFF  }
0xcb: {  	_ =	shalt  }
tec
execute0_lowered:
.L_overlay_start_1:
0x0: {  	(tag) =	ssettag $0x1  }
0x1: {  	s1 =	rddreg [dreg:$0x0]  }
0x2: {  	s6 =	rddreg [dreg:$0x1]  }
0x3: {  	s12 =	rddreg [dreg:$0x2]  }
0x4: {  	s3 =	rddreg [dreg:$0x3]  }
0x5: {  	s0 =	rddreg [dreg:$0x4]  }
0x6: {  	s5 =	srdreg.scid;
	s2 =	stileid.u32  }
0x7: {  	s4 =	simm.s32 $0x0;
	s16 =	simm.s32 $0x80;
	s17 =	simm.s32 $0x0  }
0x8: {  	s7 =	sand.u32 $0x1, s5;
	s8 =	smul.u32 $0x2780, s2;
	[smem:$0x7FF] =	sst s4  }
0x9: {  	s11 =	sadd.s32 $0x7400, s6;
	s5 =	sadd.s32 $0x11400, s6;
	s10 =	smul.u32 $0x4F000, s2  }
0xa: {  	s13 =	sshll.u32 s2, $0x6;
	s9 =	smul.u32 $0x27800, s7;
	s29 =	ssub.s32 $0x2, s7  }
0xb: {  	_ =	strace $0x80000053;
	s7 =	sshll.u32 s7, $0x4;
	s30 =	sshrl.u32 s29, $0x1  }
0xc: {  	s7 =	sor.u32 s2, s7;
	s10 =	sshrl.u32 s10, $0x2;
	s8 =	sadd.s32 s8, s9  }
0xd: {  	s14 =	smul.u32 $0x500, s7;
	s9 =	ssub.s32 s29, s30;
	s15 =	sadd.s32 s10, s3  }
0xe: {  	s8 =	sadd.s32 s8, s6;
	s6 =	sor.u32 $0x1C03, s13;
	s13 =	sshrl.u32 s15, $0x3  }
0xf: {  	s15 =	simm.s32 $0x2800;
	s7 =	sadd.s32 $0x8A400, s8;
	s8 =	smax.u32 s9, $0x1  }
0x10: {  	s31 =	sadd.s32 $0x280, s14;
	s9 =	sadd.s32 s11, s14;
	s10 =	sadd.s32 s12, s14  }
0x11: {  	s14 =	simm.s32 $0x3;
	s11 =	sadd.s32 s11, s31;
	s12 =	sadd.s32 s12, s31  }
.LBB2_1:
0x12: {  	[spmem:s13], [sflag:s6] =	dma.local [hbm:s5], $0x2780  }
0x13: {  	_ =	swait.ge [sflag:s14], $0x2780  }
0x14: {  	[sflag:s14] =	ssyncset.done $0x0  }
0x15: {  	[sflag:s14] =	ssyncadd.s32 $0xFFFFD880  }
0x16: {  	[bflag:$0x0] =	sbarrier.arrive $0xFFFF  }
0x17: {  	[tilespmem:s4], [sflag:$0x3] =	stream.linear.gather [hbm4b:s9+s4], $0x1400, $0x38;
	[tilespmem:$0x1E400] =	vst v63  }
0x18: {  	_ =	swait.ge [sflag:s14], $0x1400  }
0x19: {  	[sflag:s14] =	ssyncset.done $0x0  }
0x1a: {  	s18 =	simm.s32 $0x1400;
	[sflag:s14] =	ssyncadd.s32 $0xFFFFEC00  }
0x1b: {  	[tilespmem:s18], [sflag:$0x3] =	stream.linear.gather [hbm4b:s10+s4], $0x1400, $0x38;
	[tilespmem:$0x1E400] =	vst v63  }
0x1c: {  	s19 =	simm.s32 $0x1;
	_ =	swait.ge [sflag:s14], $0x1400  }
0x1d: {  	s20 =	simm.s32 $0x0;
	s19 =	sand.u32 $0x1, s19;
	[sflag:s14] =	ssyncset.done $0x0  }
0x1e: {  	s20 =	sand.u32 $0x1, s20;
	s21 =	sshll.u32 s19, $0xE;
	[sflag:s14] =	ssyncadd.s32 $0xFFFFEC00  }
0x1f: {  	[tilespmem:s15], [sflag:$0x1] =	stream.indirect.gather [hbm4b:s1+s16], $0x80, s4, s16, $0xb8;
	[tilespmem:$0x1E400] =	vst v63  }
0x20: {  	s19 =	sadd.s32 $0x1, s19;
	s22 =	sadd.s32 $0x1, s20;
	s21 =	sor.u32 $0x2800, s21  }
0x21: {  	[tilespmem:s21], [sflag:s19] =	stream.indirect.gather [hbm4b:s1+s16], $0x80, s16, s16, $0xb8;
	[tilespmem:$0x1E400] =	vst v63  }
0x22: {  	s31 =	sshll.u32 s20, $0xE;
	_ =	swait.ge [sflag:s22], $0x4000  }
0x23: {  	s20 =	simm.s32 $0x2;
	s19 =	sor.u32 $0x2800, s31;
	[sflag:s22] =	ssyncset.done $0x0  }
0x24: {  	s21 =	simm.s32 $0x3;
	[sflag:s22] =	ssyncadd.s32 $0xFFFFC000;
	s22 =	sand.u32 $0x1, s20  }
0x25: {  	[spmem:s3] =	stream.indirect.scatter.add.f32 [tilespmem:s19], [sflag:$0x3], $0x80, s18, s16, $0xb8;
	[tilespmem:$0x1E400] =	vst v63  }
0x26: {  	s19 =	simm.s32 $0x100;
	s18 =	simm.s32 $0x1480;
	_ =	swait.ge [sflag:s14], $0x4000  }
.LBB2_2:
0x27: {  	s23 =	sshll.u32 s22, $0xE;
	s24 =	sadd.s32 $0xFFFFFFFF, s20  }
0x28: {  	[sflag:s14] =	ssyncset.done $0x0;
	s20 =	smov.u32 s21;
	s22 =	sadd.s32 $0x1, s22  }
0x29: {  	p0 =	sne.s32 s21, $0x27;
	s23 =	sor.u32 $0x2800, s23;
	s24 =	sand.u32 $0x1, s24  }
0x2a: {  	s25 =	sshll.u32 s24, $0xE;
	s24 =	sadd.s32 $0x1, s24;
	[sflag:s14] =	ssyncadd.s32 $0xFFFFC000  }
0x2b: {  	[tilespmem:s23], [sflag:s22] =	stream.indirect.gather [hbm4b:s1+s16], $0x80, s19, s16, $0xb8;
	[tilespmem:$0x1E400] =	vst v63  }
.Ltmp0:
0x2c: {  	s23 =	sadd.s32 $0x1, s21;
	_ =	swait.ge [sflag:s24], $0x4000;
	(pc) =	sbr.rel @p0 .LBB2_2-.Ltmp0, $4  }
0x2d: {  	s21 =	sor.u32 $0x2800, s25;
	[sflag:s24] =	ssyncset.done $0x0  }
0x2e: {  	s19 =	sadd.s32 $0x80, s19;
	s22 =	sand.u32 $0x1, s20;
	[sflag:s24] =	ssyncadd.s32 $0xFFFFC000  }
0x2f: {  	[spmem:s3] =	stream.indirect.scatter.add.f32 [tilespmem:s21], [sflag:$0x3], $0x80, s18, s16, $0xb8;
	[tilespmem:$0x1E400] =	vst v63  }
0x30: {  	s18 =	sadd.s32 $0x80, s18;
	s21 =	smov.u32 s23;
	_ =	swait.ge [sflag:s14], $0x4000  }
0x31: {  	s21 =	sshll.u32 s22, $0xE;
	s20 =	sadd.s32 $0xFFFFFFFF, s20  }
0x32: {  	[sflag:s14] =	ssyncset.done $0x0;
	s31 =	sadd.s32 $0x1, s22;
	s20 =	sand.u32 $0x1, s20  }
0x33: {  	s21 =	sor.u32 $0x2800, s21;
	[sflag:s14] =	ssyncadd.s32 $0xFFFFC000;
	s23 =	sadd.s32 $0x1, s20  }
0x34: {  	[tilespmem:s21], [sflag:s31] =	stream.indirect.gather [hbm4b:s1+s16], $0x80, s19, s16, $0xb8;
	[tilespmem:$0x1E400] =	vst v63  }
0x35: {  	_ =	swait.ge [sflag:s23], $0x4000  }
0x36: {  	s20 =	sshll.u32 s20, $0xE;
	[sflag:s23] =	ssyncset.done $0x0  }
0x37: {  	s19 =	sor.u32 $0x2800, s20;
	[sflag:s23] =	ssyncadd.s32 $0xFFFFC000  }
0x38: {  	[spmem:s3] =	stream.indirect.scatter.add.f32 [tilespmem:s19], [sflag:$0x3], $0x80, s18, s16, $0xb8;
	[tilespmem:$0x1E400] =	vst v63  }
0x39: {  	_ =	swait.ge [sflag:s14], $0x4000  }
0x3a: {  	[sflag:s14] =	ssyncset.done $0x0  }
0x3b: {  	[sflag:s14] =	ssyncadd.s32 $0xFFFFC000  }
0x3c: {  	_ =	swait.ge [sflag:s31], $0x4000  }
0x3d: {  	[sflag:s31] =	ssyncset.done $0x0  }
0x3e: {  	s24 =	simm.s32 $0x80;
	s23 =	sadd.s32 $0x80, s18;
	[sflag:s31] =	ssyncadd.s32 $0xFFFFC000  }
0x3f: {  	[spmem:s3] =	stream.indirect.scatter.add.f32 [tilespmem:s21], [sflag:$0x3], $0x80, s23, s24, $0xb8;
	[tilespmem:$0x1E400] =	vst v63  }
0x40: {  	_ =	swait.ge [sflag:s14], $0x4000  }
0x41: {  	[sflag:s14] =	ssyncset.done $0x0  }
0x42: {  	[sflag:s14] =	ssyncadd.s32 $0xFFFFC000  }
0x43: {  	[tilespmem:s4], [sflag:$0x3] =	stream.linear.gather [hbm4b:s11+s4], $0x1400, $0x38;
	[tilespmem:$0x1E400] =	vst v63  }
0x44: {  	_ =	swait.ge [sflag:s14], $0x1400  }
0x45: {  	[sflag:s14] =	ssyncset.done $0x0  }
0x46: {  	s25 =	simm.s32 $0x1400;
	[sflag:s14] =	ssyncadd.s32 $0xFFFFEC00  }
0x47: {  	[tilespmem:s25], [sflag:$0x3] =	stream.linear.gather [hbm4b:s12+s4], $0x1400, $0x38;
	[tilespmem:$0x1E400] =	vst v63  }
0x48: {  	s26 =	simm.s32 $0x1;
	_ =	swait.ge [sflag:s14], $0x1400  }
0x49: {  	s28 =	simm.s32 $0x0;
	s20 =	sand.u32 $0x1, s26;
	[sflag:s14] =	ssyncset.done $0x0  }
0x4a: {  	s29 =	sshll.u32 s20, $0xE;
	s21 =	sand.u32 $0x1, s28;
	[sflag:s14] =	ssyncadd.s32 $0xFFFFEC00  }
0x4b: {  	[tilespmem:s15], [sflag:$0x1] =	stream.indirect.gather [hbm4b:s1+s24], $0x80, s4, s24, $0xb8;
	[tilespmem:$0x1E400] =	vst v63  }
0x4c: {  	s20 =	sadd.s32 $0x1, s20;
	s22 =	sor.u32 $0x2800, s29;
	s30 =	sadd.s32 $0x1, s21  }
0x4d: {  	[tilespmem:s22], [sflag:s20] =	stream.indirect.gather [hbm4b:s1+s16], $0x80, s24, s16, $0xb8;
	[tilespmem:$0x1E400] =	vst v63  }
0x4e: {  	s18 =	simm.s32 $0x1480;
	_ =	swait.ge [sflag:s30], $0x4000  }
0x4f: {  	s31 =	sshll.u32 s21, $0xE;
	s21 =	simm.s32 $0x3;
	[sflag:s30] =	ssyncset.done $0x0  }
0x50: {  	s19 =	sor.u32 $0x2800, s31;
	s20 =	simm.s32 $0x2;
	[sflag:s30] =	ssyncadd.s32 $0xFFFFC000  }
0x51: {  	[spmem:s3] =	stream.indirect.scatter.add.f32 [tilespmem:s19], [sflag:$0x3], $0x80, s25, s16, $0xb8;
	[tilespmem:$0x1E400] =	vst v63  }
0x52: {  	s22 =	sand.u32 $0x1, s20;
	s19 =	simm.s32 $0x100;
	_ =	swait.ge [sflag:s14], $0x4000  }
.LBB2_4:
0x53: {  	s23 =	sshll.u32 s22, $0xE;
	s24 =	sadd.s32 $0xFFFFFFFF, s20  }
0x54: {  	[sflag:s14] =	ssyncset.done $0x0;
	s20 =	smov.u32 s21;
	s22 =	sadd.s32 $0x1, s22  }
0x55: {  	p0 =	sne.s32 s21, $0x27;
	s23 =	sor.u32 $0x2800, s23;
	s24 =	sand.u32 $0x1, s24  }
0x56: {  	s25 =	sshll.u32 s24, $0xE;
	s24 =	sadd.s32 $0x1, s24;
	[sflag:s14] =	ssyncadd.s32 $0xFFFFC000  }
0x57: {  	[tilespmem:s23], [sflag:s22] =	stream.indirect.gather [hbm4b:s1+s16], $0x80, s19, s16, $0xb8;
	[tilespmem:$0x1E400] =	vst v63  }
.Ltmp1:
0x58: {  	s23 =	sadd.s32 $0x1, s21;
	_ =	swait.ge [sflag:s24], $0x4000;
	(pc) =	sbr.rel @p0 .LBB2_4-.Ltmp1, $4  }
0x59: {  	s21 =	sor.u32 $0x2800, s25;
	[sflag:s24] =	ssyncset.done $0x0  }
0x5a: {  	s19 =	sadd.s32 $0x80, s19;
	s22 =	sand.u32 $0x1, s20;
	[sflag:s24] =	ssyncadd.s32 $0xFFFFC000  }
0x5b: {  	[spmem:s3] =	stream.indirect.scatter.add.f32 [tilespmem:s21], [sflag:$0x3], $0x80, s18, s16, $0xb8;
	[tilespmem:$0x1E400] =	vst v63  }
0x5c: {  	s18 =	sadd.s32 $0x80, s18;
	s21 =	smov.u32 s23;
	_ =	swait.ge [sflag:s14], $0x4000  }
0x5d: {  	s21 =	sshll.u32 s22, $0xE;
	s20 =	sadd.s32 $0xFFFFFFFF, s20  }
0x5e: {  	[sflag:s14] =	ssyncset.done $0x0;
	s29 =	sadd.s32 $0x1, s22;
	s20 =	sand.u32 $0x1, s20  }
0x5f: {  	s21 =	sor.u32 $0x2800, s21;
	[sflag:s14] =	ssyncadd.s32 $0xFFFFC000;
	s23 =	sadd.s32 $0x1, s20  }
0x60: {  	[tilespmem:s21], [sflag:s29] =	stream.indirect.gather [hbm4b:s1+s16], $0x80, s19, s16, $0xb8;
	[tilespmem:$0x1E400] =	vst v63  }
0x61: {  	_ =	swait.ge [sflag:s23], $0x4000  }
0x62: {  	s30 =	sshll.u32 s20, $0xE;
	[sflag:s23] =	ssyncset.done $0x0  }
0x63: {  	s19 =	sor.u32 $0x2800, s30;
	[sflag:s23] =	ssyncadd.s32 $0xFFFFC000  }
0x64: {  	[spmem:s3] =	stream.indirect.scatter.add.f32 [tilespmem:s19], [sflag:$0x3], $0x80, s18, s16, $0xb8;
	[tilespmem:$0x1E400] =	vst v63  }
0x65: {  	_ =	swait.ge [sflag:s14], $0x4000  }
0x66: {  	[sflag:s14] =	ssyncset.done $0x0  }
0x67: {  	[sflag:s14] =	ssyncadd.s32 $0xFFFFC000  }
0x68: {  	_ =	swait.ge [sflag:s29], $0x4000  }
0x69: {  	[sflag:s29] =	ssyncset.done $0x0  }
0x6a: {  	s31 =	sadd.s32 $0x80, s18;
	[sflag:s29] =	ssyncadd.s32 $0xFFFFC000  }
0x6b: {  	[spmem:s3] =	stream.indirect.scatter.add.f32 [tilespmem:s21], [sflag:$0x3], $0x80, s31, s16, $0xb8;
	[tilespmem:$0x1E400] =	vst v63  }
0x6c: {  	_ =	swait.ge [sflag:s14], $0x4000  }
0x6d: {  	s17 =	sadd.s32 $0x1, s17;
	[sflag:s14] =	ssyncset.done $0x0  }
0x6e: {  	p0 =	sne.s32 s17, s8;
	[sflag:s14] =	ssyncadd.s32 $0xFFFFC000  }
.Ltmp2:
0x6f: {  	[bflag:$0x0] =	sbarrier.arrive $0xFFFF;
	(pc) =	sbr.rel @p0 .LBB2_1-.Ltmp2, $4  }
0x70: {  	[hbm:s7], [sflag:s6] =	dma.local [spmem:s13], $0x2780  }
0x71: {  	_ =	swait.ge [sflag:s14], $0x2780  }
0x72: {  	[sflag:s14] =	ssyncset.done $0x0  }
0x73: {  	[sflag:s14] =	ssyncadd.s32 $0xFFFFD880  }
0x74: {  	_ =	sfence.sel $0x180000  }
0x75: {  	[bflag:$0x0] =	sbarrier.arrive $0xFFFF  }
0x76: {  	p0 =	sne.s32 s2, $0x0;
	_ =	strace $0x90000053  }
0x77: {  	s0 =	sadd.s32 @!p0 $0x100000, s0;
	[bflag:$0x2] =	sbarrier.arrive $0xFFFF  }
0x78: {  	[sflag:s0] =	ssyncadd.tile.s32 @!p0 $0x1;
	_ =	shalt  }
.Lfunc_end2:
_tile_overlayer_lowered:
.L_overlay_start_2:
0x79: {  	(tag) =	ssettag $0x2  }
0x7a: {  	s0 =	rddreg [dreg:$0x0];
	s2 =	stileid.u32  }
0x7b: {  	s1 =	rddreg [dreg:$0x1];
	p0 =	sne.s32 s2, $0x0  }
0x7c: {  	s3 =	rddreg [dreg:$0x2];
	[bflag:$0x3] =	sbarrier.arrive $0xFFFF;
	s2 =	simm.s32 @!p0 $0x1C03  }
0x7d: {  	[timem:s3], [sflag:s2] =	dma.local @!p0 [hbm:s0], s1  }
0x7e: {  	s0 =	simm.s32 @!p0 $0x3  }
0x7f: {  	_ =	swait.ge @!p0 [sflag:s0], s1  }
0x80: {  	s1 =	ssub.s32 @!p0 $0x0, s1;
	[sflag:s0] =	ssyncset.done @!p0 $0x0  }
0x81: {  	[sflag:s0] =	ssyncadd.s32 @!p0 s1  }
0x82: {  	[bflag:$0x3] =	sbarrier.arrive $0xFFFF  }
0x83: {  	_ =	shalt  }

// kernel: kernel.40.cloned.1.call-start
scs
__scs_entry_jumppad:
0x0: {  	(pc) =	sbr.rel $0x88, $3  }
0x1: {  	(tag) =	ssettag $0x0;
	lr =	simm.s32 $0x1  }
0x2: {  	[smem:$0x3F9B] =	sst lr;
	_ =	strace $0xD0000000  }
0x3: {  	_ = 	snop  }
0x4: {  	_ = 	snop  }
0x5: {  	_ = 	snop  }
0x6: {  	_ = 	snop  }
0x7: {  	_ = 	snop  }
__scs_overlays_trampoline_lowered:
0x8: {  	[smem:$0x3FAA] =	sst s0  }
0x9: {  	[smem:$0x3FAB] =	sst s1  }
0xa: {  	[smem:$0x3FAC] =	sst s2  }
0xb: {  	[smem:$0x3FAD] =	sst s3  }
0xc: {  	[smem:$0x3FAE] =	sst s4  }
0xd: {  	[smem:$0x3FAF] =	sst s5  }
0xe: {  	[smem:$0x3FB0] =	sst s6  }
0xf: {  	[smem:$0x3FB1] =	sst s7  }
0x10: {  	[smem:$0x3FB2] =	sst s8  }
0x11: {  	[smem:$0x3FB3] =	sst s9;
	s0 =	simm.s32 @!p0 $0x0  }
0x12: {  	s1 =	sld [smem:$0x3F99];
	s0 =	simm.s32 @p0 $0x1  }
0x13: {  	[smem:$0x3FB4] =	sst s0;
	s0 =	simm.s32 @!p1 $0x0  }
0x14: {  	s2 =	sld [smem:$0x3F98];
	s0 =	simm.s32 @p1 $0x1  }
0x15: {  	[smem:$0x3FB5] =	sst s0;
	s0 =	simm.s32 @!p2 $0x0  }
0x16: {  	s3 =	sld [smem:$0x3FDB];
	s0 =	simm.s32 @p2 $0x1  }
0x17: {  	s4 =	simm.s32 $0x1BF5;
	[smem:$0x3FB7] =	sst s0  }
0x18: {  	s0 =	sld [smem:$0x3F9A];
	_ =	swait.ge [sflag:s4], $0x0  }
0x19: {  	s7 =	sld [smem:$0x3F9B]  }
0x1a: {  	s8 =	sadd.s32 $0xFFFFE003, lr  }
0x1b: {  	s9 =	sadd.s32 $0xFFFFFEF7, lr;
	s5 =	simm.s32 $0xFFFFFFFF;
	p2 =	slt.u32 s8, $0xFFFFF086  }
0x1c: {  	p1 =	slt.u32 s9, $0xF7A;
	s5 =	simm.s32 @!p2 $0x0  }
0x1d: {  	s5 =	simm.s32 @p1 $0x1;
	p0 =	seq.s32 s7, s2  }
0x1e: {  	s7 =	smul.u32 @!p0 $0xF7A, s2;
	p2 =	seq.s32 @!p0 s5, $0x0  }
0x1f: {  	s9 =	smul.u32 $0xF7A, s1;
	s8 =	simm.s32 @!p0 $0x1BF5;
	p2 =	por !p2, p0  }
0x20: {  	[sflag:s8] =	ssyncset.s32 @!p0 $0xFFFFF086;
	s6 =	sadd.s32 @!p0 s3, s7;
	s7 =	simm.s32 @!p0 $0x108  }
0x21: {  	s3 =	sadd.s32 s3, s9;
	s6 =	sadd.s32 @!p0 $0x88, s6;
	s7 =	simm.s32 @p2 $0x1082  }
0x22: {  	[simem:s7], [sflag:s8] =	dma.local @!p0 [hbm:s6], $0xF7A  }
0x23: {  	s9 =	sor.u32 $0xD0000000, s2;
	s6 =	simm.s32 $0x108;
	_ =	swait.ge @!p0 [sflag:s8], $0x0  }
0x24: {  	s3 =	sadd.s32 $0x88, s3;
	s6 =	simm.s32 @!p1 $0x1082;
	[sflag:s4] =	ssyncset.s32 $0xFFFFF086  }
0x25: {  	[simem:s6], [sflag:s4] =	dma.local [hbm:s3], $0xF7A  }
0x26: {  	[smem:$0x3F9B] =	sst s1;
	(tag) =	ssettag s2;
	_ =	strace s9  }
0x27: {  	s1 =	sld [smem:$0x3FAB]  }
0x28: {  	s2 =	sld [smem:$0x3FAC]  }
0x29: {  	s4 =	sld [smem:$0x3FAE]  }
0x2a: {  	p0 =	seq.s32 s5, $0x0;
	s5 =	sld [smem:$0x3FAF]  }
0x2b: {  	s6 =	sld [smem:$0x3FB0]  }
0x2c: {  	s7 =	sld [smem:$0x3FB1]  }
0x2d: {  	s3 =	simm.s32 $0x108;
	s8 =	sld [smem:$0x3FB2]  }
0x2e: {  	s3 =	simm.s32 @!p0 $0x1082;
	s9 =	sld [smem:$0x3FB3]  }
0x2f: {  	lr =	sadd.s32 s0, s3;
	s0 =	sld [smem:$0x3FAA]  }
0x30: {  	s3 =	sld [smem:$0x3FAD]  }
0x31: {  	[smem:$0x3FB6] =	sst s10  }
0x32: {  	s10 =	sld [smem:$0x3FB4];
	_ =	sdelay $0x3  }
0x33: {  	p0 =	seq.s32 s10, $0x1;
	s10 =	sld [smem:$0x3FB6];
	_ =	sdelay $0x3  }
0x34: {  	[smem:$0x3FB6] =	sst s10  }
0x35: {  	s10 =	sld [smem:$0x3FB5];
	_ =	sdelay $0x3  }
0x36: {  	p1 =	seq.s32 s10, $0x1;
	s10 =	sld [smem:$0x3FB6];
	_ =	sdelay $0x3  }
0x37: {  	[smem:$0x3FB6] =	sst s10  }
0x38: {  	s10 =	sld [smem:$0x3FB7]  }
0x39: {  	_ = 	snop;
	(pc) =	sbr.ind lr, $3  }
0x3a: {  	_ = 	snop  }
0x3b: {  	_ = 	snop  }
0x3c: {  	p2 =	seq.s32 s10, $0x1;
	s10 =	sld [smem:$0x3FB6]  }
0x3d: {  	_ =	shalt  }
0x3e: {  	_ =	shalt  }
0x3f: {  	_ =	shalt  }
0x40: {  	_ =	shalt  }
0x41: {  	_ =	shalt  }
0x42: {  	_ =	shalt  }
0x43: {  	_ =	shalt  }
0x44: {  	_ =	shalt  }
0x45: {  	_ =	shalt  }
0x46: {  	_ =	shalt  }
0x47: {  	_ =	shalt  }
0x48: {  	_ =	shalt  }
0x49: {  	_ =	shalt  }
0x4a: {  	_ =	shalt  }
0x4b: {  	_ =	shalt  }
0x4c: {  	_ =	shalt  }
0x4d: {  	_ =	shalt  }
0x4e: {  	_ =	shalt  }
0x4f: {  	_ =	shalt  }
0x50: {  	_ =	shalt  }
0x51: {  	_ =	shalt  }
0x52: {  	_ =	shalt  }
0x53: {  	_ =	shalt  }
0x54: {  	_ =	shalt  }
0x55: {  	_ =	shalt  }
0x56: {  	_ =	shalt  }
0x57: {  	_ =	shalt  }
0x58: {  	_ =	shalt  }
0x59: {  	_ =	shalt  }
0x5a: {  	_ =	shalt  }
0x5b: {  	_ =	shalt  }
0x5c: {  	_ =	shalt  }
0x5d: {  	_ =	shalt  }
0x5e: {  	_ =	shalt  }
0x5f: {  	_ =	shalt  }
0x60: {  	_ =	shalt  }
0x61: {  	_ =	shalt  }
0x62: {  	_ =	shalt  }
0x63: {  	_ =	shalt  }
0x64: {  	_ =	shalt  }
0x65: {  	_ =	shalt  }
0x66: {  	_ =	shalt  }
0x67: {  	_ =	shalt  }
0x68: {  	_ =	shalt  }
0x69: {  	_ =	shalt  }
0x6a: {  	_ =	shalt  }
0x6b: {  	_ =	shalt  }
0x6c: {  	_ =	shalt  }
0x6d: {  	_ =	shalt  }
0x6e: {  	_ =	shalt  }
0x6f: {  	_ =	shalt  }
0x70: {  	_ =	shalt  }
0x71: {  	_ =	shalt  }
0x72: {  	_ =	shalt  }
0x73: {  	_ =	shalt  }
0x74: {  	_ =	shalt  }
0x75: {  	_ =	shalt  }
0x76: {  	_ =	shalt  }
0x77: {  	_ =	shalt  }
0x78: {  	_ =	shalt  }
0x79: {  	_ =	shalt  }
0x7a: {  	_ =	shalt  }
0x7b: {  	_ =	shalt  }
0x7c: {  	_ =	shalt  }
0x7d: {  	_ =	shalt  }
0x7e: {  	_ =	shalt  }
0x7f: {  	_ =	shalt  }
0x80: {  	_ =	shalt  }
0x81: {  	_ =	shalt  }
0x82: {  	_ =	shalt  }
0x83: {  	_ =	shalt  }
0x84: {  	_ =	shalt  }
0x85: {  	_ =	shalt  }
0x86: {  	_ =	shalt  }
0x87: {  	_ =	shalt  }
.Lfunc_end0:
.L_simem_size_0:
called_computation.5_lowered:
.L_overlay_start_0:
0x88: {  	s2 =	sld [smem:$0x3FD9]  }
0x89: {  	s3 =	sld [smem:$0x3FFE];
	_ =	sdelay $0x1  }
0x8a: {  	s1 =	srdreg.scid  }
0x8b: {  	s0 =	sand.u32 $0x1, s1  }
0x8c: {  	s14 =	sshll.u32 s0, $0xA;
	s2 =	sadd.s32 s3, s2  }
0x8d: {  	s2 =	sadd.s32 s2, s14  }
0x8e: {  	[smem:$0x3FC2] =	sst s2  }
0x8f: {  	_ = 	snop  }
0x90: {  	s2 =	sld [smem:$0x3FD0];
	_ =	sdelay $0x2  }
0x91: {  	s15 =	simm.s32 $0xA;
	s4 =	simm.s32 $0x10  }
0x92: {  	[smem:s4], [sflag:s15] =	dma.local [hbm:s2], $0x1  }
0x93: {  	_ =	swait.eq [sflag:s15], $0x1  }
0x94: {  	[sflag:s15] =	ssyncset.done $0x0  }
0x95: {  	s16 =	sld [smem:$0x10];
	[sflag:s15] =	ssyncadd.s32 $0xFFFFFFFF  }
0x96: {  	s17 =	sld [smem:$0x12];
	(tm) =	ssettm $0x1  }
0x97: {  	s18 =	sld [smem:$0x3FFB];
	_ =	sdelay $0x3  }
0x98: {  	_ =	strace s18  }
0x99: {  	s4 =	sld [smem:$0x3FFC];
	_ =	sdelay $0x3  }
0x9a: {  	_ =	strace s4  }
0x9b: {  	s4 =	sld [smem:$0x3FFD];
	_ =	sdelay $0x3  }
0x9c: {  	_ =	strace s4  }
0x9d: {  	_ =	strace $0x8FFFFFFF  }
0x9e: {  	s19 =	sld [smem:$0x3FDB];
	_ =	sdelay $0x1  }
0x9f: {  	s5 =	simm.s32 $_scs_section_size  }
0xa0: {  	s6 =	simm.s32 $_size__tile_overlayer_lowered;
	s7 =	simm.s32 $_tile_overlayer_lowered  }
0xa1: {  	s22 =	simm.s32 $0x1BFF;
	s21 =	sshll.u32 s7, $0x1;
	s4 =	sadd.s32 s5, s19  }
0xa2: {  	s8 =	simm.s32 $0x0;
	s20 =	sshll.u32 s6, $0x1;
	s6 =	sadd.s32 s21, s4  }
0xa3: {  	[timem:s8], [sflag:s22] =	dma.local [hbm:s6], s20  }
0xa4: {  	_ =	swait.ge [sflag:s22], s20  }
0xa5: {  	s5 =	ssub.s32 $0x0, s20;
	[sflag:s22] =	ssyncset.done $0x0  }
0xa6: {  	[sflag:s22] =	ssyncadd.s32 s5;
	_ =	sdelay $0x1  }
0xa7: {  	s23 =	simm.s32 $0x1B8B  }
0xa8: {  	_ =	swait.ge [sflag:s23], $0x1  }
0xa9: {  	[sflag:s23] =	ssyncset.done $0x0  }
0xaa: {  	s25 =	simm.s32 $0x1B8E;
	s24 =	sld [smem:$0x3FFE];
	[sflag:s23] =	ssyncadd.s32 $0xFFFFFFFF  }
0xab: {  	s26 =	simm.s32 $execute0_lowered;
	[smem:$0x3FD2] =	sst s25  }
0xac: {  	s6 =	sshll.u32 s26, $0x1;
	_ =	strace $0x80000055;
	[dreg:$0x1] =	wrdreg $0xFFFFFFFF  }
0xad: {  	s28 =	simm.s32 $_size_execute0_lowered;
	s4 =	sadd.s32 s4, s6;
	[dreg:$0x0] =	wrdreg $0x0  }
0xae: {  	s6 =	sshll.u32 s28, $0x1;
	[dreg:$0x2] =	wrdreg s4  }
0xaf: {  	[dreg:$0x3] =	wrdreg s6  }
0xb0: {  	[dreg:$0x4] =	wrdreg $0xC0  }
0xb1: {  	_ =	task [dreg:s8], $0x5FFFF  }
0xb2: {  	[dreg:$0x1] =	wrdreg $0xFFFFFFFF  }
0xb3: {  	[dreg:$0x0] =	wrdreg $0x60  }
0xb4: {  	[dreg:$0x2] =	wrdreg s16  }
0xb5: {  	[dreg:$0x3] =	wrdreg s24  }
0xb6: {  	[dreg:$0x4] =	wrdreg s17  }
0xb7: {  	[dreg:$0x5] =	wrdreg $0xA8000  }
0xb8: {  	[dreg:$0x6] =	wrdreg $0x9  }
0xb9: {  	_ =	task.clear_ibuf [dreg:s8], $0x7FFFF;
	_ =	strace $0x90000055  }
0xba: {  	s29 =	simm.s32 $0x9;
	_ =	strace $0x80000057  }
0xbb: {  	_ =	swait.ge [sflag:s29], $0x1  }
0xbc: {  	[sflag:s29] =	ssyncadd.s32 $0xFFFFFFFF  }
0xbd: {  	_ =	strace $0x90000057  }
0xbe: {  	_ =	sfence  }
0xbf: {  	s30 =	sld [smem:$0x0];
	_ =	sdelay $0x2  }
0xc0: {  	s31 =	sshll.u32 s1, $0xD;
	s1 =	sshrl.u32 s1, $0x2  }
0xc1: {  	s3 =	sand.u32 $0x4000, s31;
	s1 =	sadd.s32 s1, s30  }
0xc2: {  	s0 =	sor.u32 s3, s0;
	s1 =	sshll.u32 s1, $0x11  }
0xc3: {  	s0 =	sor.u32 s1, s0  }
0xc4: {  	s0 =	sadd.s32 $0x8F2B, s0  }
0xc5: {  	[sflag:s0] =	ssyncadd.remote.s32 $0x1  }
0xc6: {  	_ =	sfence.sel $0xFFFF  }
0xc7: {  	[dreg:$0x0] =	wrdreg $0xFFFFFFFF;
	(pc) =	sbr.abs _section_cstart, $3  }
0xc8: {  	[dreg:$0x1] =	wrdreg $0xFFFFFFFF  }
0xc9: {  	_ =	task.clear_ibuf [dreg:s8], $0x2FFFF;
	_ =	strace $0x9FFFFFFF  }
0xca: {  	(tm) =	ssettm $0x7FFFFFFF  }
0xcb: {  	_ =	shalt  }
tec
execute0_lowered:
.L_overlay_start_1:
0x0: {  	(tag) =	ssettag $0x1  }
0x1: {  	s1 =	rddreg [dreg:$0x0]  }
0x2: {  	s6 =	rddreg [dreg:$0x1]  }
0x3: {  	s12 =	rddreg [dreg:$0x2]  }
0x4: {  	s3 =	rddreg [dreg:$0x3]  }
0x5: {  	s0 =	rddreg [dreg:$0x4]  }
0x6: {  	s5 =	srdreg.scid;
	s2 =	stileid.u32  }
0x7: {  	s4 =	simm.s32 $0x0;
	s16 =	simm.s32 $0x80;
	s17 =	simm.s32 $0x0  }
0x8: {  	s7 =	sand.u32 $0x1, s5;
	s8 =	smul.u32 $0x2780, s2;
	[smem:$0x7FF] =	sst s4  }
0x9: {  	s11 =	sadd.s32 $0x7400, s6;
	s5 =	sadd.s32 $0x11400, s6;
	s10 =	smul.u32 $0x4F000, s2  }
0xa: {  	s13 =	sshll.u32 s2, $0x6;
	s9 =	smul.u32 $0x27800, s7;
	s29 =	ssub.s32 $0x2, s7  }
0xb: {  	_ =	strace $0x80000056;
	s7 =	sshll.u32 s7, $0x4;
	s30 =	sshrl.u32 s29, $0x1  }
0xc: {  	s7 =	sor.u32 s2, s7;
	s10 =	sshrl.u32 s10, $0x2;
	s8 =	sadd.s32 s8, s9  }
0xd: {  	s14 =	smul.u32 $0x500, s7;
	s9 =	ssub.s32 s29, s30;
	s15 =	sadd.s32 s10, s3  }
0xe: {  	s8 =	sadd.s32 s8, s6;
	s6 =	sor.u32 $0x1C03, s13;
	s13 =	sshrl.u32 s15, $0x3  }
0xf: {  	s15 =	simm.s32 $0x2800;
	s7 =	sadd.s32 $0x8A400, s8;
	s8 =	smax.u32 s9, $0x1  }
0x10: {  	s31 =	sadd.s32 $0x280, s14;
	s9 =	sadd.s32 s11, s14;
	s10 =	sadd.s32 s12, s14  }
0x11: {  	s14 =	simm.s32 $0x3;
	s11 =	sadd.s32 s11, s31;
	s12 =	sadd.s32 s12, s31  }
.LBB2_1:
0x12: {  	[spmem:s13], [sflag:s6] =	dma.local [hbm:s5], $0x2780  }
0x13: {  	_ =	swait.ge [sflag:s14], $0x2780  }
0x14: {  	[sflag:s14] =	ssyncset.done $0x0  }
0x15: {  	[sflag:s14] =	ssyncadd.s32 $0xFFFFD880  }
0x16: {  	[bflag:$0x0] =	sbarrier.arrive $0xFFFF  }
0x17: {  	[tilespmem:s4], [sflag:$0x3] =	stream.linear.gather [hbm4b:s9+s4], $0x1400, $0x38;
	[tilespmem:$0x1E400] =	vst v63  }
0x18: {  	_ =	swait.ge [sflag:s14], $0x1400  }
0x19: {  	[sflag:s14] =	ssyncset.done $0x0  }
0x1a: {  	s18 =	simm.s32 $0x1400;
	[sflag:s14] =	ssyncadd.s32 $0xFFFFEC00  }
0x1b: {  	[tilespmem:s18], [sflag:$0x3] =	stream.linear.gather [hbm4b:s10+s4], $0x1400, $0x38;
	[tilespmem:$0x1E400] =	vst v63  }
0x1c: {  	s19 =	simm.s32 $0x1;
	_ =	swait.ge [sflag:s14], $0x1400  }
0x1d: {  	s20 =	simm.s32 $0x0;
	s19 =	sand.u32 $0x1, s19;
	[sflag:s14] =	ssyncset.done $0x0  }
0x1e: {  	s20 =	sand.u32 $0x1, s20;
	s21 =	sshll.u32 s19, $0xE;
	[sflag:s14] =	ssyncadd.s32 $0xFFFFEC00  }
0x1f: {  	[tilespmem:s15], [sflag:$0x1] =	stream.indirect.gather [hbm4b:s1+s16], $0x80, s4, s16, $0xb8;
	[tilespmem:$0x1E400] =	vst v63  }
0x20: {  	s19 =	sadd.s32 $0x1, s19;
	s22 =	sadd.s32 $0x1, s20;
	s21 =	sor.u32 $0x2800, s21  }
0x21: {  	[tilespmem:s21], [sflag:s19] =	stream.indirect.gather [hbm4b:s1+s16], $0x80, s16, s16, $0xb8;
	[tilespmem:$0x1E400] =	vst v63  }
0x22: {  	s31 =	sshll.u32 s20, $0xE;
	_ =	swait.ge [sflag:s22], $0x4000  }
0x23: {  	s20 =	simm.s32 $0x2;
	s19 =	sor.u32 $0x2800, s31;
	[sflag:s22] =	ssyncset.done $0x0  }
0x24: {  	s21 =	simm.s32 $0x3;
	[sflag:s22] =	ssyncadd.s32 $0xFFFFC000;
	s22 =	sand.u32 $0x1, s20  }
0x25: {  	[spmem:s3] =	stream.indirect.scatter.add.f32 [tilespmem:s19], [sflag:$0x3], $0x80, s18, s16, $0xb8;
	[tilespmem:$0x1E400] =	vst v63  }
0x26: {  	s19 =	simm.s32 $0x100;
	s18 =	simm.s32 $0x1480;
	_ =	swait.ge [sflag:s14], $0x4000  }
.LBB2_2:
0x27: {  	s23 =	sshll.u32 s22, $0xE;
	s24 =	sadd.s32 $0xFFFFFFFF, s20  }
0x28: {  	[sflag:s14] =	ssyncset.done $0x0;
	s20 =	smov.u32 s21;
	s22 =	sadd.s32 $0x1, s22  }
0x29: {  	p0 =	sne.s32 s21, $0x27;
	s23 =	sor.u32 $0x2800, s23;
	s24 =	sand.u32 $0x1, s24  }
0x2a: {  	s25 =	sshll.u32 s24, $0xE;
	s24 =	sadd.s32 $0x1, s24;
	[sflag:s14] =	ssyncadd.s32 $0xFFFFC000  }
0x2b: {  	[tilespmem:s23], [sflag:s22] =	stream.indirect.gather [hbm4b:s1+s16], $0x80, s19, s16, $0xb8;
	[tilespmem:$0x1E400] =	vst v63  }
.Ltmp0:
0x2c: {  	s23 =	sadd.s32 $0x1, s21;
	_ =	swait.ge [sflag:s24], $0x4000;
	(pc) =	sbr.rel @p0 .LBB2_2-.Ltmp0, $4  }
0x2d: {  	s21 =	sor.u32 $0x2800, s25;
	[sflag:s24] =	ssyncset.done $0x0  }
0x2e: {  	s19 =	sadd.s32 $0x80, s19;
	s22 =	sand.u32 $0x1, s20;
	[sflag:s24] =	ssyncadd.s32 $0xFFFFC000  }
0x2f: {  	[spmem:s3] =	stream.indirect.scatter.add.f32 [tilespmem:s21], [sflag:$0x3], $0x80, s18, s16, $0xb8;
	[tilespmem:$0x1E400] =	vst v63  }
0x30: {  	s18 =	sadd.s32 $0x80, s18;
	s21 =	smov.u32 s23;
	_ =	swait.ge [sflag:s14], $0x4000  }
0x31: {  	s21 =	sshll.u32 s22, $0xE;
	s20 =	sadd.s32 $0xFFFFFFFF, s20  }
0x32: {  	[sflag:s14] =	ssyncset.done $0x0;
	s31 =	sadd.s32 $0x1, s22;
	s20 =	sand.u32 $0x1, s20  }
0x33: {  	s21 =	sor.u32 $0x2800, s21;
	[sflag:s14] =	ssyncadd.s32 $0xFFFFC000;
	s23 =	sadd.s32 $0x1, s20  }
0x34: {  	[tilespmem:s21], [sflag:s31] =	stream.indirect.gather [hbm4b:s1+s16], $0x80, s19, s16, $0xb8;
	[tilespmem:$0x1E400] =	vst v63  }
0x35: {  	_ =	swait.ge [sflag:s23], $0x4000  }
0x36: {  	s20 =	sshll.u32 s20, $0xE;
	[sflag:s23] =	ssyncset.done $0x0  }
0x37: {  	s19 =	sor.u32 $0x2800, s20;
	[sflag:s23] =	ssyncadd.s32 $0xFFFFC000  }
0x38: {  	[spmem:s3] =	stream.indirect.scatter.add.f32 [tilespmem:s19], [sflag:$0x3], $0x80, s18, s16, $0xb8;
	[tilespmem:$0x1E400] =	vst v63  }
0x39: {  	_ =	swait.ge [sflag:s14], $0x4000  }
0x3a: {  	[sflag:s14] =	ssyncset.done $0x0  }
0x3b: {  	[sflag:s14] =	ssyncadd.s32 $0xFFFFC000  }
0x3c: {  	_ =	swait.ge [sflag:s31], $0x4000  }
0x3d: {  	[sflag:s31] =	ssyncset.done $0x0  }
0x3e: {  	s24 =	simm.s32 $0x80;
	s23 =	sadd.s32 $0x80, s18;
	[sflag:s31] =	ssyncadd.s32 $0xFFFFC000  }
0x3f: {  	[spmem:s3] =	stream.indirect.scatter.add.f32 [tilespmem:s21], [sflag:$0x3], $0x80, s23, s24, $0xb8;
	[tilespmem:$0x1E400] =	vst v63  }
0x40: {  	_ =	swait.ge [sflag:s14], $0x4000  }
0x41: {  	[sflag:s14] =	ssyncset.done $0x0  }
0x42: {  	[sflag:s14] =	ssyncadd.s32 $0xFFFFC000  }
0x43: {  	[tilespmem:s4], [sflag:$0x3] =	stream.linear.gather [hbm4b:s11+s4], $0x1400, $0x38;
	[tilespmem:$0x1E400] =	vst v63  }
0x44: {  	_ =	swait.ge [sflag:s14], $0x1400  }
0x45: {  	[sflag:s14] =	ssyncset.done $0x0  }
0x46: {  	s25 =	simm.s32 $0x1400;
	[sflag:s14] =	ssyncadd.s32 $0xFFFFEC00  }
0x47: {  	[tilespmem:s25], [sflag:$0x3] =	stream.linear.gather [hbm4b:s12+s4], $0x1400, $0x38;
	[tilespmem:$0x1E400] =	vst v63  }
0x48: {  	s26 =	simm.s32 $0x1;
	_ =	swait.ge [sflag:s14], $0x1400  }
0x49: {  	s28 =	simm.s32 $0x0;
	s20 =	sand.u32 $0x1, s26;
	[sflag:s14] =	ssyncset.done $0x0  }
0x4a: {  	s29 =	sshll.u32 s20, $0xE;
	s21 =	sand.u32 $0x1, s28;
	[sflag:s14] =	ssyncadd.s32 $0xFFFFEC00  }
0x4b: {  	[tilespmem:s15], [sflag:$0x1] =	stream.indirect.gather [hbm4b:s1+s24], $0x80, s4, s24, $0xb8;
	[tilespmem:$0x1E400] =	vst v63  }
0x4c: {  	s20 =	sadd.s32 $0x1, s20;
	s22 =	sor.u32 $0x2800, s29;
	s30 =	sadd.s32 $0x1, s21  }
0x4d: {  	[tilespmem:s22], [sflag:s20] =	stream.indirect.gather [hbm4b:s1+s16], $0x80, s24, s16, $0xb8;
	[tilespmem:$0x1E400] =	vst v63  }
0x4e: {  	s18 =	simm.s32 $0x1480;
	_ =	swait.ge [sflag:s30], $0x4000  }
0x4f: {  	s31 =	sshll.u32 s21, $0xE;
	s21 =	simm.s32 $0x3;
	[sflag:s30] =	ssyncset.done $0x0  }
0x50: {  	s19 =	sor.u32 $0x2800, s31;
	s20 =	simm.s32 $0x2;
	[sflag:s30] =	ssyncadd.s32 $0xFFFFC000  }
0x51: {  	[spmem:s3] =	stream.indirect.scatter.add.f32 [tilespmem:s19], [sflag:$0x3], $0x80, s25, s16, $0xb8;
	[tilespmem:$0x1E400] =	vst v63  }
0x52: {  	s22 =	sand.u32 $0x1, s20;
	s19 =	simm.s32 $0x100;
	_ =	swait.ge [sflag:s14], $0x4000  }
.LBB2_4:
0x53: {  	s23 =	sshll.u32 s22, $0xE;
	s24 =	sadd.s32 $0xFFFFFFFF, s20  }
0x54: {  	[sflag:s14] =	ssyncset.done $0x0;
	s20 =	smov.u32 s21;
	s22 =	sadd.s32 $0x1, s22  }
0x55: {  	p0 =	sne.s32 s21, $0x27;
	s23 =	sor.u32 $0x2800, s23;
	s24 =	sand.u32 $0x1, s24  }
0x56: {  	s25 =	sshll.u32 s24, $0xE;
	s24 =	sadd.s32 $0x1, s24;
	[sflag:s14] =	ssyncadd.s32 $0xFFFFC000  }
0x57: {  	[tilespmem:s23], [sflag:s22] =	stream.indirect.gather [hbm4b:s1+s16], $0x80, s19, s16, $0xb8;
	[tilespmem:$0x1E400] =	vst v63  }
.Ltmp1:
0x58: {  	s23 =	sadd.s32 $0x1, s21;
	_ =	swait.ge [sflag:s24], $0x4000;
	(pc) =	sbr.rel @p0 .LBB2_4-.Ltmp1, $4  }
0x59: {  	s21 =	sor.u32 $0x2800, s25;
	[sflag:s24] =	ssyncset.done $0x0  }
0x5a: {  	s19 =	sadd.s32 $0x80, s19;
	s22 =	sand.u32 $0x1, s20;
	[sflag:s24] =	ssyncadd.s32 $0xFFFFC000  }
0x5b: {  	[spmem:s3] =	stream.indirect.scatter.add.f32 [tilespmem:s21], [sflag:$0x3], $0x80, s18, s16, $0xb8;
	[tilespmem:$0x1E400] =	vst v63  }
0x5c: {  	s18 =	sadd.s32 $0x80, s18;
	s21 =	smov.u32 s23;
	_ =	swait.ge [sflag:s14], $0x4000  }
0x5d: {  	s21 =	sshll.u32 s22, $0xE;
	s20 =	sadd.s32 $0xFFFFFFFF, s20  }
0x5e: {  	[sflag:s14] =	ssyncset.done $0x0;
	s29 =	sadd.s32 $0x1, s22;
	s20 =	sand.u32 $0x1, s20  }
0x5f: {  	s21 =	sor.u32 $0x2800, s21;
	[sflag:s14] =	ssyncadd.s32 $0xFFFFC000;
	s23 =	sadd.s32 $0x1, s20  }
0x60: {  	[tilespmem:s21], [sflag:s29] =	stream.indirect.gather [hbm4b:s1+s16], $0x80, s19, s16, $0xb8;
	[tilespmem:$0x1E400] =	vst v63  }
0x61: {  	_ =	swait.ge [sflag:s23], $0x4000  }
0x62: {  	s30 =	sshll.u32 s20, $0xE;
	[sflag:s23] =	ssyncset.done $0x0  }
0x63: {  	s19 =	sor.u32 $0x2800, s30;
	[sflag:s23] =	ssyncadd.s32 $0xFFFFC000  }
0x64: {  	[spmem:s3] =	stream.indirect.scatter.add.f32 [tilespmem:s19], [sflag:$0x3], $0x80, s18, s16, $0xb8;
	[tilespmem:$0x1E400] =	vst v63  }
0x65: {  	_ =	swait.ge [sflag:s14], $0x4000  }
0x66: {  	[sflag:s14] =	ssyncset.done $0x0  }
0x67: {  	[sflag:s14] =	ssyncadd.s32 $0xFFFFC000  }
0x68: {  	_ =	swait.ge [sflag:s29], $0x4000  }
0x69: {  	[sflag:s29] =	ssyncset.done $0x0  }
0x6a: {  	s31 =	sadd.s32 $0x80, s18;
	[sflag:s29] =	ssyncadd.s32 $0xFFFFC000  }
0x6b: {  	[spmem:s3] =	stream.indirect.scatter.add.f32 [tilespmem:s21], [sflag:$0x3], $0x80, s31, s16, $0xb8;
	[tilespmem:$0x1E400] =	vst v63  }
0x6c: {  	_ =	swait.ge [sflag:s14], $0x4000  }
0x6d: {  	s17 =	sadd.s32 $0x1, s17;
	[sflag:s14] =	ssyncset.done $0x0  }
0x6e: {  	p0 =	sne.s32 s17, s8;
	[sflag:s14] =	ssyncadd.s32 $0xFFFFC000  }
.Ltmp2:
0x6f: {  	[bflag:$0x0] =	sbarrier.arrive $0xFFFF;
	(pc) =	sbr.rel @p0 .LBB2_1-.Ltmp2, $4  }
0x70: {  	[hbm:s7], [sflag:s6] =	dma.local [spmem:s13], $0x2780  }
0x71: {  	_ =	swait.ge [sflag:s14], $0x2780  }
0x72: {  	[sflag:s14] =	ssyncset.done $0x0  }
0x73: {  	[sflag:s14] =	ssyncadd.s32 $0xFFFFD880  }
0x74: {  	_ =	sfence.sel $0x180000  }
0x75: {  	[bflag:$0x0] =	sbarrier.arrive $0xFFFF  }
0x76: {  	p0 =	sne.s32 s2, $0x0;
	_ =	strace $0x90000056  }
0x77: {  	s0 =	sadd.s32 @!p0 $0x100000, s0;
	[bflag:$0x2] =	sbarrier.arrive $0xFFFF  }
0x78: {  	[sflag:s0] =	ssyncadd.tile.s32 @!p0 $0x1;
	_ =	shalt  }
.Lfunc_end2:
_tile_overlayer_lowered:
.L_overlay_start_2:
0x79: {  	(tag) =	ssettag $0x2  }
0x7a: {  	s0 =	rddreg [dreg:$0x0];
	s2 =	stileid.u32  }
0x7b: {  	s1 =	rddreg [dreg:$0x1];
	p0 =	sne.s32 s2, $0x0  }
0x7c: {  	s3 =	rddreg [dreg:$0x2];
	[bflag:$0x3] =	sbarrier.arrive $0xFFFF;
	s2 =	simm.s32 @!p0 $0x1C03  }
0x7d: {  	[timem:s3], [sflag:s2] =	dma.local @!p0 [hbm:s0], s1  }
0x7e: {  	s0 =	simm.s32 @!p0 $0x3  }
0x7f: {  	_ =	swait.ge @!p0 [sflag:s0], s1  }
0x80: {  	s1 =	ssub.s32 @!p0 $0x0, s1;
	[sflag:s0] =	ssyncset.done @!p0 $0x0  }
0x81: {  	[sflag:s0] =	ssyncadd.s32 @!p0 s1  }
0x82: {  	[bflag:$0x3] =	sbarrier.arrive $0xFFFF  }
0x83: {  	_ =	shalt  }

// kernel: kernel.43.cloned.1.call-start
scs
__scs_entry_jumppad:
0x0: {  	(pc) =	sbr.rel $0x88, $3  }
0x1: {  	(tag) =	ssettag $0x0;
	lr =	simm.s32 $0x1  }
0x2: {  	[smem:$0x3F9B] =	sst lr;
	_ =	strace $0xD0000000  }
0x3: {  	_ = 	snop  }
0x4: {  	_ = 	snop  }
0x5: {  	_ = 	snop  }
0x6: {  	_ = 	snop  }
0x7: {  	_ = 	snop  }
__scs_overlays_trampoline_lowered:
0x8: {  	[smem:$0x3FAA] =	sst s0  }
0x9: {  	[smem:$0x3FAB] =	sst s1  }
0xa: {  	[smem:$0x3FAC] =	sst s2  }
0xb: {  	[smem:$0x3FAD] =	sst s3  }
0xc: {  	[smem:$0x3FAE] =	sst s4  }
0xd: {  	[smem:$0x3FAF] =	sst s5  }
0xe: {  	[smem:$0x3FB0] =	sst s6  }
0xf: {  	[smem:$0x3FB1] =	sst s7  }
0x10: {  	[smem:$0x3FB2] =	sst s8  }
0x11: {  	[smem:$0x3FB3] =	sst s9;
	s0 =	simm.s32 @!p0 $0x0  }
0x12: {  	s1 =	sld [smem:$0x3F99];
	s0 =	simm.s32 @p0 $0x1  }
0x13: {  	[smem:$0x3FB4] =	sst s0;
	s0 =	simm.s32 @!p1 $0x0  }
0x14: {  	s2 =	sld [smem:$0x3F98];
	s0 =	simm.s32 @p1 $0x1  }
0x15: {  	[smem:$0x3FB5] =	sst s0;
	s0 =	simm.s32 @!p2 $0x0  }
0x16: {  	s3 =	sld [smem:$0x3FDB];
	s0 =	simm.s32 @p2 $0x1  }
0x17: {  	s4 =	simm.s32 $0x1BF5;
	[smem:$0x3FB7] =	sst s0  }
0x18: {  	s0 =	sld [smem:$0x3F9A];
	_ =	swait.ge [sflag:s4], $0x0  }
0x19: {  	s7 =	sld [smem:$0x3F9B]  }
0x1a: {  	s8 =	sadd.s32 $0xFFFFE003, lr  }
0x1b: {  	s9 =	sadd.s32 $0xFFFFFEF7, lr;
	s5 =	simm.s32 $0xFFFFFFFF;
	p2 =	slt.u32 s8, $0xFFFFF086  }
0x1c: {  	p1 =	slt.u32 s9, $0xF7A;
	s5 =	simm.s32 @!p2 $0x0  }
0x1d: {  	s5 =	simm.s32 @p1 $0x1;
	p0 =	seq.s32 s7, s2  }
0x1e: {  	s7 =	smul.u32 @!p0 $0xF7A, s2;
	p2 =	seq.s32 @!p0 s5, $0x0  }
0x1f: {  	s9 =	smul.u32 $0xF7A, s1;
	s8 =	simm.s32 @!p0 $0x1BF5;
	p2 =	por !p2, p0  }
0x20: {  	[sflag:s8] =	ssyncset.s32 @!p0 $0xFFFFF086;
	s6 =	sadd.s32 @!p0 s3, s7;
	s7 =	simm.s32 @!p0 $0x108  }
0x21: {  	s3 =	sadd.s32 s3, s9;
	s6 =	sadd.s32 @!p0 $0x88, s6;
	s7 =	simm.s32 @p2 $0x1082  }
0x22: {  	[simem:s7], [sflag:s8] =	dma.local @!p0 [hbm:s6], $0xF7A  }
0x23: {  	s9 =	sor.u32 $0xD0000000, s2;
	s6 =	simm.s32 $0x108;
	_ =	swait.ge @!p0 [sflag:s8], $0x0  }
0x24: {  	s3 =	sadd.s32 $0x88, s3;
	s6 =	simm.s32 @!p1 $0x1082;
	[sflag:s4] =	ssyncset.s32 $0xFFFFF086  }
0x25: {  	[simem:s6], [sflag:s4] =	dma.local [hbm:s3], $0xF7A  }
0x26: {  	[smem:$0x3F9B] =	sst s1;
	(tag) =	ssettag s2;
	_ =	strace s9  }
0x27: {  	s1 =	sld [smem:$0x3FAB]  }
0x28: {  	s2 =	sld [smem:$0x3FAC]  }
0x29: {  	s4 =	sld [smem:$0x3FAE]  }
0x2a: {  	p0 =	seq.s32 s5, $0x0;
	s5 =	sld [smem:$0x3FAF]  }
0x2b: {  	s6 =	sld [smem:$0x3FB0]  }
0x2c: {  	s7 =	sld [smem:$0x3FB1]  }
0x2d: {  	s3 =	simm.s32 $0x108;
	s8 =	sld [smem:$0x3FB2]  }
0x2e: {  	s3 =	simm.s32 @!p0 $0x1082;
	s9 =	sld [smem:$0x3FB3]  }
0x2f: {  	lr =	sadd.s32 s0, s3;
	s0 =	sld [smem:$0x3FAA]  }
0x30: {  	s3 =	sld [smem:$0x3FAD]  }
0x31: {  	[smem:$0x3FB6] =	sst s10  }
0x32: {  	s10 =	sld [smem:$0x3FB4];
	_ =	sdelay $0x3  }
0x33: {  	p0 =	seq.s32 s10, $0x1;
	s10 =	sld [smem:$0x3FB6];
	_ =	sdelay $0x3  }
0x34: {  	[smem:$0x3FB6] =	sst s10  }
0x35: {  	s10 =	sld [smem:$0x3FB5];
	_ =	sdelay $0x3  }
0x36: {  	p1 =	seq.s32 s10, $0x1;
	s10 =	sld [smem:$0x3FB6];
	_ =	sdelay $0x3  }
0x37: {  	[smem:$0x3FB6] =	sst s10  }
0x38: {  	s10 =	sld [smem:$0x3FB7]  }
0x39: {  	_ = 	snop;
	(pc) =	sbr.ind lr, $3  }
0x3a: {  	_ = 	snop  }
0x3b: {  	_ = 	snop  }
0x3c: {  	p2 =	seq.s32 s10, $0x1;
	s10 =	sld [smem:$0x3FB6]  }
0x3d: {  	_ =	shalt  }
0x3e: {  	_ =	shalt  }
0x3f: {  	_ =	shalt  }
0x40: {  	_ =	shalt  }
0x41: {  	_ =	shalt  }
0x42: {  	_ =	shalt  }
0x43: {  	_ =	shalt  }
0x44: {  	_ =	shalt  }
0x45: {  	_ =	shalt  }
0x46: {  	_ =	shalt  }
0x47: {  	_ =	shalt  }
0x48: {  	_ =	shalt  }
0x49: {  	_ =	shalt  }
0x4a: {  	_ =	shalt  }
0x4b: {  	_ =	shalt  }
0x4c: {  	_ =	shalt  }
0x4d: {  	_ =	shalt  }
0x4e: {  	_ =	shalt  }
0x4f: {  	_ =	shalt  }
0x50: {  	_ =	shalt  }
0x51: {  	_ =	shalt  }
0x52: {  	_ =	shalt  }
0x53: {  	_ =	shalt  }
0x54: {  	_ =	shalt  }
0x55: {  	_ =	shalt  }
0x56: {  	_ =	shalt  }
0x57: {  	_ =	shalt  }
0x58: {  	_ =	shalt  }
0x59: {  	_ =	shalt  }
0x5a: {  	_ =	shalt  }
0x5b: {  	_ =	shalt  }
0x5c: {  	_ =	shalt  }
0x5d: {  	_ =	shalt  }
0x5e: {  	_ =	shalt  }
0x5f: {  	_ =	shalt  }
0x60: {  	_ =	shalt  }
0x61: {  	_ =	shalt  }
0x62: {  	_ =	shalt  }
0x63: {  	_ =	shalt  }
0x64: {  	_ =	shalt  }
0x65: {  	_ =	shalt  }
0x66: {  	_ =	shalt  }
0x67: {  	_ =	shalt  }
0x68: {  	_ =	shalt  }
0x69: {  	_ =	shalt  }
0x6a: {  	_ =	shalt  }
0x6b: {  	_ =	shalt  }
0x6c: {  	_ =	shalt  }
0x6d: {  	_ =	shalt  }
0x6e: {  	_ =	shalt  }
0x6f: {  	_ =	shalt  }
0x70: {  	_ =	shalt  }
0x71: {  	_ =	shalt  }
0x72: {  	_ =	shalt  }
0x73: {  	_ =	shalt  }
0x74: {  	_ =	shalt  }
0x75: {  	_ =	shalt  }
0x76: {  	_ =	shalt  }
0x77: {  	_ =	shalt  }
0x78: {  	_ =	shalt  }
0x79: {  	_ =	shalt  }
0x7a: {  	_ =	shalt  }
0x7b: {  	_ =	shalt  }
0x7c: {  	_ =	shalt  }
0x7d: {  	_ =	shalt  }
0x7e: {  	_ =	shalt  }
0x7f: {  	_ =	shalt  }
0x80: {  	_ =	shalt  }
0x81: {  	_ =	shalt  }
0x82: {  	_ =	shalt  }
0x83: {  	_ =	shalt  }
0x84: {  	_ =	shalt  }
0x85: {  	_ =	shalt  }
0x86: {  	_ =	shalt  }
0x87: {  	_ =	shalt  }
.Lfunc_end0:
.L_simem_size_0:
called_computation.6_lowered:
.L_overlay_start_0:
0x88: {  	s2 =	sld [smem:$0x3FD9]  }
0x89: {  	s3 =	sld [smem:$0x3FFE];
	_ =	sdelay $0x1  }
0x8a: {  	s1 =	srdreg.scid  }
0x8b: {  	s0 =	sand.u32 $0x1, s1  }
0x8c: {  	s14 =	sshll.u32 s0, $0xA;
	s2 =	sadd.s32 s3, s2  }
0x8d: {  	s2 =	sadd.s32 s2, s14  }
0x8e: {  	[smem:$0x3FC2] =	sst s2  }
0x8f: {  	_ = 	snop  }
0x90: {  	s2 =	sld [smem:$0x3FD0];
	_ =	sdelay $0x2  }
0x91: {  	s15 =	simm.s32 $0xA;
	s4 =	simm.s32 $0x10  }
0x92: {  	[smem:s4], [sflag:s15] =	dma.local [hbm:s2], $0x1  }
0x93: {  	_ =	swait.eq [sflag:s15], $0x1  }
0x94: {  	[sflag:s15] =	ssyncset.done $0x0  }
0x95: {  	s16 =	sld [smem:$0x10];
	[sflag:s15] =	ssyncadd.s32 $0xFFFFFFFF  }
0x96: {  	s17 =	sld [smem:$0x12];
	(tm) =	ssettm $0x1  }
0x97: {  	s18 =	sld [smem:$0x3FFB];
	_ =	sdelay $0x3  }
0x98: {  	_ =	strace s18  }
0x99: {  	s4 =	sld [smem:$0x3FFC];
	_ =	sdelay $0x3  }
0x9a: {  	_ =	strace s4  }
0x9b: {  	s4 =	sld [smem:$0x3FFD];
	_ =	sdelay $0x3  }
0x9c: {  	_ =	strace s4  }
0x9d: {  	_ =	strace $0x8FFFFFFF  }
0x9e: {  	s19 =	sld [smem:$0x3FDB];
	_ =	sdelay $0x1  }
0x9f: {  	s5 =	simm.s32 $_scs_section_size  }
0xa0: {  	s6 =	simm.s32 $_size__tile_overlayer_lowered;
	s7 =	simm.s32 $_tile_overlayer_lowered  }
0xa1: {  	s22 =	simm.s32 $0x1BFF;
	s21 =	sshll.u32 s7, $0x1;
	s4 =	sadd.s32 s5, s19  }
0xa2: {  	s8 =	simm.s32 $0x0;
	s20 =	sshll.u32 s6, $0x1;
	s6 =	sadd.s32 s21, s4  }
0xa3: {  	[timem:s8], [sflag:s22] =	dma.local [hbm:s6], s20  }
0xa4: {  	_ =	swait.ge [sflag:s22], s20  }
0xa5: {  	s5 =	ssub.s32 $0x0, s20;
	[sflag:s22] =	ssyncset.done $0x0  }
0xa6: {  	[sflag:s22] =	ssyncadd.s32 s5;
	_ =	sdelay $0x1  }
0xa7: {  	s23 =	simm.s32 $0x1B8B  }
0xa8: {  	_ =	swait.ge [sflag:s23], $0x1  }
0xa9: {  	[sflag:s23] =	ssyncset.done $0x0  }
0xaa: {  	s25 =	simm.s32 $0x1B8E;
	s24 =	sld [smem:$0x3FFE];
	[sflag:s23] =	ssyncadd.s32 $0xFFFFFFFF  }
0xab: {  	s26 =	simm.s32 $execute0_lowered;
	[smem:$0x3FD2] =	sst s25  }
0xac: {  	s6 =	sshll.u32 s26, $0x1;
	_ =	strace $0x80000058;
	[dreg:$0x1] =	wrdreg $0xFFFFFFFF  }
0xad: {  	s28 =	simm.s32 $_size_execute0_lowered;
	s4 =	sadd.s32 s4, s6;
	[dreg:$0x0] =	wrdreg $0x0  }
0xae: {  	s6 =	sshll.u32 s28, $0x1;
	[dreg:$0x2] =	wrdreg s4  }
0xaf: {  	[dreg:$0x3] =	wrdreg s6  }
0xb0: {  	[dreg:$0x4] =	wrdreg $0xC0  }
0xb1: {  	_ =	task [dreg:s8], $0x5FFFF  }
0xb2: {  	[dreg:$0x1] =	wrdreg $0xFFFFFFFF  }
0xb3: {  	[dreg:$0x0] =	wrdreg $0x60  }
0xb4: {  	[dreg:$0x2] =	wrdreg s16  }
0xb5: {  	[dreg:$0x3] =	wrdreg s24  }
0xb6: {  	[dreg:$0x4] =	wrdreg s17  }
0xb7: {  	[dreg:$0x5] =	wrdreg $0xA8000  }
0xb8: {  	[dreg:$0x6] =	wrdreg $0x9  }
0xb9: {  	_ =	task.clear_ibuf [dreg:s8], $0x7FFFF;
	_ =	strace $0x90000058  }
0xba: {  	s29 =	simm.s32 $0x9;
	_ =	strace $0x8000005A  }
0xbb: {  	_ =	swait.ge [sflag:s29], $0x1  }
0xbc: {  	[sflag:s29] =	ssyncadd.s32 $0xFFFFFFFF  }
0xbd: {  	_ =	strace $0x9000005A  }
0xbe: {  	_ =	sfence  }
0xbf: {  	s30 =	sld [smem:$0x0];
	_ =	sdelay $0x2  }
0xc0: {  	s31 =	sshll.u32 s1, $0xD;
	s1 =	sshrl.u32 s1, $0x2  }
0xc1: {  	s3 =	sand.u32 $0x4000, s31;
	s1 =	sadd.s32 s1, s30  }
0xc2: {  	s0 =	sor.u32 s3, s0;
	s1 =	sshll.u32 s1, $0x11  }
0xc3: {  	s0 =	sor.u32 s1, s0  }
0xc4: {  	s0 =	sadd.s32 $0x8F2B, s0  }
0xc5: {  	[sflag:s0] =	ssyncadd.remote.s32 $0x1  }
0xc6: {  	_ =	sfence.sel $0xFFFF  }
0xc7: {  	[dreg:$0x0] =	wrdreg $0xFFFFFFFF;
	(pc) =	sbr.abs _section_cstart, $3  }
0xc8: {  	[dreg:$0x1] =	wrdreg $0xFFFFFFFF  }
0xc9: {  	_ =	task.clear_ibuf [dreg:s8], $0x2FFFF;
	_ =	strace $0x9FFFFFFF  }
0xca: {  	(tm) =	ssettm $0x7FFFFFFF  }
0xcb: {  	_ =	shalt  }
tec
execute0_lowered:
.L_overlay_start_1:
0x0: {  	(tag) =	ssettag $0x1  }
0x1: {  	s1 =	rddreg [dreg:$0x0]  }
0x2: {  	s6 =	rddreg [dreg:$0x1]  }
0x3: {  	s12 =	rddreg [dreg:$0x2]  }
0x4: {  	s3 =	rddreg [dreg:$0x3]  }
0x5: {  	s0 =	rddreg [dreg:$0x4]  }
0x6: {  	s5 =	srdreg.scid;
	s2 =	stileid.u32  }
0x7: {  	s4 =	simm.s32 $0x0;
	s16 =	simm.s32 $0x80;
	s17 =	simm.s32 $0x0  }
0x8: {  	s7 =	sand.u32 $0x1, s5;
	s8 =	smul.u32 $0x2780, s2;
	[smem:$0x7FF] =	sst s4  }
0x9: {  	s11 =	sadd.s32 $0x7400, s6;
	s5 =	sadd.s32 $0x11400, s6;
	s10 =	smul.u32 $0x4F000, s2  }
0xa: {  	s13 =	sshll.u32 s2, $0x6;
	s9 =	smul.u32 $0x27800, s7;
	s29 =	ssub.s32 $0x2, s7  }
0xb: {  	_ =	strace $0x80000059;
	s7 =	sshll.u32 s7, $0x4;
	s30 =	sshrl.u32 s29, $0x1  }
0xc: {  	s7 =	sor.u32 s2, s7;
	s10 =	sshrl.u32 s10, $0x2;
	s8 =	sadd.s32 s8, s9  }
0xd: {  	s14 =	smul.u32 $0x500, s7;
	s9 =	ssub.s32 s29, s30;
	s15 =	sadd.s32 s10, s3  }
0xe: {  	s8 =	sadd.s32 s8, s6;
	s6 =	sor.u32 $0x1C03, s13;
	s13 =	sshrl.u32 s15, $0x3  }
0xf: {  	s15 =	simm.s32 $0x2800;
	s7 =	sadd.s32 $0x8A400, s8;
	s8 =	smax.u32 s9, $0x1  }
0x10: {  	s31 =	sadd.s32 $0x280, s14;
	s9 =	sadd.s32 s11, s14;
	s10 =	sadd.s32 s12, s14  }
0x11: {  	s14 =	simm.s32 $0x3;
	s11 =	sadd.s32 s11, s31;
	s12 =	sadd.s32 s12, s31  }
.LBB2_1:
0x12: {  	[spmem:s13], [sflag:s6] =	dma.local [hbm:s5], $0x2780  }
0x13: {  	_ =	swait.ge [sflag:s14], $0x2780  }
0x14: {  	[sflag:s14] =	ssyncset.done $0x0  }
0x15: {  	[sflag:s14] =	ssyncadd.s32 $0xFFFFD880  }
0x16: {  	[bflag:$0x0] =	sbarrier.arrive $0xFFFF  }
0x17: {  	[tilespmem:s4], [sflag:$0x3] =	stream.linear.gather [hbm4b:s9+s4], $0x1400, $0x38;
	[tilespmem:$0x1E400] =	vst v63  }
0x18: {  	_ =	swait.ge [sflag:s14], $0x1400  }
0x19: {  	[sflag:s14] =	ssyncset.done $0x0  }
0x1a: {  	s18 =	simm.s32 $0x1400;
	[sflag:s14] =	ssyncadd.s32 $0xFFFFEC00  }
0x1b: {  	[tilespmem:s18], [sflag:$0x3] =	stream.linear.gather [hbm4b:s10+s4], $0x1400, $0x38;
	[tilespmem:$0x1E400] =	vst v63  }
0x1c: {  	s19 =	simm.s32 $0x1;
	_ =	swait.ge [sflag:s14], $0x1400  }
0x1d: {  	s20 =	simm.s32 $0x0;
	s19 =	sand.u32 $0x1, s19;
	[sflag:s14] =	ssyncset.done $0x0  }
0x1e: {  	s20 =	sand.u32 $0x1, s20;
	s21 =	sshll.u32 s19, $0xE;
	[sflag:s14] =	ssyncadd.s32 $0xFFFFEC00  }
0x1f: {  	[tilespmem:s15], [sflag:$0x1] =	stream.indirect.gather [hbm4b:s1+s16], $0x80, s4, s16, $0xb8;
	[tilespmem:$0x1E400] =	vst v63  }
0x20: {  	s19 =	sadd.s32 $0x1, s19;
	s22 =	sadd.s32 $0x1, s20;
	s21 =	sor.u32 $0x2800, s21  }
0x21: {  	[tilespmem:s21], [sflag:s19] =	stream.indirect.gather [hbm4b:s1+s16], $0x80, s16, s16, $0xb8;
	[tilespmem:$0x1E400] =	vst v63  }
0x22: {  	s31 =	sshll.u32 s20, $0xE;
	_ =	swait.ge [sflag:s22], $0x4000  }
0x23: {  	s20 =	simm.s32 $0x2;
	s19 =	sor.u32 $0x2800, s31;
	[sflag:s22] =	ssyncset.done $0x0  }
0x24: {  	s21 =	simm.s32 $0x3;
	[sflag:s22] =	ssyncadd.s32 $0xFFFFC000;
	s22 =	sand.u32 $0x1, s20  }
0x25: {  	[spmem:s3] =	stream.indirect.scatter.add.f32 [tilespmem:s19], [sflag:$0x3], $0x80, s18, s16, $0xb8;
	[tilespmem:$0x1E400] =	vst v63  }
0x26: {  	s19 =	simm.s32 $0x100;
	s18 =	simm.s32 $0x1480;
	_ =	swait.ge [sflag:s14], $0x4000  }
.LBB2_2:
0x27: {  	s23 =	sshll.u32 s22, $0xE;
	s24 =	sadd.s32 $0xFFFFFFFF, s20  }
0x28: {  	[sflag:s14] =	ssyncset.done $0x0;
	s20 =	smov.u32 s21;
	s22 =	sadd.s32 $0x1, s22  }
0x29: {  	p0 =	sne.s32 s21, $0x27;
	s23 =	sor.u32 $0x2800, s23;
	s24 =	sand.u32 $0x1, s24  }
0x2a: {  	s25 =	sshll.u32 s24, $0xE;
	s24 =	sadd.s32 $0x1, s24;
	[sflag:s14] =	ssyncadd.s32 $0xFFFFC000  }
0x2b: {  	[tilespmem:s23], [sflag:s22] =	stream.indirect.gather [hbm4b:s1+s16], $0x80, s19, s16, $0xb8;
	[tilespmem:$0x1E400] =	vst v63  }
.Ltmp0:
0x2c: {  	s23 =	sadd.s32 $0x1, s21;
	_ =	swait.ge [sflag:s24], $0x4000;
	(pc) =	sbr.rel @p0 .LBB2_2-.Ltmp0, $4  }
0x2d: {  	s21 =	sor.u32 $0x2800, s25;
	[sflag:s24] =	ssyncset.done $0x0  }
0x2e: {  	s19 =	sadd.s32 $0x80, s19;
	s22 =	sand.u32 $0x1, s20;
	[sflag:s24] =	ssyncadd.s32 $0xFFFFC000  }
0x2f: {  	[spmem:s3] =	stream.indirect.scatter.add.f32 [tilespmem:s21], [sflag:$0x3], $0x80, s18, s16, $0xb8;
	[tilespmem:$0x1E400] =	vst v63  }
0x30: {  	s18 =	sadd.s32 $0x80, s18;
	s21 =	smov.u32 s23;
	_ =	swait.ge [sflag:s14], $0x4000  }
0x31: {  	s21 =	sshll.u32 s22, $0xE;
	s20 =	sadd.s32 $0xFFFFFFFF, s20  }
0x32: {  	[sflag:s14] =	ssyncset.done $0x0;
	s31 =	sadd.s32 $0x1, s22;
	s20 =	sand.u32 $0x1, s20  }
0x33: {  	s21 =	sor.u32 $0x2800, s21;
	[sflag:s14] =	ssyncadd.s32 $0xFFFFC000;
	s23 =	sadd.s32 $0x1, s20  }
0x34: {  	[tilespmem:s21], [sflag:s31] =	stream.indirect.gather [hbm4b:s1+s16], $0x80, s19, s16, $0xb8;
	[tilespmem:$0x1E400] =	vst v63  }
0x35: {  	_ =	swait.ge [sflag:s23], $0x4000  }
0x36: {  	s20 =	sshll.u32 s20, $0xE;
	[sflag:s23] =	ssyncset.done $0x0  }
0x37: {  	s19 =	sor.u32 $0x2800, s20;
	[sflag:s23] =	ssyncadd.s32 $0xFFFFC000  }
0x38: {  	[spmem:s3] =	stream.indirect.scatter.add.f32 [tilespmem:s19], [sflag:$0x3], $0x80, s18, s16, $0xb8;
	[tilespmem:$0x1E400] =	vst v63  }
0x39: {  	_ =	swait.ge [sflag:s14], $0x4000  }
0x3a: {  	[sflag:s14] =	ssyncset.done $0x0  }
0x3b: {  	[sflag:s14] =	ssyncadd.s32 $0xFFFFC000  }
0x3c: {  	_ =	swait.ge [sflag:s31], $0x4000  }
0x3d: {  	[sflag:s31] =	ssyncset.done $0x0  }
0x3e: {  	s24 =	simm.s32 $0x80;
	s23 =	sadd.s32 $0x80, s18;
	[sflag:s31] =	ssyncadd.s32 $0xFFFFC000  }
0x3f: {  	[spmem:s3] =	stream.indirect.scatter.add.f32 [tilespmem:s21], [sflag:$0x3], $0x80, s23, s24, $0xb8;
	[tilespmem:$0x1E400] =	vst v63  }
0x40: {  	_ =	swait.ge [sflag:s14], $0x4000  }
0x41: {  	[sflag:s14] =	ssyncset.done $0x0  }
0x42: {  	[sflag:s14] =	ssyncadd.s32 $0xFFFFC000  }
0x43: {  	[tilespmem:s4], [sflag:$0x3] =	stream.linear.gather [hbm4b:s11+s4], $0x1400, $0x38;
	[tilespmem:$0x1E400] =	vst v63  }
0x44: {  	_ =	swait.ge [sflag:s14], $0x1400  }
0x45: {  	[sflag:s14] =	ssyncset.done $0x0  }
0x46: {  	s25 =	simm.s32 $0x1400;
	[sflag:s14] =	ssyncadd.s32 $0xFFFFEC00  }
0x47: {  	[tilespmem:s25], [sflag:$0x3] =	stream.linear.gather [hbm4b:s12+s4], $0x1400, $0x38;
	[tilespmem:$0x1E400] =	vst v63  }
0x48: {  	s26 =	simm.s32 $0x1;
	_ =	swait.ge [sflag:s14], $0x1400  }
0x49: {  	s28 =	simm.s32 $0x0;
	s20 =	sand.u32 $0x1, s26;
	[sflag:s14] =	ssyncset.done $0x0  }
0x4a: {  	s29 =	sshll.u32 s20, $0xE;
	s21 =	sand.u32 $0x1, s28;
	[sflag:s14] =	ssyncadd.s32 $0xFFFFEC00  }
0x4b: {  	[tilespmem:s15], [sflag:$0x1] =	stream.indirect.gather [hbm4b:s1+s24], $0x80, s4, s24, $0xb8;
	[tilespmem:$0x1E400] =	vst v63  }
0x4c: {  	s20 =	sadd.s32 $0x1, s20;
	s22 =	sor.u32 $0x2800, s29;
	s30 =	sadd.s32 $0x1, s21  }
0x4d: {  	[tilespmem:s22], [sflag:s20] =	stream.indirect.gather [hbm4b:s1+s16], $0x80, s24, s16, $0xb8;
	[tilespmem:$0x1E400] =	vst v63  }
0x4e: {  	s18 =	simm.s32 $0x1480;
	_ =	swait.ge [sflag:s30], $0x4000  }
0x4f: {  	s31 =	sshll.u32 s21, $0xE;
	s21 =	simm.s32 $0x3;
	[sflag:s30] =	ssyncset.done $0x0  }
0x50: {  	s19 =	sor.u32 $0x2800, s31;
	s20 =	simm.s32 $0x2;
	[sflag:s30] =	ssyncadd.s32 $0xFFFFC000  }
0x51: {  	[spmem:s3] =	stream.indirect.scatter.add.f32 [tilespmem:s19], [sflag:$0x3], $0x80, s25, s16, $0xb8;
	[tilespmem:$0x1E400] =	vst v63  }
0x52: {  	s22 =	sand.u32 $0x1, s20;
	s19 =	simm.s32 $0x100;
	_ =	swait.ge [sflag:s14], $0x4000  }
.LBB2_4:
0x53: {  	s23 =	sshll.u32 s22, $0xE;
	s24 =	sadd.s32 $0xFFFFFFFF, s20  }
0x54: {  	[sflag:s14] =	ssyncset.done $0x0;
	s20 =	smov.u32 s21;
	s22 =	sadd.s32 $0x1, s22  }
0x55: {  	p0 =	sne.s32 s21, $0x27;
	s23 =	sor.u32 $0x2800, s23;
	s24 =	sand.u32 $0x1, s24  }
0x56: {  	s25 =	sshll.u32 s24, $0xE;
	s24 =	sadd.s32 $0x1, s24;
	[sflag:s14] =	ssyncadd.s32 $0xFFFFC000  }
0x57: {  	[tilespmem:s23], [sflag:s22] =	stream.indirect.gather [hbm4b:s1+s16], $0x80, s19, s16, $0xb8;
	[tilespmem:$0x1E400] =	vst v63  }
.Ltmp1:
0x58: {  	s23 =	sadd.s32 $0x1, s21;
	_ =	swait.ge [sflag:s24], $0x4000;
	(pc) =	sbr.rel @p0 .LBB2_4-.Ltmp1, $4  }
0x59: {  	s21 =	sor.u32 $0x2800, s25;
	[sflag:s24] =	ssyncset.done $0x0  }
0x5a: {  	s19 =	sadd.s32 $0x80, s19;
	s22 =	sand.u32 $0x1, s20;
	[sflag:s24] =	ssyncadd.s32 $0xFFFFC000  }
0x5b: {  	[spmem:s3] =	stream.indirect.scatter.add.f32 [tilespmem:s21], [sflag:$0x3], $0x80, s18, s16, $0xb8;
	[tilespmem:$0x1E400] =	vst v63  }
0x5c: {  	s18 =	sadd.s32 $0x80, s18;
	s21 =	smov.u32 s23;
	_ =	swait.ge [sflag:s14], $0x4000  }
0x5d: {  	s21 =	sshll.u32 s22, $0xE;
	s20 =	sadd.s32 $0xFFFFFFFF, s20  }
0x5e: {  	[sflag:s14] =	ssyncset.done $0x0;
	s29 =	sadd.s32 $0x1, s22;
	s20 =	sand.u32 $0x1, s20  }
0x5f: {  	s21 =	sor.u32 $0x2800, s21;
	[sflag:s14] =	ssyncadd.s32 $0xFFFFC000;
	s23 =	sadd.s32 $0x1, s20  }
0x60: {  	[tilespmem:s21], [sflag:s29] =	stream.indirect.gather [hbm4b:s1+s16], $0x80, s19, s16, $0xb8;
	[tilespmem:$0x1E400] =	vst v63  }
0x61: {  	_ =	swait.ge [sflag:s23], $0x4000  }
0x62: {  	s30 =	sshll.u32 s20, $0xE;
	[sflag:s23] =	ssyncset.done $0x0  }
0x63: {  	s19 =	sor.u32 $0x2800, s30;
	[sflag:s23] =	ssyncadd.s32 $0xFFFFC000  }
0x64: {  	[spmem:s3] =	stream.indirect.scatter.add.f32 [tilespmem:s19], [sflag:$0x3], $0x80, s18, s16, $0xb8;
	[tilespmem:$0x1E400] =	vst v63  }
0x65: {  	_ =	swait.ge [sflag:s14], $0x4000  }
0x66: {  	[sflag:s14] =	ssyncset.done $0x0  }
0x67: {  	[sflag:s14] =	ssyncadd.s32 $0xFFFFC000  }
0x68: {  	_ =	swait.ge [sflag:s29], $0x4000  }
0x69: {  	[sflag:s29] =	ssyncset.done $0x0  }
0x6a: {  	s31 =	sadd.s32 $0x80, s18;
	[sflag:s29] =	ssyncadd.s32 $0xFFFFC000  }
0x6b: {  	[spmem:s3] =	stream.indirect.scatter.add.f32 [tilespmem:s21], [sflag:$0x3], $0x80, s31, s16, $0xb8;
	[tilespmem:$0x1E400] =	vst v63  }
0x6c: {  	_ =	swait.ge [sflag:s14], $0x4000  }
0x6d: {  	s17 =	sadd.s32 $0x1, s17;
	[sflag:s14] =	ssyncset.done $0x0  }
0x6e: {  	p0 =	sne.s32 s17, s8;
	[sflag:s14] =	ssyncadd.s32 $0xFFFFC000  }
.Ltmp2:
0x6f: {  	[bflag:$0x0] =	sbarrier.arrive $0xFFFF;
	(pc) =	sbr.rel @p0 .LBB2_1-.Ltmp2, $4  }
0x70: {  	[hbm:s7], [sflag:s6] =	dma.local [spmem:s13], $0x2780  }
0x71: {  	_ =	swait.ge [sflag:s14], $0x2780  }
0x72: {  	[sflag:s14] =	ssyncset.done $0x0  }
0x73: {  	[sflag:s14] =	ssyncadd.s32 $0xFFFFD880  }
0x74: {  	_ =	sfence.sel $0x180000  }
0x75: {  	[bflag:$0x0] =	sbarrier.arrive $0xFFFF  }
0x76: {  	p0 =	sne.s32 s2, $0x0;
	_ =	strace $0x90000059  }
0x77: {  	s0 =	sadd.s32 @!p0 $0x100000, s0;
	[bflag:$0x2] =	sbarrier.arrive $0xFFFF  }
0x78: {  	[sflag:s0] =	ssyncadd.tile.s32 @!p0 $0x1;
	_ =	shalt  }
.Lfunc_end2:
_tile_overlayer_lowered:
.L_overlay_start_2:
0x79: {  	(tag) =	ssettag $0x2  }
0x7a: {  	s0 =	rddreg [dreg:$0x0];
	s2 =	stileid.u32  }
0x7b: {  	s1 =	rddreg [dreg:$0x1];
	p0 =	sne.s32 s2, $0x0  }
0x7c: {  	s3 =	rddreg [dreg:$0x2];
	[bflag:$0x3] =	sbarrier.arrive $0xFFFF;
	s2 =	simm.s32 @!p0 $0x1C03  }
0x7d: {  	[timem:s3], [sflag:s2] =	dma.local @!p0 [hbm:s0], s1  }
0x7e: {  	s0 =	simm.s32 @!p0 $0x3  }
0x7f: {  	_ =	swait.ge @!p0 [sflag:s0], s1  }
0x80: {  	s1 =	ssub.s32 @!p0 $0x0, s1;
	[sflag:s0] =	ssyncset.done @!p0 $0x0  }
0x81: {  	[sflag:s0] =	ssyncadd.s32 @!p0 s1  }
0x82: {  	[bflag:$0x3] =	sbarrier.arrive $0xFFFF  }
0x83: {  	_ =	shalt  }

// kernel: kernel.46.cloned.1.call-start
scs
__scs_entry_jumppad:
0x0: {  	(pc) =	sbr.rel $0x88, $3  }
0x1: {  	(tag) =	ssettag $0x0;
	lr =	simm.s32 $0x1  }
0x2: {  	[smem:$0x3F9B] =	sst lr;
	_ =	strace $0xD0000000  }
0x3: {  	_ = 	snop  }
0x4: {  	_ = 	snop  }
0x5: {  	_ = 	snop  }
0x6: {  	_ = 	snop  }
0x7: {  	_ = 	snop  }
__scs_overlays_trampoline_lowered:
0x8: {  	[smem:$0x3FAA] =	sst s0  }
0x9: {  	[smem:$0x3FAB] =	sst s1  }
0xa: {  	[smem:$0x3FAC] =	sst s2  }
0xb: {  	[smem:$0x3FAD] =	sst s3  }
0xc: {  	[smem:$0x3FAE] =	sst s4  }
0xd: {  	[smem:$0x3FAF] =	sst s5  }
0xe: {  	[smem:$0x3FB0] =	sst s6  }
0xf: {  	[smem:$0x3FB1] =	sst s7  }
0x10: {  	[smem:$0x3FB2] =	sst s8  }
0x11: {  	[smem:$0x3FB3] =	sst s9;
	s0 =	simm.s32 @!p0 $0x0  }
0x12: {  	s1 =	sld [smem:$0x3F99];
	s0 =	simm.s32 @p0 $0x1  }
0x13: {  	[smem:$0x3FB4] =	sst s0;
	s0 =	simm.s32 @!p1 $0x0  }
0x14: {  	s2 =	sld [smem:$0x3F98];
	s0 =	simm.s32 @p1 $0x1  }
0x15: {  	[smem:$0x3FB5] =	sst s0;
	s0 =	simm.s32 @!p2 $0x0  }
0x16: {  	s3 =	sld [smem:$0x3FDB];
	s0 =	simm.s32 @p2 $0x1  }
0x17: {  	s4 =	simm.s32 $0x1BF5;
	[smem:$0x3FB7] =	sst s0  }
0x18: {  	s0 =	sld [smem:$0x3F9A];
	_ =	swait.ge [sflag:s4], $0x0  }
0x19: {  	s7 =	sld [smem:$0x3F9B]  }
0x1a: {  	s8 =	sadd.s32 $0xFFFFE003, lr  }
0x1b: {  	s9 =	sadd.s32 $0xFFFFFEF7, lr;
	s5 =	simm.s32 $0xFFFFFFFF;
	p2 =	slt.u32 s8, $0xFFFFF086  }
0x1c: {  	p1 =	slt.u32 s9, $0xF7A;
	s5 =	simm.s32 @!p2 $0x0  }
0x1d: {  	s5 =	simm.s32 @p1 $0x1;
	p0 =	seq.s32 s7, s2  }
0x1e: {  	s7 =	smul.u32 @!p0 $0xF7A, s2;
	p2 =	seq.s32 @!p0 s5, $0x0  }
0x1f: {  	s9 =	smul.u32 $0xF7A, s1;
	s8 =	simm.s32 @!p0 $0x1BF5;
	p2 =	por !p2, p0  }
0x20: {  	[sflag:s8] =	ssyncset.s32 @!p0 $0xFFFFF086;
	s6 =	sadd.s32 @!p0 s3, s7;
	s7 =	simm.s32 @!p0 $0x108  }
0x21: {  	s3 =	sadd.s32 s3, s9;
	s6 =	sadd.s32 @!p0 $0x88, s6;
	s7 =	simm.s32 @p2 $0x1082  }
0x22: {  	[simem:s7], [sflag:s8] =	dma.local @!p0 [hbm:s6], $0xF7A  }
0x23: {  	s9 =	sor.u32 $0xD0000000, s2;
	s6 =	simm.s32 $0x108;
	_ =	swait.ge @!p0 [sflag:s8], $0x0  }
0x24: {  	s3 =	sadd.s32 $0x88, s3;
	s6 =	simm.s32 @!p1 $0x1082;
	[sflag:s4] =	ssyncset.s32 $0xFFFFF086  }
0x25: {  	[simem:s6], [sflag:s4] =	dma.local [hbm:s3], $0xF7A  }
0x26: {  	[smem:$0x3F9B] =	sst s1;
	(tag) =	ssettag s2;
	_ =	strace s9  }
0x27: {  	s1 =	sld [smem:$0x3FAB]  }
0x28: {  	s2 =	sld [smem:$0x3FAC]  }
0x29: {  	s4 =	sld [smem:$0x3FAE]  }
0x2a: {  	p0 =	seq.s32 s5, $0x0;
	s5 =	sld [smem:$0x3FAF]  }
0x2b: {  	s6 =	sld [smem:$0x3FB0]  }
0x2c: {  	s7 =	sld [smem:$0x3FB1]  }
0x2d: {  	s3 =	simm.s32 $0x108;
	s8 =	sld [smem:$0x3FB2]  }
0x2e: {  	s3 =	simm.s32 @!p0 $0x1082;
	s9 =	sld [smem:$0x3FB3]  }
0x2f: {  	lr =	sadd.s32 s0, s3;
	s0 =	sld [smem:$0x3FAA]  }
0x30: {  	s3 =	sld [smem:$0x3FAD]  }
0x31: {  	[smem:$0x3FB6] =	sst s10  }
0x32: {  	s10 =	sld [smem:$0x3FB4];
	_ =	sdelay $0x3  }
0x33: {  	p0 =	seq.s32 s10, $0x1;
	s10 =	sld [smem:$0x3FB6];
	_ =	sdelay $0x3  }
0x34: {  	[smem:$0x3FB6] =	sst s10  }
0x35: {  	s10 =	sld [smem:$0x3FB5];
	_ =	sdelay $0x3  }
0x36: {  	p1 =	seq.s32 s10, $0x1;
	s10 =	sld [smem:$0x3FB6];
	_ =	sdelay $0x3  }
0x37: {  	[smem:$0x3FB6] =	sst s10  }
0x38: {  	s10 =	sld [smem:$0x3FB7]  }
0x39: {  	_ = 	snop;
	(pc) =	sbr.ind lr, $3  }
0x3a: {  	_ = 	snop  }
0x3b: {  	_ = 	snop  }
0x3c: {  	p2 =	seq.s32 s10, $0x1;
	s10 =	sld [smem:$0x3FB6]  }
0x3d: {  	_ =	shalt  }
0x3e: {  	_ =	shalt  }
0x3f: {  	_ =	shalt  }
0x40: {  	_ =	shalt  }
0x41: {  	_ =	shalt  }
0x42: {  	_ =	shalt  }
0x43: {  	_ =	shalt  }
0x44: {  	_ =	shalt  }
0x45: {  	_ =	shalt  }
0x46: {  	_ =	shalt  }
0x47: {  	_ =	shalt  }
0x48: {  	_ =	shalt  }
0x49: {  	_ =	shalt  }
0x4a: {  	_ =	shalt  }
0x4b: {  	_ =	shalt  }
0x4c: {  	_ =	shalt  }
0x4d: {  	_ =	shalt  }
0x4e: {  	_ =	shalt  }
0x4f: {  	_ =	shalt  }
0x50: {  	_ =	shalt  }
0x51: {  	_ =	shalt  }
0x52: {  	_ =	shalt  }
0x53: {  	_ =	shalt  }
0x54: {  	_ =	shalt  }
0x55: {  	_ =	shalt  }
0x56: {  	_ =	shalt  }
0x57: {  	_ =	shalt  }
0x58: {  	_ =	shalt  }
0x59: {  	_ =	shalt  }
0x5a: {  	_ =	shalt  }
0x5b: {  	_ =	shalt  }
0x5c: {  	_ =	shalt  }
0x5d: {  	_ =	shalt  }
0x5e: {  	_ =	shalt  }
0x5f: {  	_ =	shalt  }
0x60: {  	_ =	shalt  }
0x61: {  	_ =	shalt  }
0x62: {  	_ =	shalt  }
0x63: {  	_ =	shalt  }
0x64: {  	_ =	shalt  }
0x65: {  	_ =	shalt  }
0x66: {  	_ =	shalt  }
0x67: {  	_ =	shalt  }
0x68: {  	_ =	shalt  }
0x69: {  	_ =	shalt  }
0x6a: {  	_ =	shalt  }
0x6b: {  	_ =	shalt  }
0x6c: {  	_ =	shalt  }
0x6d: {  	_ =	shalt  }
0x6e: {  	_ =	shalt  }
0x6f: {  	_ =	shalt  }
0x70: {  	_ =	shalt  }
0x71: {  	_ =	shalt  }
0x72: {  	_ =	shalt  }
0x73: {  	_ =	shalt  }
0x74: {  	_ =	shalt  }
0x75: {  	_ =	shalt  }
0x76: {  	_ =	shalt  }
0x77: {  	_ =	shalt  }
0x78: {  	_ =	shalt  }
0x79: {  	_ =	shalt  }
0x7a: {  	_ =	shalt  }
0x7b: {  	_ =	shalt  }
0x7c: {  	_ =	shalt  }
0x7d: {  	_ =	shalt  }
0x7e: {  	_ =	shalt  }
0x7f: {  	_ =	shalt  }
0x80: {  	_ =	shalt  }
0x81: {  	_ =	shalt  }
0x82: {  	_ =	shalt  }
0x83: {  	_ =	shalt  }
0x84: {  	_ =	shalt  }
0x85: {  	_ =	shalt  }
0x86: {  	_ =	shalt  }
0x87: {  	_ =	shalt  }
.Lfunc_end0:
.L_simem_size_0:
called_computation.7_lowered:
.L_overlay_start_0:
0x88: {  	s2 =	sld [smem:$0x3FD9]  }
0x89: {  	s3 =	sld [smem:$0x3FFE];
	_ =	sdelay $0x1  }
0x8a: {  	s1 =	srdreg.scid  }
0x8b: {  	s0 =	sand.u32 $0x1, s1  }
0x8c: {  	s14 =	sshll.u32 s0, $0xA;
	s2 =	sadd.s32 s3, s2  }
0x8d: {  	s2 =	sadd.s32 s2, s14  }
0x8e: {  	[smem:$0x3FC2] =	sst s2  }
0x8f: {  	_ = 	snop  }
0x90: {  	s2 =	sld [smem:$0x3FD0];
	_ =	sdelay $0x2  }
0x91: {  	s15 =	simm.s32 $0xA;
	s4 =	simm.s32 $0x10  }
0x92: {  	[smem:s4], [sflag:s15] =	dma.local [hbm:s2], $0x1  }
0x93: {  	_ =	swait.eq [sflag:s15], $0x1  }
0x94: {  	[sflag:s15] =	ssyncset.done $0x0  }
0x95: {  	s16 =	sld [smem:$0x10];
	[sflag:s15] =	ssyncadd.s32 $0xFFFFFFFF  }
0x96: {  	s17 =	sld [smem:$0x12];
	(tm) =	ssettm $0x1  }
0x97: {  	s18 =	sld [smem:$0x3FFB];
	_ =	sdelay $0x3  }
0x98: {  	_ =	strace s18  }
0x99: {  	s4 =	sld [smem:$0x3FFC];
	_ =	sdelay $0x3  }
0x9a: {  	_ =	strace s4  }
0x9b: {  	s4 =	sld [smem:$0x3FFD];
	_ =	sdelay $0x3  }
0x9c: {  	_ =	strace s4  }
0x9d: {  	_ =	strace $0x8FFFFFFF  }
0x9e: {  	s19 =	sld [smem:$0x3FDB];
	_ =	sdelay $0x1  }
0x9f: {  	s5 =	simm.s32 $_scs_section_size  }
0xa0: {  	s6 =	simm.s32 $_size__tile_overlayer_lowered;
	s7 =	simm.s32 $_tile_overlayer_lowered  }
0xa1: {  	s22 =	simm.s32 $0x1BFF;
	s21 =	sshll.u32 s7, $0x1;
	s4 =	sadd.s32 s5, s19  }
0xa2: {  	s8 =	simm.s32 $0x0;
	s20 =	sshll.u32 s6, $0x1;
	s6 =	sadd.s32 s21, s4  }
0xa3: {  	[timem:s8], [sflag:s22] =	dma.local [hbm:s6], s20  }
0xa4: {  	_ =	swait.ge [sflag:s22], s20  }
0xa5: {  	s5 =	ssub.s32 $0x0, s20;
	[sflag:s22] =	ssyncset.done $0x0  }
0xa6: {  	[sflag:s22] =	ssyncadd.s32 s5;
	_ =	sdelay $0x1  }
0xa7: {  	s23 =	simm.s32 $0x1B8B  }
0xa8: {  	_ =	swait.ge [sflag:s23], $0x1  }
0xa9: {  	[sflag:s23] =	ssyncset.done $0x0  }
0xaa: {  	s25 =	simm.s32 $0x1B8E;
	s24 =	sld [smem:$0x3FFE];
	[sflag:s23] =	ssyncadd.s32 $0xFFFFFFFF  }
0xab: {  	s26 =	simm.s32 $execute0_lowered;
	[smem:$0x3FD2] =	sst s25  }
0xac: {  	s6 =	sshll.u32 s26, $0x1;
	_ =	strace $0x8000005B;
	[dreg:$0x1] =	wrdreg $0xFFFFFFFF  }
0xad: {  	s28 =	simm.s32 $_size_execute0_lowered;
	s4 =	sadd.s32 s4, s6;
	[dreg:$0x0] =	wrdreg $0x0  }
0xae: {  	s6 =	sshll.u32 s28, $0x1;
	[dreg:$0x2] =	wrdreg s4  }
0xaf: {  	[dreg:$0x3] =	wrdreg s6  }
0xb0: {  	[dreg:$0x4] =	wrdreg $0xC0  }
0xb1: {  	_ =	task [dreg:s8], $0x5FFFF  }
0xb2: {  	[dreg:$0x1] =	wrdreg $0xFFFFFFFF  }
0xb3: {  	[dreg:$0x0] =	wrdreg $0x60  }
0xb4: {  	[dreg:$0x2] =	wrdreg s16  }
0xb5: {  	[dreg:$0x3] =	wrdreg s24  }
0xb6: {  	[dreg:$0x4] =	wrdreg s17  }
0xb7: {  	[dreg:$0x5] =	wrdreg $0xA8000  }
0xb8: {  	[dreg:$0x6] =	wrdreg $0x9  }
0xb9: {  	_ =	task.clear_ibuf [dreg:s8], $0x7FFFF;
	_ =	strace $0x9000005B  }
0xba: {  	s29 =	simm.s32 $0x9;
	_ =	strace $0x8000005D  }
0xbb: {  	_ =	swait.ge [sflag:s29], $0x1  }
0xbc: {  	[sflag:s29] =	ssyncadd.s32 $0xFFFFFFFF  }
0xbd: {  	_ =	strace $0x9000005D  }
0xbe: {  	_ =	sfence  }
0xbf: {  	s30 =	sld [smem:$0x0];
	_ =	sdelay $0x2  }
0xc0: {  	s31 =	sshll.u32 s1, $0xD;
	s1 =	sshrl.u32 s1, $0x2  }
0xc1: {  	s3 =	sand.u32 $0x4000, s31;
	s1 =	sadd.s32 s1, s30  }
0xc2: {  	s0 =	sor.u32 s3, s0;
	s1 =	sshll.u32 s1, $0x11  }
0xc3: {  	s0 =	sor.u32 s1, s0  }
0xc4: {  	s0 =	sadd.s32 $0x8F2B, s0  }
0xc5: {  	[sflag:s0] =	ssyncadd.remote.s32 $0x1  }
0xc6: {  	_ =	sfence.sel $0xFFFF  }
0xc7: {  	[dreg:$0x0] =	wrdreg $0xFFFFFFFF;
	(pc) =	sbr.abs _section_cstart, $3  }
0xc8: {  	[dreg:$0x1] =	wrdreg $0xFFFFFFFF  }
0xc9: {  	_ =	task.clear_ibuf [dreg:s8], $0x2FFFF;
	_ =	strace $0x9FFFFFFF  }
0xca: {  	(tm) =	ssettm $0x7FFFFFFF  }
0xcb: {  	_ =	shalt  }
tec
execute0_lowered:
.L_overlay_start_1:
0x0: {  	(tag) =	ssettag $0x1  }
0x1: {  	s1 =	rddreg [dreg:$0x0]  }
0x2: {  	s6 =	rddreg [dreg:$0x1]  }
0x3: {  	s12 =	rddreg [dreg:$0x2]  }
0x4: {  	s3 =	rddreg [dreg:$0x3]  }
0x5: {  	s0 =	rddreg [dreg:$0x4]  }
0x6: {  	s5 =	srdreg.scid;
	s2 =	stileid.u32  }
0x7: {  	s4 =	simm.s32 $0x0;
	s16 =	simm.s32 $0x80;
	s17 =	simm.s32 $0x0  }
0x8: {  	s7 =	sand.u32 $0x1, s5;
	s8 =	smul.u32 $0x2780, s2;
	[smem:$0x7FF] =	sst s4  }
0x9: {  	s11 =	sadd.s32 $0x7400, s6;
	s5 =	sadd.s32 $0x11400, s6;
	s10 =	smul.u32 $0x4F000, s2  }
0xa: {  	s13 =	sshll.u32 s2, $0x6;
	s9 =	smul.u32 $0x27800, s7;
	s29 =	ssub.s32 $0x2, s7  }
0xb: {  	_ =	strace $0x8000005C;
	s7 =	sshll.u32 s7, $0x4;
	s30 =	sshrl.u32 s29, $0x1  }
0xc: {  	s7 =	sor.u32 s2, s7;
	s10 =	sshrl.u32 s10, $0x2;
	s8 =	sadd.s32 s8, s9  }
0xd: {  	s14 =	smul.u32 $0x500, s7;
	s9 =	ssub.s32 s29, s30;
	s15 =	sadd.s32 s10, s3  }
0xe: {  	s8 =	sadd.s32 s8, s6;
	s6 =	sor.u32 $0x1C03, s13;
	s13 =	sshrl.u32 s15, $0x3  }
0xf: {  	s15 =	simm.s32 $0x2800;
	s7 =	sadd.s32 $0x8A400, s8;
	s8 =	smax.u32 s9, $0x1  }
0x10: {  	s31 =	sadd.s32 $0x280, s14;
	s9 =	sadd.s32 s11, s14;
	s10 =	sadd.s32 s12, s14  }
0x11: {  	s14 =	simm.s32 $0x3;
	s11 =	sadd.s32 s11, s31;
	s12 =	sadd.s32 s12, s31  }
.LBB2_1:
0x12: {  	[spmem:s13], [sflag:s6] =	dma.local [hbm:s5], $0x2780  }
0x13: {  	_ =	swait.ge [sflag:s14], $0x2780  }
0x14: {  	[sflag:s14] =	ssyncset.done $0x0  }
0x15: {  	[sflag:s14] =	ssyncadd.s32 $0xFFFFD880  }
0x16: {  	[bflag:$0x0] =	sbarrier.arrive $0xFFFF  }
0x17: {  	[tilespmem:s4], [sflag:$0x3] =	stream.linear.gather [hbm4b:s9+s4], $0x1400, $0x38;
	[tilespmem:$0x1E400] =	vst v63  }
0x18: {  	_ =	swait.ge [sflag:s14], $0x1400  }
0x19: {  	[sflag:s14] =	ssyncset.done $0x0  }
0x1a: {  	s18 =	simm.s32 $0x1400;
	[sflag:s14] =	ssyncadd.s32 $0xFFFFEC00  }
0x1b: {  	[tilespmem:s18], [sflag:$0x3] =	stream.linear.gather [hbm4b:s10+s4], $0x1400, $0x38;
	[tilespmem:$0x1E400] =	vst v63  }
0x1c: {  	s19 =	simm.s32 $0x1;
	_ =	swait.ge [sflag:s14], $0x1400  }
0x1d: {  	s20 =	simm.s32 $0x0;
	s19 =	sand.u32 $0x1, s19;
	[sflag:s14] =	ssyncset.done $0x0  }
0x1e: {  	s20 =	sand.u32 $0x1, s20;
	s21 =	sshll.u32 s19, $0xE;
	[sflag:s14] =	ssyncadd.s32 $0xFFFFEC00  }
0x1f: {  	[tilespmem:s15], [sflag:$0x1] =	stream.indirect.gather [hbm4b:s1+s16], $0x80, s4, s16, $0xb8;
	[tilespmem:$0x1E400] =	vst v63  }
0x20: {  	s19 =	sadd.s32 $0x1, s19;
	s22 =	sadd.s32 $0x1, s20;
	s21 =	sor.u32 $0x2800, s21  }
0x21: {  	[tilespmem:s21], [sflag:s19] =	stream.indirect.gather [hbm4b:s1+s16], $0x80, s16, s16, $0xb8;
	[tilespmem:$0x1E400] =	vst v63  }
0x22: {  	s31 =	sshll.u32 s20, $0xE;
	_ =	swait.ge [sflag:s22], $0x4000  }
0x23: {  	s20 =	simm.s32 $0x2;
	s19 =	sor.u32 $0x2800, s31;
	[sflag:s22] =	ssyncset.done $0x0  }
0x24: {  	s21 =	simm.s32 $0x3;
	[sflag:s22] =	ssyncadd.s32 $0xFFFFC000;
	s22 =	sand.u32 $0x1, s20  }
0x25: {  	[spmem:s3] =	stream.indirect.scatter.add.f32 [tilespmem:s19], [sflag:$0x3], $0x80, s18, s16, $0xb8;
	[tilespmem:$0x1E400] =	vst v63  }
0x26: {  	s19 =	simm.s32 $0x100;
	s18 =	simm.s32 $0x1480;
	_ =	swait.ge [sflag:s14], $0x4000  }
.LBB2_2:
0x27: {  	s23 =	sshll.u32 s22, $0xE;
	s24 =	sadd.s32 $0xFFFFFFFF, s20  }
0x28: {  	[sflag:s14] =	ssyncset.done $0x0;
	s20 =	smov.u32 s21;
	s22 =	sadd.s32 $0x1, s22  }
0x29: {  	p0 =	sne.s32 s21, $0x27;
	s23 =	sor.u32 $0x2800, s23;
	s24 =	sand.u32 $0x1, s24  }
0x2a: {  	s25 =	sshll.u32 s24, $0xE;
	s24 =	sadd.s32 $0x1, s24;
	[sflag:s14] =	ssyncadd.s32 $0xFFFFC000  }
0x2b: {  	[tilespmem:s23], [sflag:s22] =	stream.indirect.gather [hbm4b:s1+s16], $0x80, s19, s16, $0xb8;
	[tilespmem:$0x1E400] =	vst v63  }
.Ltmp0:
0x2c: {  	s23 =	sadd.s32 $0x1, s21;
	_ =	swait.ge [sflag:s24], $0x4000;
	(pc) =	sbr.rel @p0 .LBB2_2-.Ltmp0, $4  }
0x2d: {  	s21 =	sor.u32 $0x2800, s25;
	[sflag:s24] =	ssyncset.done $0x0  }
0x2e: {  	s19 =	sadd.s32 $0x80, s19;
	s22 =	sand.u32 $0x1, s20;
	[sflag:s24] =	ssyncadd.s32 $0xFFFFC000  }
0x2f: {  	[spmem:s3] =	stream.indirect.scatter.add.f32 [tilespmem:s21], [sflag:$0x3], $0x80, s18, s16, $0xb8;
	[tilespmem:$0x1E400] =	vst v63  }
0x30: {  	s18 =	sadd.s32 $0x80, s18;
	s21 =	smov.u32 s23;
	_ =	swait.ge [sflag:s14], $0x4000  }
0x31: {  	s21 =	sshll.u32 s22, $0xE;
	s20 =	sadd.s32 $0xFFFFFFFF, s20  }
0x32: {  	[sflag:s14] =	ssyncset.done $0x0;
	s31 =	sadd.s32 $0x1, s22;
	s20 =	sand.u32 $0x1, s20  }
0x33: {  	s21 =	sor.u32 $0x2800, s21;
	[sflag:s14] =	ssyncadd.s32 $0xFFFFC000;
	s23 =	sadd.s32 $0x1, s20  }
0x34: {  	[tilespmem:s21], [sflag:s31] =	stream.indirect.gather [hbm4b:s1+s16], $0x80, s19, s16, $0xb8;
	[tilespmem:$0x1E400] =	vst v63  }
0x35: {  	_ =	swait.ge [sflag:s23], $0x4000  }
0x36: {  	s20 =	sshll.u32 s20, $0xE;
	[sflag:s23] =	ssyncset.done $0x0  }
0x37: {  	s19 =	sor.u32 $0x2800, s20;
	[sflag:s23] =	ssyncadd.s32 $0xFFFFC000  }
0x38: {  	[spmem:s3] =	stream.indirect.scatter.add.f32 [tilespmem:s19], [sflag:$0x3], $0x80, s18, s16, $0xb8;
	[tilespmem:$0x1E400] =	vst v63  }
0x39: {  	_ =	swait.ge [sflag:s14], $0x4000  }
0x3a: {  	[sflag:s14] =	ssyncset.done $0x0  }
0x3b: {  	[sflag:s14] =	ssyncadd.s32 $0xFFFFC000  }
0x3c: {  	_ =	swait.ge [sflag:s31], $0x4000  }
0x3d: {  	[sflag:s31] =	ssyncset.done $0x0  }
0x3e: {  	s24 =	simm.s32 $0x80;
	s23 =	sadd.s32 $0x80, s18;
	[sflag:s31] =	ssyncadd.s32 $0xFFFFC000  }
0x3f: {  	[spmem:s3] =	stream.indirect.scatter.add.f32 [tilespmem:s21], [sflag:$0x3], $0x80, s23, s24, $0xb8;
	[tilespmem:$0x1E400] =	vst v63  }
0x40: {  	_ =	swait.ge [sflag:s14], $0x4000  }
0x41: {  	[sflag:s14] =	ssyncset.done $0x0  }
0x42: {  	[sflag:s14] =	ssyncadd.s32 $0xFFFFC000  }
0x43: {  	[tilespmem:s4], [sflag:$0x3] =	stream.linear.gather [hbm4b:s11+s4], $0x1400, $0x38;
	[tilespmem:$0x1E400] =	vst v63  }
0x44: {  	_ =	swait.ge [sflag:s14], $0x1400  }
0x45: {  	[sflag:s14] =	ssyncset.done $0x0  }
0x46: {  	s25 =	simm.s32 $0x1400;
	[sflag:s14] =	ssyncadd.s32 $0xFFFFEC00  }
0x47: {  	[tilespmem:s25], [sflag:$0x3] =	stream.linear.gather [hbm4b:s12+s4], $0x1400, $0x38;
	[tilespmem:$0x1E400] =	vst v63  }
0x48: {  	s26 =	simm.s32 $0x1;
	_ =	swait.ge [sflag:s14], $0x1400  }
0x49: {  	s28 =	simm.s32 $0x0;
	s20 =	sand.u32 $0x1, s26;
	[sflag:s14] =	ssyncset.done $0x0  }
0x4a: {  	s29 =	sshll.u32 s20, $0xE;
	s21 =	sand.u32 $0x1, s28;
	[sflag:s14] =	ssyncadd.s32 $0xFFFFEC00  }
0x4b: {  	[tilespmem:s15], [sflag:$0x1] =	stream.indirect.gather [hbm4b:s1+s24], $0x80, s4, s24, $0xb8;
	[tilespmem:$0x1E400] =	vst v63  }
0x4c: {  	s20 =	sadd.s32 $0x1, s20;
	s22 =	sor.u32 $0x2800, s29;
	s30 =	sadd.s32 $0x1, s21  }
0x4d: {  	[tilespmem:s22], [sflag:s20] =	stream.indirect.gather [hbm4b:s1+s16], $0x80, s24, s16, $0xb8;
	[tilespmem:$0x1E400] =	vst v63  }
0x4e: {  	s18 =	simm.s32 $0x1480;
	_ =	swait.ge [sflag:s30], $0x4000  }
0x4f: {  	s31 =	sshll.u32 s21, $0xE;
	s21 =	simm.s32 $0x3;
	[sflag:s30] =	ssyncset.done $0x0  }
0x50: {  	s19 =	sor.u32 $0x2800, s31;
	s20 =	simm.s32 $0x2;
	[sflag:s30] =	ssyncadd.s32 $0xFFFFC000  }
0x51: {  	[spmem:s3] =	stream.indirect.scatter.add.f32 [tilespmem:s19], [sflag:$0x3], $0x80, s25, s16, $0xb8;
	[tilespmem:$0x1E400] =	vst v63  }
0x52: {  	s22 =	sand.u32 $0x1, s20;
	s19 =	simm.s32 $0x100;
	_ =	swait.ge [sflag:s14], $0x4000  }
.LBB2_4:
0x53: {  	s23 =	sshll.u32 s22, $0xE;
	s24 =	sadd.s32 $0xFFFFFFFF, s20  }
0x54: {  	[sflag:s14] =	ssyncset.done $0x0;
	s20 =	smov.u32 s21;
	s22 =	sadd.s32 $0x1, s22  }
0x55: {  	p0 =	sne.s32 s21, $0x27;
	s23 =	sor.u32 $0x2800, s23;
	s24 =	sand.u32 $0x1, s24  }
0x56: {  	s25 =	sshll.u32 s24, $0xE;
	s24 =	sadd.s32 $0x1, s24;
	[sflag:s14] =	ssyncadd.s32 $0xFFFFC000  }
0x57: {  	[tilespmem:s23], [sflag:s22] =	stream.indirect.gather [hbm4b:s1+s16], $0x80, s19, s16, $0xb8;
	[tilespmem:$0x1E400] =	vst v63  }
.Ltmp1:
0x58: {  	s23 =	sadd.s32 $0x1, s21;
	_ =	swait.ge [sflag:s24], $0x4000;
	(pc) =	sbr.rel @p0 .LBB2_4-.Ltmp1, $4  }
0x59: {  	s21 =	sor.u32 $0x2800, s25;
	[sflag:s24] =	ssyncset.done $0x0  }
0x5a: {  	s19 =	sadd.s32 $0x80, s19;
	s22 =	sand.u32 $0x1, s20;
	[sflag:s24] =	ssyncadd.s32 $0xFFFFC000  }
0x5b: {  	[spmem:s3] =	stream.indirect.scatter.add.f32 [tilespmem:s21], [sflag:$0x3], $0x80, s18, s16, $0xb8;
	[tilespmem:$0x1E400] =	vst v63  }
0x5c: {  	s18 =	sadd.s32 $0x80, s18;
	s21 =	smov.u32 s23;
	_ =	swait.ge [sflag:s14], $0x4000  }
0x5d: {  	s21 =	sshll.u32 s22, $0xE;
	s20 =	sadd.s32 $0xFFFFFFFF, s20  }
0x5e: {  	[sflag:s14] =	ssyncset.done $0x0;
	s29 =	sadd.s32 $0x1, s22;
	s20 =	sand.u32 $0x1, s20  }
0x5f: {  	s21 =	sor.u32 $0x2800, s21;
	[sflag:s14] =	ssyncadd.s32 $0xFFFFC000;
	s23 =	sadd.s32 $0x1, s20  }
0x60: {  	[tilespmem:s21], [sflag:s29] =	stream.indirect.gather [hbm4b:s1+s16], $0x80, s19, s16, $0xb8;
	[tilespmem:$0x1E400] =	vst v63  }
0x61: {  	_ =	swait.ge [sflag:s23], $0x4000  }
0x62: {  	s30 =	sshll.u32 s20, $0xE;
	[sflag:s23] =	ssyncset.done $0x0  }
0x63: {  	s19 =	sor.u32 $0x2800, s30;
	[sflag:s23] =	ssyncadd.s32 $0xFFFFC000  }
0x64: {  	[spmem:s3] =	stream.indirect.scatter.add.f32 [tilespmem:s19], [sflag:$0x3], $0x80, s18, s16, $0xb8;
	[tilespmem:$0x1E400] =	vst v63  }
0x65: {  	_ =	swait.ge [sflag:s14], $0x4000  }
0x66: {  	[sflag:s14] =	ssyncset.done $0x0  }
0x67: {  	[sflag:s14] =	ssyncadd.s32 $0xFFFFC000  }
0x68: {  	_ =	swait.ge [sflag:s29], $0x4000  }
0x69: {  	[sflag:s29] =	ssyncset.done $0x0  }
0x6a: {  	s31 =	sadd.s32 $0x80, s18;
	[sflag:s29] =	ssyncadd.s32 $0xFFFFC000  }
0x6b: {  	[spmem:s3] =	stream.indirect.scatter.add.f32 [tilespmem:s21], [sflag:$0x3], $0x80, s31, s16, $0xb8;
	[tilespmem:$0x1E400] =	vst v63  }
0x6c: {  	_ =	swait.ge [sflag:s14], $0x4000  }
0x6d: {  	s17 =	sadd.s32 $0x1, s17;
	[sflag:s14] =	ssyncset.done $0x0  }
0x6e: {  	p0 =	sne.s32 s17, s8;
	[sflag:s14] =	ssyncadd.s32 $0xFFFFC000  }
.Ltmp2:
0x6f: {  	[bflag:$0x0] =	sbarrier.arrive $0xFFFF;
	(pc) =	sbr.rel @p0 .LBB2_1-.Ltmp2, $4  }
0x70: {  	[hbm:s7], [sflag:s6] =	dma.local [spmem:s13], $0x2780  }
0x71: {  	_ =	swait.ge [sflag:s14], $0x2780  }
0x72: {  	[sflag:s14] =	ssyncset.done $0x0  }
0x73: {  	[sflag:s14] =	ssyncadd.s32 $0xFFFFD880  }
0x74: {  	_ =	sfence.sel $0x180000  }
0x75: {  	[bflag:$0x0] =	sbarrier.arrive $0xFFFF  }
0x76: {  	p0 =	sne.s32 s2, $0x0;
	_ =	strace $0x9000005C  }
0x77: {  	s0 =	sadd.s32 @!p0 $0x100000, s0;
	[bflag:$0x2] =	sbarrier.arrive $0xFFFF  }
0x78: {  	[sflag:s0] =	ssyncadd.tile.s32 @!p0 $0x1;
	_ =	shalt  }
.Lfunc_end2:
_tile_overlayer_lowered:
.L_overlay_start_2:
0x79: {  	(tag) =	ssettag $0x2  }
0x7a: {  	s0 =	rddreg [dreg:$0x0];
	s2 =	stileid.u32  }
0x7b: {  	s1 =	rddreg [dreg:$0x1];
	p0 =	sne.s32 s2, $0x0  }
0x7c: {  	s3 =	rddreg [dreg:$0x2];
	[bflag:$0x3] =	sbarrier.arrive $0xFFFF;
	s2 =	simm.s32 @!p0 $0x1C03  }
0x7d: {  	[timem:s3], [sflag:s2] =	dma.local @!p0 [hbm:s0], s1  }
0x7e: {  	s0 =	simm.s32 @!p0 $0x3  }
0x7f: {  	_ =	swait.ge @!p0 [sflag:s0], s1  }
0x80: {  	s1 =	ssub.s32 @!p0 $0x0, s1;
	[sflag:s0] =	ssyncset.done @!p0 $0x0  }
0x81: {  	[sflag:s0] =	ssyncadd.s32 @!p0 s1  }
0x82: {  	[bflag:$0x3] =	sbarrier.arrive $0xFFFF  }
0x83: {  	_ =	shalt  }

// kernel: kernel.49.cloned.1.call-start
scs
__scs_entry_jumppad:
0x0: {  	(pc) =	sbr.rel $0x88, $3  }
0x1: {  	(tag) =	ssettag $0x0;
	lr =	simm.s32 $0x1  }
0x2: {  	[smem:$0x3F9B] =	sst lr;
	_ =	strace $0xD0000000  }
0x3: {  	_ = 	snop  }
0x4: {  	_ = 	snop  }
0x5: {  	_ = 	snop  }
0x6: {  	_ = 	snop  }
0x7: {  	_ = 	snop  }
__scs_overlays_trampoline_lowered:
0x8: {  	[smem:$0x3FAA] =	sst s0  }
0x9: {  	[smem:$0x3FAB] =	sst s1  }
0xa: {  	[smem:$0x3FAC] =	sst s2  }
0xb: {  	[smem:$0x3FAD] =	sst s3  }
0xc: {  	[smem:$0x3FAE] =	sst s4  }
0xd: {  	[smem:$0x3FAF] =	sst s5  }
0xe: {  	[smem:$0x3FB0] =	sst s6  }
0xf: {  	[smem:$0x3FB1] =	sst s7  }
0x10: {  	[smem:$0x3FB2] =	sst s8  }
0x11: {  	[smem:$0x3FB3] =	sst s9;
	s0 =	simm.s32 @!p0 $0x0  }
0x12: {  	s1 =	sld [smem:$0x3F99];
	s0 =	simm.s32 @p0 $0x1  }
0x13: {  	[smem:$0x3FB4] =	sst s0;
	s0 =	simm.s32 @!p1 $0x0  }
0x14: {  	s2 =	sld [smem:$0x3F98];
	s0 =	simm.s32 @p1 $0x1  }
0x15: {  	[smem:$0x3FB5] =	sst s0;
	s0 =	simm.s32 @!p2 $0x0  }
0x16: {  	s3 =	sld [smem:$0x3FDB];
	s0 =	simm.s32 @p2 $0x1  }
0x17: {  	s4 =	simm.s32 $0x1BF5;
	[smem:$0x3FB7] =	sst s0  }
0x18: {  	s0 =	sld [smem:$0x3F9A];
	_ =	swait.ge [sflag:s4], $0x0  }
0x19: {  	s7 =	sld [smem:$0x3F9B]  }
0x1a: {  	s8 =	sadd.s32 $0xFFFFE003, lr  }
0x1b: {  	s9 =	sadd.s32 $0xFFFFFEF7, lr;
	s5 =	simm.s32 $0xFFFFFFFF;
	p2 =	slt.u32 s8, $0xFFFFF086  }
0x1c: {  	p1 =	slt.u32 s9, $0xF7A;
	s5 =	simm.s32 @!p2 $0x0  }
0x1d: {  	s5 =	simm.s32 @p1 $0x1;
	p0 =	seq.s32 s7, s2  }
0x1e: {  	s7 =	smul.u32 @!p0 $0xF7A, s2;
	p2 =	seq.s32 @!p0 s5, $0x0  }
0x1f: {  	s9 =	smul.u32 $0xF7A, s1;
	s8 =	simm.s32 @!p0 $0x1BF5;
	p2 =	por !p2, p0  }
0x20: {  	[sflag:s8] =	ssyncset.s32 @!p0 $0xFFFFF086;
	s6 =	sadd.s32 @!p0 s3, s7;
	s7 =	simm.s32 @!p0 $0x108  }
0x21: {  	s3 =	sadd.s32 s3, s9;
	s6 =	sadd.s32 @!p0 $0x88, s6;
	s7 =	simm.s32 @p2 $0x1082  }
0x22: {  	[simem:s7], [sflag:s8] =	dma.local @!p0 [hbm:s6], $0xF7A  }
0x23: {  	s9 =	sor.u32 $0xD0000000, s2;
	s6 =	simm.s32 $0x108;
	_ =	swait.ge @!p0 [sflag:s8], $0x0  }
0x24: {  	s3 =	sadd.s32 $0x88, s3;
	s6 =	simm.s32 @!p1 $0x1082;
	[sflag:s4] =	ssyncset.s32 $0xFFFFF086  }
0x25: {  	[simem:s6], [sflag:s4] =	dma.local [hbm:s3], $0xF7A  }
0x26: {  	[smem:$0x3F9B] =	sst s1;
	(tag) =	ssettag s2;
	_ =	strace s9  }
0x27: {  	s1 =	sld [smem:$0x3FAB]  }
0x28: {  	s2 =	sld [smem:$0x3FAC]  }
0x29: {  	s4 =	sld [smem:$0x3FAE]  }
0x2a: {  	p0 =	seq.s32 s5, $0x0;
	s5 =	sld [smem:$0x3FAF]  }
0x2b: {  	s6 =	sld [smem:$0x3FB0]  }
0x2c: {  	s7 =	sld [smem:$0x3FB1]  }
0x2d: {  	s3 =	simm.s32 $0x108;
	s8 =	sld [smem:$0x3FB2]  }
0x2e: {  	s3 =	simm.s32 @!p0 $0x1082;
	s9 =	sld [smem:$0x3FB3]  }
0x2f: {  	lr =	sadd.s32 s0, s3;
	s0 =	sld [smem:$0x3FAA]  }
0x30: {  	s3 =	sld [smem:$0x3FAD]  }
0x31: {  	[smem:$0x3FB6] =	sst s10  }
0x32: {  	s10 =	sld [smem:$0x3FB4];
	_ =	sdelay $0x3  }
0x33: {  	p0 =	seq.s32 s10, $0x1;
	s10 =	sld [smem:$0x3FB6];
	_ =	sdelay $0x3  }
0x34: {  	[smem:$0x3FB6] =	sst s10  }
0x35: {  	s10 =	sld [smem:$0x3FB5];
	_ =	sdelay $0x3  }
0x36: {  	p1 =	seq.s32 s10, $0x1;
	s10 =	sld [smem:$0x3FB6];
	_ =	sdelay $0x3  }
0x37: {  	[smem:$0x3FB6] =	sst s10  }
0x38: {  	s10 =	sld [smem:$0x3FB7]  }
0x39: {  	_ = 	snop;
	(pc) =	sbr.ind lr, $3  }
0x3a: {  	_ = 	snop  }
0x3b: {  	_ = 	snop  }
0x3c: {  	p2 =	seq.s32 s10, $0x1;
	s10 =	sld [smem:$0x3FB6]  }
0x3d: {  	_ =	shalt  }
0x3e: {  	_ =	shalt  }
0x3f: {  	_ =	shalt  }
0x40: {  	_ =	shalt  }
0x41: {  	_ =	shalt  }
0x42: {  	_ =	shalt  }
0x43: {  	_ =	shalt  }
0x44: {  	_ =	shalt  }
0x45: {  	_ =	shalt  }
0x46: {  	_ =	shalt  }
0x47: {  	_ =	shalt  }
0x48: {  	_ =	shalt  }
0x49: {  	_ =	shalt  }
0x4a: {  	_ =	shalt  }
0x4b: {  	_ =	shalt  }
0x4c: {  	_ =	shalt  }
0x4d: {  	_ =	shalt  }
0x4e: {  	_ =	shalt  }
0x4f: {  	_ =	shalt  }
0x50: {  	_ =	shalt  }
0x51: {  	_ =	shalt  }
0x52: {  	_ =	shalt  }
0x53: {  	_ =	shalt  }
0x54: {  	_ =	shalt  }
0x55: {  	_ =	shalt  }
0x56: {  	_ =	shalt  }
0x57: {  	_ =	shalt  }
0x58: {  	_ =	shalt  }
0x59: {  	_ =	shalt  }
0x5a: {  	_ =	shalt  }
0x5b: {  	_ =	shalt  }
0x5c: {  	_ =	shalt  }
0x5d: {  	_ =	shalt  }
0x5e: {  	_ =	shalt  }
0x5f: {  	_ =	shalt  }
0x60: {  	_ =	shalt  }
0x61: {  	_ =	shalt  }
0x62: {  	_ =	shalt  }
0x63: {  	_ =	shalt  }
0x64: {  	_ =	shalt  }
0x65: {  	_ =	shalt  }
0x66: {  	_ =	shalt  }
0x67: {  	_ =	shalt  }
0x68: {  	_ =	shalt  }
0x69: {  	_ =	shalt  }
0x6a: {  	_ =	shalt  }
0x6b: {  	_ =	shalt  }
0x6c: {  	_ =	shalt  }
0x6d: {  	_ =	shalt  }
0x6e: {  	_ =	shalt  }
0x6f: {  	_ =	shalt  }
0x70: {  	_ =	shalt  }
0x71: {  	_ =	shalt  }
0x72: {  	_ =	shalt  }
0x73: {  	_ =	shalt  }
0x74: {  	_ =	shalt  }
0x75: {  	_ =	shalt  }
0x76: {  	_ =	shalt  }
0x77: {  	_ =	shalt  }
0x78: {  	_ =	shalt  }
0x79: {  	_ =	shalt  }
0x7a: {  	_ =	shalt  }
0x7b: {  	_ =	shalt  }
0x7c: {  	_ =	shalt  }
0x7d: {  	_ =	shalt  }
0x7e: {  	_ =	shalt  }
0x7f: {  	_ =	shalt  }
0x80: {  	_ =	shalt  }
0x81: {  	_ =	shalt  }
0x82: {  	_ =	shalt  }
0x83: {  	_ =	shalt  }
0x84: {  	_ =	shalt  }
0x85: {  	_ =	shalt  }
0x86: {  	_ =	shalt  }
0x87: {  	_ =	shalt  }
.Lfunc_end0:
.L_simem_size_0:
called_computation.8_lowered:
.L_overlay_start_0:
0x88: {  	s2 =	sld [smem:$0x3FD9]  }
0x89: {  	s3 =	sld [smem:$0x3FFE];
	_ =	sdelay $0x1  }
0x8a: {  	s1 =	srdreg.scid  }
0x8b: {  	s0 =	sand.u32 $0x1, s1  }
0x8c: {  	s14 =	sshll.u32 s0, $0xA;
	s2 =	sadd.s32 s3, s2  }
0x8d: {  	s2 =	sadd.s32 s2, s14  }
0x8e: {  	[smem:$0x3FC2] =	sst s2  }
0x8f: {  	_ = 	snop  }
0x90: {  	s2 =	sld [smem:$0x3FD0];
	_ =	sdelay $0x2  }
0x91: {  	s15 =	simm.s32 $0xA;
	s4 =	simm.s32 $0x10  }
0x92: {  	[smem:s4], [sflag:s15] =	dma.local [hbm:s2], $0x1  }
0x93: {  	_ =	swait.eq [sflag:s15], $0x1  }
0x94: {  	[sflag:s15] =	ssyncset.done $0x0  }
0x95: {  	s16 =	sld [smem:$0x10];
	[sflag:s15] =	ssyncadd.s32 $0xFFFFFFFF  }
0x96: {  	s17 =	sld [smem:$0x12];
	(tm) =	ssettm $0x1  }
0x97: {  	s18 =	sld [smem:$0x3FFB];
	_ =	sdelay $0x3  }
0x98: {  	_ =	strace s18  }
0x99: {  	s4 =	sld [smem:$0x3FFC];
	_ =	sdelay $0x3  }
0x9a: {  	_ =	strace s4  }
0x9b: {  	s4 =	sld [smem:$0x3FFD];
	_ =	sdelay $0x3  }
0x9c: {  	_ =	strace s4  }
0x9d: {  	_ =	strace $0x8FFFFFFF  }
0x9e: {  	s19 =	sld [smem:$0x3FDB];
	_ =	sdelay $0x1  }
0x9f: {  	s5 =	simm.s32 $_scs_section_size  }
0xa0: {  	s6 =	simm.s32 $_size__tile_overlayer_lowered;
	s7 =	simm.s32 $_tile_overlayer_lowered  }
0xa1: {  	s22 =	simm.s32 $0x1BFF;
	s21 =	sshll.u32 s7, $0x1;
	s4 =	sadd.s32 s5, s19  }
0xa2: {  	s8 =	simm.s32 $0x0;
	s20 =	sshll.u32 s6, $0x1;
	s6 =	sadd.s32 s21, s4  }
0xa3: {  	[timem:s8], [sflag:s22] =	dma.local [hbm:s6], s20  }
0xa4: {  	_ =	swait.ge [sflag:s22], s20  }
0xa5: {  	s5 =	ssub.s32 $0x0, s20;
	[sflag:s22] =	ssyncset.done $0x0  }
0xa6: {  	[sflag:s22] =	ssyncadd.s32 s5;
	_ =	sdelay $0x1  }
0xa7: {  	s23 =	simm.s32 $0x1B8B  }
0xa8: {  	_ =	swait.ge [sflag:s23], $0x1  }
0xa9: {  	[sflag:s23] =	ssyncset.done $0x0  }
0xaa: {  	s25 =	simm.s32 $0x1B8E;
	s24 =	sld [smem:$0x3FFE];
	[sflag:s23] =	ssyncadd.s32 $0xFFFFFFFF  }
0xab: {  	s26 =	simm.s32 $execute0_lowered;
	[smem:$0x3FD2] =	sst s25  }
0xac: {  	s6 =	sshll.u32 s26, $0x1;
	_ =	strace $0x8000005E;
	[dreg:$0x1] =	wrdreg $0xFFFFFFFF  }
0xad: {  	s28 =	simm.s32 $_size_execute0_lowered;
	s4 =	sadd.s32 s4, s6;
	[dreg:$0x0] =	wrdreg $0x0  }
0xae: {  	s6 =	sshll.u32 s28, $0x1;
	[dreg:$0x2] =	wrdreg s4  }
0xaf: {  	[dreg:$0x3] =	wrdreg s6  }
0xb0: {  	[dreg:$0x4] =	wrdreg $0xC0  }
0xb1: {  	_ =	task [dreg:s8], $0x5FFFF  }
0xb2: {  	[dreg:$0x1] =	wrdreg $0xFFFFFFFF  }
0xb3: {  	[dreg:$0x0] =	wrdreg $0x60  }
0xb4: {  	[dreg:$0x2] =	wrdreg s16  }
0xb5: {  	[dreg:$0x3] =	wrdreg s24  }
0xb6: {  	[dreg:$0x4] =	wrdreg s17  }
0xb7: {  	[dreg:$0x5] =	wrdreg $0xA8000  }
0xb8: {  	[dreg:$0x6] =	wrdreg $0x9  }
0xb9: {  	_ =	task.clear_ibuf [dreg:s8], $0x7FFFF;
	_ =	strace $0x9000005E  }
0xba: {  	s29 =	simm.s32 $0x9;
	_ =	strace $0x80000060  }
0xbb: {  	_ =	swait.ge [sflag:s29], $0x1  }
0xbc: {  	[sflag:s29] =	ssyncadd.s32 $0xFFFFFFFF  }
0xbd: {  	_ =	strace $0x90000060  }
0xbe: {  	_ =	sfence  }
0xbf: {  	s30 =	sld [smem:$0x0];
	_ =	sdelay $0x2  }
0xc0: {  	s31 =	sshll.u32 s1, $0xD;
	s1 =	sshrl.u32 s1, $0x2  }
0xc1: {  	s3 =	sand.u32 $0x4000, s31;
	s1 =	sadd.s32 s1, s30  }
0xc2: {  	s0 =	sor.u32 s3, s0;
	s1 =	sshll.u32 s1, $0x11  }
0xc3: {  	s0 =	sor.u32 s1, s0  }
0xc4: {  	s0 =	sadd.s32 $0x8F2B, s0  }
0xc5: {  	[sflag:s0] =	ssyncadd.remote.s32 $0x1  }
0xc6: {  	_ =	sfence.sel $0xFFFF  }
0xc7: {  	[dreg:$0x0] =	wrdreg $0xFFFFFFFF;
	(pc) =	sbr.abs _section_cstart, $3  }
0xc8: {  	[dreg:$0x1] =	wrdreg $0xFFFFFFFF  }
0xc9: {  	_ =	task.clear_ibuf [dreg:s8], $0x2FFFF;
	_ =	strace $0x9FFFFFFF  }
0xca: {  	(tm) =	ssettm $0x7FFFFFFF  }
0xcb: {  	_ =	shalt  }
tec
execute0_lowered:
.L_overlay_start_1:
0x0: {  	(tag) =	ssettag $0x1  }
0x1: {  	s1 =	rddreg [dreg:$0x0]  }
0x2: {  	s6 =	rddreg [dreg:$0x1]  }
0x3: {  	s12 =	rddreg [dreg:$0x2]  }
0x4: {  	s3 =	rddreg [dreg:$0x3]  }
0x5: {  	s0 =	rddreg [dreg:$0x4]  }
0x6: {  	s5 =	srdreg.scid;
	s2 =	stileid.u32  }
0x7: {  	s4 =	simm.s32 $0x0;
	s16 =	simm.s32 $0x80;
	s17 =	simm.s32 $0x0  }
0x8: {  	s7 =	sand.u32 $0x1, s5;
	s8 =	smul.u32 $0x2780, s2;
	[smem:$0x7FF] =	sst s4  }
0x9: {  	s11 =	sadd.s32 $0x7400, s6;
	s5 =	sadd.s32 $0x11400, s6;
	s10 =	smul.u32 $0x4F000, s2  }
0xa: {  	s13 =	sshll.u32 s2, $0x6;
	s9 =	smul.u32 $0x27800, s7;
	s29 =	ssub.s32 $0x2, s7  }
0xb: {  	_ =	strace $0x8000005F;
	s7 =	sshll.u32 s7, $0x4;
	s30 =	sshrl.u32 s29, $0x1  }
0xc: {  	s7 =	sor.u32 s2, s7;
	s10 =	sshrl.u32 s10, $0x2;
	s8 =	sadd.s32 s8, s9  }
0xd: {  	s14 =	smul.u32 $0x500, s7;
	s9 =	ssub.s32 s29, s30;
	s15 =	sadd.s32 s10, s3  }
0xe: {  	s8 =	sadd.s32 s8, s6;
	s6 =	sor.u32 $0x1C03, s13;
	s13 =	sshrl.u32 s15, $0x3  }
0xf: {  	s15 =	simm.s32 $0x2800;
	s7 =	sadd.s32 $0x8A400, s8;
	s8 =	smax.u32 s9, $0x1  }
0x10: {  	s31 =	sadd.s32 $0x280, s14;
	s9 =	sadd.s32 s11, s14;
	s10 =	sadd.s32 s12, s14  }
0x11: {  	s14 =	simm.s32 $0x3;
	s11 =	sadd.s32 s11, s31;
	s12 =	sadd.s32 s12, s31  }
.LBB2_1:
0x12: {  	[spmem:s13], [sflag:s6] =	dma.local [hbm:s5], $0x2780  }
0x13: {  	_ =	swait.ge [sflag:s14], $0x2780  }
0x14: {  	[sflag:s14] =	ssyncset.done $0x0  }
0x15: {  	[sflag:s14] =	ssyncadd.s32 $0xFFFFD880  }
0x16: {  	[bflag:$0x0] =	sbarrier.arrive $0xFFFF  }
0x17: {  	[tilespmem:s4], [sflag:$0x3] =	stream.linear.gather [hbm4b:s9+s4], $0x1400, $0x38;
	[tilespmem:$0x1E400] =	vst v63  }
0x18: {  	_ =	swait.ge [sflag:s14], $0x1400  }
0x19: {  	[sflag:s14] =	ssyncset.done $0x0  }
0x1a: {  	s18 =	simm.s32 $0x1400;
	[sflag:s14] =	ssyncadd.s32 $0xFFFFEC00  }
0x1b: {  	[tilespmem:s18], [sflag:$0x3] =	stream.linear.gather [hbm4b:s10+s4], $0x1400, $0x38;
	[tilespmem:$0x1E400] =	vst v63  }
0x1c: {  	s19 =	simm.s32 $0x1;
	_ =	swait.ge [sflag:s14], $0x1400  }
0x1d: {  	s20 =	simm.s32 $0x0;
	s19 =	sand.u32 $0x1, s19;
	[sflag:s14] =	ssyncset.done $0x0  }
0x1e: {  	s20 =	sand.u32 $0x1, s20;
	s21 =	sshll.u32 s19, $0xE;
	[sflag:s14] =	ssyncadd.s32 $0xFFFFEC00  }
0x1f: {  	[tilespmem:s15], [sflag:$0x1] =	stream.indirect.gather [hbm4b:s1+s16], $0x80, s4, s16, $0xb8;
	[tilespmem:$0x1E400] =	vst v63  }
0x20: {  	s19 =	sadd.s32 $0x1, s19;
	s22 =	sadd.s32 $0x1, s20;
	s21 =	sor.u32 $0x2800, s21  }
0x21: {  	[tilespmem:s21], [sflag:s19] =	stream.indirect.gather [hbm4b:s1+s16], $0x80, s16, s16, $0xb8;
	[tilespmem:$0x1E400] =	vst v63  }
0x22: {  	s31 =	sshll.u32 s20, $0xE;
	_ =	swait.ge [sflag:s22], $0x4000  }
0x23: {  	s20 =	simm.s32 $0x2;
	s19 =	sor.u32 $0x2800, s31;
	[sflag:s22] =	ssyncset.done $0x0  }
0x24: {  	s21 =	simm.s32 $0x3;
	[sflag:s22] =	ssyncadd.s32 $0xFFFFC000;
	s22 =	sand.u32 $0x1, s20  }
0x25: {  	[spmem:s3] =	stream.indirect.scatter.add.f32 [tilespmem:s19], [sflag:$0x3], $0x80, s18, s16, $0xb8;
	[tilespmem:$0x1E400] =	vst v63  }
0x26: {  	s19 =	simm.s32 $0x100;
	s18 =	simm.s32 $0x1480;
	_ =	swait.ge [sflag:s14], $0x4000  }
.LBB2_2:
0x27: {  	s23 =	sshll.u32 s22, $0xE;
	s24 =	sadd.s32 $0xFFFFFFFF, s20  }
0x28: {  	[sflag:s14] =	ssyncset.done $0x0;
	s20 =	smov.u32 s21;
	s22 =	sadd.s32 $0x1, s22  }
0x29: {  	p0 =	sne.s32 s21, $0x27;
	s23 =	sor.u32 $0x2800, s23;
	s24 =	sand.u32 $0x1, s24  }
0x2a: {  	s25 =	sshll.u32 s24, $0xE;
	s24 =	sadd.s32 $0x1, s24;
	[sflag:s14] =	ssyncadd.s32 $0xFFFFC000  }
0x2b: {  	[tilespmem:s23], [sflag:s22] =	stream.indirect.gather [hbm4b:s1+s16], $0x80, s19, s16, $0xb8;
	[tilespmem:$0x1E400] =	vst v63  }
.Ltmp0:
0x2c: {  	s23 =	sadd.s32 $0x1, s21;
	_ =	swait.ge [sflag:s24], $0x4000;
	(pc) =	sbr.rel @p0 .LBB2_2-.Ltmp0, $4  }
0x2d: {  	s21 =	sor.u32 $0x2800, s25;
	[sflag:s24] =	ssyncset.done $0x0  }
0x2e: {  	s19 =	sadd.s32 $0x80, s19;
	s22 =	sand.u32 $0x1, s20;
	[sflag:s24] =	ssyncadd.s32 $0xFFFFC000  }
0x2f: {  	[spmem:s3] =	stream.indirect.scatter.add.f32 [tilespmem:s21], [sflag:$0x3], $0x80, s18, s16, $0xb8;
	[tilespmem:$0x1E400] =	vst v63  }
0x30: {  	s18 =	sadd.s32 $0x80, s18;
	s21 =	smov.u32 s23;
	_ =	swait.ge [sflag:s14], $0x4000  }
0x31: {  	s21 =	sshll.u32 s22, $0xE;
	s20 =	sadd.s32 $0xFFFFFFFF, s20  }
0x32: {  	[sflag:s14] =	ssyncset.done $0x0;
	s31 =	sadd.s32 $0x1, s22;
	s20 =	sand.u32 $0x1, s20  }
0x33: {  	s21 =	sor.u32 $0x2800, s21;
	[sflag:s14] =	ssyncadd.s32 $0xFFFFC000;
	s23 =	sadd.s32 $0x1, s20  }
0x34: {  	[tilespmem:s21], [sflag:s31] =	stream.indirect.gather [hbm4b:s1+s16], $0x80, s19, s16, $0xb8;
	[tilespmem:$0x1E400] =	vst v63  }
0x35: {  	_ =	swait.ge [sflag:s23], $0x4000  }
0x36: {  	s20 =	sshll.u32 s20, $0xE;
	[sflag:s23] =	ssyncset.done $0x0  }
0x37: {  	s19 =	sor.u32 $0x2800, s20;
	[sflag:s23] =	ssyncadd.s32 $0xFFFFC000  }
0x38: {  	[spmem:s3] =	stream.indirect.scatter.add.f32 [tilespmem:s19], [sflag:$0x3], $0x80, s18, s16, $0xb8;
	[tilespmem:$0x1E400] =	vst v63  }
0x39: {  	_ =	swait.ge [sflag:s14], $0x4000  }
0x3a: {  	[sflag:s14] =	ssyncset.done $0x0  }
0x3b: {  	[sflag:s14] =	ssyncadd.s32 $0xFFFFC000  }
0x3c: {  	_ =	swait.ge [sflag:s31], $0x4000  }
0x3d: {  	[sflag:s31] =	ssyncset.done $0x0  }
0x3e: {  	s24 =	simm.s32 $0x80;
	s23 =	sadd.s32 $0x80, s18;
	[sflag:s31] =	ssyncadd.s32 $0xFFFFC000  }
0x3f: {  	[spmem:s3] =	stream.indirect.scatter.add.f32 [tilespmem:s21], [sflag:$0x3], $0x80, s23, s24, $0xb8;
	[tilespmem:$0x1E400] =	vst v63  }
0x40: {  	_ =	swait.ge [sflag:s14], $0x4000  }
0x41: {  	[sflag:s14] =	ssyncset.done $0x0  }
0x42: {  	[sflag:s14] =	ssyncadd.s32 $0xFFFFC000  }
0x43: {  	[tilespmem:s4], [sflag:$0x3] =	stream.linear.gather [hbm4b:s11+s4], $0x1400, $0x38;
	[tilespmem:$0x1E400] =	vst v63  }
0x44: {  	_ =	swait.ge [sflag:s14], $0x1400  }
0x45: {  	[sflag:s14] =	ssyncset.done $0x0  }
0x46: {  	s25 =	simm.s32 $0x1400;
	[sflag:s14] =	ssyncadd.s32 $0xFFFFEC00  }
0x47: {  	[tilespmem:s25], [sflag:$0x3] =	stream.linear.gather [hbm4b:s12+s4], $0x1400, $0x38;
	[tilespmem:$0x1E400] =	vst v63  }
0x48: {  	s26 =	simm.s32 $0x1;
	_ =	swait.ge [sflag:s14], $0x1400  }
0x49: {  	s28 =	simm.s32 $0x0;
	s20 =	sand.u32 $0x1, s26;
	[sflag:s14] =	ssyncset.done $0x0  }
0x4a: {  	s29 =	sshll.u32 s20, $0xE;
	s21 =	sand.u32 $0x1, s28;
	[sflag:s14] =	ssyncadd.s32 $0xFFFFEC00  }
0x4b: {  	[tilespmem:s15], [sflag:$0x1] =	stream.indirect.gather [hbm4b:s1+s24], $0x80, s4, s24, $0xb8;
	[tilespmem:$0x1E400] =	vst v63  }
0x4c: {  	s20 =	sadd.s32 $0x1, s20;
	s22 =	sor.u32 $0x2800, s29;
	s30 =	sadd.s32 $0x1, s21  }
0x4d: {  	[tilespmem:s22], [sflag:s20] =	stream.indirect.gather [hbm4b:s1+s16], $0x80, s24, s16, $0xb8;
	[tilespmem:$0x1E400] =	vst v63  }
0x4e: {  	s18 =	simm.s32 $0x1480;
	_ =	swait.ge [sflag:s30], $0x4000  }
0x4f: {  	s31 =	sshll.u32 s21, $0xE;
	s21 =	simm.s32 $0x3;
	[sflag:s30] =	ssyncset.done $0x0  }
0x50: {  	s19 =	sor.u32 $0x2800, s31;
	s20 =	simm.s32 $0x2;
	[sflag:s30] =	ssyncadd.s32 $0xFFFFC000  }
0x51: {  	[spmem:s3] =	stream.indirect.scatter.add.f32 [tilespmem:s19], [sflag:$0x3], $0x80, s25, s16, $0xb8;
	[tilespmem:$0x1E400] =	vst v63  }
0x52: {  	s22 =	sand.u32 $0x1, s20;
	s19 =	simm.s32 $0x100;
	_ =	swait.ge [sflag:s14], $0x4000  }
.LBB2_4:
0x53: {  	s23 =	sshll.u32 s22, $0xE;
	s24 =	sadd.s32 $0xFFFFFFFF, s20  }
0x54: {  	[sflag:s14] =	ssyncset.done $0x0;
	s20 =	smov.u32 s21;
	s22 =	sadd.s32 $0x1, s22  }
0x55: {  	p0 =	sne.s32 s21, $0x27;
	s23 =	sor.u32 $0x2800, s23;
	s24 =	sand.u32 $0x1, s24  }
0x56: {  	s25 =	sshll.u32 s24, $0xE;
	s24 =	sadd.s32 $0x1, s24;
	[sflag:s14] =	ssyncadd.s32 $0xFFFFC000  }
0x57: {  	[tilespmem:s23], [sflag:s22] =	stream.indirect.gather [hbm4b:s1+s16], $0x80, s19, s16, $0xb8;
	[tilespmem:$0x1E400] =	vst v63  }
.Ltmp1:
0x58: {  	s23 =	sadd.s32 $0x1, s21;
	_ =	swait.ge [sflag:s24], $0x4000;
	(pc) =	sbr.rel @p0 .LBB2_4-.Ltmp1, $4  }
0x59: {  	s21 =	sor.u32 $0x2800, s25;
	[sflag:s24] =	ssyncset.done $0x0  }
0x5a: {  	s19 =	sadd.s32 $0x80, s19;
	s22 =	sand.u32 $0x1, s20;
	[sflag:s24] =	ssyncadd.s32 $0xFFFFC000  }
0x5b: {  	[spmem:s3] =	stream.indirect.scatter.add.f32 [tilespmem:s21], [sflag:$0x3], $0x80, s18, s16, $0xb8;
	[tilespmem:$0x1E400] =	vst v63  }
0x5c: {  	s18 =	sadd.s32 $0x80, s18;
	s21 =	smov.u32 s23;
	_ =	swait.ge [sflag:s14], $0x4000  }
0x5d: {  	s21 =	sshll.u32 s22, $0xE;
	s20 =	sadd.s32 $0xFFFFFFFF, s20  }
0x5e: {  	[sflag:s14] =	ssyncset.done $0x0;
	s29 =	sadd.s32 $0x1, s22;
	s20 =	sand.u32 $0x1, s20  }
0x5f: {  	s21 =	sor.u32 $0x2800, s21;
	[sflag:s14] =	ssyncadd.s32 $0xFFFFC000;
	s23 =	sadd.s32 $0x1, s20  }
0x60: {  	[tilespmem:s21], [sflag:s29] =	stream.indirect.gather [hbm4b:s1+s16], $0x80, s19, s16, $0xb8;
	[tilespmem:$0x1E400] =	vst v63  }
0x61: {  	_ =	swait.ge [sflag:s23], $0x4000  }
0x62: {  	s30 =	sshll.u32 s20, $0xE;
	[sflag:s23] =	ssyncset.done $0x0  }
0x63: {  	s19 =	sor.u32 $0x2800, s30;
	[sflag:s23] =	ssyncadd.s32 $0xFFFFC000  }
0x64: {  	[spmem:s3] =	stream.indirect.scatter.add.f32 [tilespmem:s19], [sflag:$0x3], $0x80, s18, s16, $0xb8;
	[tilespmem:$0x1E400] =	vst v63  }
0x65: {  	_ =	swait.ge [sflag:s14], $0x4000  }
0x66: {  	[sflag:s14] =	ssyncset.done $0x0  }
0x67: {  	[sflag:s14] =	ssyncadd.s32 $0xFFFFC000  }
0x68: {  	_ =	swait.ge [sflag:s29], $0x4000  }
0x69: {  	[sflag:s29] =	ssyncset.done $0x0  }
0x6a: {  	s31 =	sadd.s32 $0x80, s18;
	[sflag:s29] =	ssyncadd.s32 $0xFFFFC000  }
0x6b: {  	[spmem:s3] =	stream.indirect.scatter.add.f32 [tilespmem:s21], [sflag:$0x3], $0x80, s31, s16, $0xb8;
	[tilespmem:$0x1E400] =	vst v63  }
0x6c: {  	_ =	swait.ge [sflag:s14], $0x4000  }
0x6d: {  	s17 =	sadd.s32 $0x1, s17;
	[sflag:s14] =	ssyncset.done $0x0  }
0x6e: {  	p0 =	sne.s32 s17, s8;
	[sflag:s14] =	ssyncadd.s32 $0xFFFFC000  }
.Ltmp2:
0x6f: {  	[bflag:$0x0] =	sbarrier.arrive $0xFFFF;
	(pc) =	sbr.rel @p0 .LBB2_1-.Ltmp2, $4  }
0x70: {  	[hbm:s7], [sflag:s6] =	dma.local [spmem:s13], $0x2780  }
0x71: {  	_ =	swait.ge [sflag:s14], $0x2780  }
0x72: {  	[sflag:s14] =	ssyncset.done $0x0  }
0x73: {  	[sflag:s14] =	ssyncadd.s32 $0xFFFFD880  }
0x74: {  	_ =	sfence.sel $0x180000  }
0x75: {  	[bflag:$0x0] =	sbarrier.arrive $0xFFFF  }
0x76: {  	p0 =	sne.s32 s2, $0x0;
	_ =	strace $0x9000005F  }
0x77: {  	s0 =	sadd.s32 @!p0 $0x100000, s0;
	[bflag:$0x2] =	sbarrier.arrive $0xFFFF  }
0x78: {  	[sflag:s0] =	ssyncadd.tile.s32 @!p0 $0x1;
	_ =	shalt  }
.Lfunc_end2:
_tile_overlayer_lowered:
.L_overlay_start_2:
0x79: {  	(tag) =	ssettag $0x2  }
0x7a: {  	s0 =	rddreg [dreg:$0x0];
	s2 =	stileid.u32  }
0x7b: {  	s1 =	rddreg [dreg:$0x1];
	p0 =	sne.s32 s2, $0x0  }
0x7c: {  	s3 =	rddreg [dreg:$0x2];
	[bflag:$0x3] =	sbarrier.arrive $0xFFFF;
	s2 =	simm.s32 @!p0 $0x1C03  }
0x7d: {  	[timem:s3], [sflag:s2] =	dma.local @!p0 [hbm:s0], s1  }
0x7e: {  	s0 =	simm.s32 @!p0 $0x3  }
0x7f: {  	_ =	swait.ge @!p0 [sflag:s0], s1  }
0x80: {  	s1 =	ssub.s32 @!p0 $0x0, s1;
	[sflag:s0] =	ssyncset.done @!p0 $0x0  }
0x81: {  	[sflag:s0] =	ssyncadd.s32 @!p0 s1  }
0x82: {  	[bflag:$0x3] =	sbarrier.arrive $0xFFFF  }
0x83: {  	_ =	shalt  }

// kernel: kernel.52.cloned.1.call-start
scs
__scs_entry_jumppad:
0x0: {  	(pc) =	sbr.rel $0x88, $3  }
0x1: {  	(tag) =	ssettag $0x0;
	lr =	simm.s32 $0x1  }
0x2: {  	[smem:$0x3F9B] =	sst lr;
	_ =	strace $0xD0000000  }
0x3: {  	_ = 	snop  }
0x4: {  	_ = 	snop  }
0x5: {  	_ = 	snop  }
0x6: {  	_ = 	snop  }
0x7: {  	_ = 	snop  }
__scs_overlays_trampoline_lowered:
0x8: {  	[smem:$0x3FAA] =	sst s0  }
0x9: {  	[smem:$0x3FAB] =	sst s1  }
0xa: {  	[smem:$0x3FAC] =	sst s2  }
0xb: {  	[smem:$0x3FAD] =	sst s3  }
0xc: {  	[smem:$0x3FAE] =	sst s4  }
0xd: {  	[smem:$0x3FAF] =	sst s5  }
0xe: {  	[smem:$0x3FB0] =	sst s6  }
0xf: {  	[smem:$0x3FB1] =	sst s7  }
0x10: {  	[smem:$0x3FB2] =	sst s8  }
0x11: {  	[smem:$0x3FB3] =	sst s9;
	s0 =	simm.s32 @!p0 $0x0  }
0x12: {  	s1 =	sld [smem:$0x3F99];
	s0 =	simm.s32 @p0 $0x1  }
0x13: {  	[smem:$0x3FB4] =	sst s0;
	s0 =	simm.s32 @!p1 $0x0  }
0x14: {  	s2 =	sld [smem:$0x3F98];
	s0 =	simm.s32 @p1 $0x1  }
0x15: {  	[smem:$0x3FB5] =	sst s0;
	s0 =	simm.s32 @!p2 $0x0  }
0x16: {  	s3 =	sld [smem:$0x3FDB];
	s0 =	simm.s32 @p2 $0x1  }
0x17: {  	s4 =	simm.s32 $0x1BF5;
	[smem:$0x3FB7] =	sst s0  }
0x18: {  	s0 =	sld [smem:$0x3F9A];
	_ =	swait.ge [sflag:s4], $0x0  }
0x19: {  	s7 =	sld [smem:$0x3F9B]  }
0x1a: {  	s8 =	sadd.s32 $0xFFFFE003, lr  }
0x1b: {  	s9 =	sadd.s32 $0xFFFFFEF7, lr;
	s5 =	simm.s32 $0xFFFFFFFF;
	p2 =	slt.u32 s8, $0xFFFFF086  }
0x1c: {  	p1 =	slt.u32 s9, $0xF7A;
	s5 =	simm.s32 @!p2 $0x0  }
0x1d: {  	s5 =	simm.s32 @p1 $0x1;
	p0 =	seq.s32 s7, s2  }
0x1e: {  	s7 =	smul.u32 @!p0 $0xF7A, s2;
	p2 =	seq.s32 @!p0 s5, $0x0  }
0x1f: {  	s9 =	smul.u32 $0xF7A, s1;
	s8 =	simm.s32 @!p0 $0x1BF5;
	p2 =	por !p2, p0  }
0x20: {  	[sflag:s8] =	ssyncset.s32 @!p0 $0xFFFFF086;
	s6 =	sadd.s32 @!p0 s3, s7;
	s7 =	simm.s32 @!p0 $0x108  }
0x21: {  	s3 =	sadd.s32 s3, s9;
	s6 =	sadd.s32 @!p0 $0x88, s6;
	s7 =	simm.s32 @p2 $0x1082  }
0x22: {  	[simem:s7], [sflag:s8] =	dma.local @!p0 [hbm:s6], $0xF7A  }
0x23: {  	s9 =	sor.u32 $0xD0000000, s2;
	s6 =	simm.s32 $0x108;
	_ =	swait.ge @!p0 [sflag:s8], $0x0  }
0x24: {  	s3 =	sadd.s32 $0x88, s3;
	s6 =	simm.s32 @!p1 $0x1082;
	[sflag:s4] =	ssyncset.s32 $0xFFFFF086  }
0x25: {  	[simem:s6], [sflag:s4] =	dma.local [hbm:s3], $0xF7A  }
0x26: {  	[smem:$0x3F9B] =	sst s1;
	(tag) =	ssettag s2;
	_ =	strace s9  }
0x27: {  	s1 =	sld [smem:$0x3FAB]  }
0x28: {  	s2 =	sld [smem:$0x3FAC]  }
0x29: {  	s4 =	sld [smem:$0x3FAE]  }
0x2a: {  	p0 =	seq.s32 s5, $0x0;
	s5 =	sld [smem:$0x3FAF]  }
0x2b: {  	s6 =	sld [smem:$0x3FB0]  }
0x2c: {  	s7 =	sld [smem:$0x3FB1]  }
0x2d: {  	s3 =	simm.s32 $0x108;
	s8 =	sld [smem:$0x3FB2]  }
0x2e: {  	s3 =	simm.s32 @!p0 $0x1082;
	s9 =	sld [smem:$0x3FB3]  }
0x2f: {  	lr =	sadd.s32 s0, s3;
	s0 =	sld [smem:$0x3FAA]  }
0x30: {  	s3 =	sld [smem:$0x3FAD]  }
0x31: {  	[smem:$0x3FB6] =	sst s10  }
0x32: {  	s10 =	sld [smem:$0x3FB4];
	_ =	sdelay $0x3  }
0x33: {  	p0 =	seq.s32 s10, $0x1;
	s10 =	sld [smem:$0x3FB6];
	_ =	sdelay $0x3  }
0x34: {  	[smem:$0x3FB6] =	sst s10  }
0x35: {  	s10 =	sld [smem:$0x3FB5];
	_ =	sdelay $0x3  }
0x36: {  	p1 =	seq.s32 s10, $0x1;
	s10 =	sld [smem:$0x3FB6];
	_ =	sdelay $0x3  }
0x37: {  	[smem:$0x3FB6] =	sst s10  }
0x38: {  	s10 =	sld [smem:$0x3FB7]  }
0x39: {  	_ = 	snop;
	(pc) =	sbr.ind lr, $3  }
0x3a: {  	_ = 	snop  }
0x3b: {  	_ = 	snop  }
0x3c: {  	p2 =	seq.s32 s10, $0x1;
	s10 =	sld [smem:$0x3FB6]  }
0x3d: {  	_ =	shalt  }
0x3e: {  	_ =	shalt  }
0x3f: {  	_ =	shalt  }
0x40: {  	_ =	shalt  }
0x41: {  	_ =	shalt  }
0x42: {  	_ =	shalt  }
0x43: {  	_ =	shalt  }
0x44: {  	_ =	shalt  }
0x45: {  	_ =	shalt  }
0x46: {  	_ =	shalt  }
0x47: {  	_ =	shalt  }
0x48: {  	_ =	shalt  }
0x49: {  	_ =	shalt  }
0x4a: {  	_ =	shalt  }
0x4b: {  	_ =	shalt  }
0x4c: {  	_ =	shalt  }
0x4d: {  	_ =	shalt  }
0x4e: {  	_ =	shalt  }
0x4f: {  	_ =	shalt  }
0x50: {  	_ =	shalt  }
0x51: {  	_ =	shalt  }
0x52: {  	_ =	shalt  }
0x53: {  	_ =	shalt  }
0x54: {  	_ =	shalt  }
0x55: {  	_ =	shalt  }
0x56: {  	_ =	shalt  }
0x57: {  	_ =	shalt  }
0x58: {  	_ =	shalt  }
0x59: {  	_ =	shalt  }
0x5a: {  	_ =	shalt  }
0x5b: {  	_ =	shalt  }
0x5c: {  	_ =	shalt  }
0x5d: {  	_ =	shalt  }
0x5e: {  	_ =	shalt  }
0x5f: {  	_ =	shalt  }
0x60: {  	_ =	shalt  }
0x61: {  	_ =	shalt  }
0x62: {  	_ =	shalt  }
0x63: {  	_ =	shalt  }
0x64: {  	_ =	shalt  }
0x65: {  	_ =	shalt  }
0x66: {  	_ =	shalt  }
0x67: {  	_ =	shalt  }
0x68: {  	_ =	shalt  }
0x69: {  	_ =	shalt  }
0x6a: {  	_ =	shalt  }
0x6b: {  	_ =	shalt  }
0x6c: {  	_ =	shalt  }
0x6d: {  	_ =	shalt  }
0x6e: {  	_ =	shalt  }
0x6f: {  	_ =	shalt  }
0x70: {  	_ =	shalt  }
0x71: {  	_ =	shalt  }
0x72: {  	_ =	shalt  }
0x73: {  	_ =	shalt  }
0x74: {  	_ =	shalt  }
0x75: {  	_ =	shalt  }
0x76: {  	_ =	shalt  }
0x77: {  	_ =	shalt  }
0x78: {  	_ =	shalt  }
0x79: {  	_ =	shalt  }
0x7a: {  	_ =	shalt  }
0x7b: {  	_ =	shalt  }
0x7c: {  	_ =	shalt  }
0x7d: {  	_ =	shalt  }
0x7e: {  	_ =	shalt  }
0x7f: {  	_ =	shalt  }
0x80: {  	_ =	shalt  }
0x81: {  	_ =	shalt  }
0x82: {  	_ =	shalt  }
0x83: {  	_ =	shalt  }
0x84: {  	_ =	shalt  }
0x85: {  	_ =	shalt  }
0x86: {  	_ =	shalt  }
0x87: {  	_ =	shalt  }
.Lfunc_end0:
.L_simem_size_0:
called_computation.9_lowered:
.L_overlay_start_0:
0x88: {  	s2 =	sld [smem:$0x3FD9]  }
0x89: {  	s3 =	sld [smem:$0x3FFE];
	_ =	sdelay $0x1  }
0x8a: {  	s1 =	srdreg.scid  }
0x8b: {  	s0 =	sand.u32 $0x1, s1  }
0x8c: {  	s14 =	sshll.u32 s0, $0xA;
	s2 =	sadd.s32 s3, s2  }
0x8d: {  	s2 =	sadd.s32 s2, s14  }
0x8e: {  	[smem:$0x3FC2] =	sst s2  }
0x8f: {  	_ = 	snop  }
0x90: {  	s2 =	sld [smem:$0x3FD0];
	_ =	sdelay $0x2  }
0x91: {  	s15 =	simm.s32 $0xA;
	s4 =	simm.s32 $0x10  }
0x92: {  	[smem:s4], [sflag:s15] =	dma.local [hbm:s2], $0x1  }
0x93: {  	_ =	swait.eq [sflag:s15], $0x1  }
0x94: {  	[sflag:s15] =	ssyncset.done $0x0  }
0x95: {  	s16 =	sld [smem:$0x10];
	[sflag:s15] =	ssyncadd.s32 $0xFFFFFFFF  }
0x96: {  	s17 =	sld [smem:$0x12];
	(tm) =	ssettm $0x1  }
0x97: {  	s18 =	sld [smem:$0x3FFB];
	_ =	sdelay $0x3  }
0x98: {  	_ =	strace s18  }
0x99: {  	s4 =	sld [smem:$0x3FFC];
	_ =	sdelay $0x3  }
0x9a: {  	_ =	strace s4  }
0x9b: {  	s4 =	sld [smem:$0x3FFD];
	_ =	sdelay $0x3  }
0x9c: {  	_ =	strace s4  }
0x9d: {  	_ =	strace $0x8FFFFFFF  }
0x9e: {  	s19 =	sld [smem:$0x3FDB];
	_ =	sdelay $0x1  }
0x9f: {  	s5 =	simm.s32 $_scs_section_size  }
0xa0: {  	s6 =	simm.s32 $_size__tile_overlayer_lowered;
	s7 =	simm.s32 $_tile_overlayer_lowered  }
0xa1: {  	s22 =	simm.s32 $0x1BFF;
	s21 =	sshll.u32 s7, $0x1;
	s4 =	sadd.s32 s5, s19  }
0xa2: {  	s8 =	simm.s32 $0x0;
	s20 =	sshll.u32 s6, $0x1;
	s6 =	sadd.s32 s21, s4  }
0xa3: {  	[timem:s8], [sflag:s22] =	dma.local [hbm:s6], s20  }
0xa4: {  	_ =	swait.ge [sflag:s22], s20  }
0xa5: {  	s5 =	ssub.s32 $0x0, s20;
	[sflag:s22] =	ssyncset.done $0x0  }
0xa6: {  	[sflag:s22] =	ssyncadd.s32 s5;
	_ =	sdelay $0x1  }
0xa7: {  	s23 =	simm.s32 $0x1B8B  }
0xa8: {  	_ =	swait.ge [sflag:s23], $0x1  }
0xa9: {  	[sflag:s23] =	ssyncset.done $0x0  }
0xaa: {  	s25 =	simm.s32 $0x1B8E;
	s24 =	sld [smem:$0x3FFE];
	[sflag:s23] =	ssyncadd.s32 $0xFFFFFFFF  }
0xab: {  	s26 =	simm.s32 $execute0_lowered;
	[smem:$0x3FD2] =	sst s25  }
0xac: {  	s6 =	sshll.u32 s26, $0x1;
	_ =	strace $0x80000061;
	[dreg:$0x1] =	wrdreg $0xFFFFFFFF  }
0xad: {  	s28 =	simm.s32 $_size_execute0_lowered;
	s4 =	sadd.s32 s4, s6;
	[dreg:$0x0] =	wrdreg $0x0  }
0xae: {  	s6 =	sshll.u32 s28, $0x1;
	[dreg:$0x2] =	wrdreg s4  }
0xaf: {  	[dreg:$0x3] =	wrdreg s6  }
0xb0: {  	[dreg:$0x4] =	wrdreg $0xC0  }
0xb1: {  	_ =	task [dreg:s8], $0x5FFFF  }
0xb2: {  	[dreg:$0x1] =	wrdreg $0xFFFFFFFF  }
0xb3: {  	[dreg:$0x0] =	wrdreg $0x60  }
0xb4: {  	[dreg:$0x2] =	wrdreg s16  }
0xb5: {  	[dreg:$0x3] =	wrdreg s24  }
0xb6: {  	[dreg:$0x4] =	wrdreg s17  }
0xb7: {  	[dreg:$0x5] =	wrdreg $0xA8000  }
0xb8: {  	[dreg:$0x6] =	wrdreg $0x9  }
0xb9: {  	_ =	task.clear_ibuf [dreg:s8], $0x7FFFF;
	_ =	strace $0x90000061  }
0xba: {  	s29 =	simm.s32 $0x9;
	_ =	strace $0x80000063  }
0xbb: {  	_ =	swait.ge [sflag:s29], $0x1  }
0xbc: {  	[sflag:s29] =	ssyncadd.s32 $0xFFFFFFFF  }
0xbd: {  	_ =	strace $0x90000063  }
0xbe: {  	_ =	sfence  }
0xbf: {  	s30 =	sld [smem:$0x0];
	_ =	sdelay $0x2  }
0xc0: {  	s31 =	sshll.u32 s1, $0xD;
	s1 =	sshrl.u32 s1, $0x2  }
0xc1: {  	s3 =	sand.u32 $0x4000, s31;
	s1 =	sadd.s32 s1, s30  }
0xc2: {  	s0 =	sor.u32 s3, s0;
	s1 =	sshll.u32 s1, $0x11  }
0xc3: {  	s0 =	sor.u32 s1, s0  }
0xc4: {  	s0 =	sadd.s32 $0x8F2B, s0  }
0xc5: {  	[sflag:s0] =	ssyncadd.remote.s32 $0x1  }
0xc6: {  	_ =	sfence.sel $0xFFFF  }
0xc7: {  	[dreg:$0x0] =	wrdreg $0xFFFFFFFF;
	(pc) =	sbr.abs _section_cstart, $3  }
0xc8: {  	[dreg:$0x1] =	wrdreg $0xFFFFFFFF  }
0xc9: {  	_ =	task.clear_ibuf [dreg:s8], $0x2FFFF;
	_ =	strace $0x9FFFFFFF  }
0xca: {  	(tm) =	ssettm $0x7FFFFFFF  }
0xcb: {  	_ =	shalt  }
tec
execute0_lowered:
.L_overlay_start_1:
0x0: {  	(tag) =	ssettag $0x1  }
0x1: {  	s1 =	rddreg [dreg:$0x0]  }
0x2: {  	s6 =	rddreg [dreg:$0x1]  }
0x3: {  	s12 =	rddreg [dreg:$0x2]  }
0x4: {  	s3 =	rddreg [dreg:$0x3]  }
0x5: {  	s0 =	rddreg [dreg:$0x4]  }
0x6: {  	s5 =	srdreg.scid;
	s2 =	stileid.u32  }
0x7: {  	s4 =	simm.s32 $0x0;
	s16 =	simm.s32 $0x80;
	s17 =	simm.s32 $0x0  }
0x8: {  	s7 =	sand.u32 $0x1, s5;
	s8 =	smul.u32 $0x2780, s2;
	[smem:$0x7FF] =	sst s4  }
0x9: {  	s11 =	sadd.s32 $0x7400, s6;
	s5 =	sadd.s32 $0x11400, s6;
	s10 =	smul.u32 $0x4F000, s2  }
0xa: {  	s13 =	sshll.u32 s2, $0x6;
	s9 =	smul.u32 $0x27800, s7;
	s29 =	ssub.s32 $0x2, s7  }
0xb: {  	_ =	strace $0x80000062;
	s7 =	sshll.u32 s7, $0x4;
	s30 =	sshrl.u32 s29, $0x1  }
0xc: {  	s7 =	sor.u32 s2, s7;
	s10 =	sshrl.u32 s10, $0x2;
	s8 =	sadd.s32 s8, s9  }
0xd: {  	s14 =	smul.u32 $0x500, s7;
	s9 =	ssub.s32 s29, s30;
	s15 =	sadd.s32 s10, s3  }
0xe: {  	s8 =	sadd.s32 s8, s6;
	s6 =	sor.u32 $0x1C03, s13;
	s13 =	sshrl.u32 s15, $0x3  }
0xf: {  	s15 =	simm.s32 $0x2800;
	s7 =	sadd.s32 $0x8A400, s8;
	s8 =	smax.u32 s9, $0x1  }
0x10: {  	s31 =	sadd.s32 $0x280, s14;
	s9 =	sadd.s32 s11, s14;
	s10 =	sadd.s32 s12, s14  }
0x11: {  	s14 =	simm.s32 $0x3;
	s11 =	sadd.s32 s11, s31;
	s12 =	sadd.s32 s12, s31  }
.LBB2_1:
0x12: {  	[spmem:s13], [sflag:s6] =	dma.local [hbm:s5], $0x2780  }
0x13: {  	_ =	swait.ge [sflag:s14], $0x2780  }
0x14: {  	[sflag:s14] =	ssyncset.done $0x0  }
0x15: {  	[sflag:s14] =	ssyncadd.s32 $0xFFFFD880  }
0x16: {  	[bflag:$0x0] =	sbarrier.arrive $0xFFFF  }
0x17: {  	[tilespmem:s4], [sflag:$0x3] =	stream.linear.gather [hbm4b:s9+s4], $0x1400, $0x38;
	[tilespmem:$0x1E400] =	vst v63  }
0x18: {  	_ =	swait.ge [sflag:s14], $0x1400  }
0x19: {  	[sflag:s14] =	ssyncset.done $0x0  }
0x1a: {  	s18 =	simm.s32 $0x1400;
	[sflag:s14] =	ssyncadd.s32 $0xFFFFEC00  }
0x1b: {  	[tilespmem:s18], [sflag:$0x3] =	stream.linear.gather [hbm4b:s10+s4], $0x1400, $0x38;
	[tilespmem:$0x1E400] =	vst v63  }
0x1c: {  	s19 =	simm.s32 $0x1;
	_ =	swait.ge [sflag:s14], $0x1400  }
0x1d: {  	s20 =	simm.s32 $0x0;
	s19 =	sand.u32 $0x1, s19;
	[sflag:s14] =	ssyncset.done $0x0  }
0x1e: {  	s20 =	sand.u32 $0x1, s20;
	s21 =	sshll.u32 s19, $0xE;
	[sflag:s14] =	ssyncadd.s32 $0xFFFFEC00  }
0x1f: {  	[tilespmem:s15], [sflag:$0x1] =	stream.indirect.gather [hbm4b:s1+s16], $0x80, s4, s16, $0xb8;
	[tilespmem:$0x1E400] =	vst v63  }
0x20: {  	s19 =	sadd.s32 $0x1, s19;
	s22 =	sadd.s32 $0x1, s20;
	s21 =	sor.u32 $0x2800, s21  }
0x21: {  	[tilespmem:s21], [sflag:s19] =	stream.indirect.gather [hbm4b:s1+s16], $0x80, s16, s16, $0xb8;
	[tilespmem:$0x1E400] =	vst v63  }
0x22: {  	s31 =	sshll.u32 s20, $0xE;
	_ =	swait.ge [sflag:s22], $0x4000  }
0x23: {  	s20 =	simm.s32 $0x2;
	s19 =	sor.u32 $0x2800, s31;
	[sflag:s22] =	ssyncset.done $0x0  }
0x24: {  	s21 =	simm.s32 $0x3;
	[sflag:s22] =	ssyncadd.s32 $0xFFFFC000;
	s22 =	sand.u32 $0x1, s20  }
0x25: {  	[spmem:s3] =	stream.indirect.scatter.add.f32 [tilespmem:s19], [sflag:$0x3], $0x80, s18, s16, $0xb8;
	[tilespmem:$0x1E400] =	vst v63  }
0x26: {  	s19 =	simm.s32 $0x100;
	s18 =	simm.s32 $0x1480;
	_ =	swait.ge [sflag:s14], $0x4000  }
.LBB2_2:
0x27: {  	s23 =	sshll.u32 s22, $0xE;
	s24 =	sadd.s32 $0xFFFFFFFF, s20  }
0x28: {  	[sflag:s14] =	ssyncset.done $0x0;
	s20 =	smov.u32 s21;
	s22 =	sadd.s32 $0x1, s22  }
0x29: {  	p0 =	sne.s32 s21, $0x27;
	s23 =	sor.u32 $0x2800, s23;
	s24 =	sand.u32 $0x1, s24  }
0x2a: {  	s25 =	sshll.u32 s24, $0xE;
	s24 =	sadd.s32 $0x1, s24;
	[sflag:s14] =	ssyncadd.s32 $0xFFFFC000  }
0x2b: {  	[tilespmem:s23], [sflag:s22] =	stream.indirect.gather [hbm4b:s1+s16], $0x80, s19, s16, $0xb8;
	[tilespmem:$0x1E400] =	vst v63  }
.Ltmp0:
0x2c: {  	s23 =	sadd.s32 $0x1, s21;
	_ =	swait.ge [sflag:s24], $0x4000;
	(pc) =	sbr.rel @p0 .LBB2_2-.Ltmp0, $4  }
0x2d: {  	s21 =	sor.u32 $0x2800, s25;
	[sflag:s24] =	ssyncset.done $0x0  }
0x2e: {  	s19 =	sadd.s32 $0x80, s19;
	s22 =	sand.u32 $0x1, s20;
	[sflag:s24] =	ssyncadd.s32 $0xFFFFC000  }
0x2f: {  	[spmem:s3] =	stream.indirect.scatter.add.f32 [tilespmem:s21], [sflag:$0x3], $0x80, s18, s16, $0xb8;
	[tilespmem:$0x1E400] =	vst v63  }
0x30: {  	s18 =	sadd.s32 $0x80, s18;
	s21 =	smov.u32 s23;
	_ =	swait.ge [sflag:s14], $0x4000  }
0x31: {  	s21 =	sshll.u32 s22, $0xE;
	s20 =	sadd.s32 $0xFFFFFFFF, s20  }
0x32: {  	[sflag:s14] =	ssyncset.done $0x0;
	s31 =	sadd.s32 $0x1, s22;
	s20 =	sand.u32 $0x1, s20  }
0x33: {  	s21 =	sor.u32 $0x2800, s21;
	[sflag:s14] =	ssyncadd.s32 $0xFFFFC000;
	s23 =	sadd.s32 $0x1, s20  }
0x34: {  	[tilespmem:s21], [sflag:s31] =	stream.indirect.gather [hbm4b:s1+s16], $0x80, s19, s16, $0xb8;
	[tilespmem:$0x1E400] =	vst v63  }
0x35: {  	_ =	swait.ge [sflag:s23], $0x4000  }
0x36: {  	s20 =	sshll.u32 s20, $0xE;
	[sflag:s23] =	ssyncset.done $0x0  }
0x37: {  	s19 =	sor.u32 $0x2800, s20;
	[sflag:s23] =	ssyncadd.s32 $0xFFFFC000  }
0x38: {  	[spmem:s3] =	stream.indirect.scatter.add.f32 [tilespmem:s19], [sflag:$0x3], $0x80, s18, s16, $0xb8;
	[tilespmem:$0x1E400] =	vst v63  }
0x39: {  	_ =	swait.ge [sflag:s14], $0x4000  }
0x3a: {  	[sflag:s14] =	ssyncset.done $0x0  }
0x3b: {  	[sflag:s14] =	ssyncadd.s32 $0xFFFFC000  }
0x3c: {  	_ =	swait.ge [sflag:s31], $0x4000  }
0x3d: {  	[sflag:s31] =	ssyncset.done $0x0  }
0x3e: {  	s24 =	simm.s32 $0x80;
	s23 =	sadd.s32 $0x80, s18;
	[sflag:s31] =	ssyncadd.s32 $0xFFFFC000  }
0x3f: {  	[spmem:s3] =	stream.indirect.scatter.add.f32 [tilespmem:s21], [sflag:$0x3], $0x80, s23, s24, $0xb8;
	[tilespmem:$0x1E400] =	vst v63  }
0x40: {  	_ =	swait.ge [sflag:s14], $0x4000  }
0x41: {  	[sflag:s14] =	ssyncset.done $0x0  }
0x42: {  	[sflag:s14] =	ssyncadd.s32 $0xFFFFC000  }
0x43: {  	[tilespmem:s4], [sflag:$0x3] =	stream.linear.gather [hbm4b:s11+s4], $0x1400, $0x38;
	[tilespmem:$0x1E400] =	vst v63  }
0x44: {  	_ =	swait.ge [sflag:s14], $0x1400  }
0x45: {  	[sflag:s14] =	ssyncset.done $0x0  }
0x46: {  	s25 =	simm.s32 $0x1400;
	[sflag:s14] =	ssyncadd.s32 $0xFFFFEC00  }
0x47: {  	[tilespmem:s25], [sflag:$0x3] =	stream.linear.gather [hbm4b:s12+s4], $0x1400, $0x38;
	[tilespmem:$0x1E400] =	vst v63  }
0x48: {  	s26 =	simm.s32 $0x1;
	_ =	swait.ge [sflag:s14], $0x1400  }
0x49: {  	s28 =	simm.s32 $0x0;
	s20 =	sand.u32 $0x1, s26;
	[sflag:s14] =	ssyncset.done $0x0  }
0x4a: {  	s29 =	sshll.u32 s20, $0xE;
	s21 =	sand.u32 $0x1, s28;
	[sflag:s14] =	ssyncadd.s32 $0xFFFFEC00  }
0x4b: {  	[tilespmem:s15], [sflag:$0x1] =	stream.indirect.gather [hbm4b:s1+s24], $0x80, s4, s24, $0xb8;
	[tilespmem:$0x1E400] =	vst v63  }
0x4c: {  	s20 =	sadd.s32 $0x1, s20;
	s22 =	sor.u32 $0x2800, s29;
	s30 =	sadd.s32 $0x1, s21  }
0x4d: {  	[tilespmem:s22], [sflag:s20] =	stream.indirect.gather [hbm4b:s1+s16], $0x80, s24, s16, $0xb8;
	[tilespmem:$0x1E400] =	vst v63  }
0x4e: {  	s18 =	simm.s32 $0x1480;
	_ =	swait.ge [sflag:s30], $0x4000  }
0x4f: {  	s31 =	sshll.u32 s21, $0xE;
	s21 =	simm.s32 $0x3;
	[sflag:s30] =	ssyncset.done $0x0  }
0x50: {  	s19 =	sor.u32 $0x2800, s31;
	s20 =	simm.s32 $0x2;
	[sflag:s30] =	ssyncadd.s32 $0xFFFFC000  }
0x51: {  	[spmem:s3] =	stream.indirect.scatter.add.f32 [tilespmem:s19], [sflag:$0x3], $0x80, s25, s16, $0xb8;
	[tilespmem:$0x1E400] =	vst v63  }
0x52: {  	s22 =	sand.u32 $0x1, s20;
	s19 =	simm.s32 $0x100;
	_ =	swait.ge [sflag:s14], $0x4000  }
.LBB2_4:
0x53: {  	s23 =	sshll.u32 s22, $0xE;
	s24 =	sadd.s32 $0xFFFFFFFF, s20  }
0x54: {  	[sflag:s14] =	ssyncset.done $0x0;
	s20 =	smov.u32 s21;
	s22 =	sadd.s32 $0x1, s22  }
0x55: {  	p0 =	sne.s32 s21, $0x27;
	s23 =	sor.u32 $0x2800, s23;
	s24 =	sand.u32 $0x1, s24  }
0x56: {  	s25 =	sshll.u32 s24, $0xE;
	s24 =	sadd.s32 $0x1, s24;
	[sflag:s14] =	ssyncadd.s32 $0xFFFFC000  }
0x57: {  	[tilespmem:s23], [sflag:s22] =	stream.indirect.gather [hbm4b:s1+s16], $0x80, s19, s16, $0xb8;
	[tilespmem:$0x1E400] =	vst v63  }
.Ltmp1:
0x58: {  	s23 =	sadd.s32 $0x1, s21;
	_ =	swait.ge [sflag:s24], $0x4000;
	(pc) =	sbr.rel @p0 .LBB2_4-.Ltmp1, $4  }
0x59: {  	s21 =	sor.u32 $0x2800, s25;
	[sflag:s24] =	ssyncset.done $0x0  }
0x5a: {  	s19 =	sadd.s32 $0x80, s19;
	s22 =	sand.u32 $0x1, s20;
	[sflag:s24] =	ssyncadd.s32 $0xFFFFC000  }
0x5b: {  	[spmem:s3] =	stream.indirect.scatter.add.f32 [tilespmem:s21], [sflag:$0x3], $0x80, s18, s16, $0xb8;
	[tilespmem:$0x1E400] =	vst v63  }
0x5c: {  	s18 =	sadd.s32 $0x80, s18;
	s21 =	smov.u32 s23;
	_ =	swait.ge [sflag:s14], $0x4000  }
0x5d: {  	s21 =	sshll.u32 s22, $0xE;
	s20 =	sadd.s32 $0xFFFFFFFF, s20  }
0x5e: {  	[sflag:s14] =	ssyncset.done $0x0;
	s29 =	sadd.s32 $0x1, s22;
	s20 =	sand.u32 $0x1, s20  }
0x5f: {  	s21 =	sor.u32 $0x2800, s21;
	[sflag:s14] =	ssyncadd.s32 $0xFFFFC000;
	s23 =	sadd.s32 $0x1, s20  }
0x60: {  	[tilespmem:s21], [sflag:s29] =	stream.indirect.gather [hbm4b:s1+s16], $0x80, s19, s16, $0xb8;
	[tilespmem:$0x1E400] =	vst v63  }
0x61: {  	_ =	swait.ge [sflag:s23], $0x4000  }
0x62: {  	s30 =	sshll.u32 s20, $0xE;
	[sflag:s23] =	ssyncset.done $0x0  }
0x63: {  	s19 =	sor.u32 $0x2800, s30;
	[sflag:s23] =	ssyncadd.s32 $0xFFFFC000  }
0x64: {  	[spmem:s3] =	stream.indirect.scatter.add.f32 [tilespmem:s19], [sflag:$0x3], $0x80, s18, s16, $0xb8;
	[tilespmem:$0x1E400] =	vst v63  }
0x65: {  	_ =	swait.ge [sflag:s14], $0x4000  }
0x66: {  	[sflag:s14] =	ssyncset.done $0x0  }
0x67: {  	[sflag:s14] =	ssyncadd.s32 $0xFFFFC000  }
0x68: {  	_ =	swait.ge [sflag:s29], $0x4000  }
0x69: {  	[sflag:s29] =	ssyncset.done $0x0  }
0x6a: {  	s31 =	sadd.s32 $0x80, s18;
	[sflag:s29] =	ssyncadd.s32 $0xFFFFC000  }
0x6b: {  	[spmem:s3] =	stream.indirect.scatter.add.f32 [tilespmem:s21], [sflag:$0x3], $0x80, s31, s16, $0xb8;
	[tilespmem:$0x1E400] =	vst v63  }
0x6c: {  	_ =	swait.ge [sflag:s14], $0x4000  }
0x6d: {  	s17 =	sadd.s32 $0x1, s17;
	[sflag:s14] =	ssyncset.done $0x0  }
0x6e: {  	p0 =	sne.s32 s17, s8;
	[sflag:s14] =	ssyncadd.s32 $0xFFFFC000  }
.Ltmp2:
0x6f: {  	[bflag:$0x0] =	sbarrier.arrive $0xFFFF;
	(pc) =	sbr.rel @p0 .LBB2_1-.Ltmp2, $4  }
0x70: {  	[hbm:s7], [sflag:s6] =	dma.local [spmem:s13], $0x2780  }
0x71: {  	_ =	swait.ge [sflag:s14], $0x2780  }
0x72: {  	[sflag:s14] =	ssyncset.done $0x0  }
0x73: {  	[sflag:s14] =	ssyncadd.s32 $0xFFFFD880  }
0x74: {  	_ =	sfence.sel $0x180000  }
0x75: {  	[bflag:$0x0] =	sbarrier.arrive $0xFFFF  }
0x76: {  	p0 =	sne.s32 s2, $0x0;
	_ =	strace $0x90000062  }
0x77: {  	s0 =	sadd.s32 @!p0 $0x100000, s0;
	[bflag:$0x2] =	sbarrier.arrive $0xFFFF  }
0x78: {  	[sflag:s0] =	ssyncadd.tile.s32 @!p0 $0x1;
	_ =	shalt  }
.Lfunc_end2:
_tile_overlayer_lowered:
.L_overlay_start_2:
0x79: {  	(tag) =	ssettag $0x2  }
0x7a: {  	s0 =	rddreg [dreg:$0x0];
	s2 =	stileid.u32  }
0x7b: {  	s1 =	rddreg [dreg:$0x1];
	p0 =	sne.s32 s2, $0x0  }
0x7c: {  	s3 =	rddreg [dreg:$0x2];
	[bflag:$0x3] =	sbarrier.arrive $0xFFFF;
	s2 =	simm.s32 @!p0 $0x1C03  }
0x7d: {  	[timem:s3], [sflag:s2] =	dma.local @!p0 [hbm:s0], s1  }
0x7e: {  	s0 =	simm.s32 @!p0 $0x3  }
0x7f: {  	_ =	swait.ge @!p0 [sflag:s0], s1  }
0x80: {  	s1 =	ssub.s32 @!p0 $0x0, s1;
	[sflag:s0] =	ssyncset.done @!p0 $0x0  }
0x81: {  	[sflag:s0] =	ssyncadd.s32 @!p0 s1  }
0x82: {  	[bflag:$0x3] =	sbarrier.arrive $0xFFFF  }
0x83: {  	_ =	shalt  }

// kernel: kernel.55.cloned.1.call-start
scs
__scs_entry_jumppad:
0x0: {  	(pc) =	sbr.rel $0x88, $3  }
0x1: {  	(tag) =	ssettag $0x0;
	lr =	simm.s32 $0x1  }
0x2: {  	[smem:$0x3F9B] =	sst lr;
	_ =	strace $0xD0000000  }
0x3: {  	_ = 	snop  }
0x4: {  	_ = 	snop  }
0x5: {  	_ = 	snop  }
0x6: {  	_ = 	snop  }
0x7: {  	_ = 	snop  }
__scs_overlays_trampoline_lowered:
0x8: {  	[smem:$0x3FAA] =	sst s0  }
0x9: {  	[smem:$0x3FAB] =	sst s1  }
0xa: {  	[smem:$0x3FAC] =	sst s2  }
0xb: {  	[smem:$0x3FAD] =	sst s3  }
0xc: {  	[smem:$0x3FAE] =	sst s4  }
0xd: {  	[smem:$0x3FAF] =	sst s5  }
0xe: {  	[smem:$0x3FB0] =	sst s6  }
0xf: {  	[smem:$0x3FB1] =	sst s7  }
0x10: {  	[smem:$0x3FB2] =	sst s8  }
0x11: {  	[smem:$0x3FB3] =	sst s9;
	s0 =	simm.s32 @!p0 $0x0  }
0x12: {  	s1 =	sld [smem:$0x3F99];
	s0 =	simm.s32 @p0 $0x1  }
0x13: {  	[smem:$0x3FB4] =	sst s0;
	s0 =	simm.s32 @!p1 $0x0  }
0x14: {  	s2 =	sld [smem:$0x3F98];
	s0 =	simm.s32 @p1 $0x1  }
0x15: {  	[smem:$0x3FB5] =	sst s0;
	s0 =	simm.s32 @!p2 $0x0  }
0x16: {  	s3 =	sld [smem:$0x3FDB];
	s0 =	simm.s32 @p2 $0x1  }
0x17: {  	s4 =	simm.s32 $0x1BF5;
	[smem:$0x3FB7] =	sst s0  }
0x18: {  	s0 =	sld [smem:$0x3F9A];
	_ =	swait.ge [sflag:s4], $0x0  }
0x19: {  	s7 =	sld [smem:$0x3F9B]  }
0x1a: {  	s8 =	sadd.s32 $0xFFFFE003, lr  }
0x1b: {  	s9 =	sadd.s32 $0xFFFFFEF7, lr;
	s5 =	simm.s32 $0xFFFFFFFF;
	p2 =	slt.u32 s8, $0xFFFFF086  }
0x1c: {  	p1 =	slt.u32 s9, $0xF7A;
	s5 =	simm.s32 @!p2 $0x0  }
0x1d: {  	s5 =	simm.s32 @p1 $0x1;
	p0 =	seq.s32 s7, s2  }
0x1e: {  	s7 =	smul.u32 @!p0 $0xF7A, s2;
	p2 =	seq.s32 @!p0 s5, $0x0  }
0x1f: {  	s9 =	smul.u32 $0xF7A, s1;
	s8 =	simm.s32 @!p0 $0x1BF5;
	p2 =	por !p2, p0  }
0x20: {  	[sflag:s8] =	ssyncset.s32 @!p0 $0xFFFFF086;
	s6 =	sadd.s32 @!p0 s3, s7;
	s7 =	simm.s32 @!p0 $0x108  }
0x21: {  	s3 =	sadd.s32 s3, s9;
	s6 =	sadd.s32 @!p0 $0x88, s6;
	s7 =	simm.s32 @p2 $0x1082  }
0x22: {  	[simem:s7], [sflag:s8] =	dma.local @!p0 [hbm:s6], $0xF7A  }
0x23: {  	s9 =	sor.u32 $0xD0000000, s2;
	s6 =	simm.s32 $0x108;
	_ =	swait.ge @!p0 [sflag:s8], $0x0  }
0x24: {  	s3 =	sadd.s32 $0x88, s3;
	s6 =	simm.s32 @!p1 $0x1082;
	[sflag:s4] =	ssyncset.s32 $0xFFFFF086  }
0x25: {  	[simem:s6], [sflag:s4] =	dma.local [hbm:s3], $0xF7A  }
0x26: {  	[smem:$0x3F9B] =	sst s1;
	(tag) =	ssettag s2;
	_ =	strace s9  }
0x27: {  	s1 =	sld [smem:$0x3FAB]  }
0x28: {  	s2 =	sld [smem:$0x3FAC]  }
0x29: {  	s4 =	sld [smem:$0x3FAE]  }
0x2a: {  	p0 =	seq.s32 s5, $0x0;
	s5 =	sld [smem:$0x3FAF]  }
0x2b: {  	s6 =	sld [smem:$0x3FB0]  }
0x2c: {  	s7 =	sld [smem:$0x3FB1]  }
0x2d: {  	s3 =	simm.s32 $0x108;
	s8 =	sld [smem:$0x3FB2]  }
0x2e: {  	s3 =	simm.s32 @!p0 $0x1082;
	s9 =	sld [smem:$0x3FB3]  }
0x2f: {  	lr =	sadd.s32 s0, s3;
	s0 =	sld [smem:$0x3FAA]  }
0x30: {  	s3 =	sld [smem:$0x3FAD]  }
0x31: {  	[smem:$0x3FB6] =	sst s10  }
0x32: {  	s10 =	sld [smem:$0x3FB4];
	_ =	sdelay $0x3  }
0x33: {  	p0 =	seq.s32 s10, $0x1;
	s10 =	sld [smem:$0x3FB6];
	_ =	sdelay $0x3  }
0x34: {  	[smem:$0x3FB6] =	sst s10  }
0x35: {  	s10 =	sld [smem:$0x3FB5];
	_ =	sdelay $0x3  }
0x36: {  	p1 =	seq.s32 s10, $0x1;
	s10 =	sld [smem:$0x3FB6];
	_ =	sdelay $0x3  }
0x37: {  	[smem:$0x3FB6] =	sst s10  }
0x38: {  	s10 =	sld [smem:$0x3FB7]  }
0x39: {  	_ = 	snop;
	(pc) =	sbr.ind lr, $3  }
0x3a: {  	_ = 	snop  }
0x3b: {  	_ = 	snop  }
0x3c: {  	p2 =	seq.s32 s10, $0x1;
	s10 =	sld [smem:$0x3FB6]  }
0x3d: {  	_ =	shalt  }
0x3e: {  	_ =	shalt  }
0x3f: {  	_ =	shalt  }
0x40: {  	_ =	shalt  }
0x41: {  	_ =	shalt  }
0x42: {  	_ =	shalt  }
0x43: {  	_ =	shalt  }
0x44: {  	_ =	shalt  }
0x45: {  	_ =	shalt  }
0x46: {  	_ =	shalt  }
0x47: {  	_ =	shalt  }
0x48: {  	_ =	shalt  }
0x49: {  	_ =	shalt  }
0x4a: {  	_ =	shalt  }
0x4b: {  	_ =	shalt  }
0x4c: {  	_ =	shalt  }
0x4d: {  	_ =	shalt  }
0x4e: {  	_ =	shalt  }
0x4f: {  	_ =	shalt  }
0x50: {  	_ =	shalt  }
0x51: {  	_ =	shalt  }
0x52: {  	_ =	shalt  }
0x53: {  	_ =	shalt  }
0x54: {  	_ =	shalt  }
0x55: {  	_ =	shalt  }
0x56: {  	_ =	shalt  }
0x57: {  	_ =	shalt  }
0x58: {  	_ =	shalt  }
0x59: {  	_ =	shalt  }
0x5a: {  	_ =	shalt  }
0x5b: {  	_ =	shalt  }
0x5c: {  	_ =	shalt  }
0x5d: {  	_ =	shalt  }
0x5e: {  	_ =	shalt  }
0x5f: {  	_ =	shalt  }
0x60: {  	_ =	shalt  }
0x61: {  	_ =	shalt  }
0x62: {  	_ =	shalt  }
0x63: {  	_ =	shalt  }
0x64: {  	_ =	shalt  }
0x65: {  	_ =	shalt  }
0x66: {  	_ =	shalt  }
0x67: {  	_ =	shalt  }
0x68: {  	_ =	shalt  }
0x69: {  	_ =	shalt  }
0x6a: {  	_ =	shalt  }
0x6b: {  	_ =	shalt  }
0x6c: {  	_ =	shalt  }
0x6d: {  	_ =	shalt  }
0x6e: {  	_ =	shalt  }
0x6f: {  	_ =	shalt  }
0x70: {  	_ =	shalt  }
0x71: {  	_ =	shalt  }
0x72: {  	_ =	shalt  }
0x73: {  	_ =	shalt  }
0x74: {  	_ =	shalt  }
0x75: {  	_ =	shalt  }
0x76: {  	_ =	shalt  }
0x77: {  	_ =	shalt  }
0x78: {  	_ =	shalt  }
0x79: {  	_ =	shalt  }
0x7a: {  	_ =	shalt  }
0x7b: {  	_ =	shalt  }
0x7c: {  	_ =	shalt  }
0x7d: {  	_ =	shalt  }
0x7e: {  	_ =	shalt  }
0x7f: {  	_ =	shalt  }
0x80: {  	_ =	shalt  }
0x81: {  	_ =	shalt  }
0x82: {  	_ =	shalt  }
0x83: {  	_ =	shalt  }
0x84: {  	_ =	shalt  }
0x85: {  	_ =	shalt  }
0x86: {  	_ =	shalt  }
0x87: {  	_ =	shalt  }
.Lfunc_end0:
.L_simem_size_0:
called_computation.10_lowered:
.L_overlay_start_0:
0x88: {  	s2 =	sld [smem:$0x3FD9]  }
0x89: {  	s3 =	sld [smem:$0x3FFE];
	_ =	sdelay $0x1  }
0x8a: {  	s1 =	srdreg.scid  }
0x8b: {  	s0 =	sand.u32 $0x1, s1  }
0x8c: {  	s14 =	sshll.u32 s0, $0xA;
	s2 =	sadd.s32 s3, s2  }
0x8d: {  	s2 =	sadd.s32 s2, s14  }
0x8e: {  	[smem:$0x3FC2] =	sst s2  }
0x8f: {  	_ = 	snop  }
0x90: {  	s2 =	sld [smem:$0x3FD0];
	_ =	sdelay $0x2  }
0x91: {  	s15 =	simm.s32 $0xA;
	s4 =	simm.s32 $0x10  }
0x92: {  	[smem:s4], [sflag:s15] =	dma.local [hbm:s2], $0x1  }
0x93: {  	_ =	swait.eq [sflag:s15], $0x1  }
0x94: {  	[sflag:s15] =	ssyncset.done $0x0  }
0x95: {  	s16 =	sld [smem:$0x10];
	[sflag:s15] =	ssyncadd.s32 $0xFFFFFFFF  }
0x96: {  	s17 =	sld [smem:$0x12];
	(tm) =	ssettm $0x1  }
0x97: {  	s18 =	sld [smem:$0x3FFB];
	_ =	sdelay $0x3  }
0x98: {  	_ =	strace s18  }
0x99: {  	s4 =	sld [smem:$0x3FFC];
	_ =	sdelay $0x3  }
0x9a: {  	_ =	strace s4  }
0x9b: {  	s4 =	sld [smem:$0x3FFD];
	_ =	sdelay $0x3  }
0x9c: {  	_ =	strace s4  }
0x9d: {  	_ =	strace $0x8FFFFFFF  }
0x9e: {  	s19 =	sld [smem:$0x3FDB];
	_ =	sdelay $0x1  }
0x9f: {  	s5 =	simm.s32 $_scs_section_size  }
0xa0: {  	s6 =	simm.s32 $_size__tile_overlayer_lowered;
	s7 =	simm.s32 $_tile_overlayer_lowered  }
0xa1: {  	s22 =	simm.s32 $0x1BFF;
	s21 =	sshll.u32 s7, $0x1;
	s4 =	sadd.s32 s5, s19  }
0xa2: {  	s8 =	simm.s32 $0x0;
	s20 =	sshll.u32 s6, $0x1;
	s6 =	sadd.s32 s21, s4  }
0xa3: {  	[timem:s8], [sflag:s22] =	dma.local [hbm:s6], s20  }
0xa4: {  	_ =	swait.ge [sflag:s22], s20  }
0xa5: {  	s5 =	ssub.s32 $0x0, s20;
	[sflag:s22] =	ssyncset.done $0x0  }
0xa6: {  	[sflag:s22] =	ssyncadd.s32 s5;
	_ =	sdelay $0x1  }
0xa7: {  	s23 =	simm.s32 $0x1B8B  }
0xa8: {  	_ =	swait.ge [sflag:s23], $0x1  }
0xa9: {  	[sflag:s23] =	ssyncset.done $0x0  }
0xaa: {  	s25 =	simm.s32 $0x1B8E;
	s24 =	sld [smem:$0x3FFE];
	[sflag:s23] =	ssyncadd.s32 $0xFFFFFFFF  }
0xab: {  	s26 =	simm.s32 $execute0_lowered;
	[smem:$0x3FD2] =	sst s25  }
0xac: {  	s6 =	sshll.u32 s26, $0x1;
	_ =	strace $0x80000064;
	[dreg:$0x1] =	wrdreg $0xFFFFFFFF  }
0xad: {  	s28 =	simm.s32 $_size_execute0_lowered;
	s4 =	sadd.s32 s4, s6;
	[dreg:$0x0] =	wrdreg $0x0  }
0xae: {  	s6 =	sshll.u32 s28, $0x1;
	[dreg:$0x2] =	wrdreg s4  }
0xaf: {  	[dreg:$0x3] =	wrdreg s6  }
0xb0: {  	[dreg:$0x4] =	wrdreg $0xC0  }
0xb1: {  	_ =	task [dreg:s8], $0x5FFFF  }
0xb2: {  	[dreg:$0x1] =	wrdreg $0xFFFFFFFF  }
0xb3: {  	[dreg:$0x0] =	wrdreg $0x60  }
0xb4: {  	[dreg:$0x2] =	wrdreg s16  }
0xb5: {  	[dreg:$0x3] =	wrdreg s24  }
0xb6: {  	[dreg:$0x4] =	wrdreg s17  }
0xb7: {  	[dreg:$0x5] =	wrdreg $0xA8000  }
0xb8: {  	[dreg:$0x6] =	wrdreg $0x9  }
0xb9: {  	_ =	task.clear_ibuf [dreg:s8], $0x7FFFF;
	_ =	strace $0x90000064  }
0xba: {  	s29 =	simm.s32 $0x9;
	_ =	strace $0x80000066  }
0xbb: {  	_ =	swait.ge [sflag:s29], $0x1  }
0xbc: {  	[sflag:s29] =	ssyncadd.s32 $0xFFFFFFFF  }
0xbd: {  	_ =	strace $0x90000066  }
0xbe: {  	_ =	sfence  }
0xbf: {  	s30 =	sld [smem:$0x0];
	_ =	sdelay $0x2  }
0xc0: {  	s31 =	sshll.u32 s1, $0xD;
	s1 =	sshrl.u32 s1, $0x2  }
0xc1: {  	s3 =	sand.u32 $0x4000, s31;
	s1 =	sadd.s32 s1, s30  }
0xc2: {  	s0 =	sor.u32 s3, s0;
	s1 =	sshll.u32 s1, $0x11  }
0xc3: {  	s0 =	sor.u32 s1, s0  }
0xc4: {  	s0 =	sadd.s32 $0x8F2B, s0  }
0xc5: {  	[sflag:s0] =	ssyncadd.remote.s32 $0x1  }
0xc6: {  	_ =	sfence.sel $0xFFFF  }
0xc7: {  	[dreg:$0x0] =	wrdreg $0xFFFFFFFF;
	(pc) =	sbr.abs _section_cstart, $3  }
0xc8: {  	[dreg:$0x1] =	wrdreg $0xFFFFFFFF  }
0xc9: {  	_ =	task.clear_ibuf [dreg:s8], $0x2FFFF;
	_ =	strace $0x9FFFFFFF  }
0xca: {  	(tm) =	ssettm $0x7FFFFFFF  }
0xcb: {  	_ =	shalt  }
tec
execute0_lowered:
.L_overlay_start_1:
0x0: {  	(tag) =	ssettag $0x1  }
0x1: {  	s1 =	rddreg [dreg:$0x0]  }
0x2: {  	s6 =	rddreg [dreg:$0x1]  }
0x3: {  	s12 =	rddreg [dreg:$0x2]  }
0x4: {  	s3 =	rddreg [dreg:$0x3]  }
0x5: {  	s0 =	rddreg [dreg:$0x4]  }
0x6: {  	s5 =	srdreg.scid;
	s2 =	stileid.u32  }
0x7: {  	s4 =	simm.s32 $0x0;
	s16 =	simm.s32 $0x80;
	s17 =	simm.s32 $0x0  }
0x8: {  	s7 =	sand.u32 $0x1, s5;
	s8 =	smul.u32 $0x2780, s2;
	[smem:$0x7FF] =	sst s4  }
0x9: {  	s11 =	sadd.s32 $0x7400, s6;
	s5 =	sadd.s32 $0x11400, s6;
	s10 =	smul.u32 $0x4F000, s2  }
0xa: {  	s13 =	sshll.u32 s2, $0x6;
	s9 =	smul.u32 $0x27800, s7;
	s29 =	ssub.s32 $0x2, s7  }
0xb: {  	_ =	strace $0x80000065;
	s7 =	sshll.u32 s7, $0x4;
	s30 =	sshrl.u32 s29, $0x1  }
0xc: {  	s7 =	sor.u32 s2, s7;
	s10 =	sshrl.u32 s10, $0x2;
	s8 =	sadd.s32 s8, s9  }
0xd: {  	s14 =	smul.u32 $0x500, s7;
	s9 =	ssub.s32 s29, s30;
	s15 =	sadd.s32 s10, s3  }
0xe: {  	s8 =	sadd.s32 s8, s6;
	s6 =	sor.u32 $0x1C03, s13;
	s13 =	sshrl.u32 s15, $0x3  }
0xf: {  	s15 =	simm.s32 $0x2800;
	s7 =	sadd.s32 $0x8A400, s8;
	s8 =	smax.u32 s9, $0x1  }
0x10: {  	s31 =	sadd.s32 $0x280, s14;
	s9 =	sadd.s32 s11, s14;
	s10 =	sadd.s32 s12, s14  }
0x11: {  	s14 =	simm.s32 $0x3;
	s11 =	sadd.s32 s11, s31;
	s12 =	sadd.s32 s12, s31  }
.LBB2_1:
0x12: {  	[spmem:s13], [sflag:s6] =	dma.local [hbm:s5], $0x2780  }
0x13: {  	_ =	swait.ge [sflag:s14], $0x2780  }
0x14: {  	[sflag:s14] =	ssyncset.done $0x0  }
0x15: {  	[sflag:s14] =	ssyncadd.s32 $0xFFFFD880  }
0x16: {  	[bflag:$0x0] =	sbarrier.arrive $0xFFFF  }
0x17: {  	[tilespmem:s4], [sflag:$0x3] =	stream.linear.gather [hbm4b:s9+s4], $0x1400, $0x38;
	[tilespmem:$0x1E400] =	vst v63  }
0x18: {  	_ =	swait.ge [sflag:s14], $0x1400  }
0x19: {  	[sflag:s14] =	ssyncset.done $0x0  }
0x1a: {  	s18 =	simm.s32 $0x1400;
	[sflag:s14] =	ssyncadd.s32 $0xFFFFEC00  }
0x1b: {  	[tilespmem:s18], [sflag:$0x3] =	stream.linear.gather [hbm4b:s10+s4], $0x1400, $0x38;
	[tilespmem:$0x1E400] =	vst v63  }
0x1c: {  	s19 =	simm.s32 $0x1;
	_ =	swait.ge [sflag:s14], $0x1400  }
0x1d: {  	s20 =	simm.s32 $0x0;
	s19 =	sand.u32 $0x1, s19;
	[sflag:s14] =	ssyncset.done $0x0  }
0x1e: {  	s20 =	sand.u32 $0x1, s20;
	s21 =	sshll.u32 s19, $0xE;
	[sflag:s14] =	ssyncadd.s32 $0xFFFFEC00  }
0x1f: {  	[tilespmem:s15], [sflag:$0x1] =	stream.indirect.gather [hbm4b:s1+s16], $0x80, s4, s16, $0xb8;
	[tilespmem:$0x1E400] =	vst v63  }
0x20: {  	s19 =	sadd.s32 $0x1, s19;
	s22 =	sadd.s32 $0x1, s20;
	s21 =	sor.u32 $0x2800, s21  }
0x21: {  	[tilespmem:s21], [sflag:s19] =	stream.indirect.gather [hbm4b:s1+s16], $0x80, s16, s16, $0xb8;
	[tilespmem:$0x1E400] =	vst v63  }
0x22: {  	s31 =	sshll.u32 s20, $0xE;
	_ =	swait.ge [sflag:s22], $0x4000  }
0x23: {  	s20 =	simm.s32 $0x2;
	s19 =	sor.u32 $0x2800, s31;
	[sflag:s22] =	ssyncset.done $0x0  }
0x24: {  	s21 =	simm.s32 $0x3;
	[sflag:s22] =	ssyncadd.s32 $0xFFFFC000;
	s22 =	sand.u32 $0x1, s20  }
0x25: {  	[spmem:s3] =	stream.indirect.scatter.add.f32 [tilespmem:s19], [sflag:$0x3], $0x80, s18, s16, $0xb8;
	[tilespmem:$0x1E400] =	vst v63  }
0x26: {  	s19 =	simm.s32 $0x100;
	s18 =	simm.s32 $0x1480;
	_ =	swait.ge [sflag:s14], $0x4000  }
.LBB2_2:
0x27: {  	s23 =	sshll.u32 s22, $0xE;
	s24 =	sadd.s32 $0xFFFFFFFF, s20  }
0x28: {  	[sflag:s14] =	ssyncset.done $0x0;
	s20 =	smov.u32 s21;
	s22 =	sadd.s32 $0x1, s22  }
0x29: {  	p0 =	sne.s32 s21, $0x27;
	s23 =	sor.u32 $0x2800, s23;
	s24 =	sand.u32 $0x1, s24  }
0x2a: {  	s25 =	sshll.u32 s24, $0xE;
	s24 =	sadd.s32 $0x1, s24;
	[sflag:s14] =	ssyncadd.s32 $0xFFFFC000  }
0x2b: {  	[tilespmem:s23], [sflag:s22] =	stream.indirect.gather [hbm4b:s1+s16], $0x80, s19, s16, $0xb8;
	[tilespmem:$0x1E400] =	vst v63  }
.Ltmp0:
0x2c: {  	s23 =	sadd.s32 $0x1, s21;
	_ =	swait.ge [sflag:s24], $0x4000;
	(pc) =	sbr.rel @p0 .LBB2_2-.Ltmp0, $4  }
0x2d: {  	s21 =	sor.u32 $0x2800, s25;
	[sflag:s24] =	ssyncset.done $0x0  }
0x2e: {  	s19 =	sadd.s32 $0x80, s19;
	s22 =	sand.u32 $0x1, s20;
	[sflag:s24] =	ssyncadd.s32 $0xFFFFC000  }
0x2f: {  	[spmem:s3] =	stream.indirect.scatter.add.f32 [tilespmem:s21], [sflag:$0x3], $0x80, s18, s16, $0xb8;
	[tilespmem:$0x1E400] =	vst v63  }
0x30: {  	s18 =	sadd.s32 $0x80, s18;
	s21 =	smov.u32 s23;
	_ =	swait.ge [sflag:s14], $0x4000  }
0x31: {  	s21 =	sshll.u32 s22, $0xE;
	s20 =	sadd.s32 $0xFFFFFFFF, s20  }
0x32: {  	[sflag:s14] =	ssyncset.done $0x0;
	s31 =	sadd.s32 $0x1, s22;
	s20 =	sand.u32 $0x1, s20  }
0x33: {  	s21 =	sor.u32 $0x2800, s21;
	[sflag:s14] =	ssyncadd.s32 $0xFFFFC000;
	s23 =	sadd.s32 $0x1, s20  }
0x34: {  	[tilespmem:s21], [sflag:s31] =	stream.indirect.gather [hbm4b:s1+s16], $0x80, s19, s16, $0xb8;
	[tilespmem:$0x1E400] =	vst v63  }
0x35: {  	_ =	swait.ge [sflag:s23], $0x4000  }
0x36: {  	s20 =	sshll.u32 s20, $0xE;
	[sflag:s23] =	ssyncset.done $0x0  }
0x37: {  	s19 =	sor.u32 $0x2800, s20;
	[sflag:s23] =	ssyncadd.s32 $0xFFFFC000  }
0x38: {  	[spmem:s3] =	stream.indirect.scatter.add.f32 [tilespmem:s19], [sflag:$0x3], $0x80, s18, s16, $0xb8;
	[tilespmem:$0x1E400] =	vst v63  }
0x39: {  	_ =	swait.ge [sflag:s14], $0x4000  }
0x3a: {  	[sflag:s14] =	ssyncset.done $0x0  }
0x3b: {  	[sflag:s14] =	ssyncadd.s32 $0xFFFFC000  }
0x3c: {  	_ =	swait.ge [sflag:s31], $0x4000  }
0x3d: {  	[sflag:s31] =	ssyncset.done $0x0  }
0x3e: {  	s24 =	simm.s32 $0x80;
	s23 =	sadd.s32 $0x80, s18;
	[sflag:s31] =	ssyncadd.s32 $0xFFFFC000  }
0x3f: {  	[spmem:s3] =	stream.indirect.scatter.add.f32 [tilespmem:s21], [sflag:$0x3], $0x80, s23, s24, $0xb8;
	[tilespmem:$0x1E400] =	vst v63  }
0x40: {  	_ =	swait.ge [sflag:s14], $0x4000  }
0x41: {  	[sflag:s14] =	ssyncset.done $0x0  }
0x42: {  	[sflag:s14] =	ssyncadd.s32 $0xFFFFC000  }
0x43: {  	[tilespmem:s4], [sflag:$0x3] =	stream.linear.gather [hbm4b:s11+s4], $0x1400, $0x38;
	[tilespmem:$0x1E400] =	vst v63  }
0x44: {  	_ =	swait.ge [sflag:s14], $0x1400  }
0x45: {  	[sflag:s14] =	ssyncset.done $0x0  }
0x46: {  	s25 =	simm.s32 $0x1400;
	[sflag:s14] =	ssyncadd.s32 $0xFFFFEC00  }
0x47: {  	[tilespmem:s25], [sflag:$0x3] =	stream.linear.gather [hbm4b:s12+s4], $0x1400, $0x38;
	[tilespmem:$0x1E400] =	vst v63  }
0x48: {  	s26 =	simm.s32 $0x1;
	_ =	swait.ge [sflag:s14], $0x1400  }
0x49: {  	s28 =	simm.s32 $0x0;
	s20 =	sand.u32 $0x1, s26;
	[sflag:s14] =	ssyncset.done $0x0  }
0x4a: {  	s29 =	sshll.u32 s20, $0xE;
	s21 =	sand.u32 $0x1, s28;
	[sflag:s14] =	ssyncadd.s32 $0xFFFFEC00  }
0x4b: {  	[tilespmem:s15], [sflag:$0x1] =	stream.indirect.gather [hbm4b:s1+s24], $0x80, s4, s24, $0xb8;
	[tilespmem:$0x1E400] =	vst v63  }
0x4c: {  	s20 =	sadd.s32 $0x1, s20;
	s22 =	sor.u32 $0x2800, s29;
	s30 =	sadd.s32 $0x1, s21  }
0x4d: {  	[tilespmem:s22], [sflag:s20] =	stream.indirect.gather [hbm4b:s1+s16], $0x80, s24, s16, $0xb8;
	[tilespmem:$0x1E400] =	vst v63  }
0x4e: {  	s18 =	simm.s32 $0x1480;
	_ =	swait.ge [sflag:s30], $0x4000  }
0x4f: {  	s31 =	sshll.u32 s21, $0xE;
	s21 =	simm.s32 $0x3;
	[sflag:s30] =	ssyncset.done $0x0  }
0x50: {  	s19 =	sor.u32 $0x2800, s31;
	s20 =	simm.s32 $0x2;
	[sflag:s30] =	ssyncadd.s32 $0xFFFFC000  }
0x51: {  	[spmem:s3] =	stream.indirect.scatter.add.f32 [tilespmem:s19], [sflag:$0x3], $0x80, s25, s16, $0xb8;
	[tilespmem:$0x1E400] =	vst v63  }
0x52: {  	s22 =	sand.u32 $0x1, s20;
	s19 =	simm.s32 $0x100;
	_ =	swait.ge [sflag:s14], $0x4000  }
.LBB2_4:
0x53: {  	s23 =	sshll.u32 s22, $0xE;
	s24 =	sadd.s32 $0xFFFFFFFF, s20  }
0x54: {  	[sflag:s14] =	ssyncset.done $0x0;
	s20 =	smov.u32 s21;
	s22 =	sadd.s32 $0x1, s22  }
0x55: {  	p0 =	sne.s32 s21, $0x27;
	s23 =	sor.u32 $0x2800, s23;
	s24 =	sand.u32 $0x1, s24  }
0x56: {  	s25 =	sshll.u32 s24, $0xE;
	s24 =	sadd.s32 $0x1, s24;
	[sflag:s14] =	ssyncadd.s32 $0xFFFFC000  }
0x57: {  	[tilespmem:s23], [sflag:s22] =	stream.indirect.gather [hbm4b:s1+s16], $0x80, s19, s16, $0xb8;
	[tilespmem:$0x1E400] =	vst v63  }
.Ltmp1:
0x58: {  	s23 =	sadd.s32 $0x1, s21;
	_ =	swait.ge [sflag:s24], $0x4000;
	(pc) =	sbr.rel @p0 .LBB2_4-.Ltmp1, $4  }
0x59: {  	s21 =	sor.u32 $0x2800, s25;
	[sflag:s24] =	ssyncset.done $0x0  }
0x5a: {  	s19 =	sadd.s32 $0x80, s19;
	s22 =	sand.u32 $0x1, s20;
	[sflag:s24] =	ssyncadd.s32 $0xFFFFC000  }
0x5b: {  	[spmem:s3] =	stream.indirect.scatter.add.f32 [tilespmem:s21], [sflag:$0x3], $0x80, s18, s16, $0xb8;
	[tilespmem:$0x1E400] =	vst v63  }
0x5c: {  	s18 =	sadd.s32 $0x80, s18;
	s21 =	smov.u32 s23;
	_ =	swait.ge [sflag:s14], $0x4000  }
0x5d: {  	s21 =	sshll.u32 s22, $0xE;
	s20 =	sadd.s32 $0xFFFFFFFF, s20  }
0x5e: {  	[sflag:s14] =	ssyncset.done $0x0;
	s29 =	sadd.s32 $0x1, s22;
	s20 =	sand.u32 $0x1, s20  }
0x5f: {  	s21 =	sor.u32 $0x2800, s21;
	[sflag:s14] =	ssyncadd.s32 $0xFFFFC000;
	s23 =	sadd.s32 $0x1, s20  }
0x60: {  	[tilespmem:s21], [sflag:s29] =	stream.indirect.gather [hbm4b:s1+s16], $0x80, s19, s16, $0xb8;
	[tilespmem:$0x1E400] =	vst v63  }
0x61: {  	_ =	swait.ge [sflag:s23], $0x4000  }
0x62: {  	s30 =	sshll.u32 s20, $0xE;
	[sflag:s23] =	ssyncset.done $0x0  }
0x63: {  	s19 =	sor.u32 $0x2800, s30;
	[sflag:s23] =	ssyncadd.s32 $0xFFFFC000  }
0x64: {  	[spmem:s3] =	stream.indirect.scatter.add.f32 [tilespmem:s19], [sflag:$0x3], $0x80, s18, s16, $0xb8;
	[tilespmem:$0x1E400] =	vst v63  }
0x65: {  	_ =	swait.ge [sflag:s14], $0x4000  }
0x66: {  	[sflag:s14] =	ssyncset.done $0x0  }
0x67: {  	[sflag:s14] =	ssyncadd.s32 $0xFFFFC000  }
0x68: {  	_ =	swait.ge [sflag:s29], $0x4000  }
0x69: {  	[sflag:s29] =	ssyncset.done $0x0  }
0x6a: {  	s31 =	sadd.s32 $0x80, s18;
	[sflag:s29] =	ssyncadd.s32 $0xFFFFC000  }
0x6b: {  	[spmem:s3] =	stream.indirect.scatter.add.f32 [tilespmem:s21], [sflag:$0x3], $0x80, s31, s16, $0xb8;
	[tilespmem:$0x1E400] =	vst v63  }
0x6c: {  	_ =	swait.ge [sflag:s14], $0x4000  }
0x6d: {  	s17 =	sadd.s32 $0x1, s17;
	[sflag:s14] =	ssyncset.done $0x0  }
0x6e: {  	p0 =	sne.s32 s17, s8;
	[sflag:s14] =	ssyncadd.s32 $0xFFFFC000  }
.Ltmp2:
0x6f: {  	[bflag:$0x0] =	sbarrier.arrive $0xFFFF;
	(pc) =	sbr.rel @p0 .LBB2_1-.Ltmp2, $4  }
0x70: {  	[hbm:s7], [sflag:s6] =	dma.local [spmem:s13], $0x2780  }
0x71: {  	_ =	swait.ge [sflag:s14], $0x2780  }
0x72: {  	[sflag:s14] =	ssyncset.done $0x0  }
0x73: {  	[sflag:s14] =	ssyncadd.s32 $0xFFFFD880  }
0x74: {  	_ =	sfence.sel $0x180000  }
0x75: {  	[bflag:$0x0] =	sbarrier.arrive $0xFFFF  }
0x76: {  	p0 =	sne.s32 s2, $0x0;
	_ =	strace $0x90000065  }
0x77: {  	s0 =	sadd.s32 @!p0 $0x100000, s0;
	[bflag:$0x2] =	sbarrier.arrive $0xFFFF  }
0x78: {  	[sflag:s0] =	ssyncadd.tile.s32 @!p0 $0x1;
	_ =	shalt  }
.Lfunc_end2:
_tile_overlayer_lowered:
.L_overlay_start_2:
0x79: {  	(tag) =	ssettag $0x2  }
0x7a: {  	s0 =	rddreg [dreg:$0x0];
	s2 =	stileid.u32  }
0x7b: {  	s1 =	rddreg [dreg:$0x1];
	p0 =	sne.s32 s2, $0x0  }
0x7c: {  	s3 =	rddreg [dreg:$0x2];
	[bflag:$0x3] =	sbarrier.arrive $0xFFFF;
	s2 =	simm.s32 @!p0 $0x1C03  }
0x7d: {  	[timem:s3], [sflag:s2] =	dma.local @!p0 [hbm:s0], s1  }
0x7e: {  	s0 =	simm.s32 @!p0 $0x3  }
0x7f: {  	_ =	swait.ge @!p0 [sflag:s0], s1  }
0x80: {  	s1 =	ssub.s32 @!p0 $0x0, s1;
	[sflag:s0] =	ssyncset.done @!p0 $0x0  }
0x81: {  	[sflag:s0] =	ssyncadd.s32 @!p0 s1  }
0x82: {  	[bflag:$0x3] =	sbarrier.arrive $0xFFFF  }
0x83: {  	_ =	shalt  }

</sc_bundles>
